<compile_context>
chip_gen: v7x
topology: tpu7x:2x2x1
jax: 0.10.2.dev20260603
libtpu: 0.0.44.dev20260713+nightly
codegen_flags: <defaults>
</compile_context>

<pallas_src>
import functools
import jax
import jax.numpy as jnp
from jax import lax
from jax.experimental import pallas as pl
from jax.experimental.pallas import tpu as pltpu
from jax.experimental.pallas import tpu_sc as plsc

N_NODES = 10000
N_EDGES = 320000
D_FEAT = 128
LANES = 16
N_WORKERS = 32
PER_W = N_EDGES // N_WORKERS
CHUNK = 80
N_CHUNKS = PER_W // CHUNK
GROUPS = CHUNK // LANES
UNROLL = 16


def _edge_dot_body(z_hbm, src_hbm, dst_hbm, out_hbm,
                   sidx, didx, sbuf0, dbuf0, sbuf1, dbuf1, out_v,
                   sem0, sem1):
    wid = lax.axis_index("c") * 16 + lax.axis_index("s")
    base = wid * PER_W
    pltpu.sync_copy(src_hbm.at[pl.ds(base, PER_W)], sidx)
    pltpu.sync_copy(dst_hbm.at[pl.ds(base, PER_W)], didx)
    lane = lax.iota(jnp.int32, LANES)

    def start_gathers(c, sb, db, sem):
        off = c * CHUNK
        pltpu.async_copy(z_hbm.at[sidx.at[pl.ds(off, CHUNK)]], sb, sem)
        pltpu.async_copy(z_hbm.at[didx.at[pl.ds(off, CHUNK)]], db, sem)

    def wait_gathers(sb, db, sem):
        pltpu.make_async_copy(z_hbm.at[sidx.at[pl.ds(0, CHUNK)]], sb, sem).wait()
        pltpu.make_async_copy(z_hbm.at[didx.at[pl.ds(0, CHUNK)]], db, sem).wait()

    def compute_chunk(sb, db, obase):
        for g in range(GROUPS):
            rids = jnp.full((LANES,), g * LANES, jnp.int32) + lane

            def dbody(i, carry):
                acc, col = carry
                for _ in range(UNROLL):
                    s = plsc.load_gather(sb, [rids, col])
                    t = plsc.load_gather(db, [rids, col])
                    acc = acc + s * t
                    col = (col + 1) & (D_FEAT - 1)
                return acc, col

            acc, _ = lax.fori_loop(
                0, D_FEAT // UNROLL, dbody,
                (jnp.zeros((LANES,), jnp.float32), lane),
            )
            out_v[pl.ds(obase + g * LANES, LANES)] = 1.0 / (1.0 + jnp.exp(-acc))

    start_gathers(0, sbuf0, dbuf0, sem0)
    start_gathers(1, sbuf1, dbuf1, sem1)

    def pipe_body(j, carry):
        k2 = j * 2
        wait_gathers(sbuf0, dbuf0, sem0)
        compute_chunk(sbuf0, dbuf0, k2 * CHUNK)
        start_gathers(k2 + 2, sbuf0, dbuf0, sem0)
        wait_gathers(sbuf1, dbuf1, sem1)
        compute_chunk(sbuf1, dbuf1, (k2 + 1) * CHUNK)
        start_gathers(jnp.minimum(k2 + 3, N_CHUNKS - 1), sbuf1, dbuf1, sem1)
        return carry

    lax.fori_loop(0, (N_CHUNKS - 1) // 2, pipe_body, 0)
    wait_gathers(sbuf0, dbuf0, sem0)
    compute_chunk(sbuf0, dbuf0, (N_CHUNKS - 1) * CHUNK)
    wait_gathers(sbuf1, dbuf1, sem1)

    pltpu.sync_copy(out_v, out_hbm.at[pl.ds(base, PER_W)])


@functools.partial(
    pl.kernel,
    out_type=jax.ShapeDtypeStruct((N_EDGES,), jnp.float32),
    mesh=plsc.VectorSubcoreMesh(core_axis_name="c", subcore_axis_name="s"),
    compiler_params=pltpu.CompilerParams(needs_layout_passes=False),
    scratch_types=[
        pltpu.VMEM((PER_W,), jnp.int32),
        pltpu.VMEM((PER_W,), jnp.int32),
        pltpu.VMEM((CHUNK, D_FEAT), jnp.float32),
        pltpu.VMEM((CHUNK, D_FEAT), jnp.float32),
        pltpu.VMEM((CHUNK, D_FEAT), jnp.float32),
        pltpu.VMEM((CHUNK, D_FEAT), jnp.float32),
        pltpu.VMEM((PER_W,), jnp.float32),
        pltpu.SemaphoreType.DMA,
        pltpu.SemaphoreType.DMA,
    ],
)
def _edge_dot(z_hbm, src_hbm, dst_hbm, out_hbm,
              sidx, didx, sbuf0, dbuf0, sbuf1, dbuf1, out_v, sem0, sem1):
    _edge_dot_body(z_hbm, src_hbm, dst_hbm, out_hbm,
                   sidx, didx, sbuf0, dbuf0, sbuf1, dbuf1, out_v, sem0, sem1)


def kernel(z, edge_index, weights):
    ei = edge_index.astype(jnp.int32)
    return _edge_dot(z, ei[0], ei[1])

# --- scband reference (transcript-rebuilt; emitter-appended) ---
"""Pipeline reference for scband-inner-product-decoder-2645699854338 (READ-ONLY COPY).

The authoritative reference and input builder live on the scoring server;
editing this copy changes nothing except your own understanding.
"""

import jax, jax.numpy as jnp
import numpy as np

N_NODES = 10000
N_EDGES = 320000
D_FEAT = 128

def setup_inputs(seed: int = 0) -> dict:
    key = jax.random.key(seed)
    k1, k2 = jax.random.split(key, 2)
    z = jax.random.normal(k1, (N_NODES, D_FEAT), dtype=jnp.float32)
    edge_index = jax.random.randint(k2, (2, N_EDGES), 0, N_NODES, dtype=jnp.int64)
    weights = jnp.ones((1,), dtype=jnp.float32)
    return {"z": z, "edge_index": edge_index, "weights": weights}

def reference(z, edge_index, weights):
    # Non-tuple path of InnerProductDecoder.forward with sigmoid=True
    src = jnp.take(z, edge_index[0], axis=0)
    dst = jnp.take(z, edge_index[1], axis=0)
    value = (src * dst).sum(axis=1)
    return jax.nn.sigmoid(value)

if __name__ == "__main__":
    import jax
    _d = setup_inputs()
    print(jax.jit(kernel)(*tuple(_d.values())))

</pallas_src>

<mosaic_0001>
#map = affine_map<(d0, d1) -> (0, 0)>
#map1 = affine_map<(d0, d1) -> (0)>
module attributes {stable_mosaic.version = 14 : i64} {
  func.func @_edge_dot(%arg0: i32, %arg1: i32, %arg2: memref<10000x128xf32, #tpu.memory_space<hbm>>, %arg3: memref<320000xi32, #tpu.memory_space<hbm>>, %arg4: memref<320000xi32, #tpu.memory_space<hbm>>, %arg5: memref<320000xf32, #tpu.memory_space<hbm>>, %arg6: memref<10000xi32, #tpu.memory_space<vmem>>, %arg7: memref<10000xi32, #tpu.memory_space<vmem>>, %arg8: memref<80x128xf32, #tpu.memory_space<vmem>>, %arg9: memref<80x128xf32, #tpu.memory_space<vmem>>, %arg10: memref<80x128xf32, #tpu.memory_space<vmem>>, %arg11: memref<80x128xf32, #tpu.memory_space<vmem>>, %arg12: memref<10000xf32, #tpu.memory_space<vmem>>, %arg13: memref<!tpu.dma_semaphore, #tpu.memory_space<semaphore_mem>>, %arg14: memref<!tpu.dma_semaphore, #tpu.memory_space<semaphore_mem>>) attributes {dimension_semantics = [#tpu.dimension_semantics<core_parallel>, #tpu.dimension_semantics<subcore_parallel>], iteration_bounds = array<i64: 2, 16>, scalar_prefetch = 0 : i64, scratch_operands = 9 : i64, tpu.core_type = #tpu.core_type<sc_vector_subcore>, window_params = [{transform_indices = #map}, {transform_indices = #map1}, {transform_indices = #map1}, {transform_indices = #map1}]} {
    %mul3A = arith.constant 16 : i32
    %mul3A_0 = arith.muli %arg0, %mul3A : i32
    %add3A = arith.addi %mul3A_0, %arg1 : i32
    %mul3A_1 = arith.constant 10000 : i32
    %mul3A_2 = arith.muli %add3A, %mul3A_1 : i32
    "tpu.region"() ({
      %run_scoped3A = tpu.sem_alloc : memref<!tpu.dma_semaphore, #tpu.memory_space<semaphore_mem>>
      %dma_start3A_156 = tpu.memref_slice %arg3[%mul3A_2] : memref<320000xi32, #tpu.memory_space<hbm>> -> memref<10000xi32, #tpu.memory_space<hbm>>
      %dma_start3A_157 = tpu.memref_slice %arg3[%mul3A_2] : memref<320000xi32, #tpu.memory_space<hbm>> -> memref<10000xi32, #tpu.memory_space<hbm>>
      tpu.enqueue_dma source(%dma_start3A_157 : memref<10000xi32, #tpu.memory_space<hbm>>) target(%arg6 : memref<10000xi32, #tpu.memory_space<vmem>>) target_semaphore(%run_scoped3A : memref<!tpu.dma_semaphore, #tpu.memory_space<semaphore_mem>>)
      %dma_wait3A_158 = tpu.memref_slice %arg3[%mul3A_2] : memref<320000xi32, #tpu.memory_space<hbm>> -> memref<10000xi32, #tpu.memory_space<hbm>>
      %dma_wait3A_159 = tpu.memref_slice %arg3[%mul3A_2] : memref<320000xi32, #tpu.memory_space<hbm>> -> memref<10000xi32, #tpu.memory_space<hbm>>
      tpu.wait_dma2 semaphore(%run_scoped3A : memref<!tpu.dma_semaphore, #tpu.memory_space<semaphore_mem>>) src(%dma_wait3A_159 : memref<10000xi32, #tpu.memory_space<hbm>>) dst(%arg6 : memref<10000xi32, #tpu.memory_space<vmem>>)
      tpu.yield
    }) : () -> ()
    "tpu.region"() ({
      %run_scoped3A = tpu.sem_alloc : memref<!tpu.dma_semaphore, #tpu.memory_space<semaphore_mem>>
      %dma_start3A_156 = tpu.memref_slice %arg4[%mul3A_2] : memref<320000xi32, #tpu.memory_space<hbm>> -> memref<10000xi32, #tpu.memory_space<hbm>>
      %dma_start3A_157 = tpu.memref_slice %arg4[%mul3A_2] : memref<320000xi32, #tpu.memory_space<hbm>> -> memref<10000xi32, #tpu.memory_space<hbm>>
      tpu.enqueue_dma source(%dma_start3A_157 : memref<10000xi32, #tpu.memory_space<hbm>>) target(%arg7 : memref<10000xi32, #tpu.memory_space<vmem>>) target_semaphore(%run_scoped3A : memref<!tpu.dma_semaphore, #tpu.memory_space<semaphore_mem>>)
      %dma_wait3A_158 = tpu.memref_slice %arg4[%mul3A_2] : memref<320000xi32, #tpu.memory_space<hbm>> -> memref<10000xi32, #tpu.memory_space<hbm>>
      %dma_wait3A_159 = tpu.memref_slice %arg4[%mul3A_2] : memref<320000xi32, #tpu.memory_space<hbm>> -> memref<10000xi32, #tpu.memory_space<hbm>>
      tpu.wait_dma2 semaphore(%run_scoped3A : memref<!tpu.dma_semaphore, #tpu.memory_space<semaphore_mem>>) src(%dma_wait3A_159 : memref<10000xi32, #tpu.memory_space<hbm>>) dst(%arg7 : memref<10000xi32, #tpu.memory_space<vmem>>)
      tpu.yield
    }) : () -> ()
    %iota3A = tpu.iota {dimensions = array<i32: 0>} : vector<16xi32>
    %dma_start3A = arith.constant 0 : i32
    %dma_start3A_3 = tpu.memref_slice %arg6[%dma_start3A] : memref<10000xi32, #tpu.memory_space<vmem>> -> memref<80xi32, #tpu.memory_space<vmem>>
    %dma_start3A_4 = arith.constant 0 : i32
    %dma_start3A_5 = arith.constant 0 : i32
    %dma_start3A_6 = tpu.memref_slice %arg2[%dma_start3A_4, %dma_start3A_5] : memref<10000x128xf32, #tpu.memory_space<hbm>> -> memref<10000x128xf32, #tpu.memory_space<hbm>>
    tpu.enqueue_indirect_dma source(%dma_start3A_6 : memref<10000x128xf32, #tpu.memory_space<hbm>>) target(%arg8 : memref<80x128xf32, #tpu.memory_space<vmem>>) offsets(%dma_start3A_3 : memref<80xi32, #tpu.memory_space<vmem>>) semaphore(%arg13 : memref<!tpu.dma_semaphore, #tpu.memory_space<semaphore_mem>>)
    %dma_start3A_7 = arith.constant 0 : i32
    %dma_start3A_8 = tpu.memref_slice %arg7[%dma_start3A_7] : memref<10000xi32, #tpu.memory_space<vmem>> -> memref<80xi32, #tpu.memory_space<vmem>>
    %dma_start3A_9 = arith.constant 0 : i32
    %dma_start3A_10 = arith.constant 0 : i32
    %dma_start3A_11 = tpu.memref_slice %arg2[%dma_start3A_9, %dma_start3A_10] : memref<10000x128xf32, #tpu.memory_space<hbm>> -> memref<10000x128xf32, #tpu.memory_space<hbm>>
    tpu.enqueue_indirect_dma source(%dma_start3A_11 : memref<10000x128xf32, #tpu.memory_space<hbm>>) target(%arg9 : memref<80x128xf32, #tpu.memory_space<vmem>>) offsets(%dma_start3A_8 : memref<80xi32, #tpu.memory_space<vmem>>) semaphore(%arg13 : memref<!tpu.dma_semaphore, #tpu.memory_space<semaphore_mem>>)
    %dma_start3A_12 = arith.constant 80 : i32
    %dma_start3A_13 = tpu.memref_slice %arg6[%dma_start3A_12] : memref<10000xi32, #tpu.memory_space<vmem>> -> memref<80xi32, #tpu.memory_space<vmem>>
    %dma_start3A_14 = arith.constant 0 : i32
    %dma_start3A_15 = arith.constant 0 : i32
    %dma_start3A_16 = tpu.memref_slice %arg2[%dma_start3A_14, %dma_start3A_15] : memref<10000x128xf32, #tpu.memory_space<hbm>> -> memref<10000x128xf32, #tpu.memory_space<hbm>>
    tpu.enqueue_indirect_dma source(%dma_start3A_16 : memref<10000x128xf32, #tpu.memory_space<hbm>>) target(%arg10 : memref<80x128xf32, #tpu.memory_space<vmem>>) offsets(%dma_start3A_13 : memref<80xi32, #tpu.memory_space<vmem>>) semaphore(%arg14 : memref<!tpu.dma_semaphore, #tpu.memory_space<semaphore_mem>>)
    %dma_start3A_17 = arith.constant 80 : i32
    %dma_start3A_18 = tpu.memref_slice %arg7[%dma_start3A_17] : memref<10000xi32, #tpu.memory_space<vmem>> -> memref<80xi32, #tpu.memory_space<vmem>>
    %dma_start3A_19 = arith.constant 0 : i32
    %dma_start3A_20 = arith.constant 0 : i32
    %dma_start3A_21 = tpu.memref_slice %arg2[%dma_start3A_19, %dma_start3A_20] : memref<10000x128xf32, #tpu.memory_space<hbm>> -> memref<10000x128xf32, #tpu.memory_space<hbm>>
    tpu.enqueue_indirect_dma source(%dma_start3A_21 : memref<10000x128xf32, #tpu.memory_space<hbm>>) target(%arg11 : memref<80x128xf32, #tpu.memory_space<vmem>>) offsets(%dma_start3A_18 : memref<80xi32, #tpu.memory_space<vmem>>) semaphore(%arg14 : memref<!tpu.dma_semaphore, #tpu.memory_space<semaphore_mem>>)
    %scan3A = arith.constant 0 : i32
    %scan3A_22 = arith.constant 0 : i32
    %scan3A_23 = arith.constant 62 : i32
    %scan3A_24 = arith.addi %scan3A_22, %scan3A_23 : i32
    %scan3A_25 = arith.constant 1 : i32
    scf.for %scan3A_156 = %scan3A_22 to %scan3A_24 step %scan3A_25  : i32 {
      %mul3A_157 = arith.constant 2 : i32
      %mul3A_158 = arith.muli %scan3A_156, %mul3A_157 : i32
      %dma_wait3A_159 = arith.constant 0 : i32
      %dma_wait3A_160 = tpu.memref_slice %arg6[%dma_wait3A_159] : memref<10000xi32, #tpu.memory_space<vmem>> -> memref<80xi32, #tpu.memory_space<vmem>>
      %dma_wait3A_161 = arith.constant 0 : i32
      %dma_wait3A_162 = arith.constant 0 : i32
      %dma_wait3A_163 = tpu.memref_slice %arg2[%dma_wait3A_161, %dma_wait3A_162] : memref<10000x128xf32, #tpu.memory_space<hbm>> -> memref<10000x128xf32, #tpu.memory_space<hbm>>
      tpu.wait_indirect_dma semaphore(%arg13 : memref<!tpu.dma_semaphore, #tpu.memory_space<semaphore_mem>>) src(%dma_wait3A_163 : memref<10000x128xf32, #tpu.memory_space<hbm>>) dst(%arg8 : memref<80x128xf32, #tpu.memory_space<vmem>>)
      %dma_wait3A_164 = arith.constant 0 : i32
      %dma_wait3A_165 = tpu.memref_slice %arg7[%dma_wait3A_164] : memref<10000xi32, #tpu.memory_space<vmem>> -> memref<80xi32, #tpu.memory_space<vmem>>
      %dma_wait3A_166 = arith.constant 0 : i32
      %dma_wait3A_167 = arith.constant 0 : i32
      %dma_wait3A_168 = tpu.memref_slice %arg2[%dma_wait3A_166, %dma_wait3A_167] : memref<10000x128xf32, #tpu.memory_space<hbm>> -> memref<10000x128xf32, #tpu.memory_space<hbm>>
      tpu.wait_indirect_dma semaphore(%arg13 : memref<!tpu.dma_semaphore, #tpu.memory_space<semaphore_mem>>) src(%dma_wait3A_168 : memref<10000x128xf32, #tpu.memory_space<hbm>>) dst(%arg9 : memref<80x128xf32, #tpu.memory_space<vmem>>)
      %mul3A_169 = arith.constant 80 : i32
      %mul3A_170 = arith.muli %mul3A_158, %mul3A_169 : i32
      %broadcast_in_dim3A_171 = arith.constant 0 : i32
      %broadcast_in_dim3A_172 = vector.broadcast %broadcast_in_dim3A_171 : i32 to vector<16xi32>
      %add3A_173 = arith.addi %broadcast_in_dim3A_172, %iota3A : vector<16xi32>
      %broadcast_in_dim3A_174 = arith.constant 0.000000e+00 : f32
      %broadcast_in_dim3A_175 = vector.broadcast %broadcast_in_dim3A_174 : f32 to vector<16xf32>
      %scan3A_176 = arith.constant 0 : i32
      %scan3A_177 = arith.constant 8 : i32
      %scan3A_178 = arith.addi %scan3A_176, %scan3A_177 : i32
      %scan3A_179 = arith.constant 1 : i32
      %scan3A_180:2 = scf.for %scan3A_460 = %scan3A_176 to %scan3A_178 step %scan3A_179 iter_args(%scan3A_461 = %broadcast_in_dim3A_175, %scan3A_462 = %iota3A) -> (vector<16xf32>, vector<16xi32>)  : i32 {
        %gather3A = tpu.vector_load_idx %arg8[%add3A_173, %scan3A_462] : memref<80x128xf32, #tpu.memory_space<vmem>>[vector<16xi32>, vector<16xi32>], vector<16xf32>,
        %gather3A_463 = tpu.vector_load_idx %arg9[%add3A_173, %scan3A_462] : memref<80x128xf32, #tpu.memory_space<vmem>>[vector<16xi32>, vector<16xi32>], vector<16xf32>,
        %mul3A_464 = arith.mulf %gather3A, %gather3A_463 : vector<16xf32>
        %add3A_465 = arith.addf %scan3A_461, %mul3A_464 : vector<16xf32>
        %add3A_466 = arith.constant 1 : i32
        %add3A_467 = vector.broadcast %add3A_466 : i32 to vector<16xi32>
        %add3A_468 = arith.addi %scan3A_462, %add3A_467 : vector<16xi32>
        %and3A = arith.constant 127 : i32
        %and3A_469 = vector.broadcast %and3A : i32 to vector<16xi32>
        %and3A_470 = arith.andi %add3A_468, %and3A_469 : vector<16xi32>
        %gather3A_471 = tpu.vector_load_idx %arg8[%add3A_173, %and3A_470] : memref<80x128xf32, #tpu.memory_space<vmem>>[vector<16xi32>, vector<16xi32>], vector<16xf32>,
        %gather3A_472 = tpu.vector_load_idx %arg9[%add3A_173, %and3A_470] : memref<80x128xf32, #tpu.memory_space<vmem>>[vector<16xi32>, vector<16xi32>], vector<16xf32>,
        %mul3A_473 = arith.mulf %gather3A_471, %gather3A_472 : vector<16xf32>
        %add3A_474 = arith.addf %add3A_465, %mul3A_473 : vector<16xf32>
        %add3A_475 = arith.constant 1 : i32
        %add3A_476 = vector.broadcast %add3A_475 : i32 to vector<16xi32>
        %add3A_477 = arith.addi %and3A_470, %add3A_476 : vector<16xi32>
        %and3A_478 = arith.constant 127 : i32
        %and3A_479 = vector.broadcast %and3A_478 : i32 to vector<16xi32>
        %and3A_480 = arith.andi %add3A_477, %and3A_479 : vector<16xi32>
        %gather3A_481 = tpu.vector_load_idx %arg8[%add3A_173, %and3A_480] : memref<80x128xf32, #tpu.memory_space<vmem>>[vector<16xi32>, vector<16xi32>], vector<16xf32>,
        %gather3A_482 = tpu.vector_load_idx %arg9[%add3A_173, %and3A_480] : memref<80x128xf32, #tpu.memory_space<vmem>>[vector<16xi32>, vector<16xi32>], vector<16xf32>,
        %mul3A_483 = arith.mulf %gather3A_481, %gather3A_482 : vector<16xf32>
        %add3A_484 = arith.addf %add3A_474, %mul3A_483 : vector<16xf32>
        %add3A_485 = arith.constant 1 : i32
        %add3A_486 = vector.broadcast %add3A_485 : i32 to vector<16xi32>
        %add3A_487 = arith.addi %and3A_480, %add3A_486 : vector<16xi32>
        %and3A_488 = arith.constant 127 : i32
        %and3A_489 = vector.broadcast %and3A_488 : i32 to vector<16xi32>
        %and3A_490 = arith.andi %add3A_487, %and3A_489 : vector<16xi32>
        %gather3A_491 = tpu.vector_load_idx %arg8[%add3A_173, %and3A_490] : memref<80x128xf32, #tpu.memory_space<vmem>>[vector<16xi32>, vector<16xi32>], vector<16xf32>,
        %gather3A_492 = tpu.vector_load_idx %arg9[%add3A_173, %and3A_490] : memref<80x128xf32, #tpu.memory_space<vmem>>[vector<16xi32>, vector<16xi32>], vector<16xf32>,
        %mul3A_493 = arith.mulf %gather3A_491, %gather3A_492 : vector<16xf32>
        %add3A_494 = arith.addf %add3A_484, %mul3A_493 : vector<16xf32>
        %add3A_495 = arith.constant 1 : i32
        %add3A_496 = vector.broadcast %add3A_495 : i32 to vector<16xi32>
        %add3A_497 = arith.addi %and3A_490, %add3A_496 : vector<16xi32>
        %and3A_498 = arith.constant 127 : i32
        %and3A_499 = vector.broadcast %and3A_498 : i32 to vector<16xi32>
        %and3A_500 = arith.andi %add3A_497, %and3A_499 : vector<16xi32>
        %gather3A_501 = tpu.vector_load_idx %arg8[%add3A_173, %and3A_500] : memref<80x128xf32, #tpu.memory_space<vmem>>[vector<16xi32>, vector<16xi32>], vector<16xf32>,
        %gather3A_502 = tpu.vector_load_idx %arg9[%add3A_173, %and3A_500] : memref<80x128xf32, #tpu.memory_space<vmem>>[vector<16xi32>, vector<16xi32>], vector<16xf32>,
        %mul3A_503 = arith.mulf %gather3A_501, %gather3A_502 : vector<16xf32>
        %add3A_504 = arith.addf %add3A_494, %mul3A_503 : vector<16xf32>
        %add3A_505 = arith.constant 1 : i32
        %add3A_506 = vector.broadcast %add3A_505 : i32 to vector<16xi32>
        %add3A_507 = arith.addi %and3A_500, %add3A_506 : vector<16xi32>
        %and3A_508 = arith.constant 127 : i32
        %and3A_509 = vector.broadcast %and3A_508 : i32 to vector<16xi32>
        %and3A_510 = arith.andi %add3A_507, %and3A_509 : vector<16xi32>
        %gather3A_511 = tpu.vector_load_idx %arg8[%add3A_173, %and3A_510] : memref<80x128xf32, #tpu.memory_space<vmem>>[vector<16xi32>, vector<16xi32>], vector<16xf32>,
        %gather3A_512 = tpu.vector_load_idx %arg9[%add3A_173, %and3A_510] : memref<80x128xf32, #tpu.memory_space<vmem>>[vector<16xi32>, vector<16xi32>], vector<16xf32>,
        %mul3A_513 = arith.mulf %gather3A_511, %gather3A_512 : vector<16xf32>
        %add3A_514 = arith.addf %add3A_504, %mul3A_513 : vector<16xf32>
        %add3A_515 = arith.constant 1 : i32
        %add3A_516 = vector.broadcast %add3A_515 : i32 to vector<16xi32>
        %add3A_517 = arith.addi %and3A_510, %add3A_516 : vector<16xi32>
        %and3A_518 = arith.constant 127 : i32
        %and3A_519 = vector.broadcast %and3A_518 : i32 to vector<16xi32>
        %and3A_520 = arith.andi %add3A_517, %and3A_519 : vector<16xi32>
        %gather3A_521 = tpu.vector_load_idx %arg8[%add3A_173, %and3A_520] : memref<80x128xf32, #tpu.memory_space<vmem>>[vector<16xi32>, vector<16xi32>], vector<16xf32>,
        %gather3A_522 = tpu.vector_load_idx %arg9[%add3A_173, %and3A_520] : memref<80x128xf32, #tpu.memory_space<vmem>>[vector<16xi32>, vector<16xi32>], vector<16xf32>,
        %mul3A_523 = arith.mulf %gather3A_521, %gather3A_522 : vector<16xf32>
        %add3A_524 = arith.addf %add3A_514, %mul3A_523 : vector<16xf32>
        %add3A_525 = arith.constant 1 : i32
        %add3A_526 = vector.broadcast %add3A_525 : i32 to vector<16xi32>
        %add3A_527 = arith.addi %and3A_520, %add3A_526 : vector<16xi32>
        %and3A_528 = arith.constant 127 : i32
        %and3A_529 = vector.broadcast %and3A_528 : i32 to vector<16xi32>
        %and3A_530 = arith.andi %add3A_527, %and3A_529 : vector<16xi32>
        %gather3A_531 = tpu.vector_load_idx %arg8[%add3A_173, %and3A_530] : memref<80x128xf32, #tpu.memory_space<vmem>>[vector<16xi32>, vector<16xi32>], vector<16xf32>,
        %gather3A_532 = tpu.vector_load_idx %arg9[%add3A_173, %and3A_530] : memref<80x128xf32, #tpu.memory_space<vmem>>[vector<16xi32>, vector<16xi32>], vector<16xf32>,
        %mul3A_533 = arith.mulf %gather3A_531, %gather3A_532 : vector<16xf32>
        %add3A_534 = arith.addf %add3A_524, %mul3A_533 : vector<16xf32>
        %add3A_535 = arith.constant 1 : i32
        %add3A_536 = vector.broadcast %add3A_535 : i32 to vector<16xi32>
        %add3A_537 = arith.addi %and3A_530, %add3A_536 : vector<16xi32>
        %and3A_538 = arith.constant 127 : i32
        %and3A_539 = vector.broadcast %and3A_538 : i32 to vector<16xi32>
        %and3A_540 = arith.andi %add3A_537, %and3A_539 : vector<16xi32>
        %gather3A_541 = tpu.vector_load_idx %arg8[%add3A_173, %and3A_540] : memref<80x128xf32, #tpu.memory_space<vmem>>[vector<16xi32>, vector<16xi32>], vector<16xf32>,
        %gather3A_542 = tpu.vector_load_idx %arg9[%add3A_173, %and3A_540] : memref<80x128xf32, #tpu.memory_space<vmem>>[vector<16xi32>, vector<16xi32>], vector<16xf32>,
        %mul3A_543 = arith.mulf %gather3A_541, %gather3A_542 : vector<16xf32>
        %add3A_544 = arith.addf %add3A_534, %mul3A_543 : vector<16xf32>
        %add3A_545 = arith.constant 1 : i32
        %add3A_546 = vector.broadcast %add3A_545 : i32 to vector<16xi32>
        %add3A_547 = arith.addi %and3A_540, %add3A_546 : vector<16xi32>
        %and3A_548 = arith.constant 127 : i32
        %and3A_549 = vector.broadcast %and3A_548 : i32 to vector<16xi32>
        %and3A_550 = arith.andi %add3A_547, %and3A_549 : vector<16xi32>
        %gather3A_551 = tpu.vector_load_idx %arg8[%add3A_173, %and3A_550] : memref<80x128xf32, #tpu.memory_space<vmem>>[vector<16xi32>, vector<16xi32>], vector<16xf32>,
        %gather3A_552 = tpu.vector_load_idx %arg9[%add3A_173, %and3A_550] : memref<80x128xf32, #tpu.memory_space<vmem>>[vector<16xi32>, vector<16xi32>], vector<16xf32>,
        %mul3A_553 = arith.mulf %gather3A_551, %gather3A_552 : vector<16xf32>
        %add3A_554 = arith.addf %add3A_544, %mul3A_553 : vector<16xf32>
        %add3A_555 = arith.constant 1 : i32
        %add3A_556 = vector.broadcast %add3A_555 : i32 to vector<16xi32>
        %add3A_557 = arith.addi %and3A_550, %add3A_556 : vector<16xi32>
        %and3A_558 = arith.constant 127 : i32
        %and3A_559 = vector.broadcast %and3A_558 : i32 to vector<16xi32>
        %and3A_560 = arith.andi %add3A_557, %and3A_559 : vector<16xi32>
        %gather3A_561 = tpu.vector_load_idx %arg8[%add3A_173, %and3A_560] : memref<80x128xf32, #tpu.memory_space<vmem>>[vector<16xi32>, vector<16xi32>], vector<16xf32>,
        %gather3A_562 = tpu.vector_load_idx %arg9[%add3A_173, %and3A_560] : memref<80x128xf32, #tpu.memory_space<vmem>>[vector<16xi32>, vector<16xi32>], vector<16xf32>,
        %mul3A_563 = arith.mulf %gather3A_561, %gather3A_562 : vector<16xf32>
        %add3A_564 = arith.addf %add3A_554, %mul3A_563 : vector<16xf32>
        %add3A_565 = arith.constant 1 : i32
        %add3A_566 = vector.broadcast %add3A_565 : i32 to vector<16xi32>
        %add3A_567 = arith.addi %and3A_560, %add3A_566 : vector<16xi32>
        %and3A_568 = arith.constant 127 : i32
        %and3A_569 = vector.broadcast %and3A_568 : i32 to vector<16xi32>
        %and3A_570 = arith.andi %add3A_567, %and3A_569 : vector<16xi32>
        %gather3A_571 = tpu.vector_load_idx %arg8[%add3A_173, %and3A_570] : memref<80x128xf32, #tpu.memory_space<vmem>>[vector<16xi32>, vector<16xi32>], vector<16xf32>,
        %gather3A_572 = tpu.vector_load_idx %arg9[%add3A_173, %and3A_570] : memref<80x128xf32, #tpu.memory_space<vmem>>[vector<16xi32>, vector<16xi32>], vector<16xf32>,
        %mul3A_573 = arith.mulf %gather3A_571, %gather3A_572 : vector<16xf32>
        %add3A_574 = arith.addf %add3A_564, %mul3A_573 : vector<16xf32>
        %add3A_575 = arith.constant 1 : i32
        %add3A_576 = vector.broadcast %add3A_575 : i32 to vector<16xi32>
        %add3A_577 = arith.addi %and3A_570, %add3A_576 : vector<16xi32>
        %and3A_578 = arith.constant 127 : i32
        %and3A_579 = vector.broadcast %and3A_578 : i32 to vector<16xi32>
        %and3A_580 = arith.andi %add3A_577, %and3A_579 : vector<16xi32>
        %gather3A_581 = tpu.vector_load_idx %arg8[%add3A_173, %and3A_580] : memref<80x128xf32, #tpu.memory_space<vmem>>[vector<16xi32>, vector<16xi32>], vector<16xf32>,
        %gather3A_582 = tpu.vector_load_idx %arg9[%add3A_173, %and3A_580] : memref<80x128xf32, #tpu.memory_space<vmem>>[vector<16xi32>, vector<16xi32>], vector<16xf32>,
        %mul3A_583 = arith.mulf %gather3A_581, %gather3A_582 : vector<16xf32>
        %add3A_584 = arith.addf %add3A_574, %mul3A_583 : vector<16xf32>
        %add3A_585 = arith.constant 1 : i32
        %add3A_586 = vector.broadcast %add3A_585 : i32 to vector<16xi32>
        %add3A_587 = arith.addi %and3A_580, %add3A_586 : vector<16xi32>
        %and3A_588 = arith.constant 127 : i32
        %and3A_589 = vector.broadcast %and3A_588 : i32 to vector<16xi32>
        %and3A_590 = arith.andi %add3A_587, %and3A_589 : vector<16xi32>
        %gather3A_591 = tpu.vector_load_idx %arg8[%add3A_173, %and3A_590] : memref<80x128xf32, #tpu.memory_space<vmem>>[vector<16xi32>, vector<16xi32>], vector<16xf32>,
        %gather3A_592 = tpu.vector_load_idx %arg9[%add3A_173, %and3A_590] : memref<80x128xf32, #tpu.memory_space<vmem>>[vector<16xi32>, vector<16xi32>], vector<16xf32>,
        %mul3A_593 = arith.mulf %gather3A_591, %gather3A_592 : vector<16xf32>
        %add3A_594 = arith.addf %add3A_584, %mul3A_593 : vector<16xf32>
        %add3A_595 = arith.constant 1 : i32
        %add3A_596 = vector.broadcast %add3A_595 : i32 to vector<16xi32>
        %add3A_597 = arith.addi %and3A_590, %add3A_596 : vector<16xi32>
        %and3A_598 = arith.constant 127 : i32
        %and3A_599 = vector.broadcast %and3A_598 : i32 to vector<16xi32>
        %and3A_600 = arith.andi %add3A_597, %and3A_599 : vector<16xi32>
        %gather3A_601 = tpu.vector_load_idx %arg8[%add3A_173, %and3A_600] : memref<80x128xf32, #tpu.memory_space<vmem>>[vector<16xi32>, vector<16xi32>], vector<16xf32>,
        %gather3A_602 = tpu.vector_load_idx %arg9[%add3A_173, %and3A_600] : memref<80x128xf32, #tpu.memory_space<vmem>>[vector<16xi32>, vector<16xi32>], vector<16xf32>,
        %mul3A_603 = arith.mulf %gather3A_601, %gather3A_602 : vector<16xf32>
        %add3A_604 = arith.addf %add3A_594, %mul3A_603 : vector<16xf32>
        %add3A_605 = arith.constant 1 : i32
        %add3A_606 = vector.broadcast %add3A_605 : i32 to vector<16xi32>
        %add3A_607 = arith.addi %and3A_600, %add3A_606 : vector<16xi32>
        %and3A_608 = arith.constant 127 : i32
        %and3A_609 = vector.broadcast %and3A_608 : i32 to vector<16xi32>
        %and3A_610 = arith.andi %add3A_607, %and3A_609 : vector<16xi32>
        %gather3A_611 = tpu.vector_load_idx %arg8[%add3A_173, %and3A_610] : memref<80x128xf32, #tpu.memory_space<vmem>>[vector<16xi32>, vector<16xi32>], vector<16xf32>,
        %gather3A_612 = tpu.vector_load_idx %arg9[%add3A_173, %and3A_610] : memref<80x128xf32, #tpu.memory_space<vmem>>[vector<16xi32>, vector<16xi32>], vector<16xf32>,
        %mul3A_613 = arith.mulf %gather3A_611, %gather3A_612 : vector<16xf32>
        %add3A_614 = arith.addf %add3A_604, %mul3A_613 : vector<16xf32>
        %add3A_615 = arith.constant 1 : i32
        %add3A_616 = vector.broadcast %add3A_615 : i32 to vector<16xi32>
        %add3A_617 = arith.addi %and3A_610, %add3A_616 : vector<16xi32>
        %and3A_618 = arith.constant 127 : i32
        %and3A_619 = vector.broadcast %and3A_618 : i32 to vector<16xi32>
        %and3A_620 = arith.andi %add3A_617, %and3A_619 : vector<16xi32>
        scf.yield %add3A_614, %and3A_620 : vector<16xf32>, vector<16xi32>
      }
      %scan3A_181 = arith.constant 8 : i32
      %neg3A_182 = arith.constant 0.000000e+00 : f32
      %neg3A_183 = vector.broadcast %neg3A_182 : f32 to vector<16xf32>
      %neg3A_184 = arith.subf %neg3A_183, %scan3A_180#0 : vector<16xf32>
      %exp3A_185 = math.exp %neg3A_184 : vector<16xf32>
      %add3A_186 = arith.constant 1.000000e+00 : f32
      %add3A_187 = vector.broadcast %add3A_186 : f32 to vector<16xf32>
      %add3A_188 = arith.addf %add3A_187, %exp3A_185 : vector<16xf32>
      %div3A_189 = arith.constant 1.000000e+00 : f32
      %div3A_190 = vector.broadcast %div3A_189 : f32 to vector<16xf32>
      %div3A_191 = arith.divf %div3A_190, %add3A_188 : vector<16xf32>
      %add3A_192 = arith.constant 0 : i32
      %add3A_193 = arith.addi %mul3A_170, %add3A_192 : i32
      %swap3A_194 = arith.index_cast %add3A_193 : i32 to index
      %swap3A_195 = tpu.vector_load %arg12[%swap3A_194] {strides = array<i32>} : memref<10000xf32, #tpu.memory_space<vmem>>, vector<16xf32>,
      tpu.vector_store %arg12[%swap3A_194], %div3A_191 {strides = array<i32>} : memref<10000xf32, #tpu.memory_space<vmem>>, vector<16xf32>,
      %broadcast_in_dim3A_196 = arith.constant 16 : i32
      %broadcast_in_dim3A_197 = vector.broadcast %broadcast_in_dim3A_196 : i32 to vector<16xi32>
      %add3A_198 = arith.addi %broadcast_in_dim3A_197, %iota3A : vector<16xi32>
      %broadcast_in_dim3A_199 = arith.constant 0.000000e+00 : f32
      %broadcast_in_dim3A_200 = vector.broadcast %broadcast_in_dim3A_199 : f32 to vector<16xf32>
      %scan3A_201 = arith.constant 0 : i32
      %scan3A_202 = arith.constant 8 : i32
      %scan3A_203 = arith.addi %scan3A_201, %scan3A_202 : i32
      %scan3A_204 = arith.constant 1 : i32
      %scan3A_205:2 = scf.for %scan3A_460 = %scan3A_201 to %scan3A_203 step %scan3A_204 iter_args(%scan3A_461 = %broadcast_in_dim3A_200, %scan3A_462 = %iota3A) -> (vector<16xf32>, vector<16xi32>)  : i32 {
        %gather3A = tpu.vector_load_idx %arg8[%add3A_198, %scan3A_462] : memref<80x128xf32, #tpu.memory_space<vmem>>[vector<16xi32>, vector<16xi32>], vector<16xf32>,
        %gather3A_463 = tpu.vector_load_idx %arg9[%add3A_198, %scan3A_462] : memref<80x128xf32, #tpu.memory_space<vmem>>[vector<16xi32>, vector<16xi32>], vector<16xf32>,
        %mul3A_464 = arith.mulf %gather3A, %gather3A_463 : vector<16xf32>
        %add3A_465 = arith.addf %scan3A_461, %mul3A_464 : vector<16xf32>
        %add3A_466 = arith.constant 1 : i32
        %add3A_467 = vector.broadcast %add3A_466 : i32 to vector<16xi32>
        %add3A_468 = arith.addi %scan3A_462, %add3A_467 : vector<16xi32>
        %and3A = arith.constant 127 : i32
        %and3A_469 = vector.broadcast %and3A : i32 to vector<16xi32>
        %and3A_470 = arith.andi %add3A_468, %and3A_469 : vector<16xi32>
        %gather3A_471 = tpu.vector_load_idx %arg8[%add3A_198, %and3A_470] : memref<80x128xf32, #tpu.memory_space<vmem>>[vector<16xi32>, vector<16xi32>], vector<16xf32>,
        %gather3A_472 = tpu.vector_load_idx %arg9[%add3A_198, %and3A_470] : memref<80x128xf32, #tpu.memory_space<vmem>>[vector<16xi32>, vector<16xi32>], vector<16xf32>,
        %mul3A_473 = arith.mulf %gather3A_471, %gather3A_472 : vector<16xf32>
        %add3A_474 = arith.addf %add3A_465, %mul3A_473 : vector<16xf32>
        %add3A_475 = arith.constant 1 : i32
        %add3A_476 = vector.broadcast %add3A_475 : i32 to vector<16xi32>
        %add3A_477 = arith.addi %and3A_470, %add3A_476 : vector<16xi32>
        %and3A_478 = arith.constant 127 : i32
        %and3A_479 = vector.broadcast %and3A_478 : i32 to vector<16xi32>
        %and3A_480 = arith.andi %add3A_477, %and3A_479 : vector<16xi32>
        %gather3A_481 = tpu.vector_load_idx %arg8[%add3A_198, %and3A_480] : memref<80x128xf32, #tpu.memory_space<vmem>>[vector<16xi32>, vector<16xi32>], vector<16xf32>,
        %gather3A_482 = tpu.vector_load_idx %arg9[%add3A_198, %and3A_480] : memref<80x128xf32, #tpu.memory_space<vmem>>[vector<16xi32>, vector<16xi32>], vector<16xf32>,
        %mul3A_483 = arith.mulf %gather3A_481, %gather3A_482 : vector<16xf32>
        %add3A_484 = arith.addf %add3A_474, %mul3A_483 : vector<16xf32>
        %add3A_485 = arith.constant 1 : i32
        %add3A_486 = vector.broadcast %add3A_485 : i32 to vector<16xi32>
        %add3A_487 = arith.addi %and3A_480, %add3A_486 : vector<16xi32>
        %and3A_488 = arith.constant 127 : i32
        %and3A_489 = vector.broadcast %and3A_488 : i32 to vector<16xi32>
        %and3A_490 = arith.andi %add3A_487, %and3A_489 : vector<16xi32>
        %gather3A_491 = tpu.vector_load_idx %arg8[%add3A_198, %and3A_490] : memref<80x128xf32, #tpu.memory_space<vmem>>[vector<16xi32>, vector<16xi32>], vector<16xf32>,
        %gather3A_492 = tpu.vector_load_idx %arg9[%add3A_198, %and3A_490] : memref<80x128xf32, #tpu.memory_space<vmem>>[vector<16xi32>, vector<16xi32>], vector<16xf32>,
        %mul3A_493 = arith.mulf %gather3A_491, %gather3A_492 : vector<16xf32>
        %add3A_494 = arith.addf %add3A_484, %mul3A_493 : vector<16xf32>
        %add3A_495 = arith.constant 1 : i32
        %add3A_496 = vector.broadcast %add3A_495 : i32 to vector<16xi32>
        %add3A_497 = arith.addi %and3A_490, %add3A_496 : vector<16xi32>
        %and3A_498 = arith.constant 127 : i32
        %and3A_499 = vector.broadcast %and3A_498 : i32 to vector<16xi32>
        %and3A_500 = arith.andi %add3A_497, %and3A_499 : vector<16xi32>
        %gather3A_501 = tpu.vector_load_idx %arg8[%add3A_198, %and3A_500] : memref<80x128xf32, #tpu.memory_space<vmem>>[vector<16xi32>, vector<16xi32>], vector<16xf32>,
        %gather3A_502 = tpu.vector_load_idx %arg9[%add3A_198, %and3A_500] : memref<80x128xf32, #tpu.memory_space<vmem>>[vector<16xi32>, vector<16xi32>], vector<16xf32>,
        %mul3A_503 = arith.mulf %gather3A_501, %gather3A_502 : vector<16xf32>
        %add3A_504 = arith.addf %add3A_494, %mul3A_503 : vector<16xf32>
        %add3A_505 = arith.constant 1 : i32
        %add3A_506 = vector.broadcast %add3A_505 : i32 to vector<16xi32>
        %add3A_507 = arith.addi %and3A_500, %add3A_506 : vector<16xi32>
        %and3A_508 = arith.constant 127 : i32
        %and3A_509 = vector.broadcast %and3A_508 : i32 to vector<16xi32>
        %and3A_510 = arith.andi %add3A_507, %and3A_509 : vector<16xi32>
        %gather3A_511 = tpu.vector_load_idx %arg8[%add3A_198, %and3A_510] : memref<80x128xf32, #tpu.memory_space<vmem>>[vector<16xi32>, vector<16xi32>], vector<16xf32>,
        %gather3A_512 = tpu.vector_load_idx %arg9[%add3A_198, %and3A_510] : memref<80x128xf32, #tpu.memory_space<vmem>>[vector<16xi32>, vector<16xi32>], vector<16xf32>,
        %mul3A_513 = arith.mulf %gather3A_511, %gather3A_512 : vector<16xf32>
        %add3A_514 = arith.addf %add3A_504, %mul3A_513 : vector<16xf32>
        %add3A_515 = arith.constant 1 : i32
        %add3A_516 = vector.broadcast %add3A_515 : i32 to vector<16xi32>
        %add3A_517 = arith.addi %and3A_510, %add3A_516 : vector<16xi32>
        %and3A_518 = arith.constant 127 : i32
        %and3A_519 = vector.broadcast %and3A_518 : i32 to vector<16xi32>
        %and3A_520 = arith.andi %add3A_517, %and3A_519 : vector<16xi32>
        %gather3A_521 = tpu.vector_load_idx %arg8[%add3A_198, %and3A_520] : memref<80x128xf32, #tpu.memory_space<vmem>>[vector<16xi32>, vector<16xi32>], vector<16xf32>,
        %gather3A_522 = tpu.vector_load_idx %arg9[%add3A_198, %and3A_520] : memref<80x128xf32, #tpu.memory_space<vmem>>[vector<16xi32>, vector<16xi32>], vector<16xf32>,
        %mul3A_523 = arith.mulf %gather3A_521, %gather3A_522 : vector<16xf32>
        %add3A_524 = arith.addf %add3A_514, %mul3A_523 : vector<16xf32>
        %add3A_525 = arith.constant 1 : i32
        %add3A_526 = vector.broadcast %add3A_525 : i32 to vector<16xi32>
        %add3A_527 = arith.addi %and3A_520, %add3A_526 : vector<16xi32>
        %and3A_528 = arith.constant 127 : i32
        %and3A_529 = vector.broadcast %and3A_528 : i32 to vector<16xi32>
        %and3A_530 = arith.andi %add3A_527, %and3A_529 : vector<16xi32>
        %gather3A_531 = tpu.vector_load_idx %arg8[%add3A_198, %and3A_530] : memref<80x128xf32, #tpu.memory_space<vmem>>[vector<16xi32>, vector<16xi32>], vector<16xf32>,
        %gather3A_532 = tpu.vector_load_idx %arg9[%add3A_198, %and3A_530] : memref<80x128xf32, #tpu.memory_space<vmem>>[vector<16xi32>, vector<16xi32>], vector<16xf32>,
        %mul3A_533 = arith.mulf %gather3A_531, %gather3A_532 : vector<16xf32>
        %add3A_534 = arith.addf %add3A_524, %mul3A_533 : vector<16xf32>
        %add3A_535 = arith.constant 1 : i32
        %add3A_536 = vector.broadcast %add3A_535 : i32 to vector<16xi32>
        %add3A_537 = arith.addi %and3A_530, %add3A_536 : vector<16xi32>
        %and3A_538 = arith.constant 127 : i32
        %and3A_539 = vector.broadcast %and3A_538 : i32 to vector<16xi32>
        %and3A_540 = arith.andi %add3A_537, %and3A_539 : vector<16xi32>
        %gather3A_541 = tpu.vector_load_idx %arg8[%add3A_198, %and3A_540] : memref<80x128xf32, #tpu.memory_space<vmem>>[vector<16xi32>, vector<16xi32>], vector<16xf32>,
        %gather3A_542 = tpu.vector_load_idx %arg9[%add3A_198, %and3A_540] : memref<80x128xf32, #tpu.memory_space<vmem>>[vector<16xi32>, vector<16xi32>], vector<16xf32>,
        %mul3A_543 = arith.mulf %gather3A_541, %gather3A_542 : vector<16xf32>
        %add3A_544 = arith.addf %add3A_534, %mul3A_543 : vector<16xf32>
        %add3A_545 = arith.constant 1 : i32
        %add3A_546 = vector.broadcast %add3A_545 : i32 to vector<16xi32>
        %add3A_547 = arith.addi %and3A_540, %add3A_546 : vector<16xi32>
        %and3A_548 = arith.constant 127 : i32
        %and3A_549 = vector.broadcast %and3A_548 : i32 to vector<16xi32>
        %and3A_550 = arith.andi %add3A_547, %and3A_549 : vector<16xi32>
        %gather3A_551 = tpu.vector_load_idx %arg8[%add3A_198, %and3A_550] : memref<80x128xf32, #tpu.memory_space<vmem>>[vector<16xi32>, vector<16xi32>], vector<16xf32>,
        %gather3A_552 = tpu.vector_load_idx %arg9[%add3A_198, %and3A_550] : memref<80x128xf32, #tpu.memory_space<vmem>>[vector<16xi32>, vector<16xi32>], vector<16xf32>,
        %mul3A_553 = arith.mulf %gather3A_551, %gather3A_552 : vector<16xf32>
        %add3A_554 = arith.addf %add3A_544, %mul3A_553 : vector<16xf32>
        %add3A_555 = arith.constant 1 : i32
        %add3A_556 = vector.broadcast %add3A_555 : i32 to vector<16xi32>
        %add3A_557 = arith.addi %and3A_550, %add3A_556 : vector<16xi32>
        %and3A_558 = arith.constant 127 : i32
        %and3A_559 = vector.broadcast %and3A_558 : i32 to vector<16xi32>
        %and3A_560 = arith.andi %add3A_557, %and3A_559 : vector<16xi32>
        %gather3A_561 = tpu.vector_load_idx %arg8[%add3A_198, %and3A_560] : memref<80x128xf32, #tpu.memory_space<vmem>>[vector<16xi32>, vector<16xi32>], vector<16xf32>,
        %gather3A_562 = tpu.vector_load_idx %arg9[%add3A_198, %and3A_560] : memref<80x128xf32, #tpu.memory_space<vmem>>[vector<16xi32>, vector<16xi32>], vector<16xf32>,
        %mul3A_563 = arith.mulf %gather3A_561, %gather3A_562 : vector<16xf32>
        %add3A_564 = arith.addf %add3A_554, %mul3A_563 : vector<16xf32>
        %add3A_565 = arith.constant 1 : i32
        %add3A_566 = vector.broadcast %add3A_565 : i32 to vector<16xi32>
        %add3A_567 = arith.addi %and3A_560, %add3A_566 : vector<16xi32>
        %and3A_568 = arith.constant 127 : i32
        %and3A_569 = vector.broadcast %and3A_568 : i32 to vector<16xi32>
        %and3A_570 = arith.andi %add3A_567, %and3A_569 : vector<16xi32>
        %gather3A_571 = tpu.vector_load_idx %arg8[%add3A_198, %and3A_570] : memref<80x128xf32, #tpu.memory_space<vmem>>[vector<16xi32>, vector<16xi32>], vector<16xf32>,
        %gather3A_572 = tpu.vector_load_idx %arg9[%add3A_198, %and3A_570] : memref<80x128xf32, #tpu.memory_space<vmem>>[vector<16xi32>, vector<16xi32>], vector<16xf32>,
        %mul3A_573 = arith.mulf %gather3A_571, %gather3A_572 : vector<16xf32>
        %add3A_574 = arith.addf %add3A_564, %mul3A_573 : vector<16xf32>
        %add3A_575 = arith.constant 1 : i32
        %add3A_576 = vector.broadcast %add3A_575 : i32 to vector<16xi32>
        %add3A_577 = arith.addi %and3A_570, %add3A_576 : vector<16xi32>
        %and3A_578 = arith.constant 127 : i32
        %and3A_579 = vector.broadcast %and3A_578 : i32 to vector<16xi32>
        %and3A_580 = arith.andi %add3A_577, %and3A_579 : vector<16xi32>
        %gather3A_581 = tpu.vector_load_idx %arg8[%add3A_198, %and3A_580] : memref<80x128xf32, #tpu.memory_space<vmem>>[vector<16xi32>, vector<16xi32>], vector<16xf32>,
        %gather3A_582 = tpu.vector_load_idx %arg9[%add3A_198, %and3A_580] : memref<80x128xf32, #tpu.memory_space<vmem>>[vector<16xi32>, vector<16xi32>], vector<16xf32>,
        %mul3A_583 = arith.mulf %gather3A_581, %gather3A_582 : vector<16xf32>
        %add3A_584 = arith.addf %add3A_574, %mul3A_583 : vector<16xf32>
        %add3A_585 = arith.constant 1 : i32
        %add3A_586 = vector.broadcast %add3A_585 : i32 to vector<16xi32>
        %add3A_587 = arith.addi %and3A_580, %add3A_586 : vector<16xi32>
        %and3A_588 = arith.constant 127 : i32
        %and3A_589 = vector.broadcast %and3A_588 : i32 to vector<16xi32>
        %and3A_590 = arith.andi %add3A_587, %and3A_589 : vector<16xi32>
        %gather3A_591 = tpu.vector_load_idx %arg8[%add3A_198, %and3A_590] : memref<80x128xf32, #tpu.memory_space<vmem>>[vector<16xi32>, vector<16xi32>], vector<16xf32>,
        %gather3A_592 = tpu.vector_load_idx %arg9[%add3A_198, %and3A_590] : memref<80x128xf32, #tpu.memory_space<vmem>>[vector<16xi32>, vector<16xi32>], vector<16xf32>,
        %mul3A_593 = arith.mulf %gather3A_591, %gather3A_592 : vector<16xf32>
        %add3A_594 = arith.addf %add3A_584, %mul3A_593 : vector<16xf32>
        %add3A_595 = arith.constant 1 : i32
        %add3A_596 = vector.broadcast %add3A_595 : i32 to vector<16xi32>
        %add3A_597 = arith.addi %and3A_590, %add3A_596 : vector<16xi32>
        %and3A_598 = arith.constant 127 : i32
        %and3A_599 = vector.broadcast %and3A_598 : i32 to vector<16xi32>
        %and3A_600 = arith.andi %add3A_597, %and3A_599 : vector<16xi32>
        %gather3A_601 = tpu.vector_load_idx %arg8[%add3A_198, %and3A_600] : memref<80x128xf32, #tpu.memory_space<vmem>>[vector<16xi32>, vector<16xi32>], vector<16xf32>,
        %gather3A_602 = tpu.vector_load_idx %arg9[%add3A_198, %and3A_600] : memref<80x128xf32, #tpu.memory_space<vmem>>[vector<16xi32>, vector<16xi32>], vector<16xf32>,
        %mul3A_603 = arith.mulf %gather3A_601, %gather3A_602 : vector<16xf32>
        %add3A_604 = arith.addf %add3A_594, %mul3A_603 : vector<16xf32>
        %add3A_605 = arith.constant 1 : i32
        %add3A_606 = vector.broadcast %add3A_605 : i32 to vector<16xi32>
        %add3A_607 = arith.addi %and3A_600, %add3A_606 : vector<16xi32>
        %and3A_608 = arith.constant 127 : i32
        %and3A_609 = vector.broadcast %and3A_608 : i32 to vector<16xi32>
        %and3A_610 = arith.andi %add3A_607, %and3A_609 : vector<16xi32>
        %gather3A_611 = tpu.vector_load_idx %arg8[%add3A_198, %and3A_610] : memref<80x128xf32, #tpu.memory_space<vmem>>[vector<16xi32>, vector<16xi32>], vector<16xf32>,
        %gather3A_612 = tpu.vector_load_idx %arg9[%add3A_198, %and3A_610] : memref<80x128xf32, #tpu.memory_space<vmem>>[vector<16xi32>, vector<16xi32>], vector<16xf32>,
        %mul3A_613 = arith.mulf %gather3A_611, %gather3A_612 : vector<16xf32>
        %add3A_614 = arith.addf %add3A_604, %mul3A_613 : vector<16xf32>
        %add3A_615 = arith.constant 1 : i32
        %add3A_616 = vector.broadcast %add3A_615 : i32 to vector<16xi32>
        %add3A_617 = arith.addi %and3A_610, %add3A_616 : vector<16xi32>
        %and3A_618 = arith.constant 127 : i32
        %and3A_619 = vector.broadcast %and3A_618 : i32 to vector<16xi32>
        %and3A_620 = arith.andi %add3A_617, %and3A_619 : vector<16xi32>
        scf.yield %add3A_614, %and3A_620 : vector<16xf32>, vector<16xi32>
      }
      %scan3A_206 = arith.constant 8 : i32
      %neg3A_207 = arith.constant 0.000000e+00 : f32
      %neg3A_208 = vector.broadcast %neg3A_207 : f32 to vector<16xf32>
      %neg3A_209 = arith.subf %neg3A_208, %scan3A_205#0 : vector<16xf32>
      %exp3A_210 = math.exp %neg3A_209 : vector<16xf32>
      %add3A_211 = arith.constant 1.000000e+00 : f32
      %add3A_212 = vector.broadcast %add3A_211 : f32 to vector<16xf32>
      %add3A_213 = arith.addf %add3A_212, %exp3A_210 : vector<16xf32>
      %div3A_214 = arith.constant 1.000000e+00 : f32
      %div3A_215 = vector.broadcast %div3A_214 : f32 to vector<16xf32>
      %div3A_216 = arith.divf %div3A_215, %add3A_213 : vector<16xf32>
      %add3A_217 = arith.constant 16 : i32
      %add3A_218 = arith.addi %mul3A_170, %add3A_217 : i32
      %swap3A_219 = arith.index_cast %add3A_218 : i32 to index
      %swap3A_220 = tpu.vector_load %arg12[%swap3A_219] {strides = array<i32>} : memref<10000xf32, #tpu.memory_space<vmem>>, vector<16xf32>,
      tpu.vector_store %arg12[%swap3A_219], %div3A_216 {strides = array<i32>} : memref<10000xf32, #tpu.memory_space<vmem>>, vector<16xf32>,
      %broadcast_in_dim3A_221 = arith.constant 32 : i32
      %broadcast_in_dim3A_222 = vector.broadcast %broadcast_in_dim3A_221 : i32 to vector<16xi32>
      %add3A_223 = arith.addi %broadcast_in_dim3A_222, %iota3A : vector<16xi32>
      %broadcast_in_dim3A_224 = arith.constant 0.000000e+00 : f32
      %broadcast_in_dim3A_225 = vector.broadcast %broadcast_in_dim3A_224 : f32 to vector<16xf32>
      %scan3A_226 = arith.constant 0 : i32
      %scan3A_227 = arith.constant 8 : i32
      %scan3A_228 = arith.addi %scan3A_226, %scan3A_227 : i32
      %scan3A_229 = arith.constant 1 : i32
      %scan3A_230:2 = scf.for %scan3A_460 = %scan3A_226 to %scan3A_228 step %scan3A_229 iter_args(%scan3A_461 = %broadcast_in_dim3A_225, %scan3A_462 = %iota3A) -> (vector<16xf32>, vector<16xi32>)  : i32 {
        %gather3A = tpu.vector_load_idx %arg8[%add3A_223, %scan3A_462] : memref<80x128xf32, #tpu.memory_space<vmem>>[vector<16xi32>, vector<16xi32>], vector<16xf32>,
        %gather3A_463 = tpu.vector_load_idx %arg9[%add3A_223, %scan3A_462] : memref<80x128xf32, #tpu.memory_space<vmem>>[vector<16xi32>, vector<16xi32>], vector<16xf32>,
        %mul3A_464 = arith.mulf %gather3A, %gather3A_463 : vector<16xf32>
        %add3A_465 = arith.addf %scan3A_461, %mul3A_464 : vector<16xf32>
        %add3A_466 = arith.constant 1 : i32
        %add3A_467 = vector.broadcast %add3A_466 : i32 to vector<16xi32>
        %add3A_468 = arith.addi %scan3A_462, %add3A_467 : vector<16xi32>
        %and3A = arith.constant 127 : i32
        %and3A_469 = vector.broadcast %and3A : i32 to vector<16xi32>
        %and3A_470 = arith.andi %add3A_468, %and3A_469 : vector<16xi32>
        %gather3A_471 = tpu.vector_load_idx %arg8[%add3A_223, %and3A_470] : memref<80x128xf32, #tpu.memory_space<vmem>>[vector<16xi32>, vector<16xi32>], vector<16xf32>,
        %gather3A_472 = tpu.vector_load_idx %arg9[%add3A_223, %and3A_470] : memref<80x128xf32, #tpu.memory_space<vmem>>[vector<16xi32>, vector<16xi32>], vector<16xf32>,
        %mul3A_473 = arith.mulf %gather3A_471, %gather3A_472 : vector<16xf32>
        %add3A_474 = arith.addf %add3A_465, %mul3A_473 : vector<16xf32>
        %add3A_475 = arith.constant 1 : i32
        %add3A_476 = vector.broadcast %add3A_475 : i32 to vector<16xi32>
        %add3A_477 = arith.addi %and3A_470, %add3A_476 : vector<16xi32>
        %and3A_478 = arith.constant 127 : i32
        %and3A_479 = vector.broadcast %and3A_478 : i32 to vector<16xi32>
        %and3A_480 = arith.andi %add3A_477, %and3A_479 : vector<16xi32>
        %gather3A_481 = tpu.vector_load_idx %arg8[%add3A_223, %and3A_480] : memref<80x128xf32, #tpu.memory_space<vmem>>[vector<16xi32>, vector<16xi32>], vector<16xf32>,
        %gather3A_482 = tpu.vector_load_idx %arg9[%add3A_223, %and3A_480] : memref<80x128xf32, #tpu.memory_space<vmem>>[vector<16xi32>, vector<16xi32>], vector<16xf32>,
        %mul3A_483 = arith.mulf %gather3A_481, %gather3A_482 : vector<16xf32>
        %add3A_484 = arith.addf %add3A_474, %mul3A_483 : vector<16xf32>
        %add3A_485 = arith.constant 1 : i32
        %add3A_486 = vector.broadcast %add3A_485 : i32 to vector<16xi32>
        %add3A_487 = arith.addi %and3A_480, %add3A_486 : vector<16xi32>
        %and3A_488 = arith.constant 127 : i32
        %and3A_489 = vector.broadcast %and3A_488 : i32 to vector<16xi32>
        %and3A_490 = arith.andi %add3A_487, %and3A_489 : vector<16xi32>
        %gather3A_491 = tpu.vector_load_idx %arg8[%add3A_223, %and3A_490] : memref<80x128xf32, #tpu.memory_space<vmem>>[vector<16xi32>, vector<16xi32>], vector<16xf32>,
        %gather3A_492 = tpu.vector_load_idx %arg9[%add3A_223, %and3A_490] : memref<80x128xf32, #tpu.memory_space<vmem>>[vector<16xi32>, vector<16xi32>], vector<16xf32>,
        %mul3A_493 = arith.mulf %gather3A_491, %gather3A_492 : vector<16xf32>
        %add3A_494 = arith.addf %add3A_484, %mul3A_493 : vector<16xf32>
        %add3A_495 = arith.constant 1 : i32
        %add3A_496 = vector.broadcast %add3A_495 : i32 to vector<16xi32>
        %add3A_497 = arith.addi %and3A_490, %add3A_496 : vector<16xi32>
        %and3A_498 = arith.constant 127 : i32
        %and3A_499 = vector.broadcast %and3A_498 : i32 to vector<16xi32>
        %and3A_500 = arith.andi %add3A_497, %and3A_499 : vector<16xi32>
        %gather3A_501 = tpu.vector_load_idx %arg8[%add3A_223, %and3A_500] : memref<80x128xf32, #tpu.memory_space<vmem>>[vector<16xi32>, vector<16xi32>], vector<16xf32>,
        %gather3A_502 = tpu.vector_load_idx %arg9[%add3A_223, %and3A_500] : memref<80x128xf32, #tpu.memory_space<vmem>>[vector<16xi32>, vector<16xi32>], vector<16xf32>,
        %mul3A_503 = arith.mulf %gather3A_501, %gather3A_502 : vector<16xf32>
        %add3A_504 = arith.addf %add3A_494, %mul3A_503 : vector<16xf32>
        %add3A_505 = arith.constant 1 : i32
        %add3A_506 = vector.broadcast %add3A_505 : i32 to vector<16xi32>
        %add3A_507 = arith.addi %and3A_500, %add3A_506 : vector<16xi32>
        %and3A_508 = arith.constant 127 : i32
        %and3A_509 = vector.broadcast %and3A_508 : i32 to vector<16xi32>
        %and3A_510 = arith.andi %add3A_507, %and3A_509 : vector<16xi32>
        %gather3A_511 = tpu.vector_load_idx %arg8[%add3A_223, %and3A_510] : memref<80x128xf32, #tpu.memory_space<vmem>>[vector<16xi32>, vector<16xi32>], vector<16xf32>,
        %gather3A_512 = tpu.vector_load_idx %arg9[%add3A_223, %and3A_510] : memref<80x128xf32, #tpu.memory_space<vmem>>[vector<16xi32>, vector<16xi32>], vector<16xf32>,
        %mul3A_513 = arith.mulf %gather3A_511, %gather3A_512 : vector<16xf32>
        %add3A_514 = arith.addf %add3A_504, %mul3A_513 : vector<16xf32>
        %add3A_515 = arith.constant 1 : i32
        %add3A_516 = vector.broadcast %add3A_515 : i32 to vector<16xi32>
        %add3A_517 = arith.addi %and3A_510, %add3A_516 : vector<16xi32>
        %and3A_518 = arith.constant 127 : i32
        %and3A_519 = vector.broadcast %and3A_518 : i32 to vector<16xi32>
        %and3A_520 = arith.andi %add3A_517, %and3A_519 : vector<16xi32>
        %gather3A_521 = tpu.vector_load_idx %arg8[%add3A_223, %and3A_520] : memref<80x128xf32, #tpu.memory_space<vmem>>[vector<16xi32>, vector<16xi32>], vector<16xf32>,
        %gather3A_522 = tpu.vector_load_idx %arg9[%add3A_223, %and3A_520] : memref<80x128xf32, #tpu.memory_space<vmem>>[vector<16xi32>, vector<16xi32>], vector<16xf32>,
        %mul3A_523 = arith.mulf %gather3A_521, %gather3A_522 : vector<16xf32>
        %add3A_524 = arith.addf %add3A_514, %mul3A_523 : vector<16xf32>
        %add3A_525 = arith.constant 1 : i32
        %add3A_526 = vector.broadcast %add3A_525 : i32 to vector<16xi32>
        %add3A_527 = arith.addi %and3A_520, %add3A_526 : vector<16xi32>
        %and3A_528 = arith.constant 127 : i32
        %and3A_529 = vector.broadcast %and3A_528 : i32 to vector<16xi32>
        %and3A_530 = arith.andi %add3A_527, %and3A_529 : vector<16xi32>
        %gather3A_531 = tpu.vector_load_idx %arg8[%add3A_223, %and3A_530] : memref<80x128xf32, #tpu.memory_space<vmem>>[vector<16xi32>, vector<16xi32>], vector<16xf32>,
        %gather3A_532 = tpu.vector_load_idx %arg9[%add3A_223, %and3A_530] : memref<80x128xf32, #tpu.memory_space<vmem>>[vector<16xi32>, vector<16xi32>], vector<16xf32>,
        %mul3A_533 = arith.mulf %gather3A_531, %gather3A_532 : vector<16xf32>
        %add3A_534 = arith.addf %add3A_524, %mul3A_533 : vector<16xf32>
        %add3A_535 = arith.constant 1 : i32
        %add3A_536 = vector.broadcast %add3A_535 : i32 to vector<16xi32>
        %add3A_537 = arith.addi %and3A_530, %add3A_536 : vector<16xi32>
        %and3A_538 = arith.constant 127 : i32
        %and3A_539 = vector.broadcast %and3A_538 : i32 to vector<16xi32>
        %and3A_540 = arith.andi %add3A_537, %and3A_539 : vector<16xi32>
        %gather3A_541 = tpu.vector_load_idx %arg8[%add3A_223, %and3A_540] : memref<80x128xf32, #tpu.memory_space<vmem>>[vector<16xi32>, vector<16xi32>], vector<16xf32>,
        %gather3A_542 = tpu.vector_load_idx %arg9[%add3A_223, %and3A_540] : memref<80x128xf32, #tpu.memory_space<vmem>>[vector<16xi32>, vector<16xi32>], vector<16xf32>,
        %mul3A_543 = arith.mulf %gather3A_541, %gather3A_542 : vector<16xf32>
        %add3A_544 = arith.addf %add3A_534, %mul3A_543 : vector<16xf32>
        %add3A_545 = arith.constant 1 : i32
        %add3A_546 = vector.broadcast %add3A_545 : i32 to vector<16xi32>
        %add3A_547 = arith.addi %and3A_540, %add3A_546 : vector<16xi32>
        %and3A_548 = arith.constant 127 : i32
        %and3A_549 = vector.broadcast %and3A_548 : i32 to vector<16xi32>
        %and3A_550 = arith.andi %add3A_547, %and3A_549 : vector<16xi32>
        %gather3A_551 = tpu.vector_load_idx %arg8[%add3A_223, %and3A_550] : memref<80x128xf32, #tpu.memory_space<vmem>>[vector<16xi32>, vector<16xi32>], vector<16xf32>,
        %gather3A_552 = tpu.vector_load_idx %arg9[%add3A_223, %and3A_550] : memref<80x128xf32, #tpu.memory_space<vmem>>[vector<16xi32>, vector<16xi32>], vector<16xf32>,
        %mul3A_553 = arith.mulf %gather3A_551, %gather3A_552 : vector<16xf32>
        %add3A_554 = arith.addf %add3A_544, %mul3A_553 : vector<16xf32>
        %add3A_555 = arith.constant 1 : i32
        %add3A_556 = vector.broadcast %add3A_555 : i32 to vector<16xi32>
        %add3A_557 = arith.addi %and3A_550, %add3A_556 : vector<16xi32>
        %and3A_558 = arith.constant 127 : i32
        %and3A_559 = vector.broadcast %and3A_558 : i32 to vector<16xi32>
        %and3A_560 = arith.andi %add3A_557, %and3A_559 : vector<16xi32>
        %gather3A_561 = tpu.vector_load_idx %arg8[%add3A_223, %and3A_560] : memref<80x128xf32, #tpu.memory_space<vmem>>[vector<16xi32>, vector<16xi32>], vector<16xf32>,
        %gather3A_562 = tpu.vector_load_idx %arg9[%add3A_223, %and3A_560] : memref<80x128xf32, #tpu.memory_space<vmem>>[vector<16xi32>, vector<16xi32>], vector<16xf32>,
        %mul3A_563 = arith.mulf %gather3A_561, %gather3A_562 : vector<16xf32>
        %add3A_564 = arith.addf %add3A_554, %mul3A_563 : vector<16xf32>
        %add3A_565 = arith.constant 1 : i32
        %add3A_566 = vector.broadcast %add3A_565 : i32 to vector<16xi32>
        %add3A_567 = arith.addi %and3A_560, %add3A_566 : vector<16xi32>
        %and3A_568 = arith.constant 127 : i32
        %and3A_569 = vector.broadcast %and3A_568 : i32 to vector<16xi32>
        %and3A_570 = arith.andi %add3A_567, %and3A_569 : vector<16xi32>
        %gather3A_571 = tpu.vector_load_idx %arg8[%add3A_223, %and3A_570] : memref<80x128xf32, #tpu.memory_space<vmem>>[vector<16xi32>, vector<16xi32>], vector<16xf32>,
        %gather3A_572 = tpu.vector_load_idx %arg9[%add3A_223, %and3A_570] : memref<80x128xf32, #tpu.memory_space<vmem>>[vector<16xi32>, vector<16xi32>], vector<16xf32>,
        %mul3A_573 = arith.mulf %gather3A_571, %gather3A_572 : vector<16xf32>
        %add3A_574 = arith.addf %add3A_564, %mul3A_573 : vector<16xf32>
        %add3A_575 = arith.constant 1 : i32
        %add3A_576 = vector.broadcast %add3A_575 : i32 to vector<16xi32>
        %add3A_577 = arith.addi %and3A_570, %add3A_576 : vector<16xi32>
        %and3A_578 = arith.constant 127 : i32
        %and3A_579 = vector.broadcast %and3A_578 : i32 to vector<16xi32>
        %and3A_580 = arith.andi %add3A_577, %and3A_579 : vector<16xi32>
        %gather3A_581 = tpu.vector_load_idx %arg8[%add3A_223, %and3A_580] : memref<80x128xf32, #tpu.memory_space<vmem>>[vector<16xi32>, vector<16xi32>], vector<16xf32>,
        %gather3A_582 = tpu.vector_load_idx %arg9[%add3A_223, %and3A_580] : memref<80x128xf32, #tpu.memory_space<vmem>>[vector<16xi32>, vector<16xi32>], vector<16xf32>,
        %mul3A_583 = arith.mulf %gather3A_581, %gather3A_582 : vector<16xf32>
        %add3A_584 = arith.addf %add3A_574, %mul3A_583 : vector<16xf32>
        %add3A_585 = arith.constant 1 : i32
        %add3A_586 = vector.broadcast %add3A_585 : i32 to vector<16xi32>
        %add3A_587 = arith.addi %and3A_580, %add3A_586 : vector<16xi32>
        %and3A_588 = arith.constant 127 : i32
        %and3A_589 = vector.broadcast %and3A_588 : i32 to vector<16xi32>
        %and3A_590 = arith.andi %add3A_587, %and3A_589 : vector<16xi32>
        %gather3A_591 = tpu.vector_load_idx %arg8[%add3A_223, %and3A_590] : memref<80x128xf32, #tpu.memory_space<vmem>>[vector<16xi32>, vector<16xi32>], vector<16xf32>,
        %gather3A_592 = tpu.vector_load_idx %arg9[%add3A_223, %and3A_590] : memref<80x128xf32, #tpu.memory_space<vmem>>[vector<16xi32>, vector<16xi32>], vector<16xf32>,
        %mul3A_593 = arith.mulf %gather3A_591, %gather3A_592 : vector<16xf32>
        %add3A_594 = arith.addf %add3A_584, %mul3A_593 : vector<16xf32>
        %add3A_595 = arith.constant 1 : i32
        %add3A_596 = vector.broadcast %add3A_595 : i32 to vector<16xi32>
        %add3A_597 = arith.addi %and3A_590, %add3A_596 : vector<16xi32>
        %and3A_598 = arith.constant 127 : i32
        %and3A_599 = vector.broadcast %and3A_598 : i32 to vector<16xi32>
        %and3A_600 = arith.andi %add3A_597, %and3A_599 : vector<16xi32>
        %gather3A_601 = tpu.vector_load_idx %arg8[%add3A_223, %and3A_600] : memref<80x128xf32, #tpu.memory_space<vmem>>[vector<16xi32>, vector<16xi32>], vector<16xf32>,
        %gather3A_602 = tpu.vector_load_idx %arg9[%add3A_223, %and3A_600] : memref<80x128xf32, #tpu.memory_space<vmem>>[vector<16xi32>, vector<16xi32>], vector<16xf32>,
        %mul3A_603 = arith.mulf %gather3A_601, %gather3A_602 : vector<16xf32>
        %add3A_604 = arith.addf %add3A_594, %mul3A_603 : vector<16xf32>
        %add3A_605 = arith.constant 1 : i32
        %add3A_606 = vector.broadcast %add3A_605 : i32 to vector<16xi32>
        %add3A_607 = arith.addi %and3A_600, %add3A_606 : vector<16xi32>
        %and3A_608 = arith.constant 127 : i32
        %and3A_609 = vector.broadcast %and3A_608 : i32 to vector<16xi32>
        %and3A_610 = arith.andi %add3A_607, %and3A_609 : vector<16xi32>
        %gather3A_611 = tpu.vector_load_idx %arg8[%add3A_223, %and3A_610] : memref<80x128xf32, #tpu.memory_space<vmem>>[vector<16xi32>, vector<16xi32>], vector<16xf32>,
        %gather3A_612 = tpu.vector_load_idx %arg9[%add3A_223, %and3A_610] : memref<80x128xf32, #tpu.memory_space<vmem>>[vector<16xi32>, vector<16xi32>], vector<16xf32>,
        %mul3A_613 = arith.mulf %gather3A_611, %gather3A_612 : vector<16xf32>
        %add3A_614 = arith.addf %add3A_604, %mul3A_613 : vector<16xf32>
        %add3A_615 = arith.constant 1 : i32
        %add3A_616 = vector.broadcast %add3A_615 : i32 to vector<16xi32>
        %add3A_617 = arith.addi %and3A_610, %add3A_616 : vector<16xi32>
        %and3A_618 = arith.constant 127 : i32
        %and3A_619 = vector.broadcast %and3A_618 : i32 to vector<16xi32>
        %and3A_620 = arith.andi %add3A_617, %and3A_619 : vector<16xi32>
        scf.yield %add3A_614, %and3A_620 : vector<16xf32>, vector<16xi32>
      }
      %scan3A_231 = arith.constant 8 : i32
      %neg3A_232 = arith.constant 0.000000e+00 : f32
      %neg3A_233 = vector.broadcast %neg3A_232 : f32 to vector<16xf32>
      %neg3A_234 = arith.subf %neg3A_233, %scan3A_230#0 : vector<16xf32>
      %exp3A_235 = math.exp %neg3A_234 : vector<16xf32>
      %add3A_236 = arith.constant 1.000000e+00 : f32
      %add3A_237 = vector.broadcast %add3A_236 : f32 to vector<16xf32>
      %add3A_238 = arith.addf %add3A_237, %exp3A_235 : vector<16xf32>
      %div3A_239 = arith.constant 1.000000e+00 : f32
      %div3A_240 = vector.broadcast %div3A_239 : f32 to vector<16xf32>
      %div3A_241 = arith.divf %div3A_240, %add3A_238 : vector<16xf32>
      %add3A_242 = arith.constant 32 : i32
      %add3A_243 = arith.addi %mul3A_170, %add3A_242 : i32
      %swap3A_244 = arith.index_cast %add3A_243 : i32 to index
      %swap3A_245 = tpu.vector_load %arg12[%swap3A_244] {strides = array<i32>} : memref<10000xf32, #tpu.memory_space<vmem>>, vector<16xf32>,
      tpu.vector_store %arg12[%swap3A_244], %div3A_241 {strides = array<i32>} : memref<10000xf32, #tpu.memory_space<vmem>>, vector<16xf32>,
      %broadcast_in_dim3A_246 = arith.constant 48 : i32
      %broadcast_in_dim3A_247 = vector.broadcast %broadcast_in_dim3A_246 : i32 to vector<16xi32>
      %add3A_248 = arith.addi %broadcast_in_dim3A_247, %iota3A : vector<16xi32>
      %broadcast_in_dim3A_249 = arith.constant 0.000000e+00 : f32
      %broadcast_in_dim3A_250 = vector.broadcast %broadcast_in_dim3A_249 : f32 to vector<16xf32>
      %scan3A_251 = arith.constant 0 : i32
      %scan3A_252 = arith.constant 8 : i32
      %scan3A_253 = arith.addi %scan3A_251, %scan3A_252 : i32
      %scan3A_254 = arith.constant 1 : i32
      %scan3A_255:2 = scf.for %scan3A_460 = %scan3A_251 to %scan3A_253 step %scan3A_254 iter_args(%scan3A_461 = %broadcast_in_dim3A_250, %scan3A_462 = %iota3A) -> (vector<16xf32>, vector<16xi32>)  : i32 {
        %gather3A = tpu.vector_load_idx %arg8[%add3A_248, %scan3A_462] : memref<80x128xf32, #tpu.memory_space<vmem>>[vector<16xi32>, vector<16xi32>], vector<16xf32>,
        %gather3A_463 = tpu.vector_load_idx %arg9[%add3A_248, %scan3A_462] : memref<80x128xf32, #tpu.memory_space<vmem>>[vector<16xi32>, vector<16xi32>], vector<16xf32>,
        %mul3A_464 = arith.mulf %gather3A, %gather3A_463 : vector<16xf32>
        %add3A_465 = arith.addf %scan3A_461, %mul3A_464 : vector<16xf32>
        %add3A_466 = arith.constant 1 : i32
        %add3A_467 = vector.broadcast %add3A_466 : i32 to vector<16xi32>
        %add3A_468 = arith.addi %scan3A_462, %add3A_467 : vector<16xi32>
        %and3A = arith.constant 127 : i32
        %and3A_469 = vector.broadcast %and3A : i32 to vector<16xi32>
        %and3A_470 = arith.andi %add3A_468, %and3A_469 : vector<16xi32>
        %gather3A_471 = tpu.vector_load_idx %arg8[%add3A_248, %and3A_470] : memref<80x128xf32, #tpu.memory_space<vmem>>[vector<16xi32>, vector<16xi32>], vector<16xf32>,
        %gather3A_472 = tpu.vector_load_idx %arg9[%add3A_248, %and3A_470] : memref<80x128xf32, #tpu.memory_space<vmem>>[vector<16xi32>, vector<16xi32>], vector<16xf32>,
        %mul3A_473 = arith.mulf %gather3A_471, %gather3A_472 : vector<16xf32>
        %add3A_474 = arith.addf %add3A_465, %mul3A_473 : vector<16xf32>
        %add3A_475 = arith.constant 1 : i32
        %add3A_476 = vector.broadcast %add3A_475 : i32 to vector<16xi32>
        %add3A_477 = arith.addi %and3A_470, %add3A_476 : vector<16xi32>
        %and3A_478 = arith.constant 127 : i32
        %and3A_479 = vector.broadcast %and3A_478 : i32 to vector<16xi32>
        %and3A_480 = arith.andi %add3A_477, %and3A_479 : vector<16xi32>
        %gather3A_481 = tpu.vector_load_idx %arg8[%add3A_248, %and3A_480] : memref<80x128xf32, #tpu.memory_space<vmem>>[vector<16xi32>, vector<16xi32>], vector<16xf32>,
        %gather3A_482 = tpu.vector_load_idx %arg9[%add3A_248, %and3A_480] : memref<80x128xf32, #tpu.memory_space<vmem>>[vector<16xi32>, vector<16xi32>], vector<16xf32>,
        %mul3A_483 = arith.mulf %gather3A_481, %gather3A_482 : vector<16xf32>
        %add3A_484 = arith.addf %add3A_474, %mul3A_483 : vector<16xf32>
        %add3A_485 = arith.constant 1 : i32
        %add3A_486 = vector.broadcast %add3A_485 : i32 to vector<16xi32>
        %add3A_487 = arith.addi %and3A_480, %add3A_486 : vector<16xi32>
        %and3A_488 = arith.constant 127 : i32
        %and3A_489 = vector.broadcast %and3A_488 : i32 to vector<16xi32>
        %and3A_490 = arith.andi %add3A_487, %and3A_489 : vector<16xi32>
        %gather3A_491 = tpu.vector_load_idx %arg8[%add3A_248, %and3A_490] : memref<80x128xf32, #tpu.memory_space<vmem>>[vector<16xi32>, vector<16xi32>], vector<16xf32>,
        %gather3A_492 = tpu.vector_load_idx %arg9[%add3A_248, %and3A_490] : memref<80x128xf32, #tpu.memory_space<vmem>>[vector<16xi32>, vector<16xi32>], vector<16xf32>,
        %mul3A_493 = arith.mulf %gather3A_491, %gather3A_492 : vector<16xf32>
        %add3A_494 = arith.addf %add3A_484, %mul3A_493 : vector<16xf32>
        %add3A_495 = arith.constant 1 : i32
        %add3A_496 = vector.broadcast %add3A_495 : i32 to vector<16xi32>
        %add3A_497 = arith.addi %and3A_490, %add3A_496 : vector<16xi32>
        %and3A_498 = arith.constant 127 : i32
        %and3A_499 = vector.broadcast %and3A_498 : i32 to vector<16xi32>
        %and3A_500 = arith.andi %add3A_497, %and3A_499 : vector<16xi32>
        %gather3A_501 = tpu.vector_load_idx %arg8[%add3A_248, %and3A_500] : memref<80x128xf32, #tpu.memory_space<vmem>>[vector<16xi32>, vector<16xi32>], vector<16xf32>,
        %gather3A_502 = tpu.vector_load_idx %arg9[%add3A_248, %and3A_500] : memref<80x128xf32, #tpu.memory_space<vmem>>[vector<16xi32>, vector<16xi32>], vector<16xf32>,
        %mul3A_503 = arith.mulf %gather3A_501, %gather3A_502 : vector<16xf32>
        %add3A_504 = arith.addf %add3A_494, %mul3A_503 : vector<16xf32>
        %add3A_505 = arith.constant 1 : i32
        %add3A_506 = vector.broadcast %add3A_505 : i32 to vector<16xi32>
        %add3A_507 = arith.addi %and3A_500, %add3A_506 : vector<16xi32>
        %and3A_508 = arith.constant 127 : i32
        %and3A_509 = vector.broadcast %and3A_508 : i32 to vector<16xi32>
        %and3A_510 = arith.andi %add3A_507, %and3A_509 : vector<16xi32>
        %gather3A_511 = tpu.vector_load_idx %arg8[%add3A_248, %and3A_510] : memref<80x128xf32, #tpu.memory_space<vmem>>[vector<16xi32>, vector<16xi32>], vector<16xf32>,
        %gather3A_512 = tpu.vector_load_idx %arg9[%add3A_248, %and3A_510] : memref<80x128xf32, #tpu.memory_space<vmem>>[vector<16xi32>, vector<16xi32>], vector<16xf32>,
        %mul3A_513 = arith.mulf %gather3A_511, %gather3A_512 : vector<16xf32>
        %add3A_514 = arith.addf %add3A_504, %mul3A_513 : vector<16xf32>
        %add3A_515 = arith.constant 1 : i32
        %add3A_516 = vector.broadcast %add3A_515 : i32 to vector<16xi32>
        %add3A_517 = arith.addi %and3A_510, %add3A_516 : vector<16xi32>
        %and3A_518 = arith.constant 127 : i32
        %and3A_519 = vector.broadcast %and3A_518 : i32 to vector<16xi32>
        %and3A_520 = arith.andi %add3A_517, %and3A_519 : vector<16xi32>
        %gather3A_521 = tpu.vector_load_idx %arg8[%add3A_248, %and3A_520] : memref<80x128xf32, #tpu.memory_space<vmem>>[vector<16xi32>, vector<16xi32>], vector<16xf32>,
        %gather3A_522 = tpu.vector_load_idx %arg9[%add3A_248, %and3A_520] : memref<80x128xf32, #tpu.memory_space<vmem>>[vector<16xi32>, vector<16xi32>], vector<16xf32>,
        %mul3A_523 = arith.mulf %gather3A_521, %gather3A_522 : vector<16xf32>
        %add3A_524 = arith.addf %add3A_514, %mul3A_523 : vector<16xf32>
        %add3A_525 = arith.constant 1 : i32
        %add3A_526 = vector.broadcast %add3A_525 : i32 to vector<16xi32>
        %add3A_527 = arith.addi %and3A_520, %add3A_526 : vector<16xi32>
        %and3A_528 = arith.constant 127 : i32
        %and3A_529 = vector.broadcast %and3A_528 : i32 to vector<16xi32>
        %and3A_530 = arith.andi %add3A_527, %and3A_529 : vector<16xi32>
        %gather3A_531 = tpu.vector_load_idx %arg8[%add3A_248, %and3A_530] : memref<80x128xf32, #tpu.memory_space<vmem>>[vector<16xi32>, vector<16xi32>], vector<16xf32>,
        %gather3A_532 = tpu.vector_load_idx %arg9[%add3A_248, %and3A_530] : memref<80x128xf32, #tpu.memory_space<vmem>>[vector<16xi32>, vector<16xi32>], vector<16xf32>,
        %mul3A_533 = arith.mulf %gather3A_531, %gather3A_532 : vector<16xf32>
        %add3A_534 = arith.addf %add3A_524, %mul3A_533 : vector<16xf32>
        %add3A_535 = arith.constant 1 : i32
        %add3A_536 = vector.broadcast %add3A_535 : i32 to vector<16xi32>
        %add3A_537 = arith.addi %and3A_530, %add3A_536 : vector<16xi32>
        %and3A_538 = arith.constant 127 : i32
        %and3A_539 = vector.broadcast %and3A_538 : i32 to vector<16xi32>
        %and3A_540 = arith.andi %add3A_537, %and3A_539 : vector<16xi32>
        %gather3A_541 = tpu.vector_load_idx %arg8[%add3A_248, %and3A_540] : memref<80x128xf32, #tpu.memory_space<vmem>>[vector<16xi32>, vector<16xi32>], vector<16xf32>,
        %gather3A_542 = tpu.vector_load_idx %arg9[%add3A_248, %and3A_540] : memref<80x128xf32, #tpu.memory_space<vmem>>[vector<16xi32>, vector<16xi32>], vector<16xf32>,
        %mul3A_543 = arith.mulf %gather3A_541, %gather3A_542 : vector<16xf32>
        %add3A_544 = arith.addf %add3A_534, %mul3A_543 : vector<16xf32>
        %add3A_545 = arith.constant 1 : i32
        %add3A_546 = vector.broadcast %add3A_545 : i32 to vector<16xi32>
        %add3A_547 = arith.addi %and3A_540, %add3A_546 : vector<16xi32>
        %and3A_548 = arith.constant 127 : i32
        %and3A_549 = vector.broadcast %and3A_548 : i32 to vector<16xi32>
        %and3A_550 = arith.andi %add3A_547, %and3A_549 : vector<16xi32>
        %gather3A_551 = tpu.vector_load_idx %arg8[%add3A_248, %and3A_550] : memref<80x128xf32, #tpu.memory_space<vmem>>[vector<16xi32>, vector<16xi32>], vector<16xf32>,
        %gather3A_552 = tpu.vector_load_idx %arg9[%add3A_248, %and3A_550] : memref<80x128xf32, #tpu.memory_space<vmem>>[vector<16xi32>, vector<16xi32>], vector<16xf32>,
        %mul3A_553 = arith.mulf %gather3A_551, %gather3A_552 : vector<16xf32>
        %add3A_554 = arith.addf %add3A_544, %mul3A_553 : vector<16xf32>
        %add3A_555 = arith.constant 1 : i32
        %add3A_556 = vector.broadcast %add3A_555 : i32 to vector<16xi32>
        %add3A_557 = arith.addi %and3A_550, %add3A_556 : vector<16xi32>
        %and3A_558 = arith.constant 127 : i32
        %and3A_559 = vector.broadcast %and3A_558 : i32 to vector<16xi32>
        %and3A_560 = arith.andi %add3A_557, %and3A_559 : vector<16xi32>
        %gather3A_561 = tpu.vector_load_idx %arg8[%add3A_248, %and3A_560] : memref<80x128xf32, #tpu.memory_space<vmem>>[vector<16xi32>, vector<16xi32>], vector<16xf32>,
        %gather3A_562 = tpu.vector_load_idx %arg9[%add3A_248, %and3A_560] : memref<80x128xf32, #tpu.memory_space<vmem>>[vector<16xi32>, vector<16xi32>], vector<16xf32>,
        %mul3A_563 = arith.mulf %gather3A_561, %gather3A_562 : vector<16xf32>
        %add3A_564 = arith.addf %add3A_554, %mul3A_563 : vector<16xf32>
        %add3A_565 = arith.constant 1 : i32
        %add3A_566 = vector.broadcast %add3A_565 : i32 to vector<16xi32>
        %add3A_567 = arith.addi %and3A_560, %add3A_566 : vector<16xi32>
        %and3A_568 = arith.constant 127 : i32
        %and3A_569 = vector.broadcast %and3A_568 : i32 to vector<16xi32>
        %and3A_570 = arith.andi %add3A_567, %and3A_569 : vector<16xi32>
        %gather3A_571 = tpu.vector_load_idx %arg8[%add3A_248, %and3A_570] : memref<80x128xf32, #tpu.memory_space<vmem>>[vector<16xi32>, vector<16xi32>], vector<16xf32>,
        %gather3A_572 = tpu.vector_load_idx %arg9[%add3A_248, %and3A_570] : memref<80x128xf32, #tpu.memory_space<vmem>>[vector<16xi32>, vector<16xi32>], vector<16xf32>,
        %mul3A_573 = arith.mulf %gather3A_571, %gather3A_572 : vector<16xf32>
        %add3A_574 = arith.addf %add3A_564, %mul3A_573 : vector<16xf32>
        %add3A_575 = arith.constant 1 : i32
        %add3A_576 = vector.broadcast %add3A_575 : i32 to vector<16xi32>
        %add3A_577 = arith.addi %and3A_570, %add3A_576 : vector<16xi32>
        %and3A_578 = arith.constant 127 : i32
        %and3A_579 = vector.broadcast %and3A_578 : i32 to vector<16xi32>
        %and3A_580 = arith.andi %add3A_577, %and3A_579 : vector<16xi32>
        %gather3A_581 = tpu.vector_load_idx %arg8[%add3A_248, %and3A_580] : memref<80x128xf32, #tpu.memory_space<vmem>>[vector<16xi32>, vector<16xi32>], vector<16xf32>,
        %gather3A_582 = tpu.vector_load_idx %arg9[%add3A_248, %and3A_580] : memref<80x128xf32, #tpu.memory_space<vmem>>[vector<16xi32>, vector<16xi32>], vector<16xf32>,
        %mul3A_583 = arith.mulf %gather3A_581, %gather3A_582 : vector<16xf32>
        %add3A_584 = arith.addf %add3A_574, %mul3A_583 : vector<16xf32>
        %add3A_585 = arith.constant 1 : i32
        %add3A_586 = vector.broadcast %add3A_585 : i32 to vector<16xi32>
        %add3A_587 = arith.addi %and3A_580, %add3A_586 : vector<16xi32>
        %and3A_588 = arith.constant 127 : i32
        %and3A_589 = vector.broadcast %and3A_588 : i32 to vector<16xi32>
        %and3A_590 = arith.andi %add3A_587, %and3A_589 : vector<16xi32>
        %gather3A_591 = tpu.vector_load_idx %arg8[%add3A_248, %and3A_590] : memref<80x128xf32, #tpu.memory_space<vmem>>[vector<16xi32>, vector<16xi32>], vector<16xf32>,
        %gather3A_592 = tpu.vector_load_idx %arg9[%add3A_248, %and3A_590] : memref<80x128xf32, #tpu.memory_space<vmem>>[vector<16xi32>, vector<16xi32>], vector<16xf32>,
        %mul3A_593 = arith.mulf %gather3A_591, %gather3A_592 : vector<16xf32>
        %add3A_594 = arith.addf %add3A_584, %mul3A_593 : vector<16xf32>
        %add3A_595 = arith.constant 1 : i32
        %add3A_596 = vector.broadcast %add3A_595 : i32 to vector<16xi32>
        %add3A_597 = arith.addi %and3A_590, %add3A_596 : vector<16xi32>
        %and3A_598 = arith.constant 127 : i32
        %and3A_599 = vector.broadcast %and3A_598 : i32 to vector<16xi32>
        %and3A_600 = arith.andi %add3A_597, %and3A_599 : vector<16xi32>
        %gather3A_601 = tpu.vector_load_idx %arg8[%add3A_248, %and3A_600] : memref<80x128xf32, #tpu.memory_space<vmem>>[vector<16xi32>, vector<16xi32>], vector<16xf32>,
        %gather3A_602 = tpu.vector_load_idx %arg9[%add3A_248, %and3A_600] : memref<80x128xf32, #tpu.memory_space<vmem>>[vector<16xi32>, vector<16xi32>], vector<16xf32>,
        %mul3A_603 = arith.mulf %gather3A_601, %gather3A_602 : vector<16xf32>
        %add3A_604 = arith.addf %add3A_594, %mul3A_603 : vector<16xf32>
        %add3A_605 = arith.constant 1 : i32
        %add3A_606 = vector.broadcast %add3A_605 : i32 to vector<16xi32>
        %add3A_607 = arith.addi %and3A_600, %add3A_606 : vector<16xi32>
        %and3A_608 = arith.constant 127 : i32
        %and3A_609 = vector.broadcast %and3A_608 : i32 to vector<16xi32>
        %and3A_610 = arith.andi %add3A_607, %and3A_609 : vector<16xi32>
        %gather3A_611 = tpu.vector_load_idx %arg8[%add3A_248, %and3A_610] : memref<80x128xf32, #tpu.memory_space<vmem>>[vector<16xi32>, vector<16xi32>], vector<16xf32>,
        %gather3A_612 = tpu.vector_load_idx %arg9[%add3A_248, %and3A_610] : memref<80x128xf32, #tpu.memory_space<vmem>>[vector<16xi32>, vector<16xi32>], vector<16xf32>,
        %mul3A_613 = arith.mulf %gather3A_611, %gather3A_612 : vector<16xf32>
        %add3A_614 = arith.addf %add3A_604, %mul3A_613 : vector<16xf32>
        %add3A_615 = arith.constant 1 : i32
        %add3A_616 = vector.broadcast %add3A_615 : i32 to vector<16xi32>
        %add3A_617 = arith.addi %and3A_610, %add3A_616 : vector<16xi32>
        %and3A_618 = arith.constant 127 : i32
        %and3A_619 = vector.broadcast %and3A_618 : i32 to vector<16xi32>
        %and3A_620 = arith.andi %add3A_617, %and3A_619 : vector<16xi32>
        scf.yield %add3A_614, %and3A_620 : vector<16xf32>, vector<16xi32>
      }
      %scan3A_256 = arith.constant 8 : i32
      %neg3A_257 = arith.constant 0.000000e+00 : f32
      %neg3A_258 = vector.broadcast %neg3A_257 : f32 to vector<16xf32>
      %neg3A_259 = arith.subf %neg3A_258, %scan3A_255#0 : vector<16xf32>
      %exp3A_260 = math.exp %neg3A_259 : vector<16xf32>
      %add3A_261 = arith.constant 1.000000e+00 : f32
      %add3A_262 = vector.broadcast %add3A_261 : f32 to vector<16xf32>
      %add3A_263 = arith.addf %add3A_262, %exp3A_260 : vector<16xf32>
      %div3A_264 = arith.constant 1.000000e+00 : f32
      %div3A_265 = vector.broadcast %div3A_264 : f32 to vector<16xf32>
      %div3A_266 = arith.divf %div3A_265, %add3A_263 : vector<16xf32>
      %add3A_267 = arith.constant 48 : i32
      %add3A_268 = arith.addi %mul3A_170, %add3A_267 : i32
      %swap3A_269 = arith.index_cast %add3A_268 : i32 to index
      %swap3A_270 = tpu.vector_load %arg12[%swap3A_269] {strides = array<i32>} : memref<10000xf32, #tpu.memory_space<vmem>>, vector<16xf32>,
      tpu.vector_store %arg12[%swap3A_269], %div3A_266 {strides = array<i32>} : memref<10000xf32, #tpu.memory_space<vmem>>, vector<16xf32>,
      %broadcast_in_dim3A_271 = arith.constant 64 : i32
      %broadcast_in_dim3A_272 = vector.broadcast %broadcast_in_dim3A_271 : i32 to vector<16xi32>
      %add3A_273 = arith.addi %broadcast_in_dim3A_272, %iota3A : vector<16xi32>
      %broadcast_in_dim3A_274 = arith.constant 0.000000e+00 : f32
      %broadcast_in_dim3A_275 = vector.broadcast %broadcast_in_dim3A_274 : f32 to vector<16xf32>
      %scan3A_276 = arith.constant 0 : i32
      %scan3A_277 = arith.constant 8 : i32
      %scan3A_278 = arith.addi %scan3A_276, %scan3A_277 : i32
      %scan3A_279 = arith.constant 1 : i32
      %scan3A_280:2 = scf.for %scan3A_460 = %scan3A_276 to %scan3A_278 step %scan3A_279 iter_args(%scan3A_461 = %broadcast_in_dim3A_275, %scan3A_462 = %iota3A) -> (vector<16xf32>, vector<16xi32>)  : i32 {
        %gather3A = tpu.vector_load_idx %arg8[%add3A_273, %scan3A_462] : memref<80x128xf32, #tpu.memory_space<vmem>>[vector<16xi32>, vector<16xi32>], vector<16xf32>,
        %gather3A_463 = tpu.vector_load_idx %arg9[%add3A_273, %scan3A_462] : memref<80x128xf32, #tpu.memory_space<vmem>>[vector<16xi32>, vector<16xi32>], vector<16xf32>,
        %mul3A_464 = arith.mulf %gather3A, %gather3A_463 : vector<16xf32>
        %add3A_465 = arith.addf %scan3A_461, %mul3A_464 : vector<16xf32>
        %add3A_466 = arith.constant 1 : i32
        %add3A_467 = vector.broadcast %add3A_466 : i32 to vector<16xi32>
        %add3A_468 = arith.addi %scan3A_462, %add3A_467 : vector<16xi32>
        %and3A = arith.constant 127 : i32
        %and3A_469 = vector.broadcast %and3A : i32 to vector<16xi32>
        %and3A_470 = arith.andi %add3A_468, %and3A_469 : vector<16xi32>
        %gather3A_471 = tpu.vector_load_idx %arg8[%add3A_273, %and3A_470] : memref<80x128xf32, #tpu.memory_space<vmem>>[vector<16xi32>, vector<16xi32>], vector<16xf32>,
        %gather3A_472 = tpu.vector_load_idx %arg9[%add3A_273, %and3A_470] : memref<80x128xf32, #tpu.memory_space<vmem>>[vector<16xi32>, vector<16xi32>], vector<16xf32>,
        %mul3A_473 = arith.mulf %gather3A_471, %gather3A_472 : vector<16xf32>
        %add3A_474 = arith.addf %add3A_465, %mul3A_473 : vector<16xf32>
        %add3A_475 = arith.constant 1 : i32
        %add3A_476 = vector.broadcast %add3A_475 : i32 to vector<16xi32>
        %add3A_477 = arith.addi %and3A_470, %add3A_476 : vector<16xi32>
        %and3A_478 = arith.constant 127 : i32
        %and3A_479 = vector.broadcast %and3A_478 : i32 to vector<16xi32>
        %and3A_480 = arith.andi %add3A_477, %and3A_479 : vector<16xi32>
        %gather3A_481 = tpu.vector_load_idx %arg8[%add3A_273, %and3A_480] : memref<80x128xf32, #tpu.memory_space<vmem>>[vector<16xi32>, vector<16xi32>], vector<16xf32>,
        %gather3A_482 = tpu.vector_load_idx %arg9[%add3A_273, %and3A_480] : memref<80x128xf32, #tpu.memory_space<vmem>>[vector<16xi32>, vector<16xi32>], vector<16xf32>,
        %mul3A_483 = arith.mulf %gather3A_481, %gather3A_482 : vector<16xf32>
        %add3A_484 = arith.addf %add3A_474, %mul3A_483 : vector<16xf32>
        %add3A_485 = arith.constant 1 : i32
        %add3A_486 = vector.broadcast %add3A_485 : i32 to vector<16xi32>
        %add3A_487 = arith.addi %and3A_480, %add3A_486 : vector<16xi32>
        %and3A_488 = arith.constant 127 : i32
        %and3A_489 = vector.broadcast %and3A_488 : i32 to vector<16xi32>
        %and3A_490 = arith.andi %add3A_487, %and3A_489 : vector<16xi32>
        %gather3A_491 = tpu.vector_load_idx %arg8[%add3A_273, %and3A_490] : memref<80x128xf32, #tpu.memory_space<vmem>>[vector<16xi32>, vector<16xi32>], vector<16xf32>,
        %gather3A_492 = tpu.vector_load_idx %arg9[%add3A_273, %and3A_490] : memref<80x128xf32, #tpu.memory_space<vmem>>[vector<16xi32>, vector<16xi32>], vector<16xf32>,
        %mul3A_493 = arith.mulf %gather3A_491, %gather3A_492 : vector<16xf32>
        %add3A_494 = arith.addf %add3A_484, %mul3A_493 : vector<16xf32>
        %add3A_495 = arith.constant 1 : i32
        %add3A_496 = vector.broadcast %add3A_495 : i32 to vector<16xi32>
        %add3A_497 = arith.addi %and3A_490, %add3A_496 : vector<16xi32>
        %and3A_498 = arith.constant 127 : i32
        %and3A_499 = vector.broadcast %and3A_498 : i32 to vector<16xi32>
        %and3A_500 = arith.andi %add3A_497, %and3A_499 : vector<16xi32>
        %gather3A_501 = tpu.vector_load_idx %arg8[%add3A_273, %and3A_500] : memref<80x128xf32, #tpu.memory_space<vmem>>[vector<16xi32>, vector<16xi32>], vector<16xf32>,
        %gather3A_502 = tpu.vector_load_idx %arg9[%add3A_273, %and3A_500] : memref<80x128xf32, #tpu.memory_space<vmem>>[vector<16xi32>, vector<16xi32>], vector<16xf32>,
        %mul3A_503 = arith.mulf %gather3A_501, %gather3A_502 : vector<16xf32>
        %add3A_504 = arith.addf %add3A_494, %mul3A_503 : vector<16xf32>
        %add3A_505 = arith.constant 1 : i32
        %add3A_506 = vector.broadcast %add3A_505 : i32 to vector<16xi32>
        %add3A_507 = arith.addi %and3A_500, %add3A_506 : vector<16xi32>
        %and3A_508 = arith.constant 127 : i32
        %and3A_509 = vector.broadcast %and3A_508 : i32 to vector<16xi32>
        %and3A_510 = arith.andi %add3A_507, %and3A_509 : vector<16xi32>
        %gather3A_511 = tpu.vector_load_idx %arg8[%add3A_273, %and3A_510] : memref<80x128xf32, #tpu.memory_space<vmem>>[vector<16xi32>, vector<16xi32>], vector<16xf32>,
        %gather3A_512 = tpu.vector_load_idx %arg9[%add3A_273, %and3A_510] : memref<80x128xf32, #tpu.memory_space<vmem>>[vector<16xi32>, vector<16xi32>], vector<16xf32>,
        %mul3A_513 = arith.mulf %gather3A_511, %gather3A_512 : vector<16xf32>
        %add3A_514 = arith.addf %add3A_504, %mul3A_513 : vector<16xf32>
        %add3A_515 = arith.constant 1 : i32
        %add3A_516 = vector.broadcast %add3A_515 : i32 to vector<16xi32>
        %add3A_517 = arith.addi %and3A_510, %add3A_516 : vector<16xi32>
        %and3A_518 = arith.constant 127 : i32
        %and3A_519 = vector.broadcast %and3A_518 : i32 to vector<16xi32>
        %and3A_520 = arith.andi %add3A_517, %and3A_519 : vector<16xi32>
        %gather3A_521 = tpu.vector_load_idx %arg8[%add3A_273, %and3A_520] : memref<80x128xf32, #tpu.memory_space<vmem>>[vector<16xi32>, vector<16xi32>], vector<16xf32>,
        %gather3A_522 = tpu.vector_load_idx %arg9[%add3A_273, %and3A_520] : memref<80x128xf32, #tpu.memory_space<vmem>>[vector<16xi32>, vector<16xi32>], vector<16xf32>,
        %mul3A_523 = arith.mulf %gather3A_521, %gather3A_522 : vector<16xf32>
        %add3A_524 = arith.addf %add3A_514, %mul3A_523 : vector<16xf32>
        %add3A_525 = arith.constant 1 : i32
        %add3A_526 = vector.broadcast %add3A_525 : i32 to vector<16xi32>
        %add3A_527 = arith.addi %and3A_520, %add3A_526 : vector<16xi32>
        %and3A_528 = arith.constant 127 : i32
        %and3A_529 = vector.broadcast %and3A_528 : i32 to vector<16xi32>
        %and3A_530 = arith.andi %add3A_527, %and3A_529 : vector<16xi32>
        %gather3A_531 = tpu.vector_load_idx %arg8[%add3A_273, %and3A_530] : memref<80x128xf32, #tpu.memory_space<vmem>>[vector<16xi32>, vector<16xi32>], vector<16xf32>,
        %gather3A_532 = tpu.vector_load_idx %arg9[%add3A_273, %and3A_530] : memref<80x128xf32, #tpu.memory_space<vmem>>[vector<16xi32>, vector<16xi32>], vector<16xf32>,
        %mul3A_533 = arith.mulf %gather3A_531, %gather3A_532 : vector<16xf32>
        %add3A_534 = arith.addf %add3A_524, %mul3A_533 : vector<16xf32>
        %add3A_535 = arith.constant 1 : i32
        %add3A_536 = vector.broadcast %add3A_535 : i32 to vector<16xi32>
        %add3A_537 = arith.addi %and3A_530, %add3A_536 : vector<16xi32>
        %and3A_538 = arith.constant 127 : i32
        %and3A_539 = vector.broadcast %and3A_538 : i32 to vector<16xi32>
        %and3A_540 = arith.andi %add3A_537, %and3A_539 : vector<16xi32>
        %gather3A_541 = tpu.vector_load_idx %arg8[%add3A_273, %and3A_540] : memref<80x128xf32, #tpu.memory_space<vmem>>[vector<16xi32>, vector<16xi32>], vector<16xf32>,
        %gather3A_542 = tpu.vector_load_idx %arg9[%add3A_273, %and3A_540] : memref<80x128xf32, #tpu.memory_space<vmem>>[vector<16xi32>, vector<16xi32>], vector<16xf32>,
        %mul3A_543 = arith.mulf %gather3A_541, %gather3A_542 : vector<16xf32>
        %add3A_544 = arith.addf %add3A_534, %mul3A_543 : vector<16xf32>
        %add3A_545 = arith.constant 1 : i32
        %add3A_546 = vector.broadcast %add3A_545 : i32 to vector<16xi32>
        %add3A_547 = arith.addi %and3A_540, %add3A_546 : vector<16xi32>
        %and3A_548 = arith.constant 127 : i32
        %and3A_549 = vector.broadcast %and3A_548 : i32 to vector<16xi32>
        %and3A_550 = arith.andi %add3A_547, %and3A_549 : vector<16xi32>
        %gather3A_551 = tpu.vector_load_idx %arg8[%add3A_273, %and3A_550] : memref<80x128xf32, #tpu.memory_space<vmem>>[vector<16xi32>, vector<16xi32>], vector<16xf32>,
        %gather3A_552 = tpu.vector_load_idx %arg9[%add3A_273, %and3A_550] : memref<80x128xf32, #tpu.memory_space<vmem>>[vector<16xi32>, vector<16xi32>], vector<16xf32>,
        %mul3A_553 = arith.mulf %gather3A_551, %gather3A_552 : vector<16xf32>
        %add3A_554 = arith.addf %add3A_544, %mul3A_553 : vector<16xf32>
        %add3A_555 = arith.constant 1 : i32
        %add3A_556 = vector.broadcast %add3A_555 : i32 to vector<16xi32>
        %add3A_557 = arith.addi %and3A_550, %add3A_556 : vector<16xi32>
        %and3A_558 = arith.constant 127 : i32
        %and3A_559 = vector.broadcast %and3A_558 : i32 to vector<16xi32>
        %and3A_560 = arith.andi %add3A_557, %and3A_559 : vector<16xi32>
        %gather3A_561 = tpu.vector_load_idx %arg8[%add3A_273, %and3A_560] : memref<80x128xf32, #tpu.memory_space<vmem>>[vector<16xi32>, vector<16xi32>], vector<16xf32>,
        %gather3A_562 = tpu.vector_load_idx %arg9[%add3A_273, %and3A_560] : memref<80x128xf32, #tpu.memory_space<vmem>>[vector<16xi32>, vector<16xi32>], vector<16xf32>,
        %mul3A_563 = arith.mulf %gather3A_561, %gather3A_562 : vector<16xf32>
        %add3A_564 = arith.addf %add3A_554, %mul3A_563 : vector<16xf32>
        %add3A_565 = arith.constant 1 : i32
        %add3A_566 = vector.broadcast %add3A_565 : i32 to vector<16xi32>
        %add3A_567 = arith.addi %and3A_560, %add3A_566 : vector<16xi32>
        %and3A_568 = arith.constant 127 : i32
        %and3A_569 = vector.broadcast %and3A_568 : i32 to vector<16xi32>
        %and3A_570 = arith.andi %add3A_567, %and3A_569 : vector<16xi32>
        %gather3A_571 = tpu.vector_load_idx %arg8[%add3A_273, %and3A_570] : memref<80x128xf32, #tpu.memory_space<vmem>>[vector<16xi32>, vector<16xi32>], vector<16xf32>,
        %gather3A_572 = tpu.vector_load_idx %arg9[%add3A_273, %and3A_570] : memref<80x128xf32, #tpu.memory_space<vmem>>[vector<16xi32>, vector<16xi32>], vector<16xf32>,
        %mul3A_573 = arith.mulf %gather3A_571, %gather3A_572 : vector<16xf32>
        %add3A_574 = arith.addf %add3A_564, %mul3A_573 : vector<16xf32>
        %add3A_575 = arith.constant 1 : i32
        %add3A_576 = vector.broadcast %add3A_575 : i32 to vector<16xi32>
        %add3A_577 = arith.addi %and3A_570, %add3A_576 : vector<16xi32>
        %and3A_578 = arith.constant 127 : i32
        %and3A_579 = vector.broadcast %and3A_578 : i32 to vector<16xi32>
        %and3A_580 = arith.andi %add3A_577, %and3A_579 : vector<16xi32>
        %gather3A_581 = tpu.vector_load_idx %arg8[%add3A_273, %and3A_580] : memref<80x128xf32, #tpu.memory_space<vmem>>[vector<16xi32>, vector<16xi32>], vector<16xf32>,
        %gather3A_582 = tpu.vector_load_idx %arg9[%add3A_273, %and3A_580] : memref<80x128xf32, #tpu.memory_space<vmem>>[vector<16xi32>, vector<16xi32>], vector<16xf32>,
        %mul3A_583 = arith.mulf %gather3A_581, %gather3A_582 : vector<16xf32>
        %add3A_584 = arith.addf %add3A_574, %mul3A_583 : vector<16xf32>
        %add3A_585 = arith.constant 1 : i32
        %add3A_586 = vector.broadcast %add3A_585 : i32 to vector<16xi32>
        %add3A_587 = arith.addi %and3A_580, %add3A_586 : vector<16xi32>
        %and3A_588 = arith.constant 127 : i32
        %and3A_589 = vector.broadcast %and3A_588 : i32 to vector<16xi32>
        %and3A_590 = arith.andi %add3A_587, %and3A_589 : vector<16xi32>
        %gather3A_591 = tpu.vector_load_idx %arg8[%add3A_273, %and3A_590] : memref<80x128xf32, #tpu.memory_space<vmem>>[vector<16xi32>, vector<16xi32>], vector<16xf32>,
        %gather3A_592 = tpu.vector_load_idx %arg9[%add3A_273, %and3A_590] : memref<80x128xf32, #tpu.memory_space<vmem>>[vector<16xi32>, vector<16xi32>], vector<16xf32>,
        %mul3A_593 = arith.mulf %gather3A_591, %gather3A_592 : vector<16xf32>
        %add3A_594 = arith.addf %add3A_584, %mul3A_593 : vector<16xf32>
        %add3A_595 = arith.constant 1 : i32
        %add3A_596 = vector.broadcast %add3A_595 : i32 to vector<16xi32>
        %add3A_597 = arith.addi %and3A_590, %add3A_596 : vector<16xi32>
        %and3A_598 = arith.constant 127 : i32
        %and3A_599 = vector.broadcast %and3A_598 : i32 to vector<16xi32>
        %and3A_600 = arith.andi %add3A_597, %and3A_599 : vector<16xi32>
        %gather3A_601 = tpu.vector_load_idx %arg8[%add3A_273, %and3A_600] : memref<80x128xf32, #tpu.memory_space<vmem>>[vector<16xi32>, vector<16xi32>], vector<16xf32>,
        %gather3A_602 = tpu.vector_load_idx %arg9[%add3A_273, %and3A_600] : memref<80x128xf32, #tpu.memory_space<vmem>>[vector<16xi32>, vector<16xi32>], vector<16xf32>,
        %mul3A_603 = arith.mulf %gather3A_601, %gather3A_602 : vector<16xf32>
        %add3A_604 = arith.addf %add3A_594, %mul3A_603 : vector<16xf32>
        %add3A_605 = arith.constant 1 : i32
        %add3A_606 = vector.broadcast %add3A_605 : i32 to vector<16xi32>
        %add3A_607 = arith.addi %and3A_600, %add3A_606 : vector<16xi32>
        %and3A_608 = arith.constant 127 : i32
        %and3A_609 = vector.broadcast %and3A_608 : i32 to vector<16xi32>
        %and3A_610 = arith.andi %add3A_607, %and3A_609 : vector<16xi32>
        %gather3A_611 = tpu.vector_load_idx %arg8[%add3A_273, %and3A_610] : memref<80x128xf32, #tpu.memory_space<vmem>>[vector<16xi32>, vector<16xi32>], vector<16xf32>,
        %gather3A_612 = tpu.vector_load_idx %arg9[%add3A_273, %and3A_610] : memref<80x128xf32, #tpu.memory_space<vmem>>[vector<16xi32>, vector<16xi32>], vector<16xf32>,
        %mul3A_613 = arith.mulf %gather3A_611, %gather3A_612 : vector<16xf32>
        %add3A_614 = arith.addf %add3A_604, %mul3A_613 : vector<16xf32>
        %add3A_615 = arith.constant 1 : i32
        %add3A_616 = vector.broadcast %add3A_615 : i32 to vector<16xi32>
        %add3A_617 = arith.addi %and3A_610, %add3A_616 : vector<16xi32>
        %and3A_618 = arith.constant 127 : i32
        %and3A_619 = vector.broadcast %and3A_618 : i32 to vector<16xi32>
        %and3A_620 = arith.andi %add3A_617, %and3A_619 : vector<16xi32>
        scf.yield %add3A_614, %and3A_620 : vector<16xf32>, vector<16xi32>
      }
      %scan3A_281 = arith.constant 8 : i32
      %neg3A_282 = arith.constant 0.000000e+00 : f32
      %neg3A_283 = vector.broadcast %neg3A_282 : f32 to vector<16xf32>
      %neg3A_284 = arith.subf %neg3A_283, %scan3A_280#0 : vector<16xf32>
      %exp3A_285 = math.exp %neg3A_284 : vector<16xf32>
      %add3A_286 = arith.constant 1.000000e+00 : f32
      %add3A_287 = vector.broadcast %add3A_286 : f32 to vector<16xf32>
      %add3A_288 = arith.addf %add3A_287, %exp3A_285 : vector<16xf32>
      %div3A_289 = arith.constant 1.000000e+00 : f32
      %div3A_290 = vector.broadcast %div3A_289 : f32 to vector<16xf32>
      %div3A_291 = arith.divf %div3A_290, %add3A_288 : vector<16xf32>
      %add3A_292 = arith.constant 64 : i32
      %add3A_293 = arith.addi %mul3A_170, %add3A_292 : i32
      %swap3A_294 = arith.index_cast %add3A_293 : i32 to index
      %swap3A_295 = tpu.vector_load %arg12[%swap3A_294] {strides = array<i32>} : memref<10000xf32, #tpu.memory_space<vmem>>, vector<16xf32>,
      tpu.vector_store %arg12[%swap3A_294], %div3A_291 {strides = array<i32>} : memref<10000xf32, #tpu.memory_space<vmem>>, vector<16xf32>,
      %add3A_296 = arith.constant 2 : i32
      %add3A_297 = arith.addi %mul3A_158, %add3A_296 : i32
      %mul3A_298 = arith.constant 80 : i32
      %mul3A_299 = arith.muli %add3A_297, %mul3A_298 : i32
      %dma_start3A_300 = tpu.memref_slice %arg6[%mul3A_299] : memref<10000xi32, #tpu.memory_space<vmem>> -> memref<80xi32, #tpu.memory_space<vmem>>
      %dma_start3A_301 = arith.constant 0 : i32
      %dma_start3A_302 = arith.constant 0 : i32
      %dma_start3A_303 = tpu.memref_slice %arg2[%dma_start3A_301, %dma_start3A_302] : memref<10000x128xf32, #tpu.memory_space<hbm>> -> memref<10000x128xf32, #tpu.memory_space<hbm>>
      tpu.enqueue_indirect_dma source(%dma_start3A_303 : memref<10000x128xf32, #tpu.memory_space<hbm>>) target(%arg8 : memref<80x128xf32, #tpu.memory_space<vmem>>) offsets(%dma_start3A_300 : memref<80xi32, #tpu.memory_space<vmem>>) semaphore(%arg13 : memref<!tpu.dma_semaphore, #tpu.memory_space<semaphore_mem>>)
      %dma_start3A_304 = tpu.memref_slice %arg7[%mul3A_299] : memref<10000xi32, #tpu.memory_space<vmem>> -> memref<80xi32, #tpu.memory_space<vmem>>
      %dma_start3A_305 = arith.constant 0 : i32
      %dma_start3A_306 = arith.constant 0 : i32
      %dma_start3A_307 = tpu.memref_slice %arg2[%dma_start3A_305, %dma_start3A_306] : memref<10000x128xf32, #tpu.memory_space<hbm>> -> memref<10000x128xf32, #tpu.memory_space<hbm>>
      tpu.enqueue_indirect_dma source(%dma_start3A_307 : memref<10000x128xf32, #tpu.memory_space<hbm>>) target(%arg9 : memref<80x128xf32, #tpu.memory_space<vmem>>) offsets(%dma_start3A_304 : memref<80xi32, #tpu.memory_space<vmem>>) semaphore(%arg13 : memref<!tpu.dma_semaphore, #tpu.memory_space<semaphore_mem>>)
      %dma_wait3A_308 = arith.constant 0 : i32
      %dma_wait3A_309 = tpu.memref_slice %arg6[%dma_wait3A_308] : memref<10000xi32, #tpu.memory_space<vmem>> -> memref<80xi32, #tpu.memory_space<vmem>>
      %dma_wait3A_310 = arith.constant 0 : i32
      %dma_wait3A_311 = arith.constant 0 : i32
      %dma_wait3A_312 = tpu.memref_slice %arg2[%dma_wait3A_310, %dma_wait3A_311] : memref<10000x128xf32, #tpu.memory_space<hbm>> -> memref<10000x128xf32, #tpu.memory_space<hbm>>
      tpu.wait_indirect_dma semaphore(%arg14 : memref<!tpu.dma_semaphore, #tpu.memory_space<semaphore_mem>>) src(%dma_wait3A_312 : memref<10000x128xf32, #tpu.memory_space<hbm>>) dst(%arg10 : memref<80x128xf32, #tpu.memory_space<vmem>>)
      %dma_wait3A_313 = arith.constant 0 : i32
      %dma_wait3A_314 = tpu.memref_slice %arg7[%dma_wait3A_313] : memref<10000xi32, #tpu.memory_space<vmem>> -> memref<80xi32, #tpu.memory_space<vmem>>
      %dma_wait3A_315 = arith.constant 0 : i32
      %dma_wait3A_316 = arith.constant 0 : i32
      %dma_wait3A_317 = tpu.memref_slice %arg2[%dma_wait3A_315, %dma_wait3A_316] : memref<10000x128xf32, #tpu.memory_space<hbm>> -> memref<10000x128xf32, #tpu.memory_space<hbm>>
      tpu.wait_indirect_dma semaphore(%arg14 : memref<!tpu.dma_semaphore, #tpu.memory_space<semaphore_mem>>) src(%dma_wait3A_317 : memref<10000x128xf32, #tpu.memory_space<hbm>>) dst(%arg11 : memref<80x128xf32, #tpu.memory_space<vmem>>)
      %add3A_318 = arith.constant 1 : i32
      %add3A_319 = arith.addi %mul3A_158, %add3A_318 : i32
      %mul3A_320 = arith.constant 80 : i32
      %mul3A_321 = arith.muli %add3A_319, %mul3A_320 : i32
      %broadcast_in_dim3A_322 = arith.constant 0 : i32
      %broadcast_in_dim3A_323 = vector.broadcast %broadcast_in_dim3A_322 : i32 to vector<16xi32>
      %add3A_324 = arith.addi %broadcast_in_dim3A_323, %iota3A : vector<16xi32>
      %broadcast_in_dim3A_325 = arith.constant 0.000000e+00 : f32
      %broadcast_in_dim3A_326 = vector.broadcast %broadcast_in_dim3A_325 : f32 to vector<16xf32>
      %scan3A_327 = arith.constant 0 : i32
      %scan3A_328 = arith.constant 8 : i32
      %scan3A_329 = arith.addi %scan3A_327, %scan3A_328 : i32
      %scan3A_330 = arith.constant 1 : i32
      %scan3A_331:2 = scf.for %scan3A_460 = %scan3A_327 to %scan3A_329 step %scan3A_330 iter_args(%scan3A_461 = %broadcast_in_dim3A_326, %scan3A_462 = %iota3A) -> (vector<16xf32>, vector<16xi32>)  : i32 {
        %gather3A = tpu.vector_load_idx %arg10[%add3A_324, %scan3A_462] : memref<80x128xf32, #tpu.memory_space<vmem>>[vector<16xi32>, vector<16xi32>], vector<16xf32>,
        %gather3A_463 = tpu.vector_load_idx %arg11[%add3A_324, %scan3A_462] : memref<80x128xf32, #tpu.memory_space<vmem>>[vector<16xi32>, vector<16xi32>], vector<16xf32>,
        %mul3A_464 = arith.mulf %gather3A, %gather3A_463 : vector<16xf32>
        %add3A_465 = arith.addf %scan3A_461, %mul3A_464 : vector<16xf32>
        %add3A_466 = arith.constant 1 : i32
        %add3A_467 = vector.broadcast %add3A_466 : i32 to vector<16xi32>
        %add3A_468 = arith.addi %scan3A_462, %add3A_467 : vector<16xi32>
        %and3A = arith.constant 127 : i32
        %and3A_469 = vector.broadcast %and3A : i32 to vector<16xi32>
        %and3A_470 = arith.andi %add3A_468, %and3A_469 : vector<16xi32>
        %gather3A_471 = tpu.vector_load_idx %arg10[%add3A_324, %and3A_470] : memref<80x128xf32, #tpu.memory_space<vmem>>[vector<16xi32>, vector<16xi32>], vector<16xf32>,
        %gather3A_472 = tpu.vector_load_idx %arg11[%add3A_324, %and3A_470] : memref<80x128xf32, #tpu.memory_space<vmem>>[vector<16xi32>, vector<16xi32>], vector<16xf32>,
        %mul3A_473 = arith.mulf %gather3A_471, %gather3A_472 : vector<16xf32>
        %add3A_474 = arith.addf %add3A_465, %mul3A_473 : vector<16xf32>
        %add3A_475 = arith.constant 1 : i32
        %add3A_476 = vector.broadcast %add3A_475 : i32 to vector<16xi32>
        %add3A_477 = arith.addi %and3A_470, %add3A_476 : vector<16xi32>
        %and3A_478 = arith.constant 127 : i32
        %and3A_479 = vector.broadcast %and3A_478 : i32 to vector<16xi32>
        %and3A_480 = arith.andi %add3A_477, %and3A_479 : vector<16xi32>
        %gather3A_481 = tpu.vector_load_idx %arg10[%add3A_324, %and3A_480] : memref<80x128xf32, #tpu.memory_space<vmem>>[vector<16xi32>, vector<16xi32>], vector<16xf32>,
        %gather3A_482 = tpu.vector_load_idx %arg11[%add3A_324, %and3A_480] : memref<80x128xf32, #tpu.memory_space<vmem>>[vector<16xi32>, vector<16xi32>], vector<16xf32>,
        %mul3A_483 = arith.mulf %gather3A_481, %gather3A_482 : vector<16xf32>
        %add3A_484 = arith.addf %add3A_474, %mul3A_483 : vector<16xf32>
        %add3A_485 = arith.constant 1 : i32
        %add3A_486 = vector.broadcast %add3A_485 : i32 to vector<16xi32>
        %add3A_487 = arith.addi %and3A_480, %add3A_486 : vector<16xi32>
        %and3A_488 = arith.constant 127 : i32
        %and3A_489 = vector.broadcast %and3A_488 : i32 to vector<16xi32>
        %and3A_490 = arith.andi %add3A_487, %and3A_489 : vector<16xi32>
        %gather3A_491 = tpu.vector_load_idx %arg10[%add3A_324, %and3A_490] : memref<80x128xf32, #tpu.memory_space<vmem>>[vector<16xi32>, vector<16xi32>], vector<16xf32>,
        %gather3A_492 = tpu.vector_load_idx %arg11[%add3A_324, %and3A_490] : memref<80x128xf32, #tpu.memory_space<vmem>>[vector<16xi32>, vector<16xi32>], vector<16xf32>,
        %mul3A_493 = arith.mulf %gather3A_491, %gather3A_492 : vector<16xf32>
        %add3A_494 = arith.addf %add3A_484, %mul3A_493 : vector<16xf32>
        %add3A_495 = arith.constant 1 : i32
        %add3A_496 = vector.broadcast %add3A_495 : i32 to vector<16xi32>
        %add3A_497 = arith.addi %and3A_490, %add3A_496 : vector<16xi32>
        %and3A_498 = arith.constant 127 : i32
        %and3A_499 = vector.broadcast %and3A_498 : i32 to vector<16xi32>
        %and3A_500 = arith.andi %add3A_497, %and3A_499 : vector<16xi32>
        %gather3A_501 = tpu.vector_load_idx %arg10[%add3A_324, %and3A_500] : memref<80x128xf32, #tpu.memory_space<vmem>>[vector<16xi32>, vector<16xi32>], vector<16xf32>,
        %gather3A_502 = tpu.vector_load_idx %arg11[%add3A_324, %and3A_500] : memref<80x128xf32, #tpu.memory_space<vmem>>[vector<16xi32>, vector<16xi32>], vector<16xf32>,
        %mul3A_503 = arith.mulf %gather3A_501, %gather3A_502 : vector<16xf32>
        %add3A_504 = arith.addf %add3A_494, %mul3A_503 : vector<16xf32>
        %add3A_505 = arith.constant 1 : i32
        %add3A_506 = vector.broadcast %add3A_505 : i32 to vector<16xi32>
        %add3A_507 = arith.addi %and3A_500, %add3A_506 : vector<16xi32>
        %and3A_508 = arith.constant 127 : i32
        %and3A_509 = vector.broadcast %and3A_508 : i32 to vector<16xi32>
        %and3A_510 = arith.andi %add3A_507, %and3A_509 : vector<16xi32>
        %gather3A_511 = tpu.vector_load_idx %arg10[%add3A_324, %and3A_510] : memref<80x128xf32, #tpu.memory_space<vmem>>[vector<16xi32>, vector<16xi32>], vector<16xf32>,
        %gather3A_512 = tpu.vector_load_idx %arg11[%add3A_324, %and3A_510] : memref<80x128xf32, #tpu.memory_space<vmem>>[vector<16xi32>, vector<16xi32>], vector<16xf32>,
        %mul3A_513 = arith.mulf %gather3A_511, %gather3A_512 : vector<16xf32>
        %add3A_514 = arith.addf %add3A_504, %mul3A_513 : vector<16xf32>
        %add3A_515 = arith.constant 1 : i32
        %add3A_516 = vector.broadcast %add3A_515 : i32 to vector<16xi32>
        %add3A_517 = arith.addi %and3A_510, %add3A_516 : vector<16xi32>
        %and3A_518 = arith.constant 127 : i32
        %and3A_519 = vector.broadcast %and3A_518 : i32 to vector<16xi32>
        %and3A_520 = arith.andi %add3A_517, %and3A_519 : vector<16xi32>
        %gather3A_521 = tpu.vector_load_idx %arg10[%add3A_324, %and3A_520] : memref<80x128xf32, #tpu.memory_space<vmem>>[vector<16xi32>, vector<16xi32>], vector<16xf32>,
        %gather3A_522 = tpu.vector_load_idx %arg11[%add3A_324, %and3A_520] : memref<80x128xf32, #tpu.memory_space<vmem>>[vector<16xi32>, vector<16xi32>], vector<16xf32>,
        %mul3A_523 = arith.mulf %gather3A_521, %gather3A_522 : vector<16xf32>
        %add3A_524 = arith.addf %add3A_514, %mul3A_523 : vector<16xf32>
        %add3A_525 = arith.constant 1 : i32
        %add3A_526 = vector.broadcast %add3A_525 : i32 to vector<16xi32>
        %add3A_527 = arith.addi %and3A_520, %add3A_526 : vector<16xi32>
        %and3A_528 = arith.constant 127 : i32
        %and3A_529 = vector.broadcast %and3A_528 : i32 to vector<16xi32>
        %and3A_530 = arith.andi %add3A_527, %and3A_529 : vector<16xi32>
        %gather3A_531 = tpu.vector_load_idx %arg10[%add3A_324, %and3A_530] : memref<80x128xf32, #tpu.memory_space<vmem>>[vector<16xi32>, vector<16xi32>], vector<16xf32>,
        %gather3A_532 = tpu.vector_load_idx %arg11[%add3A_324, %and3A_530] : memref<80x128xf32, #tpu.memory_space<vmem>>[vector<16xi32>, vector<16xi32>], vector<16xf32>,
        %mul3A_533 = arith.mulf %gather3A_531, %gather3A_532 : vector<16xf32>
        %add3A_534 = arith.addf %add3A_524, %mul3A_533 : vector<16xf32>
        %add3A_535 = arith.constant 1 : i32
        %add3A_536 = vector.broadcast %add3A_535 : i32 to vector<16xi32>
        %add3A_537 = arith.addi %and3A_530, %add3A_536 : vector<16xi32>
        %and3A_538 = arith.constant 127 : i32
        %and3A_539 = vector.broadcast %and3A_538 : i32 to vector<16xi32>
        %and3A_540 = arith.andi %add3A_537, %and3A_539 : vector<16xi32>
        %gather3A_541 = tpu.vector_load_idx %arg10[%add3A_324, %and3A_540] : memref<80x128xf32, #tpu.memory_space<vmem>>[vector<16xi32>, vector<16xi32>], vector<16xf32>,
        %gather3A_542 = tpu.vector_load_idx %arg11[%add3A_324, %and3A_540] : memref<80x128xf32, #tpu.memory_space<vmem>>[vector<16xi32>, vector<16xi32>], vector<16xf32>,
        %mul3A_543 = arith.mulf %gather3A_541, %gather3A_542 : vector<16xf32>
        %add3A_544 = arith.addf %add3A_534, %mul3A_543 : vector<16xf32>
        %add3A_545 = arith.constant 1 : i32
        %add3A_546 = vector.broadcast %add3A_545 : i32 to vector<16xi32>
        %add3A_547 = arith.addi %and3A_540, %add3A_546 : vector<16xi32>
        %and3A_548 = arith.constant 127 : i32
        %and3A_549 = vector.broadcast %and3A_548 : i32 to vector<16xi32>
        %and3A_550 = arith.andi %add3A_547, %and3A_549 : vector<16xi32>
        %gather3A_551 = tpu.vector_load_idx %arg10[%add3A_324, %and3A_550] : memref<80x128xf32, #tpu.memory_space<vmem>>[vector<16xi32>, vector<16xi32>], vector<16xf32>,
        %gather3A_552 = tpu.vector_load_idx %arg11[%add3A_324, %and3A_550] : memref<80x128xf32, #tpu.memory_space<vmem>>[vector<16xi32>, vector<16xi32>], vector<16xf32>,
        %mul3A_553 = arith.mulf %gather3A_551, %gather3A_552 : vector<16xf32>
        %add3A_554 = arith.addf %add3A_544, %mul3A_553 : vector<16xf32>
        %add3A_555 = arith.constant 1 : i32
        %add3A_556 = vector.broadcast %add3A_555 : i32 to vector<16xi32>
        %add3A_557 = arith.addi %and3A_550, %add3A_556 : vector<16xi32>
        %and3A_558 = arith.constant 127 : i32
        %and3A_559 = vector.broadcast %and3A_558 : i32 to vector<16xi32>
        %and3A_560 = arith.andi %add3A_557, %and3A_559 : vector<16xi32>
        %gather3A_561 = tpu.vector_load_idx %arg10[%add3A_324, %and3A_560] : memref<80x128xf32, #tpu.memory_space<vmem>>[vector<16xi32>, vector<16xi32>], vector<16xf32>,
        %gather3A_562 = tpu.vector_load_idx %arg11[%add3A_324, %and3A_560] : memref<80x128xf32, #tpu.memory_space<vmem>>[vector<16xi32>, vector<16xi32>], vector<16xf32>,
        %mul3A_563 = arith.mulf %gather3A_561, %gather3A_562 : vector<16xf32>
        %add3A_564 = arith.addf %add3A_554, %mul3A_563 : vector<16xf32>
        %add3A_565 = arith.constant 1 : i32
        %add3A_566 = vector.broadcast %add3A_565 : i32 to vector<16xi32>
        %add3A_567 = arith.addi %and3A_560, %add3A_566 : vector<16xi32>
        %and3A_568 = arith.constant 127 : i32
        %and3A_569 = vector.broadcast %and3A_568 : i32 to vector<16xi32>
        %and3A_570 = arith.andi %add3A_567, %and3A_569 : vector<16xi32>
        %gather3A_571 = tpu.vector_load_idx %arg10[%add3A_324, %and3A_570] : memref<80x128xf32, #tpu.memory_space<vmem>>[vector<16xi32>, vector<16xi32>], vector<16xf32>,
        %gather3A_572 = tpu.vector_load_idx %arg11[%add3A_324, %and3A_570] : memref<80x128xf32, #tpu.memory_space<vmem>>[vector<16xi32>, vector<16xi32>], vector<16xf32>,
        %mul3A_573 = arith.mulf %gather3A_571, %gather3A_572 : vector<16xf32>
        %add3A_574 = arith.addf %add3A_564, %mul3A_573 : vector<16xf32>
        %add3A_575 = arith.constant 1 : i32
        %add3A_576 = vector.broadcast %add3A_575 : i32 to vector<16xi32>
        %add3A_577 = arith.addi %and3A_570, %add3A_576 : vector<16xi32>
        %and3A_578 = arith.constant 127 : i32
        %and3A_579 = vector.broadcast %and3A_578 : i32 to vector<16xi32>
        %and3A_580 = arith.andi %add3A_577, %and3A_579 : vector<16xi32>
        %gather3A_581 = tpu.vector_load_idx %arg10[%add3A_324, %and3A_580] : memref<80x128xf32, #tpu.memory_space<vmem>>[vector<16xi32>, vector<16xi32>], vector<16xf32>,
        %gather3A_582 = tpu.vector_load_idx %arg11[%add3A_324, %and3A_580] : memref<80x128xf32, #tpu.memory_space<vmem>>[vector<16xi32>, vector<16xi32>], vector<16xf32>,
        %mul3A_583 = arith.mulf %gather3A_581, %gather3A_582 : vector<16xf32>
        %add3A_584 = arith.addf %add3A_574, %mul3A_583 : vector<16xf32>
        %add3A_585 = arith.constant 1 : i32
        %add3A_586 = vector.broadcast %add3A_585 : i32 to vector<16xi32>
        %add3A_587 = arith.addi %and3A_580, %add3A_586 : vector<16xi32>
        %and3A_588 = arith.constant 127 : i32
        %and3A_589 = vector.broadcast %and3A_588 : i32 to vector<16xi32>
        %and3A_590 = arith.andi %add3A_587, %and3A_589 : vector<16xi32>
        %gather3A_591 = tpu.vector_load_idx %arg10[%add3A_324, %and3A_590] : memref<80x128xf32, #tpu.memory_space<vmem>>[vector<16xi32>, vector<16xi32>], vector<16xf32>,
        %gather3A_592 = tpu.vector_load_idx %arg11[%add3A_324, %and3A_590] : memref<80x128xf32, #tpu.memory_space<vmem>>[vector<16xi32>, vector<16xi32>], vector<16xf32>,
        %mul3A_593 = arith.mulf %gather3A_591, %gather3A_592 : vector<16xf32>
        %add3A_594 = arith.addf %add3A_584, %mul3A_593 : vector<16xf32>
        %add3A_595 = arith.constant 1 : i32
        %add3A_596 = vector.broadcast %add3A_595 : i32 to vector<16xi32>
        %add3A_597 = arith.addi %and3A_590, %add3A_596 : vector<16xi32>
        %and3A_598 = arith.constant 127 : i32
        %and3A_599 = vector.broadcast %and3A_598 : i32 to vector<16xi32>
        %and3A_600 = arith.andi %add3A_597, %and3A_599 : vector<16xi32>
        %gather3A_601 = tpu.vector_load_idx %arg10[%add3A_324, %and3A_600] : memref<80x128xf32, #tpu.memory_space<vmem>>[vector<16xi32>, vector<16xi32>], vector<16xf32>,
        %gather3A_602 = tpu.vector_load_idx %arg11[%add3A_324, %and3A_600] : memref<80x128xf32, #tpu.memory_space<vmem>>[vector<16xi32>, vector<16xi32>], vector<16xf32>,
        %mul3A_603 = arith.mulf %gather3A_601, %gather3A_602 : vector<16xf32>
        %add3A_604 = arith.addf %add3A_594, %mul3A_603 : vector<16xf32>
        %add3A_605 = arith.constant 1 : i32
        %add3A_606 = vector.broadcast %add3A_605 : i32 to vector<16xi32>
        %add3A_607 = arith.addi %and3A_600, %add3A_606 : vector<16xi32>
        %and3A_608 = arith.constant 127 : i32
        %and3A_609 = vector.broadcast %and3A_608 : i32 to vector<16xi32>
        %and3A_610 = arith.andi %add3A_607, %and3A_609 : vector<16xi32>
        %gather3A_611 = tpu.vector_load_idx %arg10[%add3A_324, %and3A_610] : memref<80x128xf32, #tpu.memory_space<vmem>>[vector<16xi32>, vector<16xi32>], vector<16xf32>,
        %gather3A_612 = tpu.vector_load_idx %arg11[%add3A_324, %and3A_610] : memref<80x128xf32, #tpu.memory_space<vmem>>[vector<16xi32>, vector<16xi32>], vector<16xf32>,
        %mul3A_613 = arith.mulf %gather3A_611, %gather3A_612 : vector<16xf32>
        %add3A_614 = arith.addf %add3A_604, %mul3A_613 : vector<16xf32>
        %add3A_615 = arith.constant 1 : i32
        %add3A_616 = vector.broadcast %add3A_615 : i32 to vector<16xi32>
        %add3A_617 = arith.addi %and3A_610, %add3A_616 : vector<16xi32>
        %and3A_618 = arith.constant 127 : i32
        %and3A_619 = vector.broadcast %and3A_618 : i32 to vector<16xi32>
        %and3A_620 = arith.andi %add3A_617, %and3A_619 : vector<16xi32>
        scf.yield %add3A_614, %and3A_620 : vector<16xf32>, vector<16xi32>
      }
      %scan3A_332 = arith.constant 8 : i32
      %neg3A_333 = arith.constant 0.000000e+00 : f32
      %neg3A_334 = vector.broadcast %neg3A_333 : f32 to vector<16xf32>
      %neg3A_335 = arith.subf %neg3A_334, %scan3A_331#0 : vector<16xf32>
      %exp3A_336 = math.exp %neg3A_335 : vector<16xf32>
      %add3A_337 = arith.constant 1.000000e+00 : f32
      %add3A_338 = vector.broadcast %add3A_337 : f32 to vector<16xf32>
      %add3A_339 = arith.addf %add3A_338, %exp3A_336 : vector<16xf32>
      %div3A_340 = arith.constant 1.000000e+00 : f32
      %div3A_341 = vector.broadcast %div3A_340 : f32 to vector<16xf32>
      %div3A_342 = arith.divf %div3A_341, %add3A_339 : vector<16xf32>
      %add3A_343 = arith.constant 0 : i32
      %add3A_344 = arith.addi %mul3A_321, %add3A_343 : i32
      %swap3A_345 = arith.index_cast %add3A_344 : i32 to index
      %swap3A_346 = tpu.vector_load %arg12[%swap3A_345] {strides = array<i32>} : memref<10000xf32, #tpu.memory_space<vmem>>, vector<16xf32>,
      tpu.vector_store %arg12[%swap3A_345], %div3A_342 {strides = array<i32>} : memref<10000xf32, #tpu.memory_space<vmem>>, vector<16xf32>,
      %broadcast_in_dim3A_347 = arith.constant 16 : i32
      %broadcast_in_dim3A_348 = vector.broadcast %broadcast_in_dim3A_347 : i32 to vector<16xi32>
      %add3A_349 = arith.addi %broadcast_in_dim3A_348, %iota3A : vector<16xi32>
      %broadcast_in_dim3A_350 = arith.constant 0.000000e+00 : f32
      %broadcast_in_dim3A_351 = vector.broadcast %broadcast_in_dim3A_350 : f32 to vector<16xf32>
      %scan3A_352 = arith.constant 0 : i32
      %scan3A_353 = arith.constant 8 : i32
      %scan3A_354 = arith.addi %scan3A_352, %scan3A_353 : i32
      %scan3A_355 = arith.constant 1 : i32
      %scan3A_356:2 = scf.for %scan3A_460 = %scan3A_352 to %scan3A_354 step %scan3A_355 iter_args(%scan3A_461 = %broadcast_in_dim3A_351, %scan3A_462 = %iota3A) -> (vector<16xf32>, vector<16xi32>)  : i32 {
        %gather3A = tpu.vector_load_idx %arg10[%add3A_349, %scan3A_462] : memref<80x128xf32, #tpu.memory_space<vmem>>[vector<16xi32>, vector<16xi32>], vector<16xf32>,
        %gather3A_463 = tpu.vector_load_idx %arg11[%add3A_349, %scan3A_462] : memref<80x128xf32, #tpu.memory_space<vmem>>[vector<16xi32>, vector<16xi32>], vector<16xf32>,
        %mul3A_464 = arith.mulf %gather3A, %gather3A_463 : vector<16xf32>
        %add3A_465 = arith.addf %scan3A_461, %mul3A_464 : vector<16xf32>
        %add3A_466 = arith.constant 1 : i32
        %add3A_467 = vector.broadcast %add3A_466 : i32 to vector<16xi32>
        %add3A_468 = arith.addi %scan3A_462, %add3A_467 : vector<16xi32>
        %and3A = arith.constant 127 : i32
        %and3A_469 = vector.broadcast %and3A : i32 to vector<16xi32>
        %and3A_470 = arith.andi %add3A_468, %and3A_469 : vector<16xi32>
        %gather3A_471 = tpu.vector_load_idx %arg10[%add3A_349, %and3A_470] : memref<80x128xf32, #tpu.memory_space<vmem>>[vector<16xi32>, vector<16xi32>], vector<16xf32>,
        %gather3A_472 = tpu.vector_load_idx %arg11[%add3A_349, %and3A_470] : memref<80x128xf32, #tpu.memory_space<vmem>>[vector<16xi32>, vector<16xi32>], vector<16xf32>,
        %mul3A_473 = arith.mulf %gather3A_471, %gather3A_472 : vector<16xf32>
        %add3A_474 = arith.addf %add3A_465, %mul3A_473 : vector<16xf32>
        %add3A_475 = arith.constant 1 : i32
        %add3A_476 = vector.broadcast %add3A_475 : i32 to vector<16xi32>
        %add3A_477 = arith.addi %and3A_470, %add3A_476 : vector<16xi32>
        %and3A_478 = arith.constant 127 : i32
        %and3A_479 = vector.broadcast %and3A_478 : i32 to vector<16xi32>
        %and3A_480 = arith.andi %add3A_477, %and3A_479 : vector<16xi32>
        %gather3A_481 = tpu.vector_load_idx %arg10[%add3A_349, %and3A_480] : memref<80x128xf32, #tpu.memory_space<vmem>>[vector<16xi32>, vector<16xi32>], vector<16xf32>,
        %gather3A_482 = tpu.vector_load_idx %arg11[%add3A_349, %and3A_480] : memref<80x128xf32, #tpu.memory_space<vmem>>[vector<16xi32>, vector<16xi32>], vector<16xf32>,
        %mul3A_483 = arith.mulf %gather3A_481, %gather3A_482 : vector<16xf32>
        %add3A_484 = arith.addf %add3A_474, %mul3A_483 : vector<16xf32>
        %add3A_485 = arith.constant 1 : i32
        %add3A_486 = vector.broadcast %add3A_485 : i32 to vector<16xi32>
        %add3A_487 = arith.addi %and3A_480, %add3A_486 : vector<16xi32>
        %and3A_488 = arith.constant 127 : i32
        %and3A_489 = vector.broadcast %and3A_488 : i32 to vector<16xi32>
        %and3A_490 = arith.andi %add3A_487, %and3A_489 : vector<16xi32>
        %gather3A_491 = tpu.vector_load_idx %arg10[%add3A_349, %and3A_490] : memref<80x128xf32, #tpu.memory_space<vmem>>[vector<16xi32>, vector<16xi32>], vector<16xf32>,
        %gather3A_492 = tpu.vector_load_idx %arg11[%add3A_349, %and3A_490] : memref<80x128xf32, #tpu.memory_space<vmem>>[vector<16xi32>, vector<16xi32>], vector<16xf32>,
        %mul3A_493 = arith.mulf %gather3A_491, %gather3A_492 : vector<16xf32>
        %add3A_494 = arith.addf %add3A_484, %mul3A_493 : vector<16xf32>
        %add3A_495 = arith.constant 1 : i32
        %add3A_496 = vector.broadcast %add3A_495 : i32 to vector<16xi32>
        %add3A_497 = arith.addi %and3A_490, %add3A_496 : vector<16xi32>
        %and3A_498 = arith.constant 127 : i32
        %and3A_499 = vector.broadcast %and3A_498 : i32 to vector<16xi32>
        %and3A_500 = arith.andi %add3A_497, %and3A_499 : vector<16xi32>
        %gather3A_501 = tpu.vector_load_idx %arg10[%add3A_349, %and3A_500] : memref<80x128xf32, #tpu.memory_space<vmem>>[vector<16xi32>, vector<16xi32>], vector<16xf32>,
        %gather3A_502 = tpu.vector_load_idx %arg11[%add3A_349, %and3A_500] : memref<80x128xf32, #tpu.memory_space<vmem>>[vector<16xi32>, vector<16xi32>], vector<16xf32>,
        %mul3A_503 = arith.mulf %gather3A_501, %gather3A_502 : vector<16xf32>
        %add3A_504 = arith.addf %add3A_494, %mul3A_503 : vector<16xf32>
        %add3A_505 = arith.constant 1 : i32
        %add3A_506 = vector.broadcast %add3A_505 : i32 to vector<16xi32>
        %add3A_507 = arith.addi %and3A_500, %add3A_506 : vector<16xi32>
        %and3A_508 = arith.constant 127 : i32
        %and3A_509 = vector.broadcast %and3A_508 : i32 to vector<16xi32>
        %and3A_510 = arith.andi %add3A_507, %and3A_509 : vector<16xi32>
        %gather3A_511 = tpu.vector_load_idx %arg10[%add3A_349, %and3A_510] : memref<80x128xf32, #tpu.memory_space<vmem>>[vector<16xi32>, vector<16xi32>], vector<16xf32>,
        %gather3A_512 = tpu.vector_load_idx %arg11[%add3A_349, %and3A_510] : memref<80x128xf32, #tpu.memory_space<vmem>>[vector<16xi32>, vector<16xi32>], vector<16xf32>,
        %mul3A_513 = arith.mulf %gather3A_511, %gather3A_512 : vector<16xf32>
        %add3A_514 = arith.addf %add3A_504, %mul3A_513 : vector<16xf32>
        %add3A_515 = arith.constant 1 : i32
        %add3A_516 = vector.broadcast %add3A_515 : i32 to vector<16xi32>
        %add3A_517 = arith.addi %and3A_510, %add3A_516 : vector<16xi32>
        %and3A_518 = arith.constant 127 : i32
        %and3A_519 = vector.broadcast %and3A_518 : i32 to vector<16xi32>
        %and3A_520 = arith.andi %add3A_517, %and3A_519 : vector<16xi32>
        %gather3A_521 = tpu.vector_load_idx %arg10[%add3A_349, %and3A_520] : memref<80x128xf32, #tpu.memory_space<vmem>>[vector<16xi32>, vector<16xi32>], vector<16xf32>,
        %gather3A_522 = tpu.vector_load_idx %arg11[%add3A_349, %and3A_520] : memref<80x128xf32, #tpu.memory_space<vmem>>[vector<16xi32>, vector<16xi32>], vector<16xf32>,
        %mul3A_523 = arith.mulf %gather3A_521, %gather3A_522 : vector<16xf32>
        %add3A_524 = arith.addf %add3A_514, %mul3A_523 : vector<16xf32>
        %add3A_525 = arith.constant 1 : i32
        %add3A_526 = vector.broadcast %add3A_525 : i32 to vector<16xi32>
        %add3A_527 = arith.addi %and3A_520, %add3A_526 : vector<16xi32>
        %and3A_528 = arith.constant 127 : i32
        %and3A_529 = vector.broadcast %and3A_528 : i32 to vector<16xi32>
        %and3A_530 = arith.andi %add3A_527, %and3A_529 : vector<16xi32>
        %gather3A_531 = tpu.vector_load_idx %arg10[%add3A_349, %and3A_530] : memref<80x128xf32, #tpu.memory_space<vmem>>[vector<16xi32>, vector<16xi32>], vector<16xf32>,
        %gather3A_532 = tpu.vector_load_idx %arg11[%add3A_349, %and3A_530] : memref<80x128xf32, #tpu.memory_space<vmem>>[vector<16xi32>, vector<16xi32>], vector<16xf32>,
        %mul3A_533 = arith.mulf %gather3A_531, %gather3A_532 : vector<16xf32>
        %add3A_534 = arith.addf %add3A_524, %mul3A_533 : vector<16xf32>
        %add3A_535 = arith.constant 1 : i32
        %add3A_536 = vector.broadcast %add3A_535 : i32 to vector<16xi32>
        %add3A_537 = arith.addi %and3A_530, %add3A_536 : vector<16xi32>
        %and3A_538 = arith.constant 127 : i32
        %and3A_539 = vector.broadcast %and3A_538 : i32 to vector<16xi32>
        %and3A_540 = arith.andi %add3A_537, %and3A_539 : vector<16xi32>
        %gather3A_541 = tpu.vector_load_idx %arg10[%add3A_349, %and3A_540] : memref<80x128xf32, #tpu.memory_space<vmem>>[vector<16xi32>, vector<16xi32>], vector<16xf32>,
        %gather3A_542 = tpu.vector_load_idx %arg11[%add3A_349, %and3A_540] : memref<80x128xf32, #tpu.memory_space<vmem>>[vector<16xi32>, vector<16xi32>], vector<16xf32>,
        %mul3A_543 = arith.mulf %gather3A_541, %gather3A_542 : vector<16xf32>
        %add3A_544 = arith.addf %add3A_534, %mul3A_543 : vector<16xf32>
        %add3A_545 = arith.constant 1 : i32
        %add3A_546 = vector.broadcast %add3A_545 : i32 to vector<16xi32>
        %add3A_547 = arith.addi %and3A_540, %add3A_546 : vector<16xi32>
        %and3A_548 = arith.constant 127 : i32
        %and3A_549 = vector.broadcast %and3A_548 : i32 to vector<16xi32>
        %and3A_550 = arith.andi %add3A_547, %and3A_549 : vector<16xi32>
        %gather3A_551 = tpu.vector_load_idx %arg10[%add3A_349, %and3A_550] : memref<80x128xf32, #tpu.memory_space<vmem>>[vector<16xi32>, vector<16xi32>], vector<16xf32>,
        %gather3A_552 = tpu.vector_load_idx %arg11[%add3A_349, %and3A_550] : memref<80x128xf32, #tpu.memory_space<vmem>>[vector<16xi32>, vector<16xi32>], vector<16xf32>,
        %mul3A_553 = arith.mulf %gather3A_551, %gather3A_552 : vector<16xf32>
        %add3A_554 = arith.addf %add3A_544, %mul3A_553 : vector<16xf32>
        %add3A_555 = arith.constant 1 : i32
        %add3A_556 = vector.broadcast %add3A_555 : i32 to vector<16xi32>
        %add3A_557 = arith.addi %and3A_550, %add3A_556 : vector<16xi32>
        %and3A_558 = arith.constant 127 : i32
        %and3A_559 = vector.broadcast %and3A_558 : i32 to vector<16xi32>
        %and3A_560 = arith.andi %add3A_557, %and3A_559 : vector<16xi32>
        %gather3A_561 = tpu.vector_load_idx %arg10[%add3A_349, %and3A_560] : memref<80x128xf32, #tpu.memory_space<vmem>>[vector<16xi32>, vector<16xi32>], vector<16xf32>,
        %gather3A_562 = tpu.vector_load_idx %arg11[%add3A_349, %and3A_560] : memref<80x128xf32, #tpu.memory_space<vmem>>[vector<16xi32>, vector<16xi32>], vector<16xf32>,
        %mul3A_563 = arith.mulf %gather3A_561, %gather3A_562 : vector<16xf32>
        %add3A_564 = arith.addf %add3A_554, %mul3A_563 : vector<16xf32>
        %add3A_565 = arith.constant 1 : i32
        %add3A_566 = vector.broadcast %add3A_565 : i32 to vector<16xi32>
        %add3A_567 = arith.addi %and3A_560, %add3A_566 : vector<16xi32>
        %and3A_568 = arith.constant 127 : i32
        %and3A_569 = vector.broadcast %and3A_568 : i32 to vector<16xi32>
        %and3A_570 = arith.andi %add3A_567, %and3A_569 : vector<16xi32>
        %gather3A_571 = tpu.vector_load_idx %arg10[%add3A_349, %and3A_570] : memref<80x128xf32, #tpu.memory_space<vmem>>[vector<16xi32>, vector<16xi32>], vector<16xf32>,
        %gather3A_572 = tpu.vector_load_idx %arg11[%add3A_349, %and3A_570] : memref<80x128xf32, #tpu.memory_space<vmem>>[vector<16xi32>, vector<16xi32>], vector<16xf32>,
        %mul3A_573 = arith.mulf %gather3A_571, %gather3A_572 : vector<16xf32>
        %add3A_574 = arith.addf %add3A_564, %mul3A_573 : vector<16xf32>
        %add3A_575 = arith.constant 1 : i32
        %add3A_576 = vector.broadcast %add3A_575 : i32 to vector<16xi32>
        %add3A_577 = arith.addi %and3A_570, %add3A_576 : vector<16xi32>
        %and3A_578 = arith.constant 127 : i32
        %and3A_579 = vector.broadcast %and3A_578 : i32 to vector<16xi32>
        %and3A_580 = arith.andi %add3A_577, %and3A_579 : vector<16xi32>
        %gather3A_581 = tpu.vector_load_idx %arg10[%add3A_349, %and3A_580] : memref<80x128xf32, #tpu.memory_space<vmem>>[vector<16xi32>, vector<16xi32>], vector<16xf32>,
        %gather3A_582 = tpu.vector_load_idx %arg11[%add3A_349, %and3A_580] : memref<80x128xf32, #tpu.memory_space<vmem>>[vector<16xi32>, vector<16xi32>], vector<16xf32>,
        %mul3A_583 = arith.mulf %gather3A_581, %gather3A_582 : vector<16xf32>
        %add3A_584 = arith.addf %add3A_574, %mul3A_583 : vector<16xf32>
        %add3A_585 = arith.constant 1 : i32
        %add3A_586 = vector.broadcast %add3A_585 : i32 to vector<16xi32>
        %add3A_587 = arith.addi %and3A_580, %add3A_586 : vector<16xi32>
        %and3A_588 = arith.constant 127 : i32
        %and3A_589 = vector.broadcast %and3A_588 : i32 to vector<16xi32>
        %and3A_590 = arith.andi %add3A_587, %and3A_589 : vector<16xi32>
        %gather3A_591 = tpu.vector_load_idx %arg10[%add3A_349, %and3A_590] : memref<80x128xf32, #tpu.memory_space<vmem>>[vector<16xi32>, vector<16xi32>], vector<16xf32>,
        %gather3A_592 = tpu.vector_load_idx %arg11[%add3A_349, %and3A_590] : memref<80x128xf32, #tpu.memory_space<vmem>>[vector<16xi32>, vector<16xi32>], vector<16xf32>,
        %mul3A_593 = arith.mulf %gather3A_591, %gather3A_592 : vector<16xf32>
        %add3A_594 = arith.addf %add3A_584, %mul3A_593 : vector<16xf32>
        %add3A_595 = arith.constant 1 : i32
        %add3A_596 = vector.broadcast %add3A_595 : i32 to vector<16xi32>
        %add3A_597 = arith.addi %and3A_590, %add3A_596 : vector<16xi32>
        %and3A_598 = arith.constant 127 : i32
        %and3A_599 = vector.broadcast %and3A_598 : i32 to vector<16xi32>
        %and3A_600 = arith.andi %add3A_597, %and3A_599 : vector<16xi32>
        %gather3A_601 = tpu.vector_load_idx %arg10[%add3A_349, %and3A_600] : memref<80x128xf32, #tpu.memory_space<vmem>>[vector<16xi32>, vector<16xi32>], vector<16xf32>,
        %gather3A_602 = tpu.vector_load_idx %arg11[%add3A_349, %and3A_600] : memref<80x128xf32, #tpu.memory_space<vmem>>[vector<16xi32>, vector<16xi32>], vector<16xf32>,
        %mul3A_603 = arith.mulf %gather3A_601, %gather3A_602 : vector<16xf32>
        %add3A_604 = arith.addf %add3A_594, %mul3A_603 : vector<16xf32>
        %add3A_605 = arith.constant 1 : i32
        %add3A_606 = vector.broadcast %add3A_605 : i32 to vector<16xi32>
        %add3A_607 = arith.addi %and3A_600, %add3A_606 : vector<16xi32>
        %and3A_608 = arith.constant 127 : i32
        %and3A_609 = vector.broadcast %and3A_608 : i32 to vector<16xi32>
        %and3A_610 = arith.andi %add3A_607, %and3A_609 : vector<16xi32>
        %gather3A_611 = tpu.vector_load_idx %arg10[%add3A_349, %and3A_610] : memref<80x128xf32, #tpu.memory_space<vmem>>[vector<16xi32>, vector<16xi32>], vector<16xf32>,
        %gather3A_612 = tpu.vector_load_idx %arg11[%add3A_349, %and3A_610] : memref<80x128xf32, #tpu.memory_space<vmem>>[vector<16xi32>, vector<16xi32>], vector<16xf32>,
        %mul3A_613 = arith.mulf %gather3A_611, %gather3A_612 : vector<16xf32>
        %add3A_614 = arith.addf %add3A_604, %mul3A_613 : vector<16xf32>
        %add3A_615 = arith.constant 1 : i32
        %add3A_616 = vector.broadcast %add3A_615 : i32 to vector<16xi32>
        %add3A_617 = arith.addi %and3A_610, %add3A_616 : vector<16xi32>
        %and3A_618 = arith.constant 127 : i32
        %and3A_619 = vector.broadcast %and3A_618 : i32 to vector<16xi32>
        %and3A_620 = arith.andi %add3A_617, %and3A_619 : vector<16xi32>
        scf.yield %add3A_614, %and3A_620 : vector<16xf32>, vector<16xi32>
      }
      %scan3A_357 = arith.constant 8 : i32
      %neg3A_358 = arith.constant 0.000000e+00 : f32
      %neg3A_359 = vector.broadcast %neg3A_358 : f32 to vector<16xf32>
      %neg3A_360 = arith.subf %neg3A_359, %scan3A_356#0 : vector<16xf32>
      %exp3A_361 = math.exp %neg3A_360 : vector<16xf32>
      %add3A_362 = arith.constant 1.000000e+00 : f32
      %add3A_363 = vector.broadcast %add3A_362 : f32 to vector<16xf32>
      %add3A_364 = arith.addf %add3A_363, %exp3A_361 : vector<16xf32>
      %div3A_365 = arith.constant 1.000000e+00 : f32
      %div3A_366 = vector.broadcast %div3A_365 : f32 to vector<16xf32>
      %div3A_367 = arith.divf %div3A_366, %add3A_364 : vector<16xf32>
      %add3A_368 = arith.constant 16 : i32
      %add3A_369 = arith.addi %mul3A_321, %add3A_368 : i32
      %swap3A_370 = arith.index_cast %add3A_369 : i32 to index
      %swap3A_371 = tpu.vector_load %arg12[%swap3A_370] {strides = array<i32>} : memref<10000xf32, #tpu.memory_space<vmem>>, vector<16xf32>,
      tpu.vector_store %arg12[%swap3A_370], %div3A_367 {strides = array<i32>} : memref<10000xf32, #tpu.memory_space<vmem>>, vector<16xf32>,
      %broadcast_in_dim3A_372 = arith.constant 32 : i32
      %broadcast_in_dim3A_373 = vector.broadcast %broadcast_in_dim3A_372 : i32 to vector<16xi32>
      %add3A_374 = arith.addi %broadcast_in_dim3A_373, %iota3A : vector<16xi32>
      %broadcast_in_dim3A_375 = arith.constant 0.000000e+00 : f32
      %broadcast_in_dim3A_376 = vector.broadcast %broadcast_in_dim3A_375 : f32 to vector<16xf32>
      %scan3A_377 = arith.constant 0 : i32
      %scan3A_378 = arith.constant 8 : i32
      %scan3A_379 = arith.addi %scan3A_377, %scan3A_378 : i32
      %scan3A_380 = arith.constant 1 : i32
      %scan3A_381:2 = scf.for %scan3A_460 = %scan3A_377 to %scan3A_379 step %scan3A_380 iter_args(%scan3A_461 = %broadcast_in_dim3A_376, %scan3A_462 = %iota3A) -> (vector<16xf32>, vector<16xi32>)  : i32 {
        %gather3A = tpu.vector_load_idx %arg10[%add3A_374, %scan3A_462] : memref<80x128xf32, #tpu.memory_space<vmem>>[vector<16xi32>, vector<16xi32>], vector<16xf32>,
        %gather3A_463 = tpu.vector_load_idx %arg11[%add3A_374, %scan3A_462] : memref<80x128xf32, #tpu.memory_space<vmem>>[vector<16xi32>, vector<16xi32>], vector<16xf32>,
        %mul3A_464 = arith.mulf %gather3A, %gather3A_463 : vector<16xf32>
        %add3A_465 = arith.addf %scan3A_461, %mul3A_464 : vector<16xf32>
        %add3A_466 = arith.constant 1 : i32
        %add3A_467 = vector.broadcast %add3A_466 : i32 to vector<16xi32>
        %add3A_468 = arith.addi %scan3A_462, %add3A_467 : vector<16xi32>
        %and3A = arith.constant 127 : i32
        %and3A_469 = vector.broadcast %and3A : i32 to vector<16xi32>
        %and3A_470 = arith.andi %add3A_468, %and3A_469 : vector<16xi32>
        %gather3A_471 = tpu.vector_load_idx %arg10[%add3A_374, %and3A_470] : memref<80x128xf32, #tpu.memory_space<vmem>>[vector<16xi32>, vector<16xi32>], vector<16xf32>,
        %gather3A_472 = tpu.vector_load_idx %arg11[%add3A_374, %and3A_470] : memref<80x128xf32, #tpu.memory_space<vmem>>[vector<16xi32>, vector<16xi32>], vector<16xf32>,
        %mul3A_473 = arith.mulf %gather3A_471, %gather3A_472 : vector<16xf32>
        %add3A_474 = arith.addf %add3A_465, %mul3A_473 : vector<16xf32>
        %add3A_475 = arith.constant 1 : i32
        %add3A_476 = vector.broadcast %add3A_475 : i32 to vector<16xi32>
        %add3A_477 = arith.addi %and3A_470, %add3A_476 : vector<16xi32>
        %and3A_478 = arith.constant 127 : i32
        %and3A_479 = vector.broadcast %and3A_478 : i32 to vector<16xi32>
        %and3A_480 = arith.andi %add3A_477, %and3A_479 : vector<16xi32>
        %gather3A_481 = tpu.vector_load_idx %arg10[%add3A_374, %and3A_480] : memref<80x128xf32, #tpu.memory_space<vmem>>[vector<16xi32>, vector<16xi32>], vector<16xf32>,
        %gather3A_482 = tpu.vector_load_idx %arg11[%add3A_374, %and3A_480] : memref<80x128xf32, #tpu.memory_space<vmem>>[vector<16xi32>, vector<16xi32>], vector<16xf32>,
        %mul3A_483 = arith.mulf %gather3A_481, %gather3A_482 : vector<16xf32>
        %add3A_484 = arith.addf %add3A_474, %mul3A_483 : vector<16xf32>
        %add3A_485 = arith.constant 1 : i32
        %add3A_486 = vector.broadcast %add3A_485 : i32 to vector<16xi32>
        %add3A_487 = arith.addi %and3A_480, %add3A_486 : vector<16xi32>
        %and3A_488 = arith.constant 127 : i32
        %and3A_489 = vector.broadcast %and3A_488 : i32 to vector<16xi32>
        %and3A_490 = arith.andi %add3A_487, %and3A_489 : vector<16xi32>
        %gather3A_491 = tpu.vector_load_idx %arg10[%add3A_374, %and3A_490] : memref<80x128xf32, #tpu.memory_space<vmem>>[vector<16xi32>, vector<16xi32>], vector<16xf32>,
        %gather3A_492 = tpu.vector_load_idx %arg11[%add3A_374, %and3A_490] : memref<80x128xf32, #tpu.memory_space<vmem>>[vector<16xi32>, vector<16xi32>], vector<16xf32>,
        %mul3A_493 = arith.mulf %gather3A_491, %gather3A_492 : vector<16xf32>
        %add3A_494 = arith.addf %add3A_484, %mul3A_493 : vector<16xf32>
        %add3A_495 = arith.constant 1 : i32
        %add3A_496 = vector.broadcast %add3A_495 : i32 to vector<16xi32>
        %add3A_497 = arith.addi %and3A_490, %add3A_496 : vector<16xi32>
        %and3A_498 = arith.constant 127 : i32
        %and3A_499 = vector.broadcast %and3A_498 : i32 to vector<16xi32>
        %and3A_500 = arith.andi %add3A_497, %and3A_499 : vector<16xi32>
        %gather3A_501 = tpu.vector_load_idx %arg10[%add3A_374, %and3A_500] : memref<80x128xf32, #tpu.memory_space<vmem>>[vector<16xi32>, vector<16xi32>], vector<16xf32>,
        %gather3A_502 = tpu.vector_load_idx %arg11[%add3A_374, %and3A_500] : memref<80x128xf32, #tpu.memory_space<vmem>>[vector<16xi32>, vector<16xi32>], vector<16xf32>,
        %mul3A_503 = arith.mulf %gather3A_501, %gather3A_502 : vector<16xf32>
        %add3A_504 = arith.addf %add3A_494, %mul3A_503 : vector<16xf32>
        %add3A_505 = arith.constant 1 : i32
        %add3A_506 = vector.broadcast %add3A_505 : i32 to vector<16xi32>
        %add3A_507 = arith.addi %and3A_500, %add3A_506 : vector<16xi32>
        %and3A_508 = arith.constant 127 : i32
        %and3A_509 = vector.broadcast %and3A_508 : i32 to vector<16xi32>
        %and3A_510 = arith.andi %add3A_507, %and3A_509 : vector<16xi32>
        %gather3A_511 = tpu.vector_load_idx %arg10[%add3A_374, %and3A_510] : memref<80x128xf32, #tpu.memory_space<vmem>>[vector<16xi32>, vector<16xi32>], vector<16xf32>,
        %gather3A_512 = tpu.vector_load_idx %arg11[%add3A_374, %and3A_510] : memref<80x128xf32, #tpu.memory_space<vmem>>[vector<16xi32>, vector<16xi32>], vector<16xf32>,
        %mul3A_513 = arith.mulf %gather3A_511, %gather3A_512 : vector<16xf32>
        %add3A_514 = arith.addf %add3A_504, %mul3A_513 : vector<16xf32>
        %add3A_515 = arith.constant 1 : i32
        %add3A_516 = vector.broadcast %add3A_515 : i32 to vector<16xi32>
        %add3A_517 = arith.addi %and3A_510, %add3A_516 : vector<16xi32>
        %and3A_518 = arith.constant 127 : i32
        %and3A_519 = vector.broadcast %and3A_518 : i32 to vector<16xi32>
        %and3A_520 = arith.andi %add3A_517, %and3A_519 : vector<16xi32>
        %gather3A_521 = tpu.vector_load_idx %arg10[%add3A_374, %and3A_520] : memref<80x128xf32, #tpu.memory_space<vmem>>[vector<16xi32>, vector<16xi32>], vector<16xf32>,
        %gather3A_522 = tpu.vector_load_idx %arg11[%add3A_374, %and3A_520] : memref<80x128xf32, #tpu.memory_space<vmem>>[vector<16xi32>, vector<16xi32>], vector<16xf32>,
        %mul3A_523 = arith.mulf %gather3A_521, %gather3A_522 : vector<16xf32>
        %add3A_524 = arith.addf %add3A_514, %mul3A_523 : vector<16xf32>
        %add3A_525 = arith.constant 1 : i32
        %add3A_526 = vector.broadcast %add3A_525 : i32 to vector<16xi32>
        %add3A_527 = arith.addi %and3A_520, %add3A_526 : vector<16xi32>
        %and3A_528 = arith.constant 127 : i32
        %and3A_529 = vector.broadcast %and3A_528 : i32 to vector<16xi32>
        %and3A_530 = arith.andi %add3A_527, %and3A_529 : vector<16xi32>
        %gather3A_531 = tpu.vector_load_idx %arg10[%add3A_374, %and3A_530] : memref<80x128xf32, #tpu.memory_space<vmem>>[vector<16xi32>, vector<16xi32>], vector<16xf32>,
        %gather3A_532 = tpu.vector_load_idx %arg11[%add3A_374, %and3A_530] : memref<80x128xf32, #tpu.memory_space<vmem>>[vector<16xi32>, vector<16xi32>], vector<16xf32>,
        %mul3A_533 = arith.mulf %gather3A_531, %gather3A_532 : vector<16xf32>
        %add3A_534 = arith.addf %add3A_524, %mul3A_533 : vector<16xf32>
        %add3A_535 = arith.constant 1 : i32
        %add3A_536 = vector.broadcast %add3A_535 : i32 to vector<16xi32>
        %add3A_537 = arith.addi %and3A_530, %add3A_536 : vector<16xi32>
        %and3A_538 = arith.constant 127 : i32
        %and3A_539 = vector.broadcast %and3A_538 : i32 to vector<16xi32>
        %and3A_540 = arith.andi %add3A_537, %and3A_539 : vector<16xi32>
        %gather3A_541 = tpu.vector_load_idx %arg10[%add3A_374, %and3A_540] : memref<80x128xf32, #tpu.memory_space<vmem>>[vector<16xi32>, vector<16xi32>], vector<16xf32>,
        %gather3A_542 = tpu.vector_load_idx %arg11[%add3A_374, %and3A_540] : memref<80x128xf32, #tpu.memory_space<vmem>>[vector<16xi32>, vector<16xi32>], vector<16xf32>,
        %mul3A_543 = arith.mulf %gather3A_541, %gather3A_542 : vector<16xf32>
        %add3A_544 = arith.addf %add3A_534, %mul3A_543 : vector<16xf32>
        %add3A_545 = arith.constant 1 : i32
        %add3A_546 = vector.broadcast %add3A_545 : i32 to vector<16xi32>
        %add3A_547 = arith.addi %and3A_540, %add3A_546 : vector<16xi32>
        %and3A_548 = arith.constant 127 : i32
        %and3A_549 = vector.broadcast %and3A_548 : i32 to vector<16xi32>
        %and3A_550 = arith.andi %add3A_547, %and3A_549 : vector<16xi32>
        %gather3A_551 = tpu.vector_load_idx %arg10[%add3A_374, %and3A_550] : memref<80x128xf32, #tpu.memory_space<vmem>>[vector<16xi32>, vector<16xi32>], vector<16xf32>,
        %gather3A_552 = tpu.vector_load_idx %arg11[%add3A_374, %and3A_550] : memref<80x128xf32, #tpu.memory_space<vmem>>[vector<16xi32>, vector<16xi32>], vector<16xf32>,
        %mul3A_553 = arith.mulf %gather3A_551, %gather3A_552 : vector<16xf32>
        %add3A_554 = arith.addf %add3A_544, %mul3A_553 : vector<16xf32>
        %add3A_555 = arith.constant 1 : i32
        %add3A_556 = vector.broadcast %add3A_555 : i32 to vector<16xi32>
        %add3A_557 = arith.addi %and3A_550, %add3A_556 : vector<16xi32>
        %and3A_558 = arith.constant 127 : i32
        %and3A_559 = vector.broadcast %and3A_558 : i32 to vector<16xi32>
        %and3A_560 = arith.andi %add3A_557, %and3A_559 : vector<16xi32>
        %gather3A_561 = tpu.vector_load_idx %arg10[%add3A_374, %and3A_560] : memref<80x128xf32, #tpu.memory_space<vmem>>[vector<16xi32>, vector<16xi32>], vector<16xf32>,
        %gather3A_562 = tpu.vector_load_idx %arg11[%add3A_374, %and3A_560] : memref<80x128xf32, #tpu.memory_space<vmem>>[vector<16xi32>, vector<16xi32>], vector<16xf32>,
        %mul3A_563 = arith.mulf %gather3A_561, %gather3A_562 : vector<16xf32>
        %add3A_564 = arith.addf %add3A_554, %mul3A_563 : vector<16xf32>
        %add3A_565 = arith.constant 1 : i32
        %add3A_566 = vector.broadcast %add3A_565 : i32 to vector<16xi32>
        %add3A_567 = arith.addi %and3A_560, %add3A_566 : vector<16xi32>
        %and3A_568 = arith.constant 127 : i32
        %and3A_569 = vector.broadcast %and3A_568 : i32 to vector<16xi32>
        %and3A_570 = arith.andi %add3A_567, %and3A_569 : vector<16xi32>
        %gather3A_571 = tpu.vector_load_idx %arg10[%add3A_374, %and3A_570] : memref<80x128xf32, #tpu.memory_space<vmem>>[vector<16xi32>, vector<16xi32>], vector<16xf32>,
        %gather3A_572 = tpu.vector_load_idx %arg11[%add3A_374, %and3A_570] : memref<80x128xf32, #tpu.memory_space<vmem>>[vector<16xi32>, vector<16xi32>], vector<16xf32>,
        %mul3A_573 = arith.mulf %gather3A_571, %gather3A_572 : vector<16xf32>
        %add3A_574 = arith.addf %add3A_564, %mul3A_573 : vector<16xf32>
        %add3A_575 = arith.constant 1 : i32
        %add3A_576 = vector.broadcast %add3A_575 : i32 to vector<16xi32>
        %add3A_577 = arith.addi %and3A_570, %add3A_576 : vector<16xi32>
        %and3A_578 = arith.constant 127 : i32
        %and3A_579 = vector.broadcast %and3A_578 : i32 to vector<16xi32>
        %and3A_580 = arith.andi %add3A_577, %and3A_579 : vector<16xi32>
        %gather3A_581 = tpu.vector_load_idx %arg10[%add3A_374, %and3A_580] : memref<80x128xf32, #tpu.memory_space<vmem>>[vector<16xi32>, vector<16xi32>], vector<16xf32>,
        %gather3A_582 = tpu.vector_load_idx %arg11[%add3A_374, %and3A_580] : memref<80x128xf32, #tpu.memory_space<vmem>>[vector<16xi32>, vector<16xi32>], vector<16xf32>,
        %mul3A_583 = arith.mulf %gather3A_581, %gather3A_582 : vector<16xf32>
        %add3A_584 = arith.addf %add3A_574, %mul3A_583 : vector<16xf32>
        %add3A_585 = arith.constant 1 : i32
        %add3A_586 = vector.broadcast %add3A_585 : i32 to vector<16xi32>
        %add3A_587 = arith.addi %and3A_580, %add3A_586 : vector<16xi32>
        %and3A_588 = arith.constant 127 : i32
        %and3A_589 = vector.broadcast %and3A_588 : i32 to vector<16xi32>
        %and3A_590 = arith.andi %add3A_587, %and3A_589 : vector<16xi32>
        %gather3A_591 = tpu.vector_load_idx %arg10[%add3A_374, %and3A_590] : memref<80x128xf32, #tpu.memory_space<vmem>>[vector<16xi32>, vector<16xi32>], vector<16xf32>,
        %gather3A_592 = tpu.vector_load_idx %arg11[%add3A_374, %and3A_590] : memref<80x128xf32, #tpu.memory_space<vmem>>[vector<16xi32>, vector<16xi32>], vector<16xf32>,
        %mul3A_593 = arith.mulf %gather3A_591, %gather3A_592 : vector<16xf32>
        %add3A_594 = arith.addf %add3A_584, %mul3A_593 : vector<16xf32>
        %add3A_595 = arith.constant 1 : i32
        %add3A_596 = vector.broadcast %add3A_595 : i32 to vector<16xi32>
        %add3A_597 = arith.addi %and3A_590, %add3A_596 : vector<16xi32>
        %and3A_598 = arith.constant 127 : i32
        %and3A_599 = vector.broadcast %and3A_598 : i32 to vector<16xi32>
        %and3A_600 = arith.andi %add3A_597, %and3A_599 : vector<16xi32>
        %gather3A_601 = tpu.vector_load_idx %arg10[%add3A_374, %and3A_600] : memref<80x128xf32, #tpu.memory_space<vmem>>[vector<16xi32>, vector<16xi32>], vector<16xf32>,
        %gather3A_602 = tpu.vector_load_idx %arg11[%add3A_374, %and3A_600] : memref<80x128xf32, #tpu.memory_space<vmem>>[vector<16xi32>, vector<16xi32>], vector<16xf32>,
        %mul3A_603 = arith.mulf %gather3A_601, %gather3A_602 : vector<16xf32>
        %add3A_604 = arith.addf %add3A_594, %mul3A_603 : vector<16xf32>
        %add3A_605 = arith.constant 1 : i32
        %add3A_606 = vector.broadcast %add3A_605 : i32 to vector<16xi32>
        %add3A_607 = arith.addi %and3A_600, %add3A_606 : vector<16xi32>
        %and3A_608 = arith.constant 127 : i32
        %and3A_609 = vector.broadcast %and3A_608 : i32 to vector<16xi32>
        %and3A_610 = arith.andi %add3A_607, %and3A_609 : vector<16xi32>
        %gather3A_611 = tpu.vector_load_idx %arg10[%add3A_374, %and3A_610] : memref<80x128xf32, #tpu.memory_space<vmem>>[vector<16xi32>, vector<16xi32>], vector<16xf32>,
        %gather3A_612 = tpu.vector_load_idx %arg11[%add3A_374, %and3A_610] : memref<80x128xf32, #tpu.memory_space<vmem>>[vector<16xi32>, vector<16xi32>], vector<16xf32>,
        %mul3A_613 = arith.mulf %gather3A_611, %gather3A_612 : vector<16xf32>
        %add3A_614 = arith.addf %add3A_604, %mul3A_613 : vector<16xf32>
        %add3A_615 = arith.constant 1 : i32
        %add3A_616 = vector.broadcast %add3A_615 : i32 to vector<16xi32>
        %add3A_617 = arith.addi %and3A_610, %add3A_616 : vector<16xi32>
        %and3A_618 = arith.constant 127 : i32
        %and3A_619 = vector.broadcast %and3A_618 : i32 to vector<16xi32>
        %and3A_620 = arith.andi %add3A_617, %and3A_619 : vector<16xi32>
        scf.yield %add3A_614, %and3A_620 : vector<16xf32>, vector<16xi32>
      }
      %scan3A_382 = arith.constant 8 : i32
      %neg3A_383 = arith.constant 0.000000e+00 : f32
      %neg3A_384 = vector.broadcast %neg3A_383 : f32 to vector<16xf32>
      %neg3A_385 = arith.subf %neg3A_384, %scan3A_381#0 : vector<16xf32>
      %exp3A_386 = math.exp %neg3A_385 : vector<16xf32>
      %add3A_387 = arith.constant 1.000000e+00 : f32
      %add3A_388 = vector.broadcast %add3A_387 : f32 to vector<16xf32>
      %add3A_389 = arith.addf %add3A_388, %exp3A_386 : vector<16xf32>
      %div3A_390 = arith.constant 1.000000e+00 : f32
      %div3A_391 = vector.broadcast %div3A_390 : f32 to vector<16xf32>
      %div3A_392 = arith.divf %div3A_391, %add3A_389 : vector<16xf32>
      %add3A_393 = arith.constant 32 : i32
      %add3A_394 = arith.addi %mul3A_321, %add3A_393 : i32
      %swap3A_395 = arith.index_cast %add3A_394 : i32 to index
      %swap3A_396 = tpu.vector_load %arg12[%swap3A_395] {strides = array<i32>} : memref<10000xf32, #tpu.memory_space<vmem>>, vector<16xf32>,
      tpu.vector_store %arg12[%swap3A_395], %div3A_392 {strides = array<i32>} : memref<10000xf32, #tpu.memory_space<vmem>>, vector<16xf32>,
      %broadcast_in_dim3A_397 = arith.constant 48 : i32
      %broadcast_in_dim3A_398 = vector.broadcast %broadcast_in_dim3A_397 : i32 to vector<16xi32>
      %add3A_399 = arith.addi %broadcast_in_dim3A_398, %iota3A : vector<16xi32>
      %broadcast_in_dim3A_400 = arith.constant 0.000000e+00 : f32
      %broadcast_in_dim3A_401 = vector.broadcast %broadcast_in_dim3A_400 : f32 to vector<16xf32>
      %scan3A_402 = arith.constant 0 : i32
      %scan3A_403 = arith.constant 8 : i32
      %scan3A_404 = arith.addi %scan3A_402, %scan3A_403 : i32
      %scan3A_405 = arith.constant 1 : i32
      %scan3A_406:2 = scf.for %scan3A_460 = %scan3A_402 to %scan3A_404 step %scan3A_405 iter_args(%scan3A_461 = %broadcast_in_dim3A_401, %scan3A_462 = %iota3A) -> (vector<16xf32>, vector<16xi32>)  : i32 {
        %gather3A = tpu.vector_load_idx %arg10[%add3A_399, %scan3A_462] : memref<80x128xf32, #tpu.memory_space<vmem>>[vector<16xi32>, vector<16xi32>], vector<16xf32>,
        %gather3A_463 = tpu.vector_load_idx %arg11[%add3A_399, %scan3A_462] : memref<80x128xf32, #tpu.memory_space<vmem>>[vector<16xi32>, vector<16xi32>], vector<16xf32>,
        %mul3A_464 = arith.mulf %gather3A, %gather3A_463 : vector<16xf32>
        %add3A_465 = arith.addf %scan3A_461, %mul3A_464 : vector<16xf32>
        %add3A_466 = arith.constant 1 : i32
        %add3A_467 = vector.broadcast %add3A_466 : i32 to vector<16xi32>
        %add3A_468 = arith.addi %scan3A_462, %add3A_467 : vector<16xi32>
        %and3A = arith.constant 127 : i32
        %and3A_469 = vector.broadcast %and3A : i32 to vector<16xi32>
        %and3A_470 = arith.andi %add3A_468, %and3A_469 : vector<16xi32>
        %gather3A_471 = tpu.vector_load_idx %arg10[%add3A_399, %and3A_470] : memref<80x128xf32, #tpu.memory_space<vmem>>[vector<16xi32>, vector<16xi32>], vector<16xf32>,
        %gather3A_472 = tpu.vector_load_idx %arg11[%add3A_399, %and3A_470] : memref<80x128xf32, #tpu.memory_space<vmem>>[vector<16xi32>, vector<16xi32>], vector<16xf32>,
        %mul3A_473 = arith.mulf %gather3A_471, %gather3A_472 : vector<16xf32>
        %add3A_474 = arith.addf %add3A_465, %mul3A_473 : vector<16xf32>
        %add3A_475 = arith.constant 1 : i32
        %add3A_476 = vector.broadcast %add3A_475 : i32 to vector<16xi32>
        %add3A_477 = arith.addi %and3A_470, %add3A_476 : vector<16xi32>
        %and3A_478 = arith.constant 127 : i32
        %and3A_479 = vector.broadcast %and3A_478 : i32 to vector<16xi32>
        %and3A_480 = arith.andi %add3A_477, %and3A_479 : vector<16xi32>
        %gather3A_481 = tpu.vector_load_idx %arg10[%add3A_399, %and3A_480] : memref<80x128xf32, #tpu.memory_space<vmem>>[vector<16xi32>, vector<16xi32>], vector<16xf32>,
        %gather3A_482 = tpu.vector_load_idx %arg11[%add3A_399, %and3A_480] : memref<80x128xf32, #tpu.memory_space<vmem>>[vector<16xi32>, vector<16xi32>], vector<16xf32>,
        %mul3A_483 = arith.mulf %gather3A_481, %gather3A_482 : vector<16xf32>
        %add3A_484 = arith.addf %add3A_474, %mul3A_483 : vector<16xf32>
        %add3A_485 = arith.constant 1 : i32
        %add3A_486 = vector.broadcast %add3A_485 : i32 to vector<16xi32>
        %add3A_487 = arith.addi %and3A_480, %add3A_486 : vector<16xi32>
        %and3A_488 = arith.constant 127 : i32
        %and3A_489 = vector.broadcast %and3A_488 : i32 to vector<16xi32>
        %and3A_490 = arith.andi %add3A_487, %and3A_489 : vector<16xi32>
        %gather3A_491 = tpu.vector_load_idx %arg10[%add3A_399, %and3A_490] : memref<80x128xf32, #tpu.memory_space<vmem>>[vector<16xi32>, vector<16xi32>], vector<16xf32>,
        %gather3A_492 = tpu.vector_load_idx %arg11[%add3A_399, %and3A_490] : memref<80x128xf32, #tpu.memory_space<vmem>>[vector<16xi32>, vector<16xi32>], vector<16xf32>,
        %mul3A_493 = arith.mulf %gather3A_491, %gather3A_492 : vector<16xf32>
        %add3A_494 = arith.addf %add3A_484, %mul3A_493 : vector<16xf32>
        %add3A_495 = arith.constant 1 : i32
        %add3A_496 = vector.broadcast %add3A_495 : i32 to vector<16xi32>
        %add3A_497 = arith.addi %and3A_490, %add3A_496 : vector<16xi32>
        %and3A_498 = arith.constant 127 : i32
        %and3A_499 = vector.broadcast %and3A_498 : i32 to vector<16xi32>
        %and3A_500 = arith.andi %add3A_497, %and3A_499 : vector<16xi32>
        %gather3A_501 = tpu.vector_load_idx %arg10[%add3A_399, %and3A_500] : memref<80x128xf32, #tpu.memory_space<vmem>>[vector<16xi32>, vector<16xi32>], vector<16xf32>,
        %gather3A_502 = tpu.vector_load_idx %arg11[%add3A_399, %and3A_500] : memref<80x128xf32, #tpu.memory_space<vmem>>[vector<16xi32>, vector<16xi32>], vector<16xf32>,
        %mul3A_503 = arith.mulf %gather3A_501, %gather3A_502 : vector<16xf32>
        %add3A_504 = arith.addf %add3A_494, %mul3A_503 : vector<16xf32>
        %add3A_505 = arith.constant 1 : i32
        %add3A_506 = vector.broadcast %add3A_505 : i32 to vector<16xi32>
        %add3A_507 = arith.addi %and3A_500, %add3A_506 : vector<16xi32>
        %and3A_508 = arith.constant 127 : i32
        %and3A_509 = vector.broadcast %and3A_508 : i32 to vector<16xi32>
        %and3A_510 = arith.andi %add3A_507, %and3A_509 : vector<16xi32>
        %gather3A_511 = tpu.vector_load_idx %arg10[%add3A_399, %and3A_510] : memref<80x128xf32, #tpu.memory_space<vmem>>[vector<16xi32>, vector<16xi32>], vector<16xf32>,
        %gather3A_512 = tpu.vector_load_idx %arg11[%add3A_399, %and3A_510] : memref<80x128xf32, #tpu.memory_space<vmem>>[vector<16xi32>, vector<16xi32>], vector<16xf32>,
        %mul3A_513 = arith.mulf %gather3A_511, %gather3A_512 : vector<16xf32>
        %add3A_514 = arith.addf %add3A_504, %mul3A_513 : vector<16xf32>
        %add3A_515 = arith.constant 1 : i32
        %add3A_516 = vector.broadcast %add3A_515 : i32 to vector<16xi32>
        %add3A_517 = arith.addi %and3A_510, %add3A_516 : vector<16xi32>
        %and3A_518 = arith.constant 127 : i32
        %and3A_519 = vector.broadcast %and3A_518 : i32 to vector<16xi32>
        %and3A_520 = arith.andi %add3A_517, %and3A_519 : vector<16xi32>
        %gather3A_521 = tpu.vector_load_idx %arg10[%add3A_399, %and3A_520] : memref<80x128xf32, #tpu.memory_space<vmem>>[vector<16xi32>, vector<16xi32>], vector<16xf32>,
        %gather3A_522 = tpu.vector_load_idx %arg11[%add3A_399, %and3A_520] : memref<80x128xf32, #tpu.memory_space<vmem>>[vector<16xi32>, vector<16xi32>], vector<16xf32>,
        %mul3A_523 = arith.mulf %gather3A_521, %gather3A_522 : vector<16xf32>
        %add3A_524 = arith.addf %add3A_514, %mul3A_523 : vector<16xf32>
        %add3A_525 = arith.constant 1 : i32
        %add3A_526 = vector.broadcast %add3A_525 : i32 to vector<16xi32>
        %add3A_527 = arith.addi %and3A_520, %add3A_526 : vector<16xi32>
        %and3A_528 = arith.constant 127 : i32
        %and3A_529 = vector.broadcast %and3A_528 : i32 to vector<16xi32>
        %and3A_530 = arith.andi %add3A_527, %and3A_529 : vector<16xi32>
        %gather3A_531 = tpu.vector_load_idx %arg10[%add3A_399, %and3A_530] : memref<80x128xf32, #tpu.memory_space<vmem>>[vector<16xi32>, vector<16xi32>], vector<16xf32>,
        %gather3A_532 = tpu.vector_load_idx %arg11[%add3A_399, %and3A_530] : memref<80x128xf32, #tpu.memory_space<vmem>>[vector<16xi32>, vector<16xi32>], vector<16xf32>,
        %mul3A_533 = arith.mulf %gather3A_531, %gather3A_532 : vector<16xf32>
        %add3A_534 = arith.addf %add3A_524, %mul3A_533 : vector<16xf32>
        %add3A_535 = arith.constant 1 : i32
        %add3A_536 = vector.broadcast %add3A_535 : i32 to vector<16xi32>
        %add3A_537 = arith.addi %and3A_530, %add3A_536 : vector<16xi32>
        %and3A_538 = arith.constant 127 : i32
        %and3A_539 = vector.broadcast %and3A_538 : i32 to vector<16xi32>
        %and3A_540 = arith.andi %add3A_537, %and3A_539 : vector<16xi32>
        %gather3A_541 = tpu.vector_load_idx %arg10[%add3A_399, %and3A_540] : memref<80x128xf32, #tpu.memory_space<vmem>>[vector<16xi32>, vector<16xi32>], vector<16xf32>,
        %gather3A_542 = tpu.vector_load_idx %arg11[%add3A_399, %and3A_540] : memref<80x128xf32, #tpu.memory_space<vmem>>[vector<16xi32>, vector<16xi32>], vector<16xf32>,
        %mul3A_543 = arith.mulf %gather3A_541, %gather3A_542 : vector<16xf32>
        %add3A_544 = arith.addf %add3A_534, %mul3A_543 : vector<16xf32>
        %add3A_545 = arith.constant 1 : i32
        %add3A_546 = vector.broadcast %add3A_545 : i32 to vector<16xi32>
        %add3A_547 = arith.addi %and3A_540, %add3A_546 : vector<16xi32>
        %and3A_548 = arith.constant 127 : i32
        %and3A_549 = vector.broadcast %and3A_548 : i32 to vector<16xi32>
        %and3A_550 = arith.andi %add3A_547, %and3A_549 : vector<16xi32>
        %gather3A_551 = tpu.vector_load_idx %arg10[%add3A_399, %and3A_550] : memref<80x128xf32, #tpu.memory_space<vmem>>[vector<16xi32>, vector<16xi32>], vector<16xf32>,
        %gather3A_552 = tpu.vector_load_idx %arg11[%add3A_399, %and3A_550] : memref<80x128xf32, #tpu.memory_space<vmem>>[vector<16xi32>, vector<16xi32>], vector<16xf32>,
        %mul3A_553 = arith.mulf %gather3A_551, %gather3A_552 : vector<16xf32>
        %add3A_554 = arith.addf %add3A_544, %mul3A_553 : vector<16xf32>
        %add3A_555 = arith.constant 1 : i32
        %add3A_556 = vector.broadcast %add3A_555 : i32 to vector<16xi32>
        %add3A_557 = arith.addi %and3A_550, %add3A_556 : vector<16xi32>
        %and3A_558 = arith.constant 127 : i32
        %and3A_559 = vector.broadcast %and3A_558 : i32 to vector<16xi32>
        %and3A_560 = arith.andi %add3A_557, %and3A_559 : vector<16xi32>
        %gather3A_561 = tpu.vector_load_idx %arg10[%add3A_399, %and3A_560] : memref<80x128xf32, #tpu.memory_space<vmem>>[vector<16xi32>, vector<16xi32>], vector<16xf32>,
        %gather3A_562 = tpu.vector_load_idx %arg11[%add3A_399, %and3A_560] : memref<80x128xf32, #tpu.memory_space<vmem>>[vector<16xi32>, vector<16xi32>], vector<16xf32>,
        %mul3A_563 = arith.mulf %gather3A_561, %gather3A_562 : vector<16xf32>
        %add3A_564 = arith.addf %add3A_554, %mul3A_563 : vector<16xf32>
        %add3A_565 = arith.constant 1 : i32
        %add3A_566 = vector.broadcast %add3A_565 : i32 to vector<16xi32>
        %add3A_567 = arith.addi %and3A_560, %add3A_566 : vector<16xi32>
        %and3A_568 = arith.constant 127 : i32
        %and3A_569 = vector.broadcast %and3A_568 : i32 to vector<16xi32>
        %and3A_570 = arith.andi %add3A_567, %and3A_569 : vector<16xi32>
        %gather3A_571 = tpu.vector_load_idx %arg10[%add3A_399, %and3A_570] : memref<80x128xf32, #tpu.memory_space<vmem>>[vector<16xi32>, vector<16xi32>], vector<16xf32>,
        %gather3A_572 = tpu.vector_load_idx %arg11[%add3A_399, %and3A_570] : memref<80x128xf32, #tpu.memory_space<vmem>>[vector<16xi32>, vector<16xi32>], vector<16xf32>,
        %mul3A_573 = arith.mulf %gather3A_571, %gather3A_572 : vector<16xf32>
        %add3A_574 = arith.addf %add3A_564, %mul3A_573 : vector<16xf32>
        %add3A_575 = arith.constant 1 : i32
        %add3A_576 = vector.broadcast %add3A_575 : i32 to vector<16xi32>
        %add3A_577 = arith.addi %and3A_570, %add3A_576 : vector<16xi32>
        %and3A_578 = arith.constant 127 : i32
        %and3A_579 = vector.broadcast %and3A_578 : i32 to vector<16xi32>
        %and3A_580 = arith.andi %add3A_577, %and3A_579 : vector<16xi32>
        %gather3A_581 = tpu.vector_load_idx %arg10[%add3A_399, %and3A_580] : memref<80x128xf32, #tpu.memory_space<vmem>>[vector<16xi32>, vector<16xi32>], vector<16xf32>,
        %gather3A_582 = tpu.vector_load_idx %arg11[%add3A_399, %and3A_580] : memref<80x128xf32, #tpu.memory_space<vmem>>[vector<16xi32>, vector<16xi32>], vector<16xf32>,
        %mul3A_583 = arith.mulf %gather3A_581, %gather3A_582 : vector<16xf32>
        %add3A_584 = arith.addf %add3A_574, %mul3A_583 : vector<16xf32>
        %add3A_585 = arith.constant 1 : i32
        %add3A_586 = vector.broadcast %add3A_585 : i32 to vector<16xi32>
        %add3A_587 = arith.addi %and3A_580, %add3A_586 : vector<16xi32>
        %and3A_588 = arith.constant 127 : i32
        %and3A_589 = vector.broadcast %and3A_588 : i32 to vector<16xi32>
        %and3A_590 = arith.andi %add3A_587, %and3A_589 : vector<16xi32>
        %gather3A_591 = tpu.vector_load_idx %arg10[%add3A_399, %and3A_590] : memref<80x128xf32, #tpu.memory_space<vmem>>[vector<16xi32>, vector<16xi32>], vector<16xf32>,
        %gather3A_592 = tpu.vector_load_idx %arg11[%add3A_399, %and3A_590] : memref<80x128xf32, #tpu.memory_space<vmem>>[vector<16xi32>, vector<16xi32>], vector<16xf32>,
        %mul3A_593 = arith.mulf %gather3A_591, %gather3A_592 : vector<16xf32>
        %add3A_594 = arith.addf %add3A_584, %mul3A_593 : vector<16xf32>
        %add3A_595 = arith.constant 1 : i32
        %add3A_596 = vector.broadcast %add3A_595 : i32 to vector<16xi32>
        %add3A_597 = arith.addi %and3A_590, %add3A_596 : vector<16xi32>
        %and3A_598 = arith.constant 127 : i32
        %and3A_599 = vector.broadcast %and3A_598 : i32 to vector<16xi32>
        %and3A_600 = arith.andi %add3A_597, %and3A_599 : vector<16xi32>
        %gather3A_601 = tpu.vector_load_idx %arg10[%add3A_399, %and3A_600] : memref<80x128xf32, #tpu.memory_space<vmem>>[vector<16xi32>, vector<16xi32>], vector<16xf32>,
        %gather3A_602 = tpu.vector_load_idx %arg11[%add3A_399, %and3A_600] : memref<80x128xf32, #tpu.memory_space<vmem>>[vector<16xi32>, vector<16xi32>], vector<16xf32>,
        %mul3A_603 = arith.mulf %gather3A_601, %gather3A_602 : vector<16xf32>
        %add3A_604 = arith.addf %add3A_594, %mul3A_603 : vector<16xf32>
        %add3A_605 = arith.constant 1 : i32
        %add3A_606 = vector.broadcast %add3A_605 : i32 to vector<16xi32>
        %add3A_607 = arith.addi %and3A_600, %add3A_606 : vector<16xi32>
        %and3A_608 = arith.constant 127 : i32
        %and3A_609 = vector.broadcast %and3A_608 : i32 to vector<16xi32>
        %and3A_610 = arith.andi %add3A_607, %and3A_609 : vector<16xi32>
        %gather3A_611 = tpu.vector_load_idx %arg10[%add3A_399, %and3A_610] : memref<80x128xf32, #tpu.memory_space<vmem>>[vector<16xi32>, vector<16xi32>], vector<16xf32>,
        %gather3A_612 = tpu.vector_load_idx %arg11[%add3A_399, %and3A_610] : memref<80x128xf32, #tpu.memory_space<vmem>>[vector<16xi32>, vector<16xi32>], vector<16xf32>,
        %mul3A_613 = arith.mulf %gather3A_611, %gather3A_612 : vector<16xf32>
        %add3A_614 = arith.addf %add3A_604, %mul3A_613 : vector<16xf32>
        %add3A_615 = arith.constant 1 : i32
        %add3A_616 = vector.broadcast %add3A_615 : i32 to vector<16xi32>
        %add3A_617 = arith.addi %and3A_610, %add3A_616 : vector<16xi32>
        %and3A_618 = arith.constant 127 : i32
        %and3A_619 = vector.broadcast %and3A_618 : i32 to vector<16xi32>
        %and3A_620 = arith.andi %add3A_617, %and3A_619 : vector<16xi32>
        scf.yield %add3A_614, %and3A_620 : vector<16xf32>, vector<16xi32>
      }
      %scan3A_407 = arith.constant 8 : i32
      %neg3A_408 = arith.constant 0.000000e+00 : f32
      %neg3A_409 = vector.broadcast %neg3A_408 : f32 to vector<16xf32>
      %neg3A_410 = arith.subf %neg3A_409, %scan3A_406#0 : vector<16xf32>
      %exp3A_411 = math.exp %neg3A_410 : vector<16xf32>
      %add3A_412 = arith.constant 1.000000e+00 : f32
      %add3A_413 = vector.broadcast %add3A_412 : f32 to vector<16xf32>
      %add3A_414 = arith.addf %add3A_413, %exp3A_411 : vector<16xf32>
      %div3A_415 = arith.constant 1.000000e+00 : f32
      %div3A_416 = vector.broadcast %div3A_415 : f32 to vector<16xf32>
      %div3A_417 = arith.divf %div3A_416, %add3A_414 : vector<16xf32>
      %add3A_418 = arith.constant 48 : i32
      %add3A_419 = arith.addi %mul3A_321, %add3A_418 : i32
      %swap3A_420 = arith.index_cast %add3A_419 : i32 to index
      %swap3A_421 = tpu.vector_load %arg12[%swap3A_420] {strides = array<i32>} : memref<10000xf32, #tpu.memory_space<vmem>>, vector<16xf32>,
      tpu.vector_store %arg12[%swap3A_420], %div3A_417 {strides = array<i32>} : memref<10000xf32, #tpu.memory_space<vmem>>, vector<16xf32>,
      %broadcast_in_dim3A_422 = arith.constant 64 : i32
      %broadcast_in_dim3A_423 = vector.broadcast %broadcast_in_dim3A_422 : i32 to vector<16xi32>
      %add3A_424 = arith.addi %broadcast_in_dim3A_423, %iota3A : vector<16xi32>
      %broadcast_in_dim3A_425 = arith.constant 0.000000e+00 : f32
      %broadcast_in_dim3A_426 = vector.broadcast %broadcast_in_dim3A_425 : f32 to vector<16xf32>
      %scan3A_427 = arith.constant 0 : i32
      %scan3A_428 = arith.constant 8 : i32
      %scan3A_429 = arith.addi %scan3A_427, %scan3A_428 : i32
      %scan3A_430 = arith.constant 1 : i32
      %scan3A_431:2 = scf.for %scan3A_460 = %scan3A_427 to %scan3A_429 step %scan3A_430 iter_args(%scan3A_461 = %broadcast_in_dim3A_426, %scan3A_462 = %iota3A) -> (vector<16xf32>, vector<16xi32>)  : i32 {
        %gather3A = tpu.vector_load_idx %arg10[%add3A_424, %scan3A_462] : memref<80x128xf32, #tpu.memory_space<vmem>>[vector<16xi32>, vector<16xi32>], vector<16xf32>,
        %gather3A_463 = tpu.vector_load_idx %arg11[%add3A_424, %scan3A_462] : memref<80x128xf32, #tpu.memory_space<vmem>>[vector<16xi32>, vector<16xi32>], vector<16xf32>,
        %mul3A_464 = arith.mulf %gather3A, %gather3A_463 : vector<16xf32>
        %add3A_465 = arith.addf %scan3A_461, %mul3A_464 : vector<16xf32>
        %add3A_466 = arith.constant 1 : i32
        %add3A_467 = vector.broadcast %add3A_466 : i32 to vector<16xi32>
        %add3A_468 = arith.addi %scan3A_462, %add3A_467 : vector<16xi32>
        %and3A = arith.constant 127 : i32
        %and3A_469 = vector.broadcast %and3A : i32 to vector<16xi32>
        %and3A_470 = arith.andi %add3A_468, %and3A_469 : vector<16xi32>
        %gather3A_471 = tpu.vector_load_idx %arg10[%add3A_424, %and3A_470] : memref<80x128xf32, #tpu.memory_space<vmem>>[vector<16xi32>, vector<16xi32>], vector<16xf32>,
        %gather3A_472 = tpu.vector_load_idx %arg11[%add3A_424, %and3A_470] : memref<80x128xf32, #tpu.memory_space<vmem>>[vector<16xi32>, vector<16xi32>], vector<16xf32>,
        %mul3A_473 = arith.mulf %gather3A_471, %gather3A_472 : vector<16xf32>
        %add3A_474 = arith.addf %add3A_465, %mul3A_473 : vector<16xf32>
        %add3A_475 = arith.constant 1 : i32
        %add3A_476 = vector.broadcast %add3A_475 : i32 to vector<16xi32>
        %add3A_477 = arith.addi %and3A_470, %add3A_476 : vector<16xi32>
        %and3A_478 = arith.constant 127 : i32
        %and3A_479 = vector.broadcast %and3A_478 : i32 to vector<16xi32>
        %and3A_480 = arith.andi %add3A_477, %and3A_479 : vector<16xi32>
        %gather3A_481 = tpu.vector_load_idx %arg10[%add3A_424, %and3A_480] : memref<80x128xf32, #tpu.memory_space<vmem>>[vector<16xi32>, vector<16xi32>], vector<16xf32>,
        %gather3A_482 = tpu.vector_load_idx %arg11[%add3A_424, %and3A_480] : memref<80x128xf32, #tpu.memory_space<vmem>>[vector<16xi32>, vector<16xi32>], vector<16xf32>,
        %mul3A_483 = arith.mulf %gather3A_481, %gather3A_482 : vector<16xf32>
        %add3A_484 = arith.addf %add3A_474, %mul3A_483 : vector<16xf32>
        %add3A_485 = arith.constant 1 : i32
        %add3A_486 = vector.broadcast %add3A_485 : i32 to vector<16xi32>
        %add3A_487 = arith.addi %and3A_480, %add3A_486 : vector<16xi32>
        %and3A_488 = arith.constant 127 : i32
        %and3A_489 = vector.broadcast %and3A_488 : i32 to vector<16xi32>
        %and3A_490 = arith.andi %add3A_487, %and3A_489 : vector<16xi32>
        %gather3A_491 = tpu.vector_load_idx %arg10[%add3A_424, %and3A_490] : memref<80x128xf32, #tpu.memory_space<vmem>>[vector<16xi32>, vector<16xi32>], vector<16xf32>,
        %gather3A_492 = tpu.vector_load_idx %arg11[%add3A_424, %and3A_490] : memref<80x128xf32, #tpu.memory_space<vmem>>[vector<16xi32>, vector<16xi32>], vector<16xf32>,
        %mul3A_493 = arith.mulf %gather3A_491, %gather3A_492 : vector<16xf32>
        %add3A_494 = arith.addf %add3A_484, %mul3A_493 : vector<16xf32>
        %add3A_495 = arith.constant 1 : i32
        %add3A_496 = vector.broadcast %add3A_495 : i32 to vector<16xi32>
        %add3A_497 = arith.addi %and3A_490, %add3A_496 : vector<16xi32>
        %and3A_498 = arith.constant 127 : i32
        %and3A_499 = vector.broadcast %and3A_498 : i32 to vector<16xi32>
        %and3A_500 = arith.andi %add3A_497, %and3A_499 : vector<16xi32>
        %gather3A_501 = tpu.vector_load_idx %arg10[%add3A_424, %and3A_500] : memref<80x128xf32, #tpu.memory_space<vmem>>[vector<16xi32>, vector<16xi32>], vector<16xf32>,
        %gather3A_502 = tpu.vector_load_idx %arg11[%add3A_424, %and3A_500] : memref<80x128xf32, #tpu.memory_space<vmem>>[vector<16xi32>, vector<16xi32>], vector<16xf32>,
        %mul3A_503 = arith.mulf %gather3A_501, %gather3A_502 : vector<16xf32>
        %add3A_504 = arith.addf %add3A_494, %mul3A_503 : vector<16xf32>
        %add3A_505 = arith.constant 1 : i32
        %add3A_506 = vector.broadcast %add3A_505 : i32 to vector<16xi32>
        %add3A_507 = arith.addi %and3A_500, %add3A_506 : vector<16xi32>
        %and3A_508 = arith.constant 127 : i32
        %and3A_509 = vector.broadcast %and3A_508 : i32 to vector<16xi32>
        %and3A_510 = arith.andi %add3A_507, %and3A_509 : vector<16xi32>
        %gather3A_511 = tpu.vector_load_idx %arg10[%add3A_424, %and3A_510] : memref<80x128xf32, #tpu.memory_space<vmem>>[vector<16xi32>, vector<16xi32>], vector<16xf32>,
        %gather3A_512 = tpu.vector_load_idx %arg11[%add3A_424, %and3A_510] : memref<80x128xf32, #tpu.memory_space<vmem>>[vector<16xi32>, vector<16xi32>], vector<16xf32>,
        %mul3A_513 = arith.mulf %gather3A_511, %gather3A_512 : vector<16xf32>
        %add3A_514 = arith.addf %add3A_504, %mul3A_513 : vector<16xf32>
        %add3A_515 = arith.constant 1 : i32
        %add3A_516 = vector.broadcast %add3A_515 : i32 to vector<16xi32>
        %add3A_517 = arith.addi %and3A_510, %add3A_516 : vector<16xi32>
        %and3A_518 = arith.constant 127 : i32
        %and3A_519 = vector.broadcast %and3A_518 : i32 to vector<16xi32>
        %and3A_520 = arith.andi %add3A_517, %and3A_519 : vector<16xi32>
        %gather3A_521 = tpu.vector_load_idx %arg10[%add3A_424, %and3A_520] : memref<80x128xf32, #tpu.memory_space<vmem>>[vector<16xi32>, vector<16xi32>], vector<16xf32>,
        %gather3A_522 = tpu.vector_load_idx %arg11[%add3A_424, %and3A_520] : memref<80x128xf32, #tpu.memory_space<vmem>>[vector<16xi32>, vector<16xi32>], vector<16xf32>,
        %mul3A_523 = arith.mulf %gather3A_521, %gather3A_522 : vector<16xf32>
        %add3A_524 = arith.addf %add3A_514, %mul3A_523 : vector<16xf32>
        %add3A_525 = arith.constant 1 : i32
        %add3A_526 = vector.broadcast %add3A_525 : i32 to vector<16xi32>
        %add3A_527 = arith.addi %and3A_520, %add3A_526 : vector<16xi32>
        %and3A_528 = arith.constant 127 : i32
        %and3A_529 = vector.broadcast %and3A_528 : i32 to vector<16xi32>
        %and3A_530 = arith.andi %add3A_527, %and3A_529 : vector<16xi32>
        %gather3A_531 = tpu.vector_load_idx %arg10[%add3A_424, %and3A_530] : memref<80x128xf32, #tpu.memory_space<vmem>>[vector<16xi32>, vector<16xi32>], vector<16xf32>,
        %gather3A_532 = tpu.vector_load_idx %arg11[%add3A_424, %and3A_530] : memref<80x128xf32, #tpu.memory_space<vmem>>[vector<16xi32>, vector<16xi32>], vector<16xf32>,
        %mul3A_533 = arith.mulf %gather3A_531, %gather3A_532 : vector<16xf32>
        %add3A_534 = arith.addf %add3A_524, %mul3A_533 : vector<16xf32>
        %add3A_535 = arith.constant 1 : i32
        %add3A_536 = vector.broadcast %add3A_535 : i32 to vector<16xi32>
        %add3A_537 = arith.addi %and3A_530, %add3A_536 : vector<16xi32>
        %and3A_538 = arith.constant 127 : i32
        %and3A_539 = vector.broadcast %and3A_538 : i32 to vector<16xi32>
        %and3A_540 = arith.andi %add3A_537, %and3A_539 : vector<16xi32>
        %gather3A_541 = tpu.vector_load_idx %arg10[%add3A_424, %and3A_540] : memref<80x128xf32, #tpu.memory_space<vmem>>[vector<16xi32>, vector<16xi32>], vector<16xf32>,
        %gather3A_542 = tpu.vector_load_idx %arg11[%add3A_424, %and3A_540] : memref<80x128xf32, #tpu.memory_space<vmem>>[vector<16xi32>, vector<16xi32>], vector<16xf32>,
        %mul3A_543 = arith.mulf %gather3A_541, %gather3A_542 : vector<16xf32>
        %add3A_544 = arith.addf %add3A_534, %mul3A_543 : vector<16xf32>
        %add3A_545 = arith.constant 1 : i32
        %add3A_546 = vector.broadcast %add3A_545 : i32 to vector<16xi32>
        %add3A_547 = arith.addi %and3A_540, %add3A_546 : vector<16xi32>
        %and3A_548 = arith.constant 127 : i32
        %and3A_549 = vector.broadcast %and3A_548 : i32 to vector<16xi32>
        %and3A_550 = arith.andi %add3A_547, %and3A_549 : vector<16xi32>
        %gather3A_551 = tpu.vector_load_idx %arg10[%add3A_424, %and3A_550] : memref<80x128xf32, #tpu.memory_space<vmem>>[vector<16xi32>, vector<16xi32>], vector<16xf32>,
        %gather3A_552 = tpu.vector_load_idx %arg11[%add3A_424, %and3A_550] : memref<80x128xf32, #tpu.memory_space<vmem>>[vector<16xi32>, vector<16xi32>], vector<16xf32>,
        %mul3A_553 = arith.mulf %gather3A_551, %gather3A_552 : vector<16xf32>
        %add3A_554 = arith.addf %add3A_544, %mul3A_553 : vector<16xf32>
        %add3A_555 = arith.constant 1 : i32
        %add3A_556 = vector.broadcast %add3A_555 : i32 to vector<16xi32>
        %add3A_557 = arith.addi %and3A_550, %add3A_556 : vector<16xi32>
        %and3A_558 = arith.constant 127 : i32
        %and3A_559 = vector.broadcast %and3A_558 : i32 to vector<16xi32>
        %and3A_560 = arith.andi %add3A_557, %and3A_559 : vector<16xi32>
        %gather3A_561 = tpu.vector_load_idx %arg10[%add3A_424, %and3A_560] : memref<80x128xf32, #tpu.memory_space<vmem>>[vector<16xi32>, vector<16xi32>], vector<16xf32>,
        %gather3A_562 = tpu.vector_load_idx %arg11[%add3A_424, %and3A_560] : memref<80x128xf32, #tpu.memory_space<vmem>>[vector<16xi32>, vector<16xi32>], vector<16xf32>,
        %mul3A_563 = arith.mulf %gather3A_561, %gather3A_562 : vector<16xf32>
        %add3A_564 = arith.addf %add3A_554, %mul3A_563 : vector<16xf32>
        %add3A_565 = arith.constant 1 : i32
        %add3A_566 = vector.broadcast %add3A_565 : i32 to vector<16xi32>
        %add3A_567 = arith.addi %and3A_560, %add3A_566 : vector<16xi32>
        %and3A_568 = arith.constant 127 : i32
        %and3A_569 = vector.broadcast %and3A_568 : i32 to vector<16xi32>
        %and3A_570 = arith.andi %add3A_567, %and3A_569 : vector<16xi32>
        %gather3A_571 = tpu.vector_load_idx %arg10[%add3A_424, %and3A_570] : memref<80x128xf32, #tpu.memory_space<vmem>>[vector<16xi32>, vector<16xi32>], vector<16xf32>,
        %gather3A_572 = tpu.vector_load_idx %arg11[%add3A_424, %and3A_570] : memref<80x128xf32, #tpu.memory_space<vmem>>[vector<16xi32>, vector<16xi32>], vector<16xf32>,
        %mul3A_573 = arith.mulf %gather3A_571, %gather3A_572 : vector<16xf32>
        %add3A_574 = arith.addf %add3A_564, %mul3A_573 : vector<16xf32>
        %add3A_575 = arith.constant 1 : i32
        %add3A_576 = vector.broadcast %add3A_575 : i32 to vector<16xi32>
        %add3A_577 = arith.addi %and3A_570, %add3A_576 : vector<16xi32>
        %and3A_578 = arith.constant 127 : i32
        %and3A_579 = vector.broadcast %and3A_578 : i32 to vector<16xi32>
        %and3A_580 = arith.andi %add3A_577, %and3A_579 : vector<16xi32>
        %gather3A_581 = tpu.vector_load_idx %arg10[%add3A_424, %and3A_580] : memref<80x128xf32, #tpu.memory_space<vmem>>[vector<16xi32>, vector<16xi32>], vector<16xf32>,
        %gather3A_582 = tpu.vector_load_idx %arg11[%add3A_424, %and3A_580] : memref<80x128xf32, #tpu.memory_space<vmem>>[vector<16xi32>, vector<16xi32>], vector<16xf32>,
        %mul3A_583 = arith.mulf %gather3A_581, %gather3A_582 : vector<16xf32>
        %add3A_584 = arith.addf %add3A_574, %mul3A_583 : vector<16xf32>
        %add3A_585 = arith.constant 1 : i32
        %add3A_586 = vector.broadcast %add3A_585 : i32 to vector<16xi32>
        %add3A_587 = arith.addi %and3A_580, %add3A_586 : vector<16xi32>
        %and3A_588 = arith.constant 127 : i32
        %and3A_589 = vector.broadcast %and3A_588 : i32 to vector<16xi32>
        %and3A_590 = arith.andi %add3A_587, %and3A_589 : vector<16xi32>
        %gather3A_591 = tpu.vector_load_idx %arg10[%add3A_424, %and3A_590] : memref<80x128xf32, #tpu.memory_space<vmem>>[vector<16xi32>, vector<16xi32>], vector<16xf32>,
        %gather3A_592 = tpu.vector_load_idx %arg11[%add3A_424, %and3A_590] : memref<80x128xf32, #tpu.memory_space<vmem>>[vector<16xi32>, vector<16xi32>], vector<16xf32>,
        %mul3A_593 = arith.mulf %gather3A_591, %gather3A_592 : vector<16xf32>
        %add3A_594 = arith.addf %add3A_584, %mul3A_593 : vector<16xf32>
        %add3A_595 = arith.constant 1 : i32
        %add3A_596 = vector.broadcast %add3A_595 : i32 to vector<16xi32>
        %add3A_597 = arith.addi %and3A_590, %add3A_596 : vector<16xi32>
        %and3A_598 = arith.constant 127 : i32
        %and3A_599 = vector.broadcast %and3A_598 : i32 to vector<16xi32>
        %and3A_600 = arith.andi %add3A_597, %and3A_599 : vector<16xi32>
        %gather3A_601 = tpu.vector_load_idx %arg10[%add3A_424, %and3A_600] : memref<80x128xf32, #tpu.memory_space<vmem>>[vector<16xi32>, vector<16xi32>], vector<16xf32>,
        %gather3A_602 = tpu.vector_load_idx %arg11[%add3A_424, %and3A_600] : memref<80x128xf32, #tpu.memory_space<vmem>>[vector<16xi32>, vector<16xi32>], vector<16xf32>,
        %mul3A_603 = arith.mulf %gather3A_601, %gather3A_602 : vector<16xf32>
        %add3A_604 = arith.addf %add3A_594, %mul3A_603 : vector<16xf32>
        %add3A_605 = arith.constant 1 : i32
        %add3A_606 = vector.broadcast %add3A_605 : i32 to vector<16xi32>
        %add3A_607 = arith.addi %and3A_600, %add3A_606 : vector<16xi32>
        %and3A_608 = arith.constant 127 : i32
        %and3A_609 = vector.broadcast %and3A_608 : i32 to vector<16xi32>
        %and3A_610 = arith.andi %add3A_607, %and3A_609 : vector<16xi32>
        %gather3A_611 = tpu.vector_load_idx %arg10[%add3A_424, %and3A_610] : memref<80x128xf32, #tpu.memory_space<vmem>>[vector<16xi32>, vector<16xi32>], vector<16xf32>,
        %gather3A_612 = tpu.vector_load_idx %arg11[%add3A_424, %and3A_610] : memref<80x128xf32, #tpu.memory_space<vmem>>[vector<16xi32>, vector<16xi32>], vector<16xf32>,
        %mul3A_613 = arith.mulf %gather3A_611, %gather3A_612 : vector<16xf32>
        %add3A_614 = arith.addf %add3A_604, %mul3A_613 : vector<16xf32>
        %add3A_615 = arith.constant 1 : i32
        %add3A_616 = vector.broadcast %add3A_615 : i32 to vector<16xi32>
        %add3A_617 = arith.addi %and3A_610, %add3A_616 : vector<16xi32>
        %and3A_618 = arith.constant 127 : i32
        %and3A_619 = vector.broadcast %and3A_618 : i32 to vector<16xi32>
        %and3A_620 = arith.andi %add3A_617, %and3A_619 : vector<16xi32>
        scf.yield %add3A_614, %and3A_620 : vector<16xf32>, vector<16xi32>
      }
      %scan3A_432 = arith.constant 8 : i32
      %neg3A_433 = arith.constant 0.000000e+00 : f32
      %neg3A_434 = vector.broadcast %neg3A_433 : f32 to vector<16xf32>
      %neg3A_435 = arith.subf %neg3A_434, %scan3A_431#0 : vector<16xf32>
      %exp3A_436 = math.exp %neg3A_435 : vector<16xf32>
      %add3A_437 = arith.constant 1.000000e+00 : f32
      %add3A_438 = vector.broadcast %add3A_437 : f32 to vector<16xf32>
      %add3A_439 = arith.addf %add3A_438, %exp3A_436 : vector<16xf32>
      %div3A_440 = arith.constant 1.000000e+00 : f32
      %div3A_441 = vector.broadcast %div3A_440 : f32 to vector<16xf32>
      %div3A_442 = arith.divf %div3A_441, %add3A_439 : vector<16xf32>
      %add3A_443 = arith.constant 64 : i32
      %add3A_444 = arith.addi %mul3A_321, %add3A_443 : i32
      %swap3A_445 = arith.index_cast %add3A_444 : i32 to index
      %swap3A_446 = tpu.vector_load %arg12[%swap3A_445] {strides = array<i32>} : memref<10000xf32, #tpu.memory_space<vmem>>, vector<16xf32>,
      tpu.vector_store %arg12[%swap3A_445], %div3A_442 {strides = array<i32>} : memref<10000xf32, #tpu.memory_space<vmem>>, vector<16xf32>,
      %add3A_447 = arith.constant 3 : i32
      %add3A_448 = arith.addi %mul3A_158, %add3A_447 : i32
      %min3A = arith.constant 124 : i32
      %min3A_449 = arith.minsi %add3A_448, %min3A : i32
      %mul3A_450 = arith.constant 80 : i32
      %mul3A_451 = arith.muli %min3A_449, %mul3A_450 : i32
      %dma_start3A_452 = tpu.memref_slice %arg6[%mul3A_451] : memref<10000xi32, #tpu.memory_space<vmem>> -> memref<80xi32, #tpu.memory_space<vmem>>
      %dma_start3A_453 = arith.constant 0 : i32
      %dma_start3A_454 = arith.constant 0 : i32
      %dma_start3A_455 = tpu.memref_slice %arg2[%dma_start3A_453, %dma_start3A_454] : memref<10000x128xf32, #tpu.memory_space<hbm>> -> memref<10000x128xf32, #tpu.memory_space<hbm>>
      tpu.enqueue_indirect_dma source(%dma_start3A_455 : memref<10000x128xf32, #tpu.memory_space<hbm>>) target(%arg10 : memref<80x128xf32, #tpu.memory_space<vmem>>) offsets(%dma_start3A_452 : memref<80xi32, #tpu.memory_space<vmem>>) semaphore(%arg14 : memref<!tpu.dma_semaphore, #tpu.memory_space<semaphore_mem>>)
      %dma_start3A_456 = tpu.memref_slice %arg7[%mul3A_451] : memref<10000xi32, #tpu.memory_space<vmem>> -> memref<80xi32, #tpu.memory_space<vmem>>
      %dma_start3A_457 = arith.constant 0 : i32
      %dma_start3A_458 = arith.constant 0 : i32
      %dma_start3A_459 = tpu.memref_slice %arg2[%dma_start3A_457, %dma_start3A_458] : memref<10000x128xf32, #tpu.memory_space<hbm>> -> memref<10000x128xf32, #tpu.memory_space<hbm>>
      tpu.enqueue_indirect_dma source(%dma_start3A_459 : memref<10000x128xf32, #tpu.memory_space<hbm>>) target(%arg11 : memref<80x128xf32, #tpu.memory_space<vmem>>) offsets(%dma_start3A_456 : memref<80xi32, #tpu.memory_space<vmem>>) semaphore(%arg14 : memref<!tpu.dma_semaphore, #tpu.memory_space<semaphore_mem>>)
    }
    %scan3A_26 = arith.constant 62 : i32
    %dma_wait3A = arith.constant 0 : i32
    %dma_wait3A_27 = tpu.memref_slice %arg6[%dma_wait3A] : memref<10000xi32, #tpu.memory_space<vmem>> -> memref<80xi32, #tpu.memory_space<vmem>>
    %dma_wait3A_28 = arith.constant 0 : i32
    %dma_wait3A_29 = arith.constant 0 : i32
    %dma_wait3A_30 = tpu.memref_slice %arg2[%dma_wait3A_28, %dma_wait3A_29] : memref<10000x128xf32, #tpu.memory_space<hbm>> -> memref<10000x128xf32, #tpu.memory_space<hbm>>
    tpu.wait_indirect_dma semaphore(%arg13 : memref<!tpu.dma_semaphore, #tpu.memory_space<semaphore_mem>>) src(%dma_wait3A_30 : memref<10000x128xf32, #tpu.memory_space<hbm>>) dst(%arg8 : memref<80x128xf32, #tpu.memory_space<vmem>>)
    %dma_wait3A_31 = arith.constant 0 : i32
    %dma_wait3A_32 = tpu.memref_slice %arg7[%dma_wait3A_31] : memref<10000xi32, #tpu.memory_space<vmem>> -> memref<80xi32, #tpu.memory_space<vmem>>
    %dma_wait3A_33 = arith.constant 0 : i32
    %dma_wait3A_34 = arith.constant 0 : i32
    %dma_wait3A_35 = tpu.memref_slice %arg2[%dma_wait3A_33, %dma_wait3A_34] : memref<10000x128xf32, #tpu.memory_space<hbm>> -> memref<10000x128xf32, #tpu.memory_space<hbm>>
    tpu.wait_indirect_dma semaphore(%arg13 : memref<!tpu.dma_semaphore, #tpu.memory_space<semaphore_mem>>) src(%dma_wait3A_35 : memref<10000x128xf32, #tpu.memory_space<hbm>>) dst(%arg9 : memref<80x128xf32, #tpu.memory_space<vmem>>)
    %broadcast_in_dim3A = arith.constant 0 : i32
    %broadcast_in_dim3A_36 = vector.broadcast %broadcast_in_dim3A : i32 to vector<16xi32>
    %add3A_37 = arith.addi %broadcast_in_dim3A_36, %iota3A : vector<16xi32>
    %broadcast_in_dim3A_38 = arith.constant 0.000000e+00 : f32
    %broadcast_in_dim3A_39 = vector.broadcast %broadcast_in_dim3A_38 : f32 to vector<16xf32>
    %scan3A_40 = arith.constant 0 : i32
    %scan3A_41 = arith.constant 8 : i32
    %scan3A_42 = arith.addi %scan3A_40, %scan3A_41 : i32
    %scan3A_43 = arith.constant 1 : i32
    %scan3A_44:2 = scf.for %scan3A_156 = %scan3A_40 to %scan3A_42 step %scan3A_43 iter_args(%scan3A_157 = %broadcast_in_dim3A_39, %scan3A_158 = %iota3A) -> (vector<16xf32>, vector<16xi32>)  : i32 {
      %gather3A = tpu.vector_load_idx %arg8[%add3A_37, %scan3A_158] : memref<80x128xf32, #tpu.memory_space<vmem>>[vector<16xi32>, vector<16xi32>], vector<16xf32>,
      %gather3A_159 = tpu.vector_load_idx %arg9[%add3A_37, %scan3A_158] : memref<80x128xf32, #tpu.memory_space<vmem>>[vector<16xi32>, vector<16xi32>], vector<16xf32>,
      %mul3A_160 = arith.mulf %gather3A, %gather3A_159 : vector<16xf32>
      %add3A_161 = arith.addf %scan3A_157, %mul3A_160 : vector<16xf32>
      %add3A_162 = arith.constant 1 : i32
      %add3A_163 = vector.broadcast %add3A_162 : i32 to vector<16xi32>
      %add3A_164 = arith.addi %scan3A_158, %add3A_163 : vector<16xi32>
      %and3A = arith.constant 127 : i32
      %and3A_165 = vector.broadcast %and3A : i32 to vector<16xi32>
      %and3A_166 = arith.andi %add3A_164, %and3A_165 : vector<16xi32>
      %gather3A_167 = tpu.vector_load_idx %arg8[%add3A_37, %and3A_166] : memref<80x128xf32, #tpu.memory_space<vmem>>[vector<16xi32>, vector<16xi32>], vector<16xf32>,
      %gather3A_168 = tpu.vector_load_idx %arg9[%add3A_37, %and3A_166] : memref<80x128xf32, #tpu.memory_space<vmem>>[vector<16xi32>, vector<16xi32>], vector<16xf32>,
      %mul3A_169 = arith.mulf %gather3A_167, %gather3A_168 : vector<16xf32>
      %add3A_170 = arith.addf %add3A_161, %mul3A_169 : vector<16xf32>
      %add3A_171 = arith.constant 1 : i32
      %add3A_172 = vector.broadcast %add3A_171 : i32 to vector<16xi32>
      %add3A_173 = arith.addi %and3A_166, %add3A_172 : vector<16xi32>
      %and3A_174 = arith.constant 127 : i32
      %and3A_175 = vector.broadcast %and3A_174 : i32 to vector<16xi32>
      %and3A_176 = arith.andi %add3A_173, %and3A_175 : vector<16xi32>
      %gather3A_177 = tpu.vector_load_idx %arg8[%add3A_37, %and3A_176] : memref<80x128xf32, #tpu.memory_space<vmem>>[vector<16xi32>, vector<16xi32>], vector<16xf32>,
      %gather3A_178 = tpu.vector_load_idx %arg9[%add3A_37, %and3A_176] : memref<80x128xf32, #tpu.memory_space<vmem>>[vector<16xi32>, vector<16xi32>], vector<16xf32>,
      %mul3A_179 = arith.mulf %gather3A_177, %gather3A_178 : vector<16xf32>
      %add3A_180 = arith.addf %add3A_170, %mul3A_179 : vector<16xf32>
      %add3A_181 = arith.constant 1 : i32
      %add3A_182 = vector.broadcast %add3A_181 : i32 to vector<16xi32>
      %add3A_183 = arith.addi %and3A_176, %add3A_182 : vector<16xi32>
      %and3A_184 = arith.constant 127 : i32
      %and3A_185 = vector.broadcast %and3A_184 : i32 to vector<16xi32>
      %and3A_186 = arith.andi %add3A_183, %and3A_185 : vector<16xi32>
      %gather3A_187 = tpu.vector_load_idx %arg8[%add3A_37, %and3A_186] : memref<80x128xf32, #tpu.memory_space<vmem>>[vector<16xi32>, vector<16xi32>], vector<16xf32>,
      %gather3A_188 = tpu.vector_load_idx %arg9[%add3A_37, %and3A_186] : memref<80x128xf32, #tpu.memory_space<vmem>>[vector<16xi32>, vector<16xi32>], vector<16xf32>,
      %mul3A_189 = arith.mulf %gather3A_187, %gather3A_188 : vector<16xf32>
      %add3A_190 = arith.addf %add3A_180, %mul3A_189 : vector<16xf32>
      %add3A_191 = arith.constant 1 : i32
      %add3A_192 = vector.broadcast %add3A_191 : i32 to vector<16xi32>
      %add3A_193 = arith.addi %and3A_186, %add3A_192 : vector<16xi32>
      %and3A_194 = arith.constant 127 : i32
      %and3A_195 = vector.broadcast %and3A_194 : i32 to vector<16xi32>
      %and3A_196 = arith.andi %add3A_193, %and3A_195 : vector<16xi32>
      %gather3A_197 = tpu.vector_load_idx %arg8[%add3A_37, %and3A_196] : memref<80x128xf32, #tpu.memory_space<vmem>>[vector<16xi32>, vector<16xi32>], vector<16xf32>,
      %gather3A_198 = tpu.vector_load_idx %arg9[%add3A_37, %and3A_196] : memref<80x128xf32, #tpu.memory_space<vmem>>[vector<16xi32>, vector<16xi32>], vector<16xf32>,
      %mul3A_199 = arith.mulf %gather3A_197, %gather3A_198 : vector<16xf32>
      %add3A_200 = arith.addf %add3A_190, %mul3A_199 : vector<16xf32>
      %add3A_201 = arith.constant 1 : i32
      %add3A_202 = vector.broadcast %add3A_201 : i32 to vector<16xi32>
      %add3A_203 = arith.addi %and3A_196, %add3A_202 : vector<16xi32>
      %and3A_204 = arith.constant 127 : i32
      %and3A_205 = vector.broadcast %and3A_204 : i32 to vector<16xi32>
      %and3A_206 = arith.andi %add3A_203, %and3A_205 : vector<16xi32>
      %gather3A_207 = tpu.vector_load_idx %arg8[%add3A_37, %and3A_206] : memref<80x128xf32, #tpu.memory_space<vmem>>[vector<16xi32>, vector<16xi32>], vector<16xf32>,
      %gather3A_208 = tpu.vector_load_idx %arg9[%add3A_37, %and3A_206] : memref<80x128xf32, #tpu.memory_space<vmem>>[vector<16xi32>, vector<16xi32>], vector<16xf32>,
      %mul3A_209 = arith.mulf %gather3A_207, %gather3A_208 : vector<16xf32>
      %add3A_210 = arith.addf %add3A_200, %mul3A_209 : vector<16xf32>
      %add3A_211 = arith.constant 1 : i32
      %add3A_212 = vector.broadcast %add3A_211 : i32 to vector<16xi32>
      %add3A_213 = arith.addi %and3A_206, %add3A_212 : vector<16xi32>
      %and3A_214 = arith.constant 127 : i32
      %and3A_215 = vector.broadcast %and3A_214 : i32 to vector<16xi32>
      %and3A_216 = arith.andi %add3A_213, %and3A_215 : vector<16xi32>
      %gather3A_217 = tpu.vector_load_idx %arg8[%add3A_37, %and3A_216] : memref<80x128xf32, #tpu.memory_space<vmem>>[vector<16xi32>, vector<16xi32>], vector<16xf32>,
      %gather3A_218 = tpu.vector_load_idx %arg9[%add3A_37, %and3A_216] : memref<80x128xf32, #tpu.memory_space<vmem>>[vector<16xi32>, vector<16xi32>], vector<16xf32>,
      %mul3A_219 = arith.mulf %gather3A_217, %gather3A_218 : vector<16xf32>
      %add3A_220 = arith.addf %add3A_210, %mul3A_219 : vector<16xf32>
      %add3A_221 = arith.constant 1 : i32
      %add3A_222 = vector.broadcast %add3A_221 : i32 to vector<16xi32>
      %add3A_223 = arith.addi %and3A_216, %add3A_222 : vector<16xi32>
      %and3A_224 = arith.constant 127 : i32
      %and3A_225 = vector.broadcast %and3A_224 : i32 to vector<16xi32>
      %and3A_226 = arith.andi %add3A_223, %and3A_225 : vector<16xi32>
      %gather3A_227 = tpu.vector_load_idx %arg8[%add3A_37, %and3A_226] : memref<80x128xf32, #tpu.memory_space<vmem>>[vector<16xi32>, vector<16xi32>], vector<16xf32>,
      %gather3A_228 = tpu.vector_load_idx %arg9[%add3A_37, %and3A_226] : memref<80x128xf32, #tpu.memory_space<vmem>>[vector<16xi32>, vector<16xi32>], vector<16xf32>,
      %mul3A_229 = arith.mulf %gather3A_227, %gather3A_228 : vector<16xf32>
      %add3A_230 = arith.addf %add3A_220, %mul3A_229 : vector<16xf32>
      %add3A_231 = arith.constant 1 : i32
      %add3A_232 = vector.broadcast %add3A_231 : i32 to vector<16xi32>
      %add3A_233 = arith.addi %and3A_226, %add3A_232 : vector<16xi32>
      %and3A_234 = arith.constant 127 : i32
      %and3A_235 = vector.broadcast %and3A_234 : i32 to vector<16xi32>
      %and3A_236 = arith.andi %add3A_233, %and3A_235 : vector<16xi32>
      %gather3A_237 = tpu.vector_load_idx %arg8[%add3A_37, %and3A_236] : memref<80x128xf32, #tpu.memory_space<vmem>>[vector<16xi32>, vector<16xi32>], vector<16xf32>,
      %gather3A_238 = tpu.vector_load_idx %arg9[%add3A_37, %and3A_236] : memref<80x128xf32, #tpu.memory_space<vmem>>[vector<16xi32>, vector<16xi32>], vector<16xf32>,
      %mul3A_239 = arith.mulf %gather3A_237, %gather3A_238 : vector<16xf32>
      %add3A_240 = arith.addf %add3A_230, %mul3A_239 : vector<16xf32>
      %add3A_241 = arith.constant 1 : i32
      %add3A_242 = vector.broadcast %add3A_241 : i32 to vector<16xi32>
      %add3A_243 = arith.addi %and3A_236, %add3A_242 : vector<16xi32>
      %and3A_244 = arith.constant 127 : i32
      %and3A_245 = vector.broadcast %and3A_244 : i32 to vector<16xi32>
      %and3A_246 = arith.andi %add3A_243, %and3A_245 : vector<16xi32>
      %gather3A_247 = tpu.vector_load_idx %arg8[%add3A_37, %and3A_246] : memref<80x128xf32, #tpu.memory_space<vmem>>[vector<16xi32>, vector<16xi32>], vector<16xf32>,
      %gather3A_248 = tpu.vector_load_idx %arg9[%add3A_37, %and3A_246] : memref<80x128xf32, #tpu.memory_space<vmem>>[vector<16xi32>, vector<16xi32>], vector<16xf32>,
      %mul3A_249 = arith.mulf %gather3A_247, %gather3A_248 : vector<16xf32>
      %add3A_250 = arith.addf %add3A_240, %mul3A_249 : vector<16xf32>
      %add3A_251 = arith.constant 1 : i32
      %add3A_252 = vector.broadcast %add3A_251 : i32 to vector<16xi32>
      %add3A_253 = arith.addi %and3A_246, %add3A_252 : vector<16xi32>
      %and3A_254 = arith.constant 127 : i32
      %and3A_255 = vector.broadcast %and3A_254 : i32 to vector<16xi32>
      %and3A_256 = arith.andi %add3A_253, %and3A_255 : vector<16xi32>
      %gather3A_257 = tpu.vector_load_idx %arg8[%add3A_37, %and3A_256] : memref<80x128xf32, #tpu.memory_space<vmem>>[vector<16xi32>, vector<16xi32>], vector<16xf32>,
      %gather3A_258 = tpu.vector_load_idx %arg9[%add3A_37, %and3A_256] : memref<80x128xf32, #tpu.memory_space<vmem>>[vector<16xi32>, vector<16xi32>], vector<16xf32>,
      %mul3A_259 = arith.mulf %gather3A_257, %gather3A_258 : vector<16xf32>
      %add3A_260 = arith.addf %add3A_250, %mul3A_259 : vector<16xf32>
      %add3A_261 = arith.constant 1 : i32
      %add3A_262 = vector.broadcast %add3A_261 : i32 to vector<16xi32>
      %add3A_263 = arith.addi %and3A_256, %add3A_262 : vector<16xi32>
      %and3A_264 = arith.constant 127 : i32
      %and3A_265 = vector.broadcast %and3A_264 : i32 to vector<16xi32>
      %and3A_266 = arith.andi %add3A_263, %and3A_265 : vector<16xi32>
      %gather3A_267 = tpu.vector_load_idx %arg8[%add3A_37, %and3A_266] : memref<80x128xf32, #tpu.memory_space<vmem>>[vector<16xi32>, vector<16xi32>], vector<16xf32>,
      %gather3A_268 = tpu.vector_load_idx %arg9[%add3A_37, %and3A_266] : memref<80x128xf32, #tpu.memory_space<vmem>>[vector<16xi32>, vector<16xi32>], vector<16xf32>,
      %mul3A_269 = arith.mulf %gather3A_267, %gather3A_268 : vector<16xf32>
      %add3A_270 = arith.addf %add3A_260, %mul3A_269 : vector<16xf32>
      %add3A_271 = arith.constant 1 : i32
      %add3A_272 = vector.broadcast %add3A_271 : i32 to vector<16xi32>
      %add3A_273 = arith.addi %and3A_266, %add3A_272 : vector<16xi32>
      %and3A_274 = arith.constant 127 : i32
      %and3A_275 = vector.broadcast %and3A_274 : i32 to vector<16xi32>
      %and3A_276 = arith.andi %add3A_273, %and3A_275 : vector<16xi32>
      %gather3A_277 = tpu.vector_load_idx %arg8[%add3A_37, %and3A_276] : memref<80x128xf32, #tpu.memory_space<vmem>>[vector<16xi32>, vector<16xi32>], vector<16xf32>,
      %gather3A_278 = tpu.vector_load_idx %arg9[%add3A_37, %and3A_276] : memref<80x128xf32, #tpu.memory_space<vmem>>[vector<16xi32>, vector<16xi32>], vector<16xf32>,
      %mul3A_279 = arith.mulf %gather3A_277, %gather3A_278 : vector<16xf32>
      %add3A_280 = arith.addf %add3A_270, %mul3A_279 : vector<16xf32>
      %add3A_281 = arith.constant 1 : i32
      %add3A_282 = vector.broadcast %add3A_281 : i32 to vector<16xi32>
      %add3A_283 = arith.addi %and3A_276, %add3A_282 : vector<16xi32>
      %and3A_284 = arith.constant 127 : i32
      %and3A_285 = vector.broadcast %and3A_284 : i32 to vector<16xi32>
      %and3A_286 = arith.andi %add3A_283, %and3A_285 : vector<16xi32>
      %gather3A_287 = tpu.vector_load_idx %arg8[%add3A_37, %and3A_286] : memref<80x128xf32, #tpu.memory_space<vmem>>[vector<16xi32>, vector<16xi32>], vector<16xf32>,
      %gather3A_288 = tpu.vector_load_idx %arg9[%add3A_37, %and3A_286] : memref<80x128xf32, #tpu.memory_space<vmem>>[vector<16xi32>, vector<16xi32>], vector<16xf32>,
      %mul3A_289 = arith.mulf %gather3A_287, %gather3A_288 : vector<16xf32>
      %add3A_290 = arith.addf %add3A_280, %mul3A_289 : vector<16xf32>
      %add3A_291 = arith.constant 1 : i32
      %add3A_292 = vector.broadcast %add3A_291 : i32 to vector<16xi32>
      %add3A_293 = arith.addi %and3A_286, %add3A_292 : vector<16xi32>
      %and3A_294 = arith.constant 127 : i32
      %and3A_295 = vector.broadcast %and3A_294 : i32 to vector<16xi32>
      %and3A_296 = arith.andi %add3A_293, %and3A_295 : vector<16xi32>
      %gather3A_297 = tpu.vector_load_idx %arg8[%add3A_37, %and3A_296] : memref<80x128xf32, #tpu.memory_space<vmem>>[vector<16xi32>, vector<16xi32>], vector<16xf32>,
      %gather3A_298 = tpu.vector_load_idx %arg9[%add3A_37, %and3A_296] : memref<80x128xf32, #tpu.memory_space<vmem>>[vector<16xi32>, vector<16xi32>], vector<16xf32>,
      %mul3A_299 = arith.mulf %gather3A_297, %gather3A_298 : vector<16xf32>
      %add3A_300 = arith.addf %add3A_290, %mul3A_299 : vector<16xf32>
      %add3A_301 = arith.constant 1 : i32
      %add3A_302 = vector.broadcast %add3A_301 : i32 to vector<16xi32>
      %add3A_303 = arith.addi %and3A_296, %add3A_302 : vector<16xi32>
      %and3A_304 = arith.constant 127 : i32
      %and3A_305 = vector.broadcast %and3A_304 : i32 to vector<16xi32>
      %and3A_306 = arith.andi %add3A_303, %and3A_305 : vector<16xi32>
      %gather3A_307 = tpu.vector_load_idx %arg8[%add3A_37, %and3A_306] : memref<80x128xf32, #tpu.memory_space<vmem>>[vector<16xi32>, vector<16xi32>], vector<16xf32>,
      %gather3A_308 = tpu.vector_load_idx %arg9[%add3A_37, %and3A_306] : memref<80x128xf32, #tpu.memory_space<vmem>>[vector<16xi32>, vector<16xi32>], vector<16xf32>,
      %mul3A_309 = arith.mulf %gather3A_307, %gather3A_308 : vector<16xf32>
      %add3A_310 = arith.addf %add3A_300, %mul3A_309 : vector<16xf32>
      %add3A_311 = arith.constant 1 : i32
      %add3A_312 = vector.broadcast %add3A_311 : i32 to vector<16xi32>
      %add3A_313 = arith.addi %and3A_306, %add3A_312 : vector<16xi32>
      %and3A_314 = arith.constant 127 : i32
      %and3A_315 = vector.broadcast %and3A_314 : i32 to vector<16xi32>
      %and3A_316 = arith.andi %add3A_313, %and3A_315 : vector<16xi32>
      scf.yield %add3A_310, %and3A_316 : vector<16xf32>, vector<16xi32>
    }
    %scan3A_45 = arith.constant 8 : i32
    %neg3A = arith.constant 0.000000e+00 : f32
    %neg3A_46 = vector.broadcast %neg3A : f32 to vector<16xf32>
    %neg3A_47 = arith.subf %neg3A_46, %scan3A_44#0 : vector<16xf32>
    %exp3A = math.exp %neg3A_47 : vector<16xf32>
    %add3A_48 = arith.constant 1.000000e+00 : f32
    %add3A_49 = vector.broadcast %add3A_48 : f32 to vector<16xf32>
    %add3A_50 = arith.addf %add3A_49, %exp3A : vector<16xf32>
    %div3A = arith.constant 1.000000e+00 : f32
    %div3A_51 = vector.broadcast %div3A : f32 to vector<16xf32>
    %div3A_52 = arith.divf %div3A_51, %add3A_50 : vector<16xf32>
    %swap3A = arith.constant 9920 : index
    %swap3A_53 = tpu.vector_load %arg12[%swap3A] {strides = array<i32>} : memref<10000xf32, #tpu.memory_space<vmem>>, vector<16xf32>,
    tpu.vector_store %arg12[%swap3A], %div3A_52 {strides = array<i32>} : memref<10000xf32, #tpu.memory_space<vmem>>, vector<16xf32>,
    %broadcast_in_dim3A_54 = arith.constant 16 : i32
    %broadcast_in_dim3A_55 = vector.broadcast %broadcast_in_dim3A_54 : i32 to vector<16xi32>
    %add3A_56 = arith.addi %broadcast_in_dim3A_55, %iota3A : vector<16xi32>
    %broadcast_in_dim3A_57 = arith.constant 0.000000e+00 : f32
    %broadcast_in_dim3A_58 = vector.broadcast %broadcast_in_dim3A_57 : f32 to vector<16xf32>
    %scan3A_59 = arith.constant 0 : i32
    %scan3A_60 = arith.constant 8 : i32
    %scan3A_61 = arith.addi %scan3A_59, %scan3A_60 : i32
    %scan3A_62 = arith.constant 1 : i32
    %scan3A_63:2 = scf.for %scan3A_156 = %scan3A_59 to %scan3A_61 step %scan3A_62 iter_args(%scan3A_157 = %broadcast_in_dim3A_58, %scan3A_158 = %iota3A) -> (vector<16xf32>, vector<16xi32>)  : i32 {
      %gather3A = tpu.vector_load_idx %arg8[%add3A_56, %scan3A_158] : memref<80x128xf32, #tpu.memory_space<vmem>>[vector<16xi32>, vector<16xi32>], vector<16xf32>,
      %gather3A_159 = tpu.vector_load_idx %arg9[%add3A_56, %scan3A_158] : memref<80x128xf32, #tpu.memory_space<vmem>>[vector<16xi32>, vector<16xi32>], vector<16xf32>,
      %mul3A_160 = arith.mulf %gather3A, %gather3A_159 : vector<16xf32>
      %add3A_161 = arith.addf %scan3A_157, %mul3A_160 : vector<16xf32>
      %add3A_162 = arith.constant 1 : i32
      %add3A_163 = vector.broadcast %add3A_162 : i32 to vector<16xi32>
      %add3A_164 = arith.addi %scan3A_158, %add3A_163 : vector<16xi32>
      %and3A = arith.constant 127 : i32
      %and3A_165 = vector.broadcast %and3A : i32 to vector<16xi32>
      %and3A_166 = arith.andi %add3A_164, %and3A_165 : vector<16xi32>
      %gather3A_167 = tpu.vector_load_idx %arg8[%add3A_56, %and3A_166] : memref<80x128xf32, #tpu.memory_space<vmem>>[vector<16xi32>, vector<16xi32>], vector<16xf32>,
      %gather3A_168 = tpu.vector_load_idx %arg9[%add3A_56, %and3A_166] : memref<80x128xf32, #tpu.memory_space<vmem>>[vector<16xi32>, vector<16xi32>], vector<16xf32>,
      %mul3A_169 = arith.mulf %gather3A_167, %gather3A_168 : vector<16xf32>
      %add3A_170 = arith.addf %add3A_161, %mul3A_169 : vector<16xf32>
      %add3A_171 = arith.constant 1 : i32
      %add3A_172 = vector.broadcast %add3A_171 : i32 to vector<16xi32>
      %add3A_173 = arith.addi %and3A_166, %add3A_172 : vector<16xi32>
      %and3A_174 = arith.constant 127 : i32
      %and3A_175 = vector.broadcast %and3A_174 : i32 to vector<16xi32>
      %and3A_176 = arith.andi %add3A_173, %and3A_175 : vector<16xi32>
      %gather3A_177 = tpu.vector_load_idx %arg8[%add3A_56, %and3A_176] : memref<80x128xf32, #tpu.memory_space<vmem>>[vector<16xi32>, vector<16xi32>], vector<16xf32>,
      %gather3A_178 = tpu.vector_load_idx %arg9[%add3A_56, %and3A_176] : memref<80x128xf32, #tpu.memory_space<vmem>>[vector<16xi32>, vector<16xi32>], vector<16xf32>,
      %mul3A_179 = arith.mulf %gather3A_177, %gather3A_178 : vector<16xf32>
      %add3A_180 = arith.addf %add3A_170, %mul3A_179 : vector<16xf32>
      %add3A_181 = arith.constant 1 : i32
      %add3A_182 = vector.broadcast %add3A_181 : i32 to vector<16xi32>
      %add3A_183 = arith.addi %and3A_176, %add3A_182 : vector<16xi32>
      %and3A_184 = arith.constant 127 : i32
      %and3A_185 = vector.broadcast %and3A_184 : i32 to vector<16xi32>
      %and3A_186 = arith.andi %add3A_183, %and3A_185 : vector<16xi32>
      %gather3A_187 = tpu.vector_load_idx %arg8[%add3A_56, %and3A_186] : memref<80x128xf32, #tpu.memory_space<vmem>>[vector<16xi32>, vector<16xi32>], vector<16xf32>,
      %gather3A_188 = tpu.vector_load_idx %arg9[%add3A_56, %and3A_186] : memref<80x128xf32, #tpu.memory_space<vmem>>[vector<16xi32>, vector<16xi32>], vector<16xf32>,
      %mul3A_189 = arith.mulf %gather3A_187, %gather3A_188 : vector<16xf32>
      %add3A_190 = arith.addf %add3A_180, %mul3A_189 : vector<16xf32>
      %add3A_191 = arith.constant 1 : i32
      %add3A_192 = vector.broadcast %add3A_191 : i32 to vector<16xi32>
      %add3A_193 = arith.addi %and3A_186, %add3A_192 : vector<16xi32>
      %and3A_194 = arith.constant 127 : i32
      %and3A_195 = vector.broadcast %and3A_194 : i32 to vector<16xi32>
      %and3A_196 = arith.andi %add3A_193, %and3A_195 : vector<16xi32>
      %gather3A_197 = tpu.vector_load_idx %arg8[%add3A_56, %and3A_196] : memref<80x128xf32, #tpu.memory_space<vmem>>[vector<16xi32>, vector<16xi32>], vector<16xf32>,
      %gather3A_198 = tpu.vector_load_idx %arg9[%add3A_56, %and3A_196] : memref<80x128xf32, #tpu.memory_space<vmem>>[vector<16xi32>, vector<16xi32>], vector<16xf32>,
      %mul3A_199 = arith.mulf %gather3A_197, %gather3A_198 : vector<16xf32>
      %add3A_200 = arith.addf %add3A_190, %mul3A_199 : vector<16xf32>
      %add3A_201 = arith.constant 1 : i32
      %add3A_202 = vector.broadcast %add3A_201 : i32 to vector<16xi32>
      %add3A_203 = arith.addi %and3A_196, %add3A_202 : vector<16xi32>
      %and3A_204 = arith.constant 127 : i32
      %and3A_205 = vector.broadcast %and3A_204 : i32 to vector<16xi32>
      %and3A_206 = arith.andi %add3A_203, %and3A_205 : vector<16xi32>
      %gather3A_207 = tpu.vector_load_idx %arg8[%add3A_56, %and3A_206] : memref<80x128xf32, #tpu.memory_space<vmem>>[vector<16xi32>, vector<16xi32>], vector<16xf32>,
      %gather3A_208 = tpu.vector_load_idx %arg9[%add3A_56, %and3A_206] : memref<80x128xf32, #tpu.memory_space<vmem>>[vector<16xi32>, vector<16xi32>], vector<16xf32>,
      %mul3A_209 = arith.mulf %gather3A_207, %gather3A_208 : vector<16xf32>
      %add3A_210 = arith.addf %add3A_200, %mul3A_209 : vector<16xf32>
      %add3A_211 = arith.constant 1 : i32
      %add3A_212 = vector.broadcast %add3A_211 : i32 to vector<16xi32>
      %add3A_213 = arith.addi %and3A_206, %add3A_212 : vector<16xi32>
      %and3A_214 = arith.constant 127 : i32
      %and3A_215 = vector.broadcast %and3A_214 : i32 to vector<16xi32>
      %and3A_216 = arith.andi %add3A_213, %and3A_215 : vector<16xi32>
      %gather3A_217 = tpu.vector_load_idx %arg8[%add3A_56, %and3A_216] : memref<80x128xf32, #tpu.memory_space<vmem>>[vector<16xi32>, vector<16xi32>], vector<16xf32>,
      %gather3A_218 = tpu.vector_load_idx %arg9[%add3A_56, %and3A_216] : memref<80x128xf32, #tpu.memory_space<vmem>>[vector<16xi32>, vector<16xi32>], vector<16xf32>,
      %mul3A_219 = arith.mulf %gather3A_217, %gather3A_218 : vector<16xf32>
      %add3A_220 = arith.addf %add3A_210, %mul3A_219 : vector<16xf32>
      %add3A_221 = arith.constant 1 : i32
      %add3A_222 = vector.broadcast %add3A_221 : i32 to vector<16xi32>
      %add3A_223 = arith.addi %and3A_216, %add3A_222 : vector<16xi32>
      %and3A_224 = arith.constant 127 : i32
      %and3A_225 = vector.broadcast %and3A_224 : i32 to vector<16xi32>
      %and3A_226 = arith.andi %add3A_223, %and3A_225 : vector<16xi32>
      %gather3A_227 = tpu.vector_load_idx %arg8[%add3A_56, %and3A_226] : memref<80x128xf32, #tpu.memory_space<vmem>>[vector<16xi32>, vector<16xi32>], vector<16xf32>,
      %gather3A_228 = tpu.vector_load_idx %arg9[%add3A_56, %and3A_226] : memref<80x128xf32, #tpu.memory_space<vmem>>[vector<16xi32>, vector<16xi32>], vector<16xf32>,
      %mul3A_229 = arith.mulf %gather3A_227, %gather3A_228 : vector<16xf32>
      %add3A_230 = arith.addf %add3A_220, %mul3A_229 : vector<16xf32>
      %add3A_231 = arith.constant 1 : i32
      %add3A_232 = vector.broadcast %add3A_231 : i32 to vector<16xi32>
      %add3A_233 = arith.addi %and3A_226, %add3A_232 : vector<16xi32>
      %and3A_234 = arith.constant 127 : i32
      %and3A_235 = vector.broadcast %and3A_234 : i32 to vector<16xi32>
      %and3A_236 = arith.andi %add3A_233, %and3A_235 : vector<16xi32>
      %gather3A_237 = tpu.vector_load_idx %arg8[%add3A_56, %and3A_236] : memref<80x128xf32, #tpu.memory_space<vmem>>[vector<16xi32>, vector<16xi32>], vector<16xf32>,
      %gather3A_238 = tpu.vector_load_idx %arg9[%add3A_56, %and3A_236] : memref<80x128xf32, #tpu.memory_space<vmem>>[vector<16xi32>, vector<16xi32>], vector<16xf32>,
      %mul3A_239 = arith.mulf %gather3A_237, %gather3A_238 : vector<16xf32>
      %add3A_240 = arith.addf %add3A_230, %mul3A_239 : vector<16xf32>
      %add3A_241 = arith.constant 1 : i32
      %add3A_242 = vector.broadcast %add3A_241 : i32 to vector<16xi32>
      %add3A_243 = arith.addi %and3A_236, %add3A_242 : vector<16xi32>
      %and3A_244 = arith.constant 127 : i32
      %and3A_245 = vector.broadcast %and3A_244 : i32 to vector<16xi32>
      %and3A_246 = arith.andi %add3A_243, %and3A_245 : vector<16xi32>
      %gather3A_247 = tpu.vector_load_idx %arg8[%add3A_56, %and3A_246] : memref<80x128xf32, #tpu.memory_space<vmem>>[vector<16xi32>, vector<16xi32>], vector<16xf32>,
      %gather3A_248 = tpu.vector_load_idx %arg9[%add3A_56, %and3A_246] : memref<80x128xf32, #tpu.memory_space<vmem>>[vector<16xi32>, vector<16xi32>], vector<16xf32>,
      %mul3A_249 = arith.mulf %gather3A_247, %gather3A_248 : vector<16xf32>
      %add3A_250 = arith.addf %add3A_240, %mul3A_249 : vector<16xf32>
      %add3A_251 = arith.constant 1 : i32
      %add3A_252 = vector.broadcast %add3A_251 : i32 to vector<16xi32>
      %add3A_253 = arith.addi %and3A_246, %add3A_252 : vector<16xi32>
      %and3A_254 = arith.constant 127 : i32
      %and3A_255 = vector.broadcast %and3A_254 : i32 to vector<16xi32>
      %and3A_256 = arith.andi %add3A_253, %and3A_255 : vector<16xi32>
      %gather3A_257 = tpu.vector_load_idx %arg8[%add3A_56, %and3A_256] : memref<80x128xf32, #tpu.memory_space<vmem>>[vector<16xi32>, vector<16xi32>], vector<16xf32>,
      %gather3A_258 = tpu.vector_load_idx %arg9[%add3A_56, %and3A_256] : memref<80x128xf32, #tpu.memory_space<vmem>>[vector<16xi32>, vector<16xi32>], vector<16xf32>,
      %mul3A_259 = arith.mulf %gather3A_257, %gather3A_258 : vector<16xf32>
      %add3A_260 = arith.addf %add3A_250, %mul3A_259 : vector<16xf32>
      %add3A_261 = arith.constant 1 : i32
      %add3A_262 = vector.broadcast %add3A_261 : i32 to vector<16xi32>
      %add3A_263 = arith.addi %and3A_256, %add3A_262 : vector<16xi32>
      %and3A_264 = arith.constant 127 : i32
      %and3A_265 = vector.broadcast %and3A_264 : i32 to vector<16xi32>
      %and3A_266 = arith.andi %add3A_263, %and3A_265 : vector<16xi32>
      %gather3A_267 = tpu.vector_load_idx %arg8[%add3A_56, %and3A_266] : memref<80x128xf32, #tpu.memory_space<vmem>>[vector<16xi32>, vector<16xi32>], vector<16xf32>,
      %gather3A_268 = tpu.vector_load_idx %arg9[%add3A_56, %and3A_266] : memref<80x128xf32, #tpu.memory_space<vmem>>[vector<16xi32>, vector<16xi32>], vector<16xf32>,
      %mul3A_269 = arith.mulf %gather3A_267, %gather3A_268 : vector<16xf32>
      %add3A_270 = arith.addf %add3A_260, %mul3A_269 : vector<16xf32>
      %add3A_271 = arith.constant 1 : i32
      %add3A_272 = vector.broadcast %add3A_271 : i32 to vector<16xi32>
      %add3A_273 = arith.addi %and3A_266, %add3A_272 : vector<16xi32>
      %and3A_274 = arith.constant 127 : i32
      %and3A_275 = vector.broadcast %and3A_274 : i32 to vector<16xi32>
      %and3A_276 = arith.andi %add3A_273, %and3A_275 : vector<16xi32>
      %gather3A_277 = tpu.vector_load_idx %arg8[%add3A_56, %and3A_276] : memref<80x128xf32, #tpu.memory_space<vmem>>[vector<16xi32>, vector<16xi32>], vector<16xf32>,
      %gather3A_278 = tpu.vector_load_idx %arg9[%add3A_56, %and3A_276] : memref<80x128xf32, #tpu.memory_space<vmem>>[vector<16xi32>, vector<16xi32>], vector<16xf32>,
      %mul3A_279 = arith.mulf %gather3A_277, %gather3A_278 : vector<16xf32>
      %add3A_280 = arith.addf %add3A_270, %mul3A_279 : vector<16xf32>
      %add3A_281 = arith.constant 1 : i32
      %add3A_282 = vector.broadcast %add3A_281 : i32 to vector<16xi32>
      %add3A_283 = arith.addi %and3A_276, %add3A_282 : vector<16xi32>
      %and3A_284 = arith.constant 127 : i32
      %and3A_285 = vector.broadcast %and3A_284 : i32 to vector<16xi32>
      %and3A_286 = arith.andi %add3A_283, %and3A_285 : vector<16xi32>
      %gather3A_287 = tpu.vector_load_idx %arg8[%add3A_56, %and3A_286] : memref<80x128xf32, #tpu.memory_space<vmem>>[vector<16xi32>, vector<16xi32>], vector<16xf32>,
      %gather3A_288 = tpu.vector_load_idx %arg9[%add3A_56, %and3A_286] : memref<80x128xf32, #tpu.memory_space<vmem>>[vector<16xi32>, vector<16xi32>], vector<16xf32>,
      %mul3A_289 = arith.mulf %gather3A_287, %gather3A_288 : vector<16xf32>
      %add3A_290 = arith.addf %add3A_280, %mul3A_289 : vector<16xf32>
      %add3A_291 = arith.constant 1 : i32
      %add3A_292 = vector.broadcast %add3A_291 : i32 to vector<16xi32>
      %add3A_293 = arith.addi %and3A_286, %add3A_292 : vector<16xi32>
      %and3A_294 = arith.constant 127 : i32
      %and3A_295 = vector.broadcast %and3A_294 : i32 to vector<16xi32>
      %and3A_296 = arith.andi %add3A_293, %and3A_295 : vector<16xi32>
      %gather3A_297 = tpu.vector_load_idx %arg8[%add3A_56, %and3A_296] : memref<80x128xf32, #tpu.memory_space<vmem>>[vector<16xi32>, vector<16xi32>], vector<16xf32>,
      %gather3A_298 = tpu.vector_load_idx %arg9[%add3A_56, %and3A_296] : memref<80x128xf32, #tpu.memory_space<vmem>>[vector<16xi32>, vector<16xi32>], vector<16xf32>,
      %mul3A_299 = arith.mulf %gather3A_297, %gather3A_298 : vector<16xf32>
      %add3A_300 = arith.addf %add3A_290, %mul3A_299 : vector<16xf32>
      %add3A_301 = arith.constant 1 : i32
      %add3A_302 = vector.broadcast %add3A_301 : i32 to vector<16xi32>
      %add3A_303 = arith.addi %and3A_296, %add3A_302 : vector<16xi32>
      %and3A_304 = arith.constant 127 : i32
      %and3A_305 = vector.broadcast %and3A_304 : i32 to vector<16xi32>
      %and3A_306 = arith.andi %add3A_303, %and3A_305 : vector<16xi32>
      %gather3A_307 = tpu.vector_load_idx %arg8[%add3A_56, %and3A_306] : memref<80x128xf32, #tpu.memory_space<vmem>>[vector<16xi32>, vector<16xi32>], vector<16xf32>,
      %gather3A_308 = tpu.vector_load_idx %arg9[%add3A_56, %and3A_306] : memref<80x128xf32, #tpu.memory_space<vmem>>[vector<16xi32>, vector<16xi32>], vector<16xf32>,
      %mul3A_309 = arith.mulf %gather3A_307, %gather3A_308 : vector<16xf32>
      %add3A_310 = arith.addf %add3A_300, %mul3A_309 : vector<16xf32>
      %add3A_311 = arith.constant 1 : i32
      %add3A_312 = vector.broadcast %add3A_311 : i32 to vector<16xi32>
      %add3A_313 = arith.addi %and3A_306, %add3A_312 : vector<16xi32>
      %and3A_314 = arith.constant 127 : i32
      %and3A_315 = vector.broadcast %and3A_314 : i32 to vector<16xi32>
      %and3A_316 = arith.andi %add3A_313, %and3A_315 : vector<16xi32>
      scf.yield %add3A_310, %and3A_316 : vector<16xf32>, vector<16xi32>
    }
    %scan3A_64 = arith.constant 8 : i32
    %neg3A_65 = arith.constant 0.000000e+00 : f32
    %neg3A_66 = vector.broadcast %neg3A_65 : f32 to vector<16xf32>
    %neg3A_67 = arith.subf %neg3A_66, %scan3A_63#0 : vector<16xf32>
    %exp3A_68 = math.exp %neg3A_67 : vector<16xf32>
    %add3A_69 = arith.constant 1.000000e+00 : f32
    %add3A_70 = vector.broadcast %add3A_69 : f32 to vector<16xf32>
    %add3A_71 = arith.addf %add3A_70, %exp3A_68 : vector<16xf32>
    %div3A_72 = arith.constant 1.000000e+00 : f32
    %div3A_73 = vector.broadcast %div3A_72 : f32 to vector<16xf32>
    %div3A_74 = arith.divf %div3A_73, %add3A_71 : vector<16xf32>
    %swap3A_75 = arith.constant 9936 : index
    %swap3A_76 = tpu.vector_load %arg12[%swap3A_75] {strides = array<i32>} : memref<10000xf32, #tpu.memory_space<vmem>>, vector<16xf32>,
    tpu.vector_store %arg12[%swap3A_75], %div3A_74 {strides = array<i32>} : memref<10000xf32, #tpu.memory_space<vmem>>, vector<16xf32>,
    %broadcast_in_dim3A_77 = arith.constant 32 : i32
    %broadcast_in_dim3A_78 = vector.broadcast %broadcast_in_dim3A_77 : i32 to vector<16xi32>
    %add3A_79 = arith.addi %broadcast_in_dim3A_78, %iota3A : vector<16xi32>
    %broadcast_in_dim3A_80 = arith.constant 0.000000e+00 : f32
    %broadcast_in_dim3A_81 = vector.broadcast %broadcast_in_dim3A_80 : f32 to vector<16xf32>
    %scan3A_82 = arith.constant 0 : i32
    %scan3A_83 = arith.constant 8 : i32
    %scan3A_84 = arith.addi %scan3A_82, %scan3A_83 : i32
    %scan3A_85 = arith.constant 1 : i32
    %scan3A_86:2 = scf.for %scan3A_156 = %scan3A_82 to %scan3A_84 step %scan3A_85 iter_args(%scan3A_157 = %broadcast_in_dim3A_81, %scan3A_158 = %iota3A) -> (vector<16xf32>, vector<16xi32>)  : i32 {
      %gather3A = tpu.vector_load_idx %arg8[%add3A_79, %scan3A_158] : memref<80x128xf32, #tpu.memory_space<vmem>>[vector<16xi32>, vector<16xi32>], vector<16xf32>,
      %gather3A_159 = tpu.vector_load_idx %arg9[%add3A_79, %scan3A_158] : memref<80x128xf32, #tpu.memory_space<vmem>>[vector<16xi32>, vector<16xi32>], vector<16xf32>,
      %mul3A_160 = arith.mulf %gather3A, %gather3A_159 : vector<16xf32>
      %add3A_161 = arith.addf %scan3A_157, %mul3A_160 : vector<16xf32>
      %add3A_162 = arith.constant 1 : i32
      %add3A_163 = vector.broadcast %add3A_162 : i32 to vector<16xi32>
      %add3A_164 = arith.addi %scan3A_158, %add3A_163 : vector<16xi32>
      %and3A = arith.constant 127 : i32
      %and3A_165 = vector.broadcast %and3A : i32 to vector<16xi32>
      %and3A_166 = arith.andi %add3A_164, %and3A_165 : vector<16xi32>
      %gather3A_167 = tpu.vector_load_idx %arg8[%add3A_79, %and3A_166] : memref<80x128xf32, #tpu.memory_space<vmem>>[vector<16xi32>, vector<16xi32>], vector<16xf32>,
      %gather3A_168 = tpu.vector_load_idx %arg9[%add3A_79, %and3A_166] : memref<80x128xf32, #tpu.memory_space<vmem>>[vector<16xi32>, vector<16xi32>], vector<16xf32>,
      %mul3A_169 = arith.mulf %gather3A_167, %gather3A_168 : vector<16xf32>
      %add3A_170 = arith.addf %add3A_161, %mul3A_169 : vector<16xf32>
      %add3A_171 = arith.constant 1 : i32
      %add3A_172 = vector.broadcast %add3A_171 : i32 to vector<16xi32>
      %add3A_173 = arith.addi %and3A_166, %add3A_172 : vector<16xi32>
      %and3A_174 = arith.constant 127 : i32
      %and3A_175 = vector.broadcast %and3A_174 : i32 to vector<16xi32>
      %and3A_176 = arith.andi %add3A_173, %and3A_175 : vector<16xi32>
      %gather3A_177 = tpu.vector_load_idx %arg8[%add3A_79, %and3A_176] : memref<80x128xf32, #tpu.memory_space<vmem>>[vector<16xi32>, vector<16xi32>], vector<16xf32>,
      %gather3A_178 = tpu.vector_load_idx %arg9[%add3A_79, %and3A_176] : memref<80x128xf32, #tpu.memory_space<vmem>>[vector<16xi32>, vector<16xi32>], vector<16xf32>,
      %mul3A_179 = arith.mulf %gather3A_177, %gather3A_178 : vector<16xf32>
      %add3A_180 = arith.addf %add3A_170, %mul3A_179 : vector<16xf32>
      %add3A_181 = arith.constant 1 : i32
      %add3A_182 = vector.broadcast %add3A_181 : i32 to vector<16xi32>
      %add3A_183 = arith.addi %and3A_176, %add3A_182 : vector<16xi32>
      %and3A_184 = arith.constant 127 : i32
      %and3A_185 = vector.broadcast %and3A_184 : i32 to vector<16xi32>
      %and3A_186 = arith.andi %add3A_183, %and3A_185 : vector<16xi32>
      %gather3A_187 = tpu.vector_load_idx %arg8[%add3A_79, %and3A_186] : memref<80x128xf32, #tpu.memory_space<vmem>>[vector<16xi32>, vector<16xi32>], vector<16xf32>,
      %gather3A_188 = tpu.vector_load_idx %arg9[%add3A_79, %and3A_186] : memref<80x128xf32, #tpu.memory_space<vmem>>[vector<16xi32>, vector<16xi32>], vector<16xf32>,
      %mul3A_189 = arith.mulf %gather3A_187, %gather3A_188 : vector<16xf32>
      %add3A_190 = arith.addf %add3A_180, %mul3A_189 : vector<16xf32>
      %add3A_191 = arith.constant 1 : i32
      %add3A_192 = vector.broadcast %add3A_191 : i32 to vector<16xi32>
      %add3A_193 = arith.addi %and3A_186, %add3A_192 : vector<16xi32>
      %and3A_194 = arith.constant 127 : i32
      %and3A_195 = vector.broadcast %and3A_194 : i32 to vector<16xi32>
      %and3A_196 = arith.andi %add3A_193, %and3A_195 : vector<16xi32>
      %gather3A_197 = tpu.vector_load_idx %arg8[%add3A_79, %and3A_196] : memref<80x128xf32, #tpu.memory_space<vmem>>[vector<16xi32>, vector<16xi32>], vector<16xf32>,
      %gather3A_198 = tpu.vector_load_idx %arg9[%add3A_79, %and3A_196] : memref<80x128xf32, #tpu.memory_space<vmem>>[vector<16xi32>, vector<16xi32>], vector<16xf32>,
      %mul3A_199 = arith.mulf %gather3A_197, %gather3A_198 : vector<16xf32>
      %add3A_200 = arith.addf %add3A_190, %mul3A_199 : vector<16xf32>
      %add3A_201 = arith.constant 1 : i32
      %add3A_202 = vector.broadcast %add3A_201 : i32 to vector<16xi32>
      %add3A_203 = arith.addi %and3A_196, %add3A_202 : vector<16xi32>
      %and3A_204 = arith.constant 127 : i32
      %and3A_205 = vector.broadcast %and3A_204 : i32 to vector<16xi32>
      %and3A_206 = arith.andi %add3A_203, %and3A_205 : vector<16xi32>
      %gather3A_207 = tpu.vector_load_idx %arg8[%add3A_79, %and3A_206] : memref<80x128xf32, #tpu.memory_space<vmem>>[vector<16xi32>, vector<16xi32>], vector<16xf32>,
      %gather3A_208 = tpu.vector_load_idx %arg9[%add3A_79, %and3A_206] : memref<80x128xf32, #tpu.memory_space<vmem>>[vector<16xi32>, vector<16xi32>], vector<16xf32>,
      %mul3A_209 = arith.mulf %gather3A_207, %gather3A_208 : vector<16xf32>
      %add3A_210 = arith.addf %add3A_200, %mul3A_209 : vector<16xf32>
      %add3A_211 = arith.constant 1 : i32
      %add3A_212 = vector.broadcast %add3A_211 : i32 to vector<16xi32>
      %add3A_213 = arith.addi %and3A_206, %add3A_212 : vector<16xi32>
      %and3A_214 = arith.constant 127 : i32
      %and3A_215 = vector.broadcast %and3A_214 : i32 to vector<16xi32>
      %and3A_216 = arith.andi %add3A_213, %and3A_215 : vector<16xi32>
      %gather3A_217 = tpu.vector_load_idx %arg8[%add3A_79, %and3A_216] : memref<80x128xf32, #tpu.memory_space<vmem>>[vector<16xi32>, vector<16xi32>], vector<16xf32>,
      %gather3A_218 = tpu.vector_load_idx %arg9[%add3A_79, %and3A_216] : memref<80x128xf32, #tpu.memory_space<vmem>>[vector<16xi32>, vector<16xi32>], vector<16xf32>,
      %mul3A_219 = arith.mulf %gather3A_217, %gather3A_218 : vector<16xf32>
      %add3A_220 = arith.addf %add3A_210, %mul3A_219 : vector<16xf32>
      %add3A_221 = arith.constant 1 : i32
      %add3A_222 = vector.broadcast %add3A_221 : i32 to vector<16xi32>
      %add3A_223 = arith.addi %and3A_216, %add3A_222 : vector<16xi32>
      %and3A_224 = arith.constant 127 : i32
      %and3A_225 = vector.broadcast %and3A_224 : i32 to vector<16xi32>
      %and3A_226 = arith.andi %add3A_223, %and3A_225 : vector<16xi32>
      %gather3A_227 = tpu.vector_load_idx %arg8[%add3A_79, %and3A_226] : memref<80x128xf32, #tpu.memory_space<vmem>>[vector<16xi32>, vector<16xi32>], vector<16xf32>,
      %gather3A_228 = tpu.vector_load_idx %arg9[%add3A_79, %and3A_226] : memref<80x128xf32, #tpu.memory_space<vmem>>[vector<16xi32>, vector<16xi32>], vector<16xf32>,
      %mul3A_229 = arith.mulf %gather3A_227, %gather3A_228 : vector<16xf32>
      %add3A_230 = arith.addf %add3A_220, %mul3A_229 : vector<16xf32>
      %add3A_231 = arith.constant 1 : i32
      %add3A_232 = vector.broadcast %add3A_231 : i32 to vector<16xi32>
      %add3A_233 = arith.addi %and3A_226, %add3A_232 : vector<16xi32>
      %and3A_234 = arith.constant 127 : i32
      %and3A_235 = vector.broadcast %and3A_234 : i32 to vector<16xi32>
      %and3A_236 = arith.andi %add3A_233, %and3A_235 : vector<16xi32>
      %gather3A_237 = tpu.vector_load_idx %arg8[%add3A_79, %and3A_236] : memref<80x128xf32, #tpu.memory_space<vmem>>[vector<16xi32>, vector<16xi32>], vector<16xf32>,
      %gather3A_238 = tpu.vector_load_idx %arg9[%add3A_79, %and3A_236] : memref<80x128xf32, #tpu.memory_space<vmem>>[vector<16xi32>, vector<16xi32>], vector<16xf32>,
      %mul3A_239 = arith.mulf %gather3A_237, %gather3A_238 : vector<16xf32>
      %add3A_240 = arith.addf %add3A_230, %mul3A_239 : vector<16xf32>
      %add3A_241 = arith.constant 1 : i32
      %add3A_242 = vector.broadcast %add3A_241 : i32 to vector<16xi32>
      %add3A_243 = arith.addi %and3A_236, %add3A_242 : vector<16xi32>
      %and3A_244 = arith.constant 127 : i32
      %and3A_245 = vector.broadcast %and3A_244 : i32 to vector<16xi32>
      %and3A_246 = arith.andi %add3A_243, %and3A_245 : vector<16xi32>
      %gather3A_247 = tpu.vector_load_idx %arg8[%add3A_79, %and3A_246] : memref<80x128xf32, #tpu.memory_space<vmem>>[vector<16xi32>, vector<16xi32>], vector<16xf32>,
      %gather3A_248 = tpu.vector_load_idx %arg9[%add3A_79, %and3A_246] : memref<80x128xf32, #tpu.memory_space<vmem>>[vector<16xi32>, vector<16xi32>], vector<16xf32>,
      %mul3A_249 = arith.mulf %gather3A_247, %gather3A_248 : vector<16xf32>
      %add3A_250 = arith.addf %add3A_240, %mul3A_249 : vector<16xf32>
      %add3A_251 = arith.constant 1 : i32
      %add3A_252 = vector.broadcast %add3A_251 : i32 to vector<16xi32>
      %add3A_253 = arith.addi %and3A_246, %add3A_252 : vector<16xi32>
      %and3A_254 = arith.constant 127 : i32
      %and3A_255 = vector.broadcast %and3A_254 : i32 to vector<16xi32>
      %and3A_256 = arith.andi %add3A_253, %and3A_255 : vector<16xi32>
      %gather3A_257 = tpu.vector_load_idx %arg8[%add3A_79, %and3A_256] : memref<80x128xf32, #tpu.memory_space<vmem>>[vector<16xi32>, vector<16xi32>], vector<16xf32>,
      %gather3A_258 = tpu.vector_load_idx %arg9[%add3A_79, %and3A_256] : memref<80x128xf32, #tpu.memory_space<vmem>>[vector<16xi32>, vector<16xi32>], vector<16xf32>,
      %mul3A_259 = arith.mulf %gather3A_257, %gather3A_258 : vector<16xf32>
      %add3A_260 = arith.addf %add3A_250, %mul3A_259 : vector<16xf32>
      %add3A_261 = arith.constant 1 : i32
      %add3A_262 = vector.broadcast %add3A_261 : i32 to vector<16xi32>
      %add3A_263 = arith.addi %and3A_256, %add3A_262 : vector<16xi32>
      %and3A_264 = arith.constant 127 : i32
      %and3A_265 = vector.broadcast %and3A_264 : i32 to vector<16xi32>
      %and3A_266 = arith.andi %add3A_263, %and3A_265 : vector<16xi32>
      %gather3A_267 = tpu.vector_load_idx %arg8[%add3A_79, %and3A_266] : memref<80x128xf32, #tpu.memory_space<vmem>>[vector<16xi32>, vector<16xi32>], vector<16xf32>,
      %gather3A_268 = tpu.vector_load_idx %arg9[%add3A_79, %and3A_266] : memref<80x128xf32, #tpu.memory_space<vmem>>[vector<16xi32>, vector<16xi32>], vector<16xf32>,
      %mul3A_269 = arith.mulf %gather3A_267, %gather3A_268 : vector<16xf32>
      %add3A_270 = arith.addf %add3A_260, %mul3A_269 : vector<16xf32>
      %add3A_271 = arith.constant 1 : i32
      %add3A_272 = vector.broadcast %add3A_271 : i32 to vector<16xi32>
      %add3A_273 = arith.addi %and3A_266, %add3A_272 : vector<16xi32>
      %and3A_274 = arith.constant 127 : i32
      %and3A_275 = vector.broadcast %and3A_274 : i32 to vector<16xi32>
      %and3A_276 = arith.andi %add3A_273, %and3A_275 : vector<16xi32>
      %gather3A_277 = tpu.vector_load_idx %arg8[%add3A_79, %and3A_276] : memref<80x128xf32, #tpu.memory_space<vmem>>[vector<16xi32>, vector<16xi32>], vector<16xf32>,
      %gather3A_278 = tpu.vector_load_idx %arg9[%add3A_79, %and3A_276] : memref<80x128xf32, #tpu.memory_space<vmem>>[vector<16xi32>, vector<16xi32>], vector<16xf32>,
      %mul3A_279 = arith.mulf %gather3A_277, %gather3A_278 : vector<16xf32>
      %add3A_280 = arith.addf %add3A_270, %mul3A_279 : vector<16xf32>
      %add3A_281 = arith.constant 1 : i32
      %add3A_282 = vector.broadcast %add3A_281 : i32 to vector<16xi32>
      %add3A_283 = arith.addi %and3A_276, %add3A_282 : vector<16xi32>
      %and3A_284 = arith.constant 127 : i32
      %and3A_285 = vector.broadcast %and3A_284 : i32 to vector<16xi32>
      %and3A_286 = arith.andi %add3A_283, %and3A_285 : vector<16xi32>
      %gather3A_287 = tpu.vector_load_idx %arg8[%add3A_79, %and3A_286] : memref<80x128xf32, #tpu.memory_space<vmem>>[vector<16xi32>, vector<16xi32>], vector<16xf32>,
      %gather3A_288 = tpu.vector_load_idx %arg9[%add3A_79, %and3A_286] : memref<80x128xf32, #tpu.memory_space<vmem>>[vector<16xi32>, vector<16xi32>], vector<16xf32>,
      %mul3A_289 = arith.mulf %gather3A_287, %gather3A_288 : vector<16xf32>
      %add3A_290 = arith.addf %add3A_280, %mul3A_289 : vector<16xf32>
      %add3A_291 = arith.constant 1 : i32
      %add3A_292 = vector.broadcast %add3A_291 : i32 to vector<16xi32>
      %add3A_293 = arith.addi %and3A_286, %add3A_292 : vector<16xi32>
      %and3A_294 = arith.constant 127 : i32
      %and3A_295 = vector.broadcast %and3A_294 : i32 to vector<16xi32>
      %and3A_296 = arith.andi %add3A_293, %and3A_295 : vector<16xi32>
      %gather3A_297 = tpu.vector_load_idx %arg8[%add3A_79, %and3A_296] : memref<80x128xf32, #tpu.memory_space<vmem>>[vector<16xi32>, vector<16xi32>], vector<16xf32>,
      %gather3A_298 = tpu.vector_load_idx %arg9[%add3A_79, %and3A_296] : memref<80x128xf32, #tpu.memory_space<vmem>>[vector<16xi32>, vector<16xi32>], vector<16xf32>,
      %mul3A_299 = arith.mulf %gather3A_297, %gather3A_298 : vector<16xf32>
      %add3A_300 = arith.addf %add3A_290, %mul3A_299 : vector<16xf32>
      %add3A_301 = arith.constant 1 : i32
      %add3A_302 = vector.broadcast %add3A_301 : i32 to vector<16xi32>
      %add3A_303 = arith.addi %and3A_296, %add3A_302 : vector<16xi32>
      %and3A_304 = arith.constant 127 : i32
      %and3A_305 = vector.broadcast %and3A_304 : i32 to vector<16xi32>
      %and3A_306 = arith.andi %add3A_303, %and3A_305 : vector<16xi32>
      %gather3A_307 = tpu.vector_load_idx %arg8[%add3A_79, %and3A_306] : memref<80x128xf32, #tpu.memory_space<vmem>>[vector<16xi32>, vector<16xi32>], vector<16xf32>,
      %gather3A_308 = tpu.vector_load_idx %arg9[%add3A_79, %and3A_306] : memref<80x128xf32, #tpu.memory_space<vmem>>[vector<16xi32>, vector<16xi32>], vector<16xf32>,
      %mul3A_309 = arith.mulf %gather3A_307, %gather3A_308 : vector<16xf32>
      %add3A_310 = arith.addf %add3A_300, %mul3A_309 : vector<16xf32>
      %add3A_311 = arith.constant 1 : i32
      %add3A_312 = vector.broadcast %add3A_311 : i32 to vector<16xi32>
      %add3A_313 = arith.addi %and3A_306, %add3A_312 : vector<16xi32>
      %and3A_314 = arith.constant 127 : i32
      %and3A_315 = vector.broadcast %and3A_314 : i32 to vector<16xi32>
      %and3A_316 = arith.andi %add3A_313, %and3A_315 : vector<16xi32>
      scf.yield %add3A_310, %and3A_316 : vector<16xf32>, vector<16xi32>
    }
    %scan3A_87 = arith.constant 8 : i32
    %neg3A_88 = arith.constant 0.000000e+00 : f32
    %neg3A_89 = vector.broadcast %neg3A_88 : f32 to vector<16xf32>
    %neg3A_90 = arith.subf %neg3A_89, %scan3A_86#0 : vector<16xf32>
    %exp3A_91 = math.exp %neg3A_90 : vector<16xf32>
    %add3A_92 = arith.constant 1.000000e+00 : f32
    %add3A_93 = vector.broadcast %add3A_92 : f32 to vector<16xf32>
    %add3A_94 = arith.addf %add3A_93, %exp3A_91 : vector<16xf32>
    %div3A_95 = arith.constant 1.000000e+00 : f32
    %div3A_96 = vector.broadcast %div3A_95 : f32 to vector<16xf32>
    %div3A_97 = arith.divf %div3A_96, %add3A_94 : vector<16xf32>
    %swap3A_98 = arith.constant 9952 : index
    %swap3A_99 = tpu.vector_load %arg12[%swap3A_98] {strides = array<i32>} : memref<10000xf32, #tpu.memory_space<vmem>>, vector<16xf32>,
    tpu.vector_store %arg12[%swap3A_98], %div3A_97 {strides = array<i32>} : memref<10000xf32, #tpu.memory_space<vmem>>, vector<16xf32>,
    %broadcast_in_dim3A_100 = arith.constant 48 : i32
    %broadcast_in_dim3A_101 = vector.broadcast %broadcast_in_dim3A_100 : i32 to vector<16xi32>
    %add3A_102 = arith.addi %broadcast_in_dim3A_101, %iota3A : vector<16xi32>
    %broadcast_in_dim3A_103 = arith.constant 0.000000e+00 : f32
    %broadcast_in_dim3A_104 = vector.broadcast %broadcast_in_dim3A_103 : f32 to vector<16xf32>
    %scan3A_105 = arith.constant 0 : i32
    %scan3A_106 = arith.constant 8 : i32
    %scan3A_107 = arith.addi %scan3A_105, %scan3A_106 : i32
    %scan3A_108 = arith.constant 1 : i32
    %scan3A_109:2 = scf.for %scan3A_156 = %scan3A_105 to %scan3A_107 step %scan3A_108 iter_args(%scan3A_157 = %broadcast_in_dim3A_104, %scan3A_158 = %iota3A) -> (vector<16xf32>, vector<16xi32>)  : i32 {
      %gather3A = tpu.vector_load_idx %arg8[%add3A_102, %scan3A_158] : memref<80x128xf32, #tpu.memory_space<vmem>>[vector<16xi32>, vector<16xi32>], vector<16xf32>,
      %gather3A_159 = tpu.vector_load_idx %arg9[%add3A_102, %scan3A_158] : memref<80x128xf32, #tpu.memory_space<vmem>>[vector<16xi32>, vector<16xi32>], vector<16xf32>,
      %mul3A_160 = arith.mulf %gather3A, %gather3A_159 : vector<16xf32>
      %add3A_161 = arith.addf %scan3A_157, %mul3A_160 : vector<16xf32>
      %add3A_162 = arith.constant 1 : i32
      %add3A_163 = vector.broadcast %add3A_162 : i32 to vector<16xi32>
      %add3A_164 = arith.addi %scan3A_158, %add3A_163 : vector<16xi32>
      %and3A = arith.constant 127 : i32
      %and3A_165 = vector.broadcast %and3A : i32 to vector<16xi32>
      %and3A_166 = arith.andi %add3A_164, %and3A_165 : vector<16xi32>
      %gather3A_167 = tpu.vector_load_idx %arg8[%add3A_102, %and3A_166] : memref<80x128xf32, #tpu.memory_space<vmem>>[vector<16xi32>, vector<16xi32>], vector<16xf32>,
      %gather3A_168 = tpu.vector_load_idx %arg9[%add3A_102, %and3A_166] : memref<80x128xf32, #tpu.memory_space<vmem>>[vector<16xi32>, vector<16xi32>], vector<16xf32>,
      %mul3A_169 = arith.mulf %gather3A_167, %gather3A_168 : vector<16xf32>
      %add3A_170 = arith.addf %add3A_161, %mul3A_169 : vector<16xf32>
      %add3A_171 = arith.constant 1 : i32
      %add3A_172 = vector.broadcast %add3A_171 : i32 to vector<16xi32>
      %add3A_173 = arith.addi %and3A_166, %add3A_172 : vector<16xi32>
      %and3A_174 = arith.constant 127 : i32
      %and3A_175 = vector.broadcast %and3A_174 : i32 to vector<16xi32>
      %and3A_176 = arith.andi %add3A_173, %and3A_175 : vector<16xi32>
      %gather3A_177 = tpu.vector_load_idx %arg8[%add3A_102, %and3A_176] : memref<80x128xf32, #tpu.memory_space<vmem>>[vector<16xi32>, vector<16xi32>], vector<16xf32>,
      %gather3A_178 = tpu.vector_load_idx %arg9[%add3A_102, %and3A_176] : memref<80x128xf32, #tpu.memory_space<vmem>>[vector<16xi32>, vector<16xi32>], vector<16xf32>,
      %mul3A_179 = arith.mulf %gather3A_177, %gather3A_178 : vector<16xf32>
      %add3A_180 = arith.addf %add3A_170, %mul3A_179 : vector<16xf32>
      %add3A_181 = arith.constant 1 : i32
      %add3A_182 = vector.broadcast %add3A_181 : i32 to vector<16xi32>
      %add3A_183 = arith.addi %and3A_176, %add3A_182 : vector<16xi32>
      %and3A_184 = arith.constant 127 : i32
      %and3A_185 = vector.broadcast %and3A_184 : i32 to vector<16xi32>
      %and3A_186 = arith.andi %add3A_183, %and3A_185 : vector<16xi32>
      %gather3A_187 = tpu.vector_load_idx %arg8[%add3A_102, %and3A_186] : memref<80x128xf32, #tpu.memory_space<vmem>>[vector<16xi32>, vector<16xi32>], vector<16xf32>,
      %gather3A_188 = tpu.vector_load_idx %arg9[%add3A_102, %and3A_186] : memref<80x128xf32, #tpu.memory_space<vmem>>[vector<16xi32>, vector<16xi32>], vector<16xf32>,
      %mul3A_189 = arith.mulf %gather3A_187, %gather3A_188 : vector<16xf32>
      %add3A_190 = arith.addf %add3A_180, %mul3A_189 : vector<16xf32>
      %add3A_191 = arith.constant 1 : i32
      %add3A_192 = vector.broadcast %add3A_191 : i32 to vector<16xi32>
      %add3A_193 = arith.addi %and3A_186, %add3A_192 : vector<16xi32>
      %and3A_194 = arith.constant 127 : i32
      %and3A_195 = vector.broadcast %and3A_194 : i32 to vector<16xi32>
      %and3A_196 = arith.andi %add3A_193, %and3A_195 : vector<16xi32>
      %gather3A_197 = tpu.vector_load_idx %arg8[%add3A_102, %and3A_196] : memref<80x128xf32, #tpu.memory_space<vmem>>[vector<16xi32>, vector<16xi32>], vector<16xf32>,
      %gather3A_198 = tpu.vector_load_idx %arg9[%add3A_102, %and3A_196] : memref<80x128xf32, #tpu.memory_space<vmem>>[vector<16xi32>, vector<16xi32>], vector<16xf32>,
      %mul3A_199 = arith.mulf %gather3A_197, %gather3A_198 : vector<16xf32>
      %add3A_200 = arith.addf %add3A_190, %mul3A_199 : vector<16xf32>
      %add3A_201 = arith.constant 1 : i32
      %add3A_202 = vector.broadcast %add3A_201 : i32 to vector<16xi32>
      %add3A_203 = arith.addi %and3A_196, %add3A_202 : vector<16xi32>
      %and3A_204 = arith.constant 127 : i32
      %and3A_205 = vector.broadcast %and3A_204 : i32 to vector<16xi32>
      %and3A_206 = arith.andi %add3A_203, %and3A_205 : vector<16xi32>
      %gather3A_207 = tpu.vector_load_idx %arg8[%add3A_102, %and3A_206] : memref<80x128xf32, #tpu.memory_space<vmem>>[vector<16xi32>, vector<16xi32>], vector<16xf32>,
      %gather3A_208 = tpu.vector_load_idx %arg9[%add3A_102, %and3A_206] : memref<80x128xf32, #tpu.memory_space<vmem>>[vector<16xi32>, vector<16xi32>], vector<16xf32>,
      %mul3A_209 = arith.mulf %gather3A_207, %gather3A_208 : vector<16xf32>
      %add3A_210 = arith.addf %add3A_200, %mul3A_209 : vector<16xf32>
      %add3A_211 = arith.constant 1 : i32
      %add3A_212 = vector.broadcast %add3A_211 : i32 to vector<16xi32>
      %add3A_213 = arith.addi %and3A_206, %add3A_212 : vector<16xi32>
      %and3A_214 = arith.constant 127 : i32
      %and3A_215 = vector.broadcast %and3A_214 : i32 to vector<16xi32>
      %and3A_216 = arith.andi %add3A_213, %and3A_215 : vector<16xi32>
      %gather3A_217 = tpu.vector_load_idx %arg8[%add3A_102, %and3A_216] : memref<80x128xf32, #tpu.memory_space<vmem>>[vector<16xi32>, vector<16xi32>], vector<16xf32>,
      %gather3A_218 = tpu.vector_load_idx %arg9[%add3A_102, %and3A_216] : memref<80x128xf32, #tpu.memory_space<vmem>>[vector<16xi32>, vector<16xi32>], vector<16xf32>,
      %mul3A_219 = arith.mulf %gather3A_217, %gather3A_218 : vector<16xf32>
      %add3A_220 = arith.addf %add3A_210, %mul3A_219 : vector<16xf32>
      %add3A_221 = arith.constant 1 : i32
      %add3A_222 = vector.broadcast %add3A_221 : i32 to vector<16xi32>
      %add3A_223 = arith.addi %and3A_216, %add3A_222 : vector<16xi32>
      %and3A_224 = arith.constant 127 : i32
      %and3A_225 = vector.broadcast %and3A_224 : i32 to vector<16xi32>
      %and3A_226 = arith.andi %add3A_223, %and3A_225 : vector<16xi32>
      %gather3A_227 = tpu.vector_load_idx %arg8[%add3A_102, %and3A_226] : memref<80x128xf32, #tpu.memory_space<vmem>>[vector<16xi32>, vector<16xi32>], vector<16xf32>,
      %gather3A_228 = tpu.vector_load_idx %arg9[%add3A_102, %and3A_226] : memref<80x128xf32, #tpu.memory_space<vmem>>[vector<16xi32>, vector<16xi32>], vector<16xf32>,
      %mul3A_229 = arith.mulf %gather3A_227, %gather3A_228 : vector<16xf32>
      %add3A_230 = arith.addf %add3A_220, %mul3A_229 : vector<16xf32>
      %add3A_231 = arith.constant 1 : i32
      %add3A_232 = vector.broadcast %add3A_231 : i32 to vector<16xi32>
      %add3A_233 = arith.addi %and3A_226, %add3A_232 : vector<16xi32>
      %and3A_234 = arith.constant 127 : i32
      %and3A_235 = vector.broadcast %and3A_234 : i32 to vector<16xi32>
      %and3A_236 = arith.andi %add3A_233, %and3A_235 : vector<16xi32>
      %gather3A_237 = tpu.vector_load_idx %arg8[%add3A_102, %and3A_236] : memref<80x128xf32, #tpu.memory_space<vmem>>[vector<16xi32>, vector<16xi32>], vector<16xf32>,
      %gather3A_238 = tpu.vector_load_idx %arg9[%add3A_102, %and3A_236] : memref<80x128xf32, #tpu.memory_space<vmem>>[vector<16xi32>, vector<16xi32>], vector<16xf32>,
      %mul3A_239 = arith.mulf %gather3A_237, %gather3A_238 : vector<16xf32>
      %add3A_240 = arith.addf %add3A_230, %mul3A_239 : vector<16xf32>
      %add3A_241 = arith.constant 1 : i32
      %add3A_242 = vector.broadcast %add3A_241 : i32 to vector<16xi32>
      %add3A_243 = arith.addi %and3A_236, %add3A_242 : vector<16xi32>
      %and3A_244 = arith.constant 127 : i32
      %and3A_245 = vector.broadcast %and3A_244 : i32 to vector<16xi32>
      %and3A_246 = arith.andi %add3A_243, %and3A_245 : vector<16xi32>
      %gather3A_247 = tpu.vector_load_idx %arg8[%add3A_102, %and3A_246] : memref<80x128xf32, #tpu.memory_space<vmem>>[vector<16xi32>, vector<16xi32>], vector<16xf32>,
      %gather3A_248 = tpu.vector_load_idx %arg9[%add3A_102, %and3A_246] : memref<80x128xf32, #tpu.memory_space<vmem>>[vector<16xi32>, vector<16xi32>], vector<16xf32>,
      %mul3A_249 = arith.mulf %gather3A_247, %gather3A_248 : vector<16xf32>
      %add3A_250 = arith.addf %add3A_240, %mul3A_249 : vector<16xf32>
      %add3A_251 = arith.constant 1 : i32
      %add3A_252 = vector.broadcast %add3A_251 : i32 to vector<16xi32>
      %add3A_253 = arith.addi %and3A_246, %add3A_252 : vector<16xi32>
      %and3A_254 = arith.constant 127 : i32
      %and3A_255 = vector.broadcast %and3A_254 : i32 to vector<16xi32>
      %and3A_256 = arith.andi %add3A_253, %and3A_255 : vector<16xi32>
      %gather3A_257 = tpu.vector_load_idx %arg8[%add3A_102, %and3A_256] : memref<80x128xf32, #tpu.memory_space<vmem>>[vector<16xi32>, vector<16xi32>], vector<16xf32>,
      %gather3A_258 = tpu.vector_load_idx %arg9[%add3A_102, %and3A_256] : memref<80x128xf32, #tpu.memory_space<vmem>>[vector<16xi32>, vector<16xi32>], vector<16xf32>,
      %mul3A_259 = arith.mulf %gather3A_257, %gather3A_258 : vector<16xf32>
      %add3A_260 = arith.addf %add3A_250, %mul3A_259 : vector<16xf32>
      %add3A_261 = arith.constant 1 : i32
      %add3A_262 = vector.broadcast %add3A_261 : i32 to vector<16xi32>
      %add3A_263 = arith.addi %and3A_256, %add3A_262 : vector<16xi32>
      %and3A_264 = arith.constant 127 : i32
      %and3A_265 = vector.broadcast %and3A_264 : i32 to vector<16xi32>
      %and3A_266 = arith.andi %add3A_263, %and3A_265 : vector<16xi32>
      %gather3A_267 = tpu.vector_load_idx %arg8[%add3A_102, %and3A_266] : memref<80x128xf32, #tpu.memory_space<vmem>>[vector<16xi32>, vector<16xi32>], vector<16xf32>,
      %gather3A_268 = tpu.vector_load_idx %arg9[%add3A_102, %and3A_266] : memref<80x128xf32, #tpu.memory_space<vmem>>[vector<16xi32>, vector<16xi32>], vector<16xf32>,
      %mul3A_269 = arith.mulf %gather3A_267, %gather3A_268 : vector<16xf32>
      %add3A_270 = arith.addf %add3A_260, %mul3A_269 : vector<16xf32>
      %add3A_271 = arith.constant 1 : i32
      %add3A_272 = vector.broadcast %add3A_271 : i32 to vector<16xi32>
      %add3A_273 = arith.addi %and3A_266, %add3A_272 : vector<16xi32>
      %and3A_274 = arith.constant 127 : i32
      %and3A_275 = vector.broadcast %and3A_274 : i32 to vector<16xi32>
      %and3A_276 = arith.andi %add3A_273, %and3A_275 : vector<16xi32>
      %gather3A_277 = tpu.vector_load_idx %arg8[%add3A_102, %and3A_276] : memref<80x128xf32, #tpu.memory_space<vmem>>[vector<16xi32>, vector<16xi32>], vector<16xf32>,
      %gather3A_278 = tpu.vector_load_idx %arg9[%add3A_102, %and3A_276] : memref<80x128xf32, #tpu.memory_space<vmem>>[vector<16xi32>, vector<16xi32>], vector<16xf32>,
      %mul3A_279 = arith.mulf %gather3A_277, %gather3A_278 : vector<16xf32>
      %add3A_280 = arith.addf %add3A_270, %mul3A_279 : vector<16xf32>
      %add3A_281 = arith.constant 1 : i32
      %add3A_282 = vector.broadcast %add3A_281 : i32 to vector<16xi32>
      %add3A_283 = arith.addi %and3A_276, %add3A_282 : vector<16xi32>
      %and3A_284 = arith.constant 127 : i32
      %and3A_285 = vector.broadcast %and3A_284 : i32 to vector<16xi32>
      %and3A_286 = arith.andi %add3A_283, %and3A_285 : vector<16xi32>
      %gather3A_287 = tpu.vector_load_idx %arg8[%add3A_102, %and3A_286] : memref<80x128xf32, #tpu.memory_space<vmem>>[vector<16xi32>, vector<16xi32>], vector<16xf32>,
      %gather3A_288 = tpu.vector_load_idx %arg9[%add3A_102, %and3A_286] : memref<80x128xf32, #tpu.memory_space<vmem>>[vector<16xi32>, vector<16xi32>], vector<16xf32>,
      %mul3A_289 = arith.mulf %gather3A_287, %gather3A_288 : vector<16xf32>
      %add3A_290 = arith.addf %add3A_280, %mul3A_289 : vector<16xf32>
      %add3A_291 = arith.constant 1 : i32
      %add3A_292 = vector.broadcast %add3A_291 : i32 to vector<16xi32>
      %add3A_293 = arith.addi %and3A_286, %add3A_292 : vector<16xi32>
      %and3A_294 = arith.constant 127 : i32
      %and3A_295 = vector.broadcast %and3A_294 : i32 to vector<16xi32>
      %and3A_296 = arith.andi %add3A_293, %and3A_295 : vector<16xi32>
      %gather3A_297 = tpu.vector_load_idx %arg8[%add3A_102, %and3A_296] : memref<80x128xf32, #tpu.memory_space<vmem>>[vector<16xi32>, vector<16xi32>], vector<16xf32>,
      %gather3A_298 = tpu.vector_load_idx %arg9[%add3A_102, %and3A_296] : memref<80x128xf32, #tpu.memory_space<vmem>>[vector<16xi32>, vector<16xi32>], vector<16xf32>,
      %mul3A_299 = arith.mulf %gather3A_297, %gather3A_298 : vector<16xf32>
      %add3A_300 = arith.addf %add3A_290, %mul3A_299 : vector<16xf32>
      %add3A_301 = arith.constant 1 : i32
      %add3A_302 = vector.broadcast %add3A_301 : i32 to vector<16xi32>
      %add3A_303 = arith.addi %and3A_296, %add3A_302 : vector<16xi32>
      %and3A_304 = arith.constant 127 : i32
      %and3A_305 = vector.broadcast %and3A_304 : i32 to vector<16xi32>
      %and3A_306 = arith.andi %add3A_303, %and3A_305 : vector<16xi32>
      %gather3A_307 = tpu.vector_load_idx %arg8[%add3A_102, %and3A_306] : memref<80x128xf32, #tpu.memory_space<vmem>>[vector<16xi32>, vector<16xi32>], vector<16xf32>,
      %gather3A_308 = tpu.vector_load_idx %arg9[%add3A_102, %and3A_306] : memref<80x128xf32, #tpu.memory_space<vmem>>[vector<16xi32>, vector<16xi32>], vector<16xf32>,
      %mul3A_309 = arith.mulf %gather3A_307, %gather3A_308 : vector<16xf32>
      %add3A_310 = arith.addf %add3A_300, %mul3A_309 : vector<16xf32>
      %add3A_311 = arith.constant 1 : i32
      %add3A_312 = vector.broadcast %add3A_311 : i32 to vector<16xi32>
      %add3A_313 = arith.addi %and3A_306, %add3A_312 : vector<16xi32>
      %and3A_314 = arith.constant 127 : i32
      %and3A_315 = vector.broadcast %and3A_314 : i32 to vector<16xi32>
      %and3A_316 = arith.andi %add3A_313, %and3A_315 : vector<16xi32>
      scf.yield %add3A_310, %and3A_316 : vector<16xf32>, vector<16xi32>
    }
    %scan3A_110 = arith.constant 8 : i32
    %neg3A_111 = arith.constant 0.000000e+00 : f32
    %neg3A_112 = vector.broadcast %neg3A_111 : f32 to vector<16xf32>
    %neg3A_113 = arith.subf %neg3A_112, %scan3A_109#0 : vector<16xf32>
    %exp3A_114 = math.exp %neg3A_113 : vector<16xf32>
    %add3A_115 = arith.constant 1.000000e+00 : f32
    %add3A_116 = vector.broadcast %add3A_115 : f32 to vector<16xf32>
    %add3A_117 = arith.addf %add3A_116, %exp3A_114 : vector<16xf32>
    %div3A_118 = arith.constant 1.000000e+00 : f32
    %div3A_119 = vector.broadcast %div3A_118 : f32 to vector<16xf32>
    %div3A_120 = arith.divf %div3A_119, %add3A_117 : vector<16xf32>
    %swap3A_121 = arith.constant 9968 : index
    %swap3A_122 = tpu.vector_load %arg12[%swap3A_121] {strides = array<i32>} : memref<10000xf32, #tpu.memory_space<vmem>>, vector<16xf32>,
    tpu.vector_store %arg12[%swap3A_121], %div3A_120 {strides = array<i32>} : memref<10000xf32, #tpu.memory_space<vmem>>, vector<16xf32>,
    %broadcast_in_dim3A_123 = arith.constant 64 : i32
    %broadcast_in_dim3A_124 = vector.broadcast %broadcast_in_dim3A_123 : i32 to vector<16xi32>
    %add3A_125 = arith.addi %broadcast_in_dim3A_124, %iota3A : vector<16xi32>
    %broadcast_in_dim3A_126 = arith.constant 0.000000e+00 : f32
    %broadcast_in_dim3A_127 = vector.broadcast %broadcast_in_dim3A_126 : f32 to vector<16xf32>
    %scan3A_128 = arith.constant 0 : i32
    %scan3A_129 = arith.constant 8 : i32
    %scan3A_130 = arith.addi %scan3A_128, %scan3A_129 : i32
    %scan3A_131 = arith.constant 1 : i32
    %scan3A_132:2 = scf.for %scan3A_156 = %scan3A_128 to %scan3A_130 step %scan3A_131 iter_args(%scan3A_157 = %broadcast_in_dim3A_127, %scan3A_158 = %iota3A) -> (vector<16xf32>, vector<16xi32>)  : i32 {
      %gather3A = tpu.vector_load_idx %arg8[%add3A_125, %scan3A_158] : memref<80x128xf32, #tpu.memory_space<vmem>>[vector<16xi32>, vector<16xi32>], vector<16xf32>,
      %gather3A_159 = tpu.vector_load_idx %arg9[%add3A_125, %scan3A_158] : memref<80x128xf32, #tpu.memory_space<vmem>>[vector<16xi32>, vector<16xi32>], vector<16xf32>,
      %mul3A_160 = arith.mulf %gather3A, %gather3A_159 : vector<16xf32>
      %add3A_161 = arith.addf %scan3A_157, %mul3A_160 : vector<16xf32>
      %add3A_162 = arith.constant 1 : i32
      %add3A_163 = vector.broadcast %add3A_162 : i32 to vector<16xi32>
      %add3A_164 = arith.addi %scan3A_158, %add3A_163 : vector<16xi32>
      %and3A = arith.constant 127 : i32
      %and3A_165 = vector.broadcast %and3A : i32 to vector<16xi32>
      %and3A_166 = arith.andi %add3A_164, %and3A_165 : vector<16xi32>
      %gather3A_167 = tpu.vector_load_idx %arg8[%add3A_125, %and3A_166] : memref<80x128xf32, #tpu.memory_space<vmem>>[vector<16xi32>, vector<16xi32>], vector<16xf32>,
      %gather3A_168 = tpu.vector_load_idx %arg9[%add3A_125, %and3A_166] : memref<80x128xf32, #tpu.memory_space<vmem>>[vector<16xi32>, vector<16xi32>], vector<16xf32>,
      %mul3A_169 = arith.mulf %gather3A_167, %gather3A_168 : vector<16xf32>
      %add3A_170 = arith.addf %add3A_161, %mul3A_169 : vector<16xf32>
      %add3A_171 = arith.constant 1 : i32
      %add3A_172 = vector.broadcast %add3A_171 : i32 to vector<16xi32>
      %add3A_173 = arith.addi %and3A_166, %add3A_172 : vector<16xi32>
      %and3A_174 = arith.constant 127 : i32
      %and3A_175 = vector.broadcast %and3A_174 : i32 to vector<16xi32>
      %and3A_176 = arith.andi %add3A_173, %and3A_175 : vector<16xi32>
      %gather3A_177 = tpu.vector_load_idx %arg8[%add3A_125, %and3A_176] : memref<80x128xf32, #tpu.memory_space<vmem>>[vector<16xi32>, vector<16xi32>], vector<16xf32>,
      %gather3A_178 = tpu.vector_load_idx %arg9[%add3A_125, %and3A_176] : memref<80x128xf32, #tpu.memory_space<vmem>>[vector<16xi32>, vector<16xi32>], vector<16xf32>,
      %mul3A_179 = arith.mulf %gather3A_177, %gather3A_178 : vector<16xf32>
      %add3A_180 = arith.addf %add3A_170, %mul3A_179 : vector<16xf32>
      %add3A_181 = arith.constant 1 : i32
      %add3A_182 = vector.broadcast %add3A_181 : i32 to vector<16xi32>
      %add3A_183 = arith.addi %and3A_176, %add3A_182 : vector<16xi32>
      %and3A_184 = arith.constant 127 : i32
      %and3A_185 = vector.broadcast %and3A_184 : i32 to vector<16xi32>
      %and3A_186 = arith.andi %add3A_183, %and3A_185 : vector<16xi32>
      %gather3A_187 = tpu.vector_load_idx %arg8[%add3A_125, %and3A_186] : memref<80x128xf32, #tpu.memory_space<vmem>>[vector<16xi32>, vector<16xi32>], vector<16xf32>,
      %gather3A_188 = tpu.vector_load_idx %arg9[%add3A_125, %and3A_186] : memref<80x128xf32, #tpu.memory_space<vmem>>[vector<16xi32>, vector<16xi32>], vector<16xf32>,
      %mul3A_189 = arith.mulf %gather3A_187, %gather3A_188 : vector<16xf32>
      %add3A_190 = arith.addf %add3A_180, %mul3A_189 : vector<16xf32>
      %add3A_191 = arith.constant 1 : i32
      %add3A_192 = vector.broadcast %add3A_191 : i32 to vector<16xi32>
      %add3A_193 = arith.addi %and3A_186, %add3A_192 : vector<16xi32>
      %and3A_194 = arith.constant 127 : i32
      %and3A_195 = vector.broadcast %and3A_194 : i32 to vector<16xi32>
      %and3A_196 = arith.andi %add3A_193, %and3A_195 : vector<16xi32>
      %gather3A_197 = tpu.vector_load_idx %arg8[%add3A_125, %and3A_196] : memref<80x128xf32, #tpu.memory_space<vmem>>[vector<16xi32>, vector<16xi32>], vector<16xf32>,
      %gather3A_198 = tpu.vector_load_idx %arg9[%add3A_125, %and3A_196] : memref<80x128xf32, #tpu.memory_space<vmem>>[vector<16xi32>, vector<16xi32>], vector<16xf32>,
      %mul3A_199 = arith.mulf %gather3A_197, %gather3A_198 : vector<16xf32>
      %add3A_200 = arith.addf %add3A_190, %mul3A_199 : vector<16xf32>
      %add3A_201 = arith.constant 1 : i32
      %add3A_202 = vector.broadcast %add3A_201 : i32 to vector<16xi32>
      %add3A_203 = arith.addi %and3A_196, %add3A_202 : vector<16xi32>
      %and3A_204 = arith.constant 127 : i32
      %and3A_205 = vector.broadcast %and3A_204 : i32 to vector<16xi32>
      %and3A_206 = arith.andi %add3A_203, %and3A_205 : vector<16xi32>
      %gather3A_207 = tpu.vector_load_idx %arg8[%add3A_125, %and3A_206] : memref<80x128xf32, #tpu.memory_space<vmem>>[vector<16xi32>, vector<16xi32>], vector<16xf32>,
      %gather3A_208 = tpu.vector_load_idx %arg9[%add3A_125, %and3A_206] : memref<80x128xf32, #tpu.memory_space<vmem>>[vector<16xi32>, vector<16xi32>], vector<16xf32>,
      %mul3A_209 = arith.mulf %gather3A_207, %gather3A_208 : vector<16xf32>
      %add3A_210 = arith.addf %add3A_200, %mul3A_209 : vector<16xf32>
      %add3A_211 = arith.constant 1 : i32
      %add3A_212 = vector.broadcast %add3A_211 : i32 to vector<16xi32>
      %add3A_213 = arith.addi %and3A_206, %add3A_212 : vector<16xi32>
      %and3A_214 = arith.constant 127 : i32
      %and3A_215 = vector.broadcast %and3A_214 : i32 to vector<16xi32>
      %and3A_216 = arith.andi %add3A_213, %and3A_215 : vector<16xi32>
      %gather3A_217 = tpu.vector_load_idx %arg8[%add3A_125, %and3A_216] : memref<80x128xf32, #tpu.memory_space<vmem>>[vector<16xi32>, vector<16xi32>], vector<16xf32>,
      %gather3A_218 = tpu.vector_load_idx %arg9[%add3A_125, %and3A_216] : memref<80x128xf32, #tpu.memory_space<vmem>>[vector<16xi32>, vector<16xi32>], vector<16xf32>,
      %mul3A_219 = arith.mulf %gather3A_217, %gather3A_218 : vector<16xf32>
      %add3A_220 = arith.addf %add3A_210, %mul3A_219 : vector<16xf32>
      %add3A_221 = arith.constant 1 : i32
      %add3A_222 = vector.broadcast %add3A_221 : i32 to vector<16xi32>
      %add3A_223 = arith.addi %and3A_216, %add3A_222 : vector<16xi32>
      %and3A_224 = arith.constant 127 : i32
      %and3A_225 = vector.broadcast %and3A_224 : i32 to vector<16xi32>
      %and3A_226 = arith.andi %add3A_223, %and3A_225 : vector<16xi32>
      %gather3A_227 = tpu.vector_load_idx %arg8[%add3A_125, %and3A_226] : memref<80x128xf32, #tpu.memory_space<vmem>>[vector<16xi32>, vector<16xi32>], vector<16xf32>,
      %gather3A_228 = tpu.vector_load_idx %arg9[%add3A_125, %and3A_226] : memref<80x128xf32, #tpu.memory_space<vmem>>[vector<16xi32>, vector<16xi32>], vector<16xf32>,
      %mul3A_229 = arith.mulf %gather3A_227, %gather3A_228 : vector<16xf32>
      %add3A_230 = arith.addf %add3A_220, %mul3A_229 : vector<16xf32>
      %add3A_231 = arith.constant 1 : i32
      %add3A_232 = vector.broadcast %add3A_231 : i32 to vector<16xi32>
      %add3A_233 = arith.addi %and3A_226, %add3A_232 : vector<16xi32>
      %and3A_234 = arith.constant 127 : i32
      %and3A_235 = vector.broadcast %and3A_234 : i32 to vector<16xi32>
      %and3A_236 = arith.andi %add3A_233, %and3A_235 : vector<16xi32>
      %gather3A_237 = tpu.vector_load_idx %arg8[%add3A_125, %and3A_236] : memref<80x128xf32, #tpu.memory_space<vmem>>[vector<16xi32>, vector<16xi32>], vector<16xf32>,
      %gather3A_238 = tpu.vector_load_idx %arg9[%add3A_125, %and3A_236] : memref<80x128xf32, #tpu.memory_space<vmem>>[vector<16xi32>, vector<16xi32>], vector<16xf32>,
      %mul3A_239 = arith.mulf %gather3A_237, %gather3A_238 : vector<16xf32>
      %add3A_240 = arith.addf %add3A_230, %mul3A_239 : vector<16xf32>
      %add3A_241 = arith.constant 1 : i32
      %add3A_242 = vector.broadcast %add3A_241 : i32 to vector<16xi32>
      %add3A_243 = arith.addi %and3A_236, %add3A_242 : vector<16xi32>
      %and3A_244 = arith.constant 127 : i32
      %and3A_245 = vector.broadcast %and3A_244 : i32 to vector<16xi32>
      %and3A_246 = arith.andi %add3A_243, %and3A_245 : vector<16xi32>
      %gather3A_247 = tpu.vector_load_idx %arg8[%add3A_125, %and3A_246] : memref<80x128xf32, #tpu.memory_space<vmem>>[vector<16xi32>, vector<16xi32>], vector<16xf32>,
      %gather3A_248 = tpu.vector_load_idx %arg9[%add3A_125, %and3A_246] : memref<80x128xf32, #tpu.memory_space<vmem>>[vector<16xi32>, vector<16xi32>], vector<16xf32>,
      %mul3A_249 = arith.mulf %gather3A_247, %gather3A_248 : vector<16xf32>
      %add3A_250 = arith.addf %add3A_240, %mul3A_249 : vector<16xf32>
      %add3A_251 = arith.constant 1 : i32
      %add3A_252 = vector.broadcast %add3A_251 : i32 to vector<16xi32>
      %add3A_253 = arith.addi %and3A_246, %add3A_252 : vector<16xi32>
      %and3A_254 = arith.constant 127 : i32
      %and3A_255 = vector.broadcast %and3A_254 : i32 to vector<16xi32>
      %and3A_256 = arith.andi %add3A_253, %and3A_255 : vector<16xi32>
      %gather3A_257 = tpu.vector_load_idx %arg8[%add3A_125, %and3A_256] : memref<80x128xf32, #tpu.memory_space<vmem>>[vector<16xi32>, vector<16xi32>], vector<16xf32>,
      %gather3A_258 = tpu.vector_load_idx %arg9[%add3A_125, %and3A_256] : memref<80x128xf32, #tpu.memory_space<vmem>>[vector<16xi32>, vector<16xi32>], vector<16xf32>,
      %mul3A_259 = arith.mulf %gather3A_257, %gather3A_258 : vector<16xf32>
      %add3A_260 = arith.addf %add3A_250, %mul3A_259 : vector<16xf32>
      %add3A_261 = arith.constant 1 : i32
      %add3A_262 = vector.broadcast %add3A_261 : i32 to vector<16xi32>
      %add3A_263 = arith.addi %and3A_256, %add3A_262 : vector<16xi32>
      %and3A_264 = arith.constant 127 : i32
      %and3A_265 = vector.broadcast %and3A_264 : i32 to vector<16xi32>
      %and3A_266 = arith.andi %add3A_263, %and3A_265 : vector<16xi32>
      %gather3A_267 = tpu.vector_load_idx %arg8[%add3A_125, %and3A_266] : memref<80x128xf32, #tpu.memory_space<vmem>>[vector<16xi32>, vector<16xi32>], vector<16xf32>,
      %gather3A_268 = tpu.vector_load_idx %arg9[%add3A_125, %and3A_266] : memref<80x128xf32, #tpu.memory_space<vmem>>[vector<16xi32>, vector<16xi32>], vector<16xf32>,
      %mul3A_269 = arith.mulf %gather3A_267, %gather3A_268 : vector<16xf32>
      %add3A_270 = arith.addf %add3A_260, %mul3A_269 : vector<16xf32>
      %add3A_271 = arith.constant 1 : i32
      %add3A_272 = vector.broadcast %add3A_271 : i32 to vector<16xi32>
      %add3A_273 = arith.addi %and3A_266, %add3A_272 : vector<16xi32>
      %and3A_274 = arith.constant 127 : i32
      %and3A_275 = vector.broadcast %and3A_274 : i32 to vector<16xi32>
      %and3A_276 = arith.andi %add3A_273, %and3A_275 : vector<16xi32>
      %gather3A_277 = tpu.vector_load_idx %arg8[%add3A_125, %and3A_276] : memref<80x128xf32, #tpu.memory_space<vmem>>[vector<16xi32>, vector<16xi32>], vector<16xf32>,
      %gather3A_278 = tpu.vector_load_idx %arg9[%add3A_125, %and3A_276] : memref<80x128xf32, #tpu.memory_space<vmem>>[vector<16xi32>, vector<16xi32>], vector<16xf32>,
      %mul3A_279 = arith.mulf %gather3A_277, %gather3A_278 : vector<16xf32>
      %add3A_280 = arith.addf %add3A_270, %mul3A_279 : vector<16xf32>
      %add3A_281 = arith.constant 1 : i32
      %add3A_282 = vector.broadcast %add3A_281 : i32 to vector<16xi32>
      %add3A_283 = arith.addi %and3A_276, %add3A_282 : vector<16xi32>
      %and3A_284 = arith.constant 127 : i32
      %and3A_285 = vector.broadcast %and3A_284 : i32 to vector<16xi32>
      %and3A_286 = arith.andi %add3A_283, %and3A_285 : vector<16xi32>
      %gather3A_287 = tpu.vector_load_idx %arg8[%add3A_125, %and3A_286] : memref<80x128xf32, #tpu.memory_space<vmem>>[vector<16xi32>, vector<16xi32>], vector<16xf32>,
      %gather3A_288 = tpu.vector_load_idx %arg9[%add3A_125, %and3A_286] : memref<80x128xf32, #tpu.memory_space<vmem>>[vector<16xi32>, vector<16xi32>], vector<16xf32>,
      %mul3A_289 = arith.mulf %gather3A_287, %gather3A_288 : vector<16xf32>
      %add3A_290 = arith.addf %add3A_280, %mul3A_289 : vector<16xf32>
      %add3A_291 = arith.constant 1 : i32
      %add3A_292 = vector.broadcast %add3A_291 : i32 to vector<16xi32>
      %add3A_293 = arith.addi %and3A_286, %add3A_292 : vector<16xi32>
      %and3A_294 = arith.constant 127 : i32
      %and3A_295 = vector.broadcast %and3A_294 : i32 to vector<16xi32>
      %and3A_296 = arith.andi %add3A_293, %and3A_295 : vector<16xi32>
      %gather3A_297 = tpu.vector_load_idx %arg8[%add3A_125, %and3A_296] : memref<80x128xf32, #tpu.memory_space<vmem>>[vector<16xi32>, vector<16xi32>], vector<16xf32>,
      %gather3A_298 = tpu.vector_load_idx %arg9[%add3A_125, %and3A_296] : memref<80x128xf32, #tpu.memory_space<vmem>>[vector<16xi32>, vector<16xi32>], vector<16xf32>,
      %mul3A_299 = arith.mulf %gather3A_297, %gather3A_298 : vector<16xf32>
      %add3A_300 = arith.addf %add3A_290, %mul3A_299 : vector<16xf32>
      %add3A_301 = arith.constant 1 : i32
      %add3A_302 = vector.broadcast %add3A_301 : i32 to vector<16xi32>
      %add3A_303 = arith.addi %and3A_296, %add3A_302 : vector<16xi32>
      %and3A_304 = arith.constant 127 : i32
      %and3A_305 = vector.broadcast %and3A_304 : i32 to vector<16xi32>
      %and3A_306 = arith.andi %add3A_303, %and3A_305 : vector<16xi32>
      %gather3A_307 = tpu.vector_load_idx %arg8[%add3A_125, %and3A_306] : memref<80x128xf32, #tpu.memory_space<vmem>>[vector<16xi32>, vector<16xi32>], vector<16xf32>,
      %gather3A_308 = tpu.vector_load_idx %arg9[%add3A_125, %and3A_306] : memref<80x128xf32, #tpu.memory_space<vmem>>[vector<16xi32>, vector<16xi32>], vector<16xf32>,
      %mul3A_309 = arith.mulf %gather3A_307, %gather3A_308 : vector<16xf32>
      %add3A_310 = arith.addf %add3A_300, %mul3A_309 : vector<16xf32>
      %add3A_311 = arith.constant 1 : i32
      %add3A_312 = vector.broadcast %add3A_311 : i32 to vector<16xi32>
      %add3A_313 = arith.addi %and3A_306, %add3A_312 : vector<16xi32>
      %and3A_314 = arith.constant 127 : i32
      %and3A_315 = vector.broadcast %and3A_314 : i32 to vector<16xi32>
      %and3A_316 = arith.andi %add3A_313, %and3A_315 : vector<16xi32>
      scf.yield %add3A_310, %and3A_316 : vector<16xf32>, vector<16xi32>
    }
    %scan3A_133 = arith.constant 8 : i32
    %neg3A_134 = arith.constant 0.000000e+00 : f32
    %neg3A_135 = vector.broadcast %neg3A_134 : f32 to vector<16xf32>
    %neg3A_136 = arith.subf %neg3A_135, %scan3A_132#0 : vector<16xf32>
    %exp3A_137 = math.exp %neg3A_136 : vector<16xf32>
    %add3A_138 = arith.constant 1.000000e+00 : f32
    %add3A_139 = vector.broadcast %add3A_138 : f32 to vector<16xf32>
    %add3A_140 = arith.addf %add3A_139, %exp3A_137 : vector<16xf32>
    %div3A_141 = arith.constant 1.000000e+00 : f32
    %div3A_142 = vector.broadcast %div3A_141 : f32 to vector<16xf32>
    %div3A_143 = arith.divf %div3A_142, %add3A_140 : vector<16xf32>
    %swap3A_144 = arith.constant 9984 : index
    %swap3A_145 = tpu.vector_load %arg12[%swap3A_144] {strides = array<i32>} : memref<10000xf32, #tpu.memory_space<vmem>>, vector<16xf32>,
    tpu.vector_store %arg12[%swap3A_144], %div3A_143 {strides = array<i32>} : memref<10000xf32, #tpu.memory_space<vmem>>, vector<16xf32>,
    %dma_wait3A_146 = arith.constant 0 : i32
    %dma_wait3A_147 = tpu.memref_slice %arg6[%dma_wait3A_146] : memref<10000xi32, #tpu.memory_space<vmem>> -> memref<80xi32, #tpu.memory_space<vmem>>
    %dma_wait3A_148 = arith.constant 0 : i32
    %dma_wait3A_149 = arith.constant 0 : i32
    %dma_wait3A_150 = tpu.memref_slice %arg2[%dma_wait3A_148, %dma_wait3A_149] : memref<10000x128xf32, #tpu.memory_space<hbm>> -> memref<10000x128xf32, #tpu.memory_space<hbm>>
    tpu.wait_indirect_dma semaphore(%arg14 : memref<!tpu.dma_semaphore, #tpu.memory_space<semaphore_mem>>) src(%dma_wait3A_150 : memref<10000x128xf32, #tpu.memory_space<hbm>>) dst(%arg10 : memref<80x128xf32, #tpu.memory_space<vmem>>)
    %dma_wait3A_151 = arith.constant 0 : i32
    %dma_wait3A_152 = tpu.memref_slice %arg7[%dma_wait3A_151] : memref<10000xi32, #tpu.memory_space<vmem>> -> memref<80xi32, #tpu.memory_space<vmem>>
    %dma_wait3A_153 = arith.constant 0 : i32
    %dma_wait3A_154 = arith.constant 0 : i32
    %dma_wait3A_155 = tpu.memref_slice %arg2[%dma_wait3A_153, %dma_wait3A_154] : memref<10000x128xf32, #tpu.memory_space<hbm>> -> memref<10000x128xf32, #tpu.memory_space<hbm>>
    tpu.wait_indirect_dma semaphore(%arg14 : memref<!tpu.dma_semaphore, #tpu.memory_space<semaphore_mem>>) src(%dma_wait3A_155 : memref<10000x128xf32, #tpu.memory_space<hbm>>) dst(%arg11 : memref<80x128xf32, #tpu.memory_space<vmem>>)
    "tpu.region"() ({
      %run_scoped3A = tpu.sem_alloc : memref<!tpu.dma_semaphore, #tpu.memory_space<semaphore_mem>>
      %dma_start3A_156 = tpu.memref_slice %arg5[%mul3A_2] : memref<320000xf32, #tpu.memory_space<hbm>> -> memref<10000xf32, #tpu.memory_space<hbm>>
      %dma_start3A_157 = tpu.memref_slice %arg5[%mul3A_2] : memref<320000xf32, #tpu.memory_space<hbm>> -> memref<10000xf32, #tpu.memory_space<hbm>>
      tpu.enqueue_dma source(%arg12 : memref<10000xf32, #tpu.memory_space<vmem>>) target(%dma_start3A_157 : memref<10000xf32, #tpu.memory_space<hbm>>) target_semaphore(%run_scoped3A : memref<!tpu.dma_semaphore, #tpu.memory_space<semaphore_mem>>)
      %dma_wait3A_158 = tpu.memref_slice %arg5[%mul3A_2] : memref<320000xf32, #tpu.memory_space<hbm>> -> memref<10000xf32, #tpu.memory_space<hbm>>
      %dma_wait3A_159 = tpu.memref_slice %arg5[%mul3A_2] : memref<320000xf32, #tpu.memory_space<hbm>> -> memref<10000xf32, #tpu.memory_space<hbm>>
      tpu.wait_dma2 semaphore(%run_scoped3A : memref<!tpu.dma_semaphore, #tpu.memory_space<semaphore_mem>>) src(%arg12 : memref<10000xf32, #tpu.memory_space<vmem>>) dst(%dma_wait3A_159 : memref<10000xf32, #tpu.memory_space<hbm>>)
      tpu.yield
    }) : () -> ()
    return
  }
}

</mosaic_0001>

<sc_bundles>
// kernel: kernel.3.cloned.1.call-start
scs
__scs_entry_jumppad:
0x0: {  	(pc) =	sbr.rel $0x88, $3  }
0x1: {  	(tag) =	ssettag $0x0;
	lr =	simm.s32 $0x1  }
0x2: {  	[smem:$0x3F9F] =	sst lr;
	_ =	strace $0xD0000000  }
0x3: {  	_ = 	snop  }
0x4: {  	_ = 	snop  }
0x5: {  	_ = 	snop  }
0x6: {  	_ = 	snop  }
0x7: {  	_ = 	snop  }
__scs_overlays_trampoline_lowered:
0x8: {  	[smem:$0x3FAE] =	sst s0  }
0x9: {  	[smem:$0x3FAF] =	sst s1  }
0xa: {  	[smem:$0x3FB0] =	sst s2  }
0xb: {  	[smem:$0x3FB1] =	sst s3  }
0xc: {  	[smem:$0x3FB2] =	sst s4  }
0xd: {  	[smem:$0x3FB3] =	sst s5  }
0xe: {  	[smem:$0x3FB4] =	sst s6  }
0xf: {  	[smem:$0x3FB5] =	sst s7  }
0x10: {  	[smem:$0x3FB6] =	sst s8  }
0x11: {  	[smem:$0x3FB7] =	sst s9;
	s0 =	simm.s32 @!p0 $0x0  }
0x12: {  	s1 =	sld [smem:$0x3F9D];
	s0 =	simm.s32 @p0 $0x1  }
0x13: {  	[smem:$0x3FB8] =	sst s0;
	s0 =	simm.s32 @!p1 $0x0  }
0x14: {  	s2 =	sld [smem:$0x3F9C];
	s0 =	simm.s32 @p1 $0x1  }
0x15: {  	[smem:$0x3FB9] =	sst s0;
	s0 =	simm.s32 @!p2 $0x0  }
0x16: {  	s3 =	sld [smem:$0x3FDB];
	s0 =	simm.s32 @p2 $0x1  }
0x17: {  	s4 =	simm.s32 $0x1BF5;
	[smem:$0x3FBB] =	sst s0  }
0x18: {  	s0 =	sld [smem:$0x3F9E];
	_ =	swait.ge [sflag:s4], $0x0  }
0x19: {  	s7 =	sld [smem:$0x3F9F]  }
0x1a: {  	s8 =	sadd.s32 $0xFFFFE003, lr  }
0x1b: {  	s9 =	sadd.s32 $0xFFFFFEF7, lr;
	s5 =	simm.s32 $0xFFFFFFFF;
	p2 =	slt.u32 s8, $0xFFFFF086  }
0x1c: {  	p1 =	slt.u32 s9, $0xF7A;
	s5 =	simm.s32 @!p2 $0x0  }
0x1d: {  	s5 =	simm.s32 @p1 $0x1;
	p0 =	seq.s32 s7, s2  }
0x1e: {  	s7 =	smul.u32 @!p0 $0xF7A, s2;
	p2 =	seq.s32 @!p0 s5, $0x0  }
0x1f: {  	s9 =	smul.u32 $0xF7A, s1;
	s8 =	simm.s32 @!p0 $0x1BF5;
	p2 =	por !p2, p0  }
0x20: {  	[sflag:s8] =	ssyncset.s32 @!p0 $0xFFFFF086;
	s6 =	sadd.s32 @!p0 s3, s7;
	s7 =	simm.s32 @!p0 $0x108  }
0x21: {  	s3 =	sadd.s32 s3, s9;
	s6 =	sadd.s32 @!p0 $0x88, s6;
	s7 =	simm.s32 @p2 $0x1082  }
0x22: {  	[simem:s7], [sflag:s8] =	dma.local @!p0 [hbm:s6], $0xF7A  }
0x23: {  	s9 =	sor.u32 $0xD0000000, s2;
	s6 =	simm.s32 $0x108;
	_ =	swait.ge @!p0 [sflag:s8], $0x0  }
0x24: {  	s3 =	sadd.s32 $0x88, s3;
	s6 =	simm.s32 @!p1 $0x1082;
	[sflag:s4] =	ssyncset.s32 $0xFFFFF086  }
0x25: {  	[simem:s6], [sflag:s4] =	dma.local [hbm:s3], $0xF7A  }
0x26: {  	[smem:$0x3F9F] =	sst s1;
	(tag) =	ssettag s2;
	_ =	strace s9  }
0x27: {  	s1 =	sld [smem:$0x3FAF]  }
0x28: {  	s2 =	sld [smem:$0x3FB0]  }
0x29: {  	s4 =	sld [smem:$0x3FB2]  }
0x2a: {  	p0 =	seq.s32 s5, $0x0;
	s5 =	sld [smem:$0x3FB3]  }
0x2b: {  	s6 =	sld [smem:$0x3FB4]  }
0x2c: {  	s7 =	sld [smem:$0x3FB5]  }
0x2d: {  	s3 =	simm.s32 $0x108;
	s8 =	sld [smem:$0x3FB6]  }
0x2e: {  	s3 =	simm.s32 @!p0 $0x1082;
	s9 =	sld [smem:$0x3FB7]  }
0x2f: {  	lr =	sadd.s32 s0, s3;
	s0 =	sld [smem:$0x3FAE]  }
0x30: {  	s3 =	sld [smem:$0x3FB1]  }
0x31: {  	[smem:$0x3FBA] =	sst s10  }
0x32: {  	s10 =	sld [smem:$0x3FB8];
	_ =	sdelay $0x3  }
0x33: {  	p0 =	seq.s32 s10, $0x1;
	s10 =	sld [smem:$0x3FBA];
	_ =	sdelay $0x3  }
0x34: {  	[smem:$0x3FBA] =	sst s10  }
0x35: {  	s10 =	sld [smem:$0x3FB9];
	_ =	sdelay $0x3  }
0x36: {  	p1 =	seq.s32 s10, $0x1;
	s10 =	sld [smem:$0x3FBA];
	_ =	sdelay $0x3  }
0x37: {  	[smem:$0x3FBA] =	sst s10  }
0x38: {  	s10 =	sld [smem:$0x3FBB]  }
0x39: {  	_ = 	snop;
	(pc) =	sbr.ind lr, $3  }
0x3a: {  	_ = 	snop  }
0x3b: {  	_ = 	snop  }
0x3c: {  	p2 =	seq.s32 s10, $0x1;
	s10 =	sld [smem:$0x3FBA]  }
0x3d: {  	_ =	shalt  }
0x3e: {  	_ =	shalt  }
0x3f: {  	_ =	shalt  }
0x40: {  	_ =	shalt  }
0x41: {  	_ =	shalt  }
0x42: {  	_ =	shalt  }
0x43: {  	_ =	shalt  }
0x44: {  	_ =	shalt  }
0x45: {  	_ =	shalt  }
0x46: {  	_ =	shalt  }
0x47: {  	_ =	shalt  }
0x48: {  	_ =	shalt  }
0x49: {  	_ =	shalt  }
0x4a: {  	_ =	shalt  }
0x4b: {  	_ =	shalt  }
0x4c: {  	_ =	shalt  }
0x4d: {  	_ =	shalt  }
0x4e: {  	_ =	shalt  }
0x4f: {  	_ =	shalt  }
0x50: {  	_ =	shalt  }
0x51: {  	_ =	shalt  }
0x52: {  	_ =	shalt  }
0x53: {  	_ =	shalt  }
0x54: {  	_ =	shalt  }
0x55: {  	_ =	shalt  }
0x56: {  	_ =	shalt  }
0x57: {  	_ =	shalt  }
0x58: {  	_ =	shalt  }
0x59: {  	_ =	shalt  }
0x5a: {  	_ =	shalt  }
0x5b: {  	_ =	shalt  }
0x5c: {  	_ =	shalt  }
0x5d: {  	_ =	shalt  }
0x5e: {  	_ =	shalt  }
0x5f: {  	_ =	shalt  }
0x60: {  	_ =	shalt  }
0x61: {  	_ =	shalt  }
0x62: {  	_ =	shalt  }
0x63: {  	_ =	shalt  }
0x64: {  	_ =	shalt  }
0x65: {  	_ =	shalt  }
0x66: {  	_ =	shalt  }
0x67: {  	_ =	shalt  }
0x68: {  	_ =	shalt  }
0x69: {  	_ =	shalt  }
0x6a: {  	_ =	shalt  }
0x6b: {  	_ =	shalt  }
0x6c: {  	_ =	shalt  }
0x6d: {  	_ =	shalt  }
0x6e: {  	_ =	shalt  }
0x6f: {  	_ =	shalt  }
0x70: {  	_ =	shalt  }
0x71: {  	_ =	shalt  }
0x72: {  	_ =	shalt  }
0x73: {  	_ =	shalt  }
0x74: {  	_ =	shalt  }
0x75: {  	_ =	shalt  }
0x76: {  	_ =	shalt  }
0x77: {  	_ =	shalt  }
0x78: {  	_ =	shalt  }
0x79: {  	_ =	shalt  }
0x7a: {  	_ =	shalt  }
0x7b: {  	_ =	shalt  }
0x7c: {  	_ =	shalt  }
0x7d: {  	_ =	shalt  }
0x7e: {  	_ =	shalt  }
0x7f: {  	_ =	shalt  }
0x80: {  	_ =	shalt  }
0x81: {  	_ =	shalt  }
0x82: {  	_ =	shalt  }
0x83: {  	_ =	shalt  }
0x84: {  	_ =	shalt  }
0x85: {  	_ =	shalt  }
0x86: {  	_ =	shalt  }
0x87: {  	_ =	shalt  }
.Lfunc_end0:
.L_simem_size_0:
called_computation_lowered:
.L_overlay_start_0:
0x88: {  	s2 =	sld [smem:$0x3FD9]  }
0x89: {  	s3 =	sld [smem:$0x3FFE];
	_ =	sdelay $0x1  }
0x8a: {  	s1 =	srdreg.scid  }
0x8b: {  	s0 =	sand.u32 $0x1, s1  }
0x8c: {  	s17 =	sshll.u32 s0, $0xA;
	s2 =	sadd.s32 s3, s2  }
0x8d: {  	s2 =	sadd.s32 s2, s17  }
0x8e: {  	[smem:$0x3FC6] =	sst s2  }
0x8f: {  	_ = 	snop  }
0x90: {  	s2 =	sld [smem:$0x3FC9]  }
0x91: {  	s18 =	sld [smem:$0x3FD0];
	(tm) =	ssettm $0x1  }
0x92: {  	s4 =	sld [smem:$0x3FFB];
	_ =	sdelay $0x3  }
0x93: {  	_ =	strace s4  }
0x94: {  	s4 =	sld [smem:$0x3FFC];
	_ =	sdelay $0x3  }
0x95: {  	_ =	strace s4  }
0x96: {  	s4 =	sld [smem:$0x3FFD];
	_ =	sdelay $0x3  }
0x97: {  	_ =	strace s4  }
0x98: {  	_ =	strace $0x8FFFFFFF  }
0x99: {  	s19 =	sld [smem:$0x3FDB];
	_ =	sdelay $0x1  }
0x9a: {  	s5 =	simm.s32 $_scs_section_size  }
0x9b: {  	s6 =	simm.s32 $_size__tile_overlayer_lowered;
	s7 =	simm.s32 $_tile_overlayer_lowered  }
0x9c: {  	s22 =	simm.s32 $0x1BFF;
	s21 =	sshll.u32 s7, $0x1;
	s4 =	sadd.s32 s5, s19  }
0x9d: {  	s8 =	simm.s32 $0x0;
	s20 =	sshll.u32 s6, $0x1;
	s6 =	sadd.s32 s21, s4  }
0x9e: {  	[timem:s8], [sflag:s22] =	dma.local [hbm:s6], s20  }
0x9f: {  	_ =	swait.ge [sflag:s22], s20  }
0xa0: {  	s5 =	ssub.s32 $0x0, s20;
	[sflag:s22] =	ssyncset.done $0x0  }
0xa1: {  	[sflag:s22] =	ssyncadd.s32 s5;
	_ =	sdelay $0x1  }
0xa2: {  	s23 =	simm.s32 $0x1B8B  }
0xa3: {  	_ =	swait.ge [sflag:s23], $0x1  }
0xa4: {  	[sflag:s23] =	ssyncset.done $0x0  }
0xa5: {  	s25 =	simm.s32 $0x1B8E;
	s24 =	sld [smem:$0x3FFE];
	[sflag:s23] =	ssyncadd.s32 $0xFFFFFFFF  }
0xa6: {  	s26 =	simm.s32 $execute0_lowered;
	[smem:$0x3FD2] =	sst s25  }
0xa7: {  	s6 =	sshll.u32 s26, $0x1;
	_ =	strace $0x80000046;
	[dreg:$0x1] =	wrdreg $0xFFFFFFFF  }
0xa8: {  	s28 =	simm.s32 $_size_execute0_lowered;
	s4 =	sadd.s32 s4, s6;
	[dreg:$0x0] =	wrdreg $0x0  }
0xa9: {  	s6 =	sshll.u32 s28, $0x1;
	[dreg:$0x2] =	wrdreg s4  }
0xaa: {  	[dreg:$0x3] =	wrdreg s6  }
0xab: {  	[dreg:$0x4] =	wrdreg $0xC0  }
0xac: {  	_ =	task [dreg:s8], $0x5FFFF  }
0xad: {  	[dreg:$0x1] =	wrdreg $0xFFFFFFFF  }
0xae: {  	[dreg:$0x0] =	wrdreg $0x60  }
0xaf: {  	[dreg:$0x2] =	wrdreg s2  }
0xb0: {  	[dreg:$0x3] =	wrdreg s24  }
0xb1: {  	[dreg:$0x4] =	wrdreg s18  }
0xb2: {  	[dreg:$0x5] =	wrdreg $0x9  }
0xb3: {  	_ =	task.clear_ibuf [dreg:s8], $0x6FFFF;
	_ =	strace $0x90000046  }
0xb4: {  	s29 =	simm.s32 $0x9;
	_ =	strace $0x80000048  }
0xb5: {  	_ =	swait.ge [sflag:s29], $0x1  }
0xb6: {  	[sflag:s29] =	ssyncadd.s32 $0xFFFFFFFF  }
0xb7: {  	_ =	strace $0x90000048  }
0xb8: {  	_ =	sfence  }
0xb9: {  	s30 =	sld [smem:$0x0];
	_ =	sdelay $0x2  }
0xba: {  	s31 =	sshll.u32 s1, $0xD;
	s1 =	sshrl.u32 s1, $0x2  }
0xbb: {  	s3 =	sand.u32 $0x4000, s31;
	s1 =	sadd.s32 s1, s30  }
0xbc: {  	s0 =	sor.u32 s3, s0;
	s1 =	sshll.u32 s1, $0x11  }
0xbd: {  	s0 =	sor.u32 s1, s0  }
0xbe: {  	s0 =	sadd.s32 $0x8F2B, s0  }
0xbf: {  	[sflag:s0] =	ssyncadd.remote.s32 $0x1  }
0xc0: {  	_ =	sfence.sel $0xFFFF  }
0xc1: {  	[dreg:$0x0] =	wrdreg $0xFFFFFFFF;
	(pc) =	sbr.abs _section_cstart, $3  }
0xc2: {  	[dreg:$0x1] =	wrdreg $0xFFFFFFFF  }
0xc3: {  	_ =	task.clear_ibuf [dreg:s8], $0x2FFFF;
	_ =	strace $0x9FFFFFFF  }
0xc4: {  	(tm) =	ssettm $0x7FFFFFFF  }
0xc5: {  	_ =	shalt  }
tec
execute0_lowered:
.L_overlay_start_1:
0x0: {  	(tag) =	ssettag $0x1  }
0x1: {  	s0 =	rddreg [dreg:$0x0]  }
0x2: {  	s1 =	srdreg.scid;
	s4 =	rddreg [dreg:$0x1]  }
0x3: {  	s6 =	rddreg [dreg:$0x2];
	s2 =	stileid.u32  }
0x4: {  	s9 =	simm.s32 $0x2780;
	s10 =	simm.s32 $0x50;
	s11 =	simm.s32 $0x4F00  }
0x5: {  	s12 =	simm.s32 $0x7700;
	s13 =	simm.s32 $0x9F00;
	s14 =	simm.s32 $0x27D0  }
0x6: {  	s15 =	simm.s32 $0xC700;
	s16 =	simm.s32 $0x1;
	s5 =	sand.u32 $0x1, s1  }
0x7: {  	s17 =	simm.s32 $0x2;
	s18 =	simm.s32 $0xEF00;
	s3 =	sshll.u32 s5, $0x4  }
0x8: {  	s1 =	rddreg [dreg:$0x3];
	s5 =	ssub.s32 $0x2, s5;
	s7 =	sor.u32 s2, s3  }
0x9: {  	v0 =	vlaneseq.u32;
	s3 =	simm.s32 $0x0;
	s8 =	sshrl.u32 s5, $0x1;
	s7 =	smul.u32 $0x4E2, s7  }
0xa: {  	s19 =	simm.s32 $0x0;
	v0 =	vmul.u32 $0x80, v0;
	[smem:$0x7FF] =	sst s3;
	s8 =	ssub.s32 s5, s8  }
0xb: {  	_ =	strace $0x80000047;
	s4 =	sadd.s32 s4, s7;
	s6 =	sadd.s32 s6, s7  }
0xc: {  	v1 =	vor.u32 $0x800, v0;
	v2 =	vor.u32 $0x1000, v0;
	s7 =	smax.u32 s8, $0x1;
	s8 =	simm.s32 $0x3;
	s5 =	sadd.s32 $0x9E00, s4  }
.LBB2_1:
0xd: {  	[tilespmem:s3], [sflag:$0x3] =	stream.linear.gather [hbm4b:s5+s3], $0x2710, $0x38;
	[tilespmem:$0x11680] =	vst v63  }
0xe: {  	_ =	swait.ge [sflag:s8], $0x2710  }
0xf: {  	[sflag:s8] =	ssyncset.done $0x0  }
0x10: {  	[sflag:s8] =	ssyncadd.s32 $0xFFFFD8F0  }
0x11: {  	[tilespmem:s9], [sflag:$0x3] =	stream.linear.gather [hbm4b:s4+s3], $0x2710, $0x38;
	[tilespmem:$0x11680] =	vst v63  }
0x12: {  	_ =	swait.ge [sflag:s8], $0x2710  }
0x13: {  	[sflag:s8] =	ssyncset.done $0x0  }
0x14: {  	[sflag:s8] =	ssyncadd.s32 $0xFFFFD8F0  }
0x15: {  	[tilespmem:s11], [sflag:$0x1] =	stream.indirect.gather [hbm4b:s0+s10], $0x80, s3, s10, $0xb8;
	[tilespmem:$0x11680] =	vst v63  }
0x16: {  	_ = 	snop  }
0x17: {  	[tilespmem:s12], [sflag:$0x1] =	stream.indirect.gather [hbm4b:s0+s10], $0x80, s9, s10, $0xb8;
	[tilespmem:$0x11680] =	vst v63  }
0x18: {  	_ = 	snop  }
0x19: {  	[tilespmem:s13], [sflag:$0x2] =	stream.indirect.gather [hbm4b:s0+s10], $0x80, s10, s10, $0xb8;
	[tilespmem:$0x11680] =	vst v63  }
0x1a: {  	s20 =	simm.s32 $0x0  }
0x1b: {  	[tilespmem:s15], [sflag:$0x2] =	stream.indirect.gather [hbm4b:s0+s10], $0x80, s14, s10, $0xb8;
	[tilespmem:$0x11680] =	vst v63  }
.LBB2_2:
0x1c: {  	_ =	swait.ge [sflag:s16], $0x2800;
	v3 =	vlaneseq.u32  }
0x1d: {  	[sflag:s16] =	ssyncset.done $0x0;
	v4 =	vor.u32 v0, v3;
	v5 =	vadd.s32 $0x1, v3  }
0x1e: {  	[sflag:s16] =	ssyncadd.s32 $0xFFFFD800;
	v5 =	vand.u32 $0x7F, v5  }
0x1f: {  	v6 =	vadd.s32 $0xB, v3;
	_ =	swait.ge [sflag:s16], $0x2800;
	v5 =	vor.u32 v0, v5  }
0x20: {  	v7 =	vadd.s32 $0x3, v3;
	v6 =	vand.u32 $0x7F, v6;
	[sflag:s16] =	ssyncset.done $0x0  }
0x21: {  	v7 =	vand.u32 $0x7F, v7;
	v6 =	vor.u32 v0, v6;
	[sflag:s16] =	ssyncadd.s32 $0xFFFFD800  }
0x22: {  	v8 =	vadd.s32 $0x4, v3;
	v7 =	vor.u32 v0, v7;
	v9 =	vld.idx.msk [tilespmem:v4+s11+$0x0], $0xffff  }
0x23: {  	v8 =	vand.u32 $0x7F, v8;
	v4 =	vld.idx.msk [tilespmem:v4+s12+$0x0], $0xffff  }
0x24: {  	v11 =	vadd.s32 $0x5, v3;
	v8 =	vor.u32 v0, v8;
	v10 =	vld.idx.msk [tilespmem:v5+s11+$0x0], $0xffff  }
0x25: {  	v11 =	vand.u32 $0x7F, v11;
	v5 =	vld.idx.msk [tilespmem:v5+s12+$0x0], $0xffff  }
0x26: {  	v12 =	vadd.s32 $0x6, v3;
	v11 =	vor.u32 v0, v11;
	v13 =	vld.idx.msk [tilespmem:v6+s11+$0x0], $0xffff  }
0x27: {  	v12 =	vand.u32 $0x7F, v12;
	v14 =	vld.idx.msk [tilespmem:v7+s11+$0x0], $0xffff  }
0x28: {  	v15 =	vadd.s32 $0x7, v3;
	v12 =	vor.u32 v0, v12;
	v7 =	vld.idx.msk [tilespmem:v7+s12+$0x0], $0xffff  }
0x29: {  	v15 =	vand.u32 $0x7F, v15;
	v16 =	vld.idx.msk [tilespmem:v8+s11+$0x0], $0xffff  }
0x2a: {  	v17 =	vadd.s32 $0x8, v3;
	v15 =	vor.u32 v0, v15;
	v8 =	vld.idx.msk [tilespmem:v8+s12+$0x0], $0xffff  }
0x2b: {  	v17 =	vand.u32 $0x7F, v17;
	v18 =	vld.idx.msk [tilespmem:v11+s11+$0x0], $0xffff  }
0x2c: {  	v19 =	vadd.s32 $0x9, v3;
	v17 =	vor.u32 v0, v17;
	v11 =	vld.idx.msk [tilespmem:v11+s12+$0x0], $0xffff  }
0x2d: {  	v19 =	vand.u32 $0x7F, v19;
	v20 =	vld.idx.msk [tilespmem:v12+s11+$0x0], $0xffff  }
0x2e: {  	v21 =	vadd.s32 $0xA, v3;
	v19 =	vor.u32 v0, v19;
	v12 =	vld.idx.msk [tilespmem:v12+s12+$0x0], $0xffff  }
0x2f: {  	v21 =	vand.u32 $0x7F, v21;
	v22 =	vld.idx.msk [tilespmem:v15+s11+$0x0], $0xffff  }
0x30: {  	v23 =	vadd.s32 $0x2, v3;
	v21 =	vor.u32 v0, v21;
	v15 =	vld.idx.msk [tilespmem:v15+s12+$0x0], $0xffff  }
0x31: {  	v23 =	vand.u32 $0x7F, v23;
	v24 =	vld.idx.msk [tilespmem:v17+s11+$0x0], $0xffff  }
0x32: {  	v25 =	vadd.s32 $0xC, v3;
	v23 =	vor.u32 v0, v23;
	v17 =	vld.idx.msk [tilespmem:v17+s12+$0x0], $0xffff  }
0x33: {  	v25 =	vand.u32 $0x7F, v25;
	v26 =	vld.idx.msk [tilespmem:v19+s11+$0x0], $0xffff  }
0x34: {  	v27 =	vadd.s32 $0xD, v3;
	v25 =	vor.u32 v0, v25;
	v19 =	vld.idx.msk [tilespmem:v19+s12+$0x0], $0xffff  }
0x35: {  	v28 =	vadd.s32 $0xE, v3;
	v27 =	vand.u32 $0x7F, v27;
	v29 =	vld.idx.msk [tilespmem:v21+s11+$0x0], $0xffff  }
0x36: {  	v28 =	vand.u32 $0x7F, v28;
	v27 =	vor.u32 v0, v27;
	v21 =	vld.idx.msk [tilespmem:v21+s12+$0x0], $0xffff  }
0x37: {  	v28 =	vor.u32 v0, v28;
	v30 =	vld.idx.msk [tilespmem:v23+s11+$0x0], $0xffff  }
0x38: {  	v31 =	vadd.s32 $0xF, v3;
	v6 =	vld.idx.msk [tilespmem:v6+s12+$0x0], $0xffff  }
0x39: {  	v31 =	vand.u32 $0x7F, v31;
	v32 =	vld.idx.msk [tilespmem:v25+s11+$0x0], $0xffff  }
0x3a: {  	v3 =	vadd.s32 $0x10, v3;
	v31 =	vor.u32 v0, v31;
	v25 =	vld.idx.msk [tilespmem:v25+s12+$0x0], $0xffff  }
0x3b: {  	v34 =	vand.u32 $0x7F, v3;
	v33 =	vld.idx.msk [tilespmem:v27+s11+$0x0], $0xffff  }
0x3c: {  	v3 =	vor.u32 v0, v34;
	v36 =	vld.idx.msk [tilespmem:v28+s11+$0x0], $0xffff  }
0x3d: {  	v35 =	vadd.s32 $0x1, v34;
	v23 =	vld.idx.msk [tilespmem:v23+s12+$0x0], $0xffff  }
0x3e: {  	v35 =	vand.u32 $0x7F, v35;
	v28 =	vld.idx.msk [tilespmem:v28+s12+$0x0], $0xffff  }
0x3f: {  	v37 =	vadd.s32 $0xB, v34;
	v35 =	vor.u32 v0, v35;
	v38 =	vld.idx.msk [tilespmem:v31+s11+$0x0], $0xffff  }
0x40: {  	v39 =	vadd.s32 $0x3, v34;
	v37 =	vand.u32 $0x7F, v37;
	v31 =	vld.idx.msk [tilespmem:v31+s12+$0x0], $0xffff  }
0x41: {  	v37 =	vor.u32 v0, v37;
	v58 =	vld.idx.msk [tilespmem:v3+s11+$0x0], $0xffff;
	v4 =	vmul.f32 v4, v9;
	v9 =	vand.u32 $0x7F, v39  }
0x42: {  	v40 =	vimm.f32 $0.0e+00;
	v41 =	vadd.s32 $0x4, v34;
	v42 =	vld.idx.msk [tilespmem:v3+s12+$0x0], $0xffff;
	v9 =	vor.u32 v0, v9  }
0x43: {  	v27 =	vld.idx.msk [tilespmem:v27+s12+$0x0], $0xffff;
	v3 =	vmul.f32 v5, v10;
	v5 =	vand.u32 $0x7F, v41;
	v4 =	vadd.f32 v4, v40  }
0x44: {  	v59 =	vadd.s32 $0x5, v34;
	v10 =	vld.idx.msk [tilespmem:v35+s11+$0x0], $0xffff;
	v5 =	vor.u32 v0, v5  }
0x45: {  	v35 =	vld.idx.msk [tilespmem:v35+s12+$0x0], $0xffff;
	v23 =	vmul.f32 v23, v30;
	v30 =	vand.u32 $0x7F, v59;
	v4 =	vadd.f32 v3, v4  }
0x46: {  	v7 =	vmul.f32 v7, v14;
	v14 =	vor.u32 v0, v30;
	v30 =	vadd.s32 $0x6, v34;
	v3 =	vld.idx.msk [tilespmem:v37+s11+$0x0], $0xffff  }
0x47: {  	v8 =	vmul.f32 v8, v16;
	v4 =	vadd.f32 v23, v4;
	v16 =	vld.idx.msk [tilespmem:v9+s11+$0x0], $0xffff;
	v23 =	vand.u32 $0x7F, v30  }
0x48: {  	v11 =	vmul.f32 v11, v18;
	v9 =	vld.idx.msk [tilespmem:v9+s12+$0x0], $0xffff;
	v18 =	vor.u32 v0, v23;
	v23 =	vadd.s32 $0x7, v34  }
0x49: {  	v12 =	vmul.f32 v12, v20;
	v4 =	vadd.f32 v7, v4;
	v20 =	vld.idx.msk [tilespmem:v5+s11+$0x0], $0xffff;
	v7 =	vand.u32 $0x7F, v23  }
0x4a: {  	v15 =	vmul.f32 v15, v22;
	v22 =	vadd.s32 $0x8, v34;
	v23 =	vld.idx.msk [tilespmem:v5+s12+$0x0], $0xffff;
	v7 =	vor.u32 v0, v7  }
0x4b: {  	v24 =	vmul.f32 v17, v24;
	v5 =	vand.u32 $0x7F, v22;
	v22 =	vld.idx.msk [tilespmem:v14+s11+$0x0], $0xffff;
	v4 =	vadd.f32 v8, v4  }
0x4c: {  	v14 =	vld.idx.msk [tilespmem:v14+s12+$0x0], $0xffff;
	v8 =	vmul.f32 v19, v26;
	v19 =	vor.u32 v0, v5;
	v5 =	vadd.s32 $0x9, v34  }
0x4d: {  	v26 =	vmul.f32 v6, v13;
	v5 =	vand.u32 $0x7F, v5;
	v13 =	vld.idx.msk [tilespmem:v18+s11+$0x0], $0xffff;
	v4 =	vadd.f32 v11, v4  }
0x4e: {  	v30 =	vmul.f32 v25, v32;
	v25 =	vld.idx.msk [tilespmem:v18+s12+$0x0], $0xffff;
	v11 =	vor.u32 v0, v5;
	v5 =	vadd.s32 $0xA, v34  }
0x4f: {  	v17 =	vmul.f32 v28, v36;
	v12 =	vadd.f32 v12, v4;
	v60 =	vld.idx.msk [tilespmem:v7+s11+$0x0], $0xffff;
	v4 =	vand.u32 $0x7F, v5  }
0x50: {  	v6 =	vadd.s32 $0x2, v34;
	v5 =	vmul.f32 v31, v38;
	v31 =	vld.idx.msk [tilespmem:v7+s12+$0x0], $0xffff;
	v18 =	vor.u32 v0, v4  }
0x51: {  	v21 =	vmul.f32 v21, v29;
	v6 =	vand.u32 $0x7F, v6;
	v28 =	vld.idx.msk [tilespmem:v19+s11+$0x0], $0xffff;
	v7 =	vadd.f32 v15, v12  }
0x52: {  	v4 =	vor.u32 v0, v6;
	v12 =	vadd.s32 $0xE, v34;
	v15 =	vld.idx.msk [tilespmem:v19+s12+$0x0], $0xffff;
	v19 =	vadd.s32 $0xC, v34  }
0x53: {  	v61 =	vand.u32 $0x7F, v12;
	v62 =	vld.idx.msk [tilespmem:v11+s11+$0x0], $0xffff;
	v12 =	vand.u32 $0x7F, v19;
	v24 =	vadd.f32 v24, v7  }
0x54: {  	v19 =	vld.idx.msk [tilespmem:v11+s12+$0x0], $0xffff;
	v7 =	vmul.f32 v35, v10;
	v10 =	vadd.s32 $0xD, v34;
	v63 =	vor.u32 v0, v12  }
0x55: {  	v27 =	vmul.f32 v27, v33;
	v10 =	vand.u32 $0x7F, v10;
	v12 =	vld.idx.msk [tilespmem:v18+s11+$0x0], $0xffff;
	v24 =	vadd.f32 v8, v24  }
0x56: {  	v11 =	vmul.f32 v9, v16;
	v8 =	vmul.f32 v23, v20;
	v18 =	vld.idx.msk [tilespmem:v18+s12+$0x0], $0xffff;
	v20 =	vor.u32 v0, v10  }
0x57: {  	v9 =	vmul.f32 v25, v13;
	v25 =	vor.u32 v0, v61;
	v23 =	vld.idx.msk [tilespmem:v4+s11+$0x0], $0xffff;
	v16 =	vadd.f32 v21, v24  }
0x58: {  	v10 =	vmul.f32 v14, v22;
	v14 =	vmul.f32 v15, v28;
	v15 =	vadd.s32 $0xF, v34;
	v24 =	vld.idx.msk [tilespmem:v37+s12+$0x0], $0xffff  }
0x59: {  	v6 =	vmul.f32 v42, v58;
	v15 =	vand.u32 $0x7F, v15;
	v21 =	vld.idx.msk [tilespmem:v63+s11+$0x0], $0xffff;
	v28 =	vadd.f32 v26, v16  }
0x5a: {  	v22 =	vld.idx.msk [tilespmem:v63+s12+$0x0], $0xffff;
	v16 =	vmul.f32 v19, v62;
	v19 =	vadd.s32 $0x10, v34;
	v26 =	vor.u32 v0, v15  }
0x5b: {  	s21 =	simm.s32 $0x6;
	v13 =	vmul.f32 v31, v60;
	v15 =	vld.idx.msk [tilespmem:v20+s11+$0x0], $0xffff;
	v19 =	vand.u32 $0x7F, v19;
	v28 =	vadd.f32 v30, v28  }
.LBB2_3:
0x5c: {  	v29 =	vor.u32 v0, v19;
	v30 =	vadd.s32 $0x1, v19;
	p0 =	sne.s32 s21, $0x1;
	s21 =	sadd.s32 $0xFFFFFFFF, s21;
	v31 =	vld.idx.msk [tilespmem:v25+s11+$0x0], $0xffff  }
0x5d: {  	v32 =	vadd.s32 $0x4, v19;
	v30 =	vand.u32 $0x7F, v30;
	v33 =	vld.idx.msk [tilespmem:v4+s12+$0x0], $0xffff;
	v4 =	vadd.f32 v27, v28  }
0x5e: {  	v28 =	vadd.s32 $0x8, v19;
	v27 =	vor.u32 v0, v30;
	v30 =	vadd.s32 $0xB, v19;
	v25 =	vld.idx.msk [tilespmem:v25+s12+$0x0], $0xffff  }
0x5f: {  	v34 =	vadd.s32 $0x3, v19;
	v28 =	vand.u32 $0x7F, v28;
	v35 =	vld.idx.msk [tilespmem:v26+s11+$0x0], $0xffff;
	v4 =	vadd.f32 v17, v4  }
0x60: {  	v34 =	vand.u32 $0x7F, v34;
	v17 =	vadd.s32 $0x2, v19;
	v30 =	vand.u32 $0x7F, v30;
	v26 =	vld.idx.msk [tilespmem:v26+s12+$0x0], $0xffff  }
0x61: {  	v17 =	vand.u32 $0x7F, v17;
	v30 =	vor.u32 v0, v30;
	v36 =	vld.idx.msk [tilespmem:v29+s11+$0x0], $0xffff;
	v5 =	vadd.f32 v5, v4  }
0x62: {  	v4 =	vor.u32 v0, v17;
	v17 =	vor.u32 v0, v34;
	v34 =	vmul.f32 v24, v3;
	v29 =	vld.idx.msk [tilespmem:v29+s12+$0x0], $0xffff  }
0x63: {  	v3 =	vand.u32 $0x7F, v32;
	v24 =	vld.idx.msk [tilespmem:v27+s11+$0x0], $0xffff;
	v5 =	vadd.f32 v6, v5;
	v6 =	vmul.f32 v33, v23  }
0x64: {  	v32 =	vadd.s32 $0xE, v19;
	v23 =	vld.idx.msk [tilespmem:v27+s12+$0x0], $0xffff;
	v27 =	vor.u32 v0, v3;
	v3 =	vadd.s32 $0x5, v19  }
0x65: {  	v32 =	vand.u32 $0x7F, v32;
	v3 =	vand.u32 $0x7F, v3;
	v5 =	vadd.f32 v7, v5;
	v20 =	vld.idx.msk [tilespmem:v20+s12+$0x0], $0xffff  }
0x66: {  	v37 =	vmul.f32 v22, v21;
	v7 =	vadd.s32 $0x6, v19;
	v33 =	vor.u32 v0, v3;
	v3 =	vld.idx.msk [tilespmem:v30+s11+$0x0], $0xffff  }
0x67: {  	v7 =	vand.u32 $0x7F, v7;
	v21 =	vld.idx.msk [tilespmem:v17+s11+$0x0], $0xffff;
	v22 =	vadd.f32 v6, v5;
	v5 =	vmul.f32 v26, v35  }
0x68: {  	v35 =	vor.u32 v0, v7;
	v7 =	vadd.s32 $0x7, v19;
	v26 =	vld.idx.msk [tilespmem:v17+s12+$0x0], $0xffff;
	v17 =	vmul.f32 v25, v31  }
0x69: {  	v6 =	vmul.f32 v29, v36;
	v29 =	vand.u32 $0x7F, v7;
	v25 =	vld.idx.msk [tilespmem:v27+s11+$0x0], $0xffff;
	v11 =	vadd.f32 v11, v22  }
0x6a: {  	v7 =	vmul.f32 v23, v24;
	v23 =	vor.u32 v0, v29;
	v22 =	vld.idx.msk [tilespmem:v27+s12+$0x0], $0xffff  }
0x6b: {  	v24 =	vld.idx.msk [tilespmem:v33+s11+$0x0], $0xffff;
	v8 =	vadd.f32 v8, v11  }
0x6c: {  	v28 =	vor.u32 v0, v28;
	v11 =	vadd.s32 $0x9, v19;
	v27 =	vld.idx.msk [tilespmem:v33+s12+$0x0], $0xffff  }
0x6d: {  	v31 =	vmul.f32 v18, v12;
	v11 =	vand.u32 $0x7F, v11;
	v29 =	vld.idx.msk [tilespmem:v35+s11+$0x0], $0xffff;
	v8 =	vadd.f32 v10, v8  }
0x6e: {  	v18 =	vor.u32 v0, v11;
	v10 =	vadd.s32 $0xA, v19;
	v12 =	vld.idx.msk [tilespmem:v35+s12+$0x0], $0xffff  }
0x6f: {  	v11 =	vmul.f32 v26, v21;
	v10 =	vand.u32 $0x7F, v10;
	v21 =	vld.idx.msk [tilespmem:v23+s11+$0x0], $0xffff;
	v9 =	vadd.f32 v9, v8  }
0x70: {  	v8 =	vmul.f32 v22, v25;
	v22 =	vld.idx.msk [tilespmem:v23+s12+$0x0], $0xffff;
	v23 =	vor.u32 v0, v10  }
0x71: {  	v26 =	vld.idx.msk [tilespmem:v28+s11+$0x0], $0xffff;
	v9 =	vadd.f32 v13, v9  }
0x72: {  	v10 =	vmul.f32 v27, v24;
	v13 =	vadd.s32 $0xC, v19;
	v24 =	vld.idx.msk [tilespmem:v28+s12+$0x0], $0xffff  }
0x73: {  	v25 =	vadd.s32 $0xD, v19;
	v13 =	vand.u32 $0x7F, v13;
	v28 =	vld.idx.msk [tilespmem:v18+s11+$0x0], $0xffff;
	v14 =	vadd.f32 v14, v9  }
0x74: {  	v9 =	vmul.f32 v12, v29;
	v33 =	vor.u32 v0, v13;
	v29 =	vld.idx.msk [tilespmem:v18+s12+$0x0], $0xffff  }
0x75: {  	v25 =	vand.u32 $0x7F, v25;
	v27 =	vmul.f32 v20, v15;
	v12 =	vld.idx.msk [tilespmem:v23+s11+$0x0], $0xffff;
	v14 =	vadd.f32 v16, v14  }
0x76: {  	v20 =	vor.u32 v0, v25;
	v13 =	vmul.f32 v22, v21;
	v18 =	vld.idx.msk [tilespmem:v23+s12+$0x0], $0xffff  }
.Ltmp0:
0x77: {  	v25 =	vor.u32 v0, v32;
	v23 =	vld.idx.msk [tilespmem:v4+s11+$0x0], $0xffff;
	v15 =	vadd.f32 v31, v14;
	(pc) =	sbr.rel @p0 .LBB2_3-.Ltmp0, $4  }
0x78: {  	v16 =	vadd.s32 $0xF, v19;
	v14 =	vmul.f32 v24, v26;
	v24 =	vld.idx.msk [tilespmem:v30+s12+$0x0], $0xffff  }
0x79: {  	v26 =	vand.u32 $0x7F, v16;
	v21 =	vld.idx.msk [tilespmem:v33+s11+$0x0], $0xffff;
	v30 =	vadd.f32 v34, v15  }
0x7a: {  	v19 =	vadd.s32 $0x10, v19;
	v26 =	vor.u32 v0, v26;
	v16 =	vmul.f32 v29, v28;
	v22 =	vld.idx.msk [tilespmem:v33+s12+$0x0], $0xffff  }
0x7b: {  	v19 =	vand.u32 $0x7F, v19;
	v15 =	vld.idx.msk [tilespmem:v20+s11+$0x0], $0xffff;
	v28 =	vadd.f32 v37, v30  }
0x7c: {  	_ = 	snop  }
0x7d: {  	v19 =	vadd.f32 v27, v28;
	_ =	sdelay $0x1  }
0x7e: {  	v17 =	vadd.f32 v17, v19  }
0x7f: {  	v4 =	vld.idx.msk [tilespmem:v4+s12+$0x0], $0xffff  }
0x80: {  	v5 =	vadd.f32 v5, v17;
	_ =	sdelay $0x1  }
0x81: {  	v5 =	vadd.f32 v6, v5;
	_ =	sdelay $0x1  }
0x82: {  	v4 =	vmul.f32 v4, v23;
	v5 =	vadd.f32 v7, v5;
	_ =	sdelay $0x1  }
0x83: {  	v4 =	vadd.f32 v4, v5;
	_ =	sdelay $0x1  }
0x84: {  	v4 =	vadd.f32 v11, v4;
	_ =	sdelay $0x1  }
0x85: {  	v4 =	vadd.f32 v8, v4;
	_ =	sdelay $0x1  }
0x86: {  	v4 =	vadd.f32 v10, v4;
	_ =	sdelay $0x1  }
0x87: {  	v4 =	vadd.f32 v9, v4;
	_ =	sdelay $0x1  }
0x88: {  	v4 =	vadd.f32 v13, v4;
	_ =	sdelay $0x1  }
0x89: {  	v4 =	vadd.f32 v14, v4;
	_ =	sdelay $0x1  }
0x8a: {  	v5 =	vmul.f32 v18, v12;
	v4 =	vadd.f32 v16, v4  }
0x8b: {  	v6 =	vld.idx.msk [tilespmem:v20+s12+$0x0], $0xffff  }
0x8c: {  	v3 =	vmul.f32 v24, v3;
	v7 =	vld.idx.msk [tilespmem:v25+s11+$0x0], $0xffff;
	v4 =	vadd.f32 v5, v4  }
0x8d: {  	v5 =	vld.idx.msk [tilespmem:v25+s12+$0x0], $0xffff  }
0x8e: {  	v8 =	vld.idx.msk [tilespmem:v26+s11+$0x0], $0xffff;
	v9 =	vmul.f32 v22, v21;
	v3 =	vadd.f32 v3, v4  }
0x8f: {  	v4 =	vld.idx.msk [tilespmem:v26+s12+$0x0], $0xffff  }
0x90: {  	v6 =	vmul.f32 v6, v15;
	v3 =	vadd.f32 v9, v3;
	_ =	sdelay $0x1  }
0x91: {  	v5 =	vmul.f32 v5, v7;
	v3 =	vadd.f32 v6, v3;
	_ =	sdelay $0x1  }
0x92: {  	v4 =	vmul.f32 v4, v8;
	v3 =	vadd.f32 v5, v3;
	_ =	sdelay $0x1  }
0x93: {  	v3 =	vadd.f32 v4, v3;
	_ =	sdelay $0x1  }
0x94: {  	v3 =	vsub.f32 $0.0e+00, v3;
	_ =	sdelay $0x1  }
0x95: {  	v3 =	vmul.f32 $1.442695020e+00, v3;
	_ =	sdelay $0x1  }
0x96: {  	(erf) = vpow2.f32 v3;
	_ =	sdelay $0x8  }
0x97: {  	v3 =	vpop (erf)  }
0x98: {  	v3 =	vadd.f32 $1.000000000e+00, v3;
	_ =	sdelay $0x1  }
0x99: {  	(erf) = vrcp.f32 v3;
	_ =	sdelay $0x4  }
0x9a: {  	v3 =	vlaneseq.u32  }
0x9b: {  	v4 =	vor.u32 v1, v3;
	v5 =	vadd.s32 $0x1, v3  }
0x9c: {  	v5 =	vand.u32 $0x7F, v5  }
0x9d: {  	s21 =	smul.u32 $0xA0, s20;
	v6 =	vadd.s32 $0xB, v3;
	v5 =	vor.u32 v1, v5  }
0x9e: {  	v11 =	vadd.s32 $0x5, v3;
	v6 =	vand.u32 $0x7F, v6;
	v7 =	vpop (erf)  }
0x9f: {  	v11 =	vand.u32 $0x7F, v11;
	v6 =	vor.u32 v1, v6;
	[tilespmem:s21+$0xEF00] =	vst v7  }
0xa0: {  	v12 =	vadd.s32 $0x6, v3;
	v11 =	vor.u32 v1, v11;
	v9 =	vld.idx.msk [tilespmem:v4+s11+$0x0], $0xffff  }
0xa1: {  	v12 =	vand.u32 $0x7F, v12;
	v4 =	vld.idx.msk [tilespmem:v4+s12+$0x0], $0xffff  }
0xa2: {  	v15 =	vadd.s32 $0x7, v3;
	v12 =	vor.u32 v1, v12;
	v10 =	vld.idx.msk [tilespmem:v5+s11+$0x0], $0xffff  }
0xa3: {  	v15 =	vand.u32 $0x7F, v15;
	v5 =	vld.idx.msk [tilespmem:v5+s12+$0x0], $0xffff  }
0xa4: {  	v17 =	vadd.s32 $0x8, v3;
	v15 =	vor.u32 v1, v15;
	v13 =	vld.idx.msk [tilespmem:v6+s11+$0x0], $0xffff  }
0xa5: {  	v17 =	vand.u32 $0x7F, v17;
	v18 =	vld.idx.msk [tilespmem:v11+s11+$0x0], $0xffff  }
0xa6: {  	v19 =	vadd.s32 $0x9, v3;
	v17 =	vor.u32 v1, v17;
	v11 =	vld.idx.msk [tilespmem:v11+s12+$0x0], $0xffff  }
0xa7: {  	v19 =	vand.u32 $0x7F, v19;
	v20 =	vld.idx.msk [tilespmem:v12+s11+$0x0], $0xffff  }
0xa8: {  	v21 =	vadd.s32 $0xA, v3;
	v19 =	vor.u32 v1, v19;
	v12 =	vld.idx.msk [tilespmem:v12+s12+$0x0], $0xffff  }
0xa9: {  	v21 =	vand.u32 $0x7F, v21;
	v22 =	vld.idx.msk [tilespmem:v15+s11+$0x0], $0xffff  }
0xaa: {  	v23 =	vadd.s32 $0x2, v3;
	v21 =	vor.u32 v1, v21;
	v15 =	vld.idx.msk [tilespmem:v15+s12+$0x0], $0xffff  }
0xab: {  	v23 =	vand.u32 $0x7F, v23;
	v24 =	vld.idx.msk [tilespmem:v17+s11+$0x0], $0xffff  }
0xac: {  	v25 =	vadd.s32 $0xC, v3;
	v23 =	vor.u32 v1, v23;
	v17 =	vld.idx.msk [tilespmem:v17+s12+$0x0], $0xffff  }
0xad: {  	v25 =	vand.u32 $0x7F, v25;
	v26 =	vld.idx.msk [tilespmem:v19+s11+$0x0], $0xffff  }
0xae: {  	v27 =	vadd.s32 $0xD, v3;
	v25 =	vor.u32 v1, v25;
	v19 =	vld.idx.msk [tilespmem:v19+s12+$0x0], $0xffff  }
0xaf: {  	v28 =	vadd.s32 $0xE, v3;
	v27 =	vand.u32 $0x7F, v27;
	v29 =	vld.idx.msk [tilespmem:v21+s11+$0x0], $0xffff  }
0xb0: {  	v28 =	vand.u32 $0x7F, v28;
	v27 =	vor.u32 v1, v27;
	v21 =	vld.idx.msk [tilespmem:v21+s12+$0x0], $0xffff  }
0xb1: {  	v28 =	vor.u32 v1, v28;
	v30 =	vld.idx.msk [tilespmem:v23+s11+$0x0], $0xffff  }
0xb2: {  	v31 =	vadd.s32 $0xF, v3;
	v6 =	vld.idx.msk [tilespmem:v6+s12+$0x0], $0xffff  }
0xb3: {  	v31 =	vand.u32 $0x7F, v31;
	v32 =	vld.idx.msk [tilespmem:v25+s11+$0x0], $0xffff  }
0xb4: {  	v31 =	vor.u32 v1, v31;
	v25 =	vld.idx.msk [tilespmem:v25+s12+$0x0], $0xffff  }
0xb5: {  	v8 =	vadd.s32 $0x3, v3;
	v33 =	vld.idx.msk [tilespmem:v27+s11+$0x0], $0xffff  }
0xb6: {  	v7 =	vand.u32 $0x7F, v8;
	v36 =	vld.idx.msk [tilespmem:v28+s11+$0x0], $0xffff  }
0xb7: {  	v8 =	vadd.s32 $0x4, v3;
	v7 =	vor.u32 v1, v7;
	v23 =	vld.idx.msk [tilespmem:v23+s12+$0x0], $0xffff  }
0xb8: {  	v8 =	vand.u32 $0x7F, v8;
	v28 =	vld.idx.msk [tilespmem:v28+s12+$0x0], $0xffff  }
0xb9: {  	v3 =	vadd.s32 $0x10, v3;
	v38 =	vld.idx.msk [tilespmem:v31+s11+$0x0], $0xffff;
	v8 =	vor.u32 v1, v8  }
0xba: {  	v34 =	vand.u32 $0x7F, v3;
	v31 =	vld.idx.msk [tilespmem:v31+s12+$0x0], $0xffff  }
0xbb: {  	v27 =	vld.idx.msk [tilespmem:v27+s12+$0x0], $0xffff;
	v3 =	vor.u32 v1, v34;
	v35 =	vadd.s32 $0x1, v34  }
0xbc: {  	v35 =	vand.u32 $0x7F, v35;
	v14 =	vld.idx.msk [tilespmem:v7+s11+$0x0], $0xffff  }
0xbd: {  	v37 =	vadd.s32 $0xB, v34;
	v35 =	vor.u32 v1, v35;
	v7 =	vld.idx.msk [tilespmem:v7+s12+$0x0], $0xffff  }
0xbe: {  	v39 =	vadd.s32 $0x3, v34;
	v37 =	vand.u32 $0x7F, v37;
	v16 =	vld.idx.msk [tilespmem:v8+s11+$0x0], $0xffff  }
0xbf: {  	v37 =	vor.u32 v1, v37;
	v4 =	vmul.f32 v4, v9;
	v9 =	vand.u32 $0x7F, v39;
	v8 =	vld.idx.msk [tilespmem:v8+s12+$0x0], $0xffff  }
0xc0: {  	v40 =	vimm.f32 $0.0e+00;
	v41 =	vadd.s32 $0x4, v34;
	v58 =	vld.idx.msk [tilespmem:v3+s11+$0x0], $0xffff;
	v9 =	vor.u32 v1, v9  }
0xc1: {  	v42 =	vld.idx.msk [tilespmem:v3+s12+$0x0], $0xffff;
	v3 =	vmul.f32 v5, v10;
	v5 =	vand.u32 $0x7F, v41;
	v4 =	vadd.f32 v4, v40  }
0xc2: {  	v59 =	vadd.s32 $0x5, v34;
	v5 =	vor.u32 v1, v5;
	v10 =	vld.idx.msk [tilespmem:v35+s11+$0x0], $0xffff  }
0xc3: {  	v23 =	vmul.f32 v23, v30;
	v30 =	vand.u32 $0x7F, v59;
	v35 =	vld.idx.msk [tilespmem:v35+s12+$0x0], $0xffff;
	v4 =	vadd.f32 v3, v4  }
0xc4: {  	v3 =	vld.idx.msk [tilespmem:v37+s11+$0x0], $0xffff;
	v7 =	vmul.f32 v7, v14;
	v14 =	vor.u32 v1, v30;
	v30 =	vadd.s32 $0x6, v34  }
0xc5: {  	v8 =	vmul.f32 v8, v16;
	v4 =	vadd.f32 v23, v4;
	v16 =	vld.idx.msk [tilespmem:v9+s11+$0x0], $0xffff;
	v23 =	vand.u32 $0x7F, v30  }
0xc6: {  	v11 =	vmul.f32 v11, v18;
	v9 =	vld.idx.msk [tilespmem:v9+s12+$0x0], $0xffff;
	v18 =	vor.u32 v1, v23;
	v23 =	vadd.s32 $0x7, v34  }
0xc7: {  	v12 =	vmul.f32 v12, v20;
	v20 =	vld.idx.msk [tilespmem:v5+s11+$0x0], $0xffff;
	v4 =	vadd.f32 v7, v4;
	v7 =	vand.u32 $0x7F, v23  }
0xc8: {  	v15 =	vmul.f32 v15, v22;
	v22 =	vadd.s32 $0x8, v34;
	v23 =	vld.idx.msk [tilespmem:v5+s12+$0x0], $0xffff;
	v7 =	vor.u32 v1, v7  }
0xc9: {  	v24 =	vmul.f32 v17, v24;
	v5 =	vand.u32 $0x7F, v22;
	v4 =	vadd.f32 v8, v4;
	v22 =	vld.idx.msk [tilespmem:v14+s11+$0x0], $0xffff  }
0xca: {  	v8 =	vmul.f32 v19, v26;
	v14 =	vld.idx.msk [tilespmem:v14+s12+$0x0], $0xffff;
	v19 =	vor.u32 v1, v5;
	v5 =	vadd.s32 $0x9, v34  }
0xcb: {  	v26 =	vmul.f32 v6, v13;
	v5 =	vand.u32 $0x7F, v5;
	v13 =	vld.idx.msk [tilespmem:v18+s11+$0x0], $0xffff;
	v4 =	vadd.f32 v11, v4  }
0xcc: {  	v30 =	vmul.f32 v25, v32;
	v25 =	vld.idx.msk [tilespmem:v18+s12+$0x0], $0xffff;
	v11 =	vor.u32 v1, v5;
	v5 =	vadd.s32 $0xA, v34  }
0xcd: {  	v17 =	vmul.f32 v28, v36;
	v12 =	vadd.f32 v12, v4;
	v60 =	vld.idx.msk [tilespmem:v7+s11+$0x0], $0xffff;
	v4 =	vand.u32 $0x7F, v5  }
0xce: {  	v6 =	vadd.s32 $0x2, v34;
	v5 =	vmul.f32 v31, v38;
	v31 =	vld.idx.msk [tilespmem:v7+s12+$0x0], $0xffff;
	v18 =	vor.u32 v1, v4  }
0xcf: {  	v21 =	vmul.f32 v21, v29;
	v6 =	vand.u32 $0x7F, v6;
	v28 =	vld.idx.msk [tilespmem:v19+s11+$0x0], $0xffff;
	v7 =	vadd.f32 v15, v12  }
0xd0: {  	v4 =	vor.u32 v1, v6;
	v12 =	vadd.s32 $0xE, v34;
	v15 =	vld.idx.msk [tilespmem:v19+s12+$0x0], $0xffff;
	v19 =	vadd.s32 $0xC, v34  }
0xd1: {  	v61 =	vand.u32 $0x7F, v12;
	v62 =	vld.idx.msk [tilespmem:v11+s11+$0x0], $0xffff;
	v12 =	vand.u32 $0x7F, v19;
	v24 =	vadd.f32 v24, v7  }
0xd2: {  	v19 =	vld.idx.msk [tilespmem:v11+s12+$0x0], $0xffff;
	v7 =	vmul.f32 v35, v10;
	v10 =	vadd.s32 $0xD, v34;
	v63 =	vor.u32 v1, v12  }
0xd3: {  	v27 =	vmul.f32 v27, v33;
	v10 =	vand.u32 $0x7F, v10;
	v12 =	vld.idx.msk [tilespmem:v18+s11+$0x0], $0xffff;
	v24 =	vadd.f32 v8, v24  }
0xd4: {  	v11 =	vmul.f32 v9, v16;
	v8 =	vmul.f32 v23, v20;
	v18 =	vld.idx.msk [tilespmem:v18+s12+$0x0], $0xffff;
	v20 =	vor.u32 v1, v10  }
0xd5: {  	v9 =	vmul.f32 v25, v13;
	v25 =	vor.u32 v1, v61;
	v23 =	vld.idx.msk [tilespmem:v4+s11+$0x0], $0xffff;
	v16 =	vadd.f32 v21, v24  }
0xd6: {  	v10 =	vmul.f32 v14, v22;
	v14 =	vmul.f32 v15, v28;
	v15 =	vadd.s32 $0xF, v34;
	v24 =	vld.idx.msk [tilespmem:v37+s12+$0x0], $0xffff  }
0xd7: {  	v6 =	vmul.f32 v42, v58;
	v15 =	vand.u32 $0x7F, v15;
	v21 =	vld.idx.msk [tilespmem:v63+s11+$0x0], $0xffff;
	v28 =	vadd.f32 v26, v16  }
0xd8: {  	v22 =	vld.idx.msk [tilespmem:v63+s12+$0x0], $0xffff;
	v16 =	vmul.f32 v19, v62;
	v19 =	vadd.s32 $0x10, v34;
	v26 =	vor.u32 v1, v15  }
0xd9: {  	s22 =	simm.s32 $0x6;
	v13 =	vmul.f32 v31, v60;
	v15 =	vld.idx.msk [tilespmem:v20+s11+$0x0], $0xffff;
	v19 =	vand.u32 $0x7F, v19;
	v28 =	vadd.f32 v30, v28  }
.LBB2_5:
0xda: {  	v29 =	vor.u32 v1, v19;
	v30 =	vadd.s32 $0x1, v19;
	p0 =	sne.s32 s22, $0x1;
	s22 =	sadd.s32 $0xFFFFFFFF, s22;
	v31 =	vld.idx.msk [tilespmem:v25+s11+$0x0], $0xffff  }
0xdb: {  	v32 =	vadd.s32 $0x4, v19;
	v30 =	vand.u32 $0x7F, v30;
	v33 =	vld.idx.msk [tilespmem:v4+s12+$0x0], $0xffff;
	v4 =	vadd.f32 v27, v28  }
0xdc: {  	v28 =	vadd.s32 $0x8, v19;
	v27 =	vor.u32 v1, v30;
	v30 =	vadd.s32 $0xB, v19;
	v25 =	vld.idx.msk [tilespmem:v25+s12+$0x0], $0xffff  }
0xdd: {  	v34 =	vadd.s32 $0x3, v19;
	v28 =	vand.u32 $0x7F, v28;
	v35 =	vld.idx.msk [tilespmem:v26+s11+$0x0], $0xffff;
	v4 =	vadd.f32 v17, v4  }
0xde: {  	v34 =	vand.u32 $0x7F, v34;
	v17 =	vadd.s32 $0x2, v19;
	v30 =	vand.u32 $0x7F, v30;
	v26 =	vld.idx.msk [tilespmem:v26+s12+$0x0], $0xffff  }
0xdf: {  	v17 =	vand.u32 $0x7F, v17;
	v30 =	vor.u32 v1, v30;
	v36 =	vld.idx.msk [tilespmem:v29+s11+$0x0], $0xffff;
	v5 =	vadd.f32 v5, v4  }
0xe0: {  	v4 =	vor.u32 v1, v17;
	v17 =	vor.u32 v1, v34;
	v34 =	vmul.f32 v24, v3;
	v29 =	vld.idx.msk [tilespmem:v29+s12+$0x0], $0xffff  }
0xe1: {  	v3 =	vand.u32 $0x7F, v32;
	v24 =	vld.idx.msk [tilespmem:v27+s11+$0x0], $0xffff;
	v5 =	vadd.f32 v6, v5;
	v6 =	vmul.f32 v33, v23  }
0xe2: {  	v32 =	vadd.s32 $0xE, v19;
	v23 =	vld.idx.msk [tilespmem:v27+s12+$0x0], $0xffff;
	v27 =	vor.u32 v1, v3;
	v3 =	vadd.s32 $0x5, v19  }
0xe3: {  	v32 =	vand.u32 $0x7F, v32;
	v3 =	vand.u32 $0x7F, v3;
	v5 =	vadd.f32 v7, v5;
	v20 =	vld.idx.msk [tilespmem:v20+s12+$0x0], $0xffff  }
0xe4: {  	v37 =	vmul.f32 v22, v21;
	v7 =	vadd.s32 $0x6, v19;
	v33 =	vor.u32 v1, v3;
	v3 =	vld.idx.msk [tilespmem:v30+s11+$0x0], $0xffff  }
0xe5: {  	v7 =	vand.u32 $0x7F, v7;
	v21 =	vld.idx.msk [tilespmem:v17+s11+$0x0], $0xffff;
	v22 =	vadd.f32 v6, v5;
	v5 =	vmul.f32 v26, v35  }
0xe6: {  	v35 =	vor.u32 v1, v7;
	v7 =	vadd.s32 $0x7, v19;
	v26 =	vld.idx.msk [tilespmem:v17+s12+$0x0], $0xffff;
	v17 =	vmul.f32 v25, v31  }
0xe7: {  	v6 =	vmul.f32 v29, v36;
	v29 =	vand.u32 $0x7F, v7;
	v25 =	vld.idx.msk [tilespmem:v27+s11+$0x0], $0xffff;
	v11 =	vadd.f32 v11, v22  }
0xe8: {  	v7 =	vmul.f32 v23, v24;
	v23 =	vor.u32 v1, v29;
	v22 =	vld.idx.msk [tilespmem:v27+s12+$0x0], $0xffff  }
0xe9: {  	v24 =	vld.idx.msk [tilespmem:v33+s11+$0x0], $0xffff;
	v8 =	vadd.f32 v8, v11  }
0xea: {  	v28 =	vor.u32 v1, v28;
	v11 =	vadd.s32 $0x9, v19;
	v27 =	vld.idx.msk [tilespmem:v33+s12+$0x0], $0xffff  }
0xeb: {  	v31 =	vmul.f32 v18, v12;
	v11 =	vand.u32 $0x7F, v11;
	v29 =	vld.idx.msk [tilespmem:v35+s11+$0x0], $0xffff;
	v8 =	vadd.f32 v10, v8  }
0xec: {  	v18 =	vor.u32 v1, v11;
	v10 =	vadd.s32 $0xA, v19;
	v12 =	vld.idx.msk [tilespmem:v35+s12+$0x0], $0xffff  }
0xed: {  	v11 =	vmul.f32 v26, v21;
	v10 =	vand.u32 $0x7F, v10;
	v21 =	vld.idx.msk [tilespmem:v23+s11+$0x0], $0xffff;
	v9 =	vadd.f32 v9, v8  }
0xee: {  	v8 =	vmul.f32 v22, v25;
	v22 =	vld.idx.msk [tilespmem:v23+s12+$0x0], $0xffff;
	v23 =	vor.u32 v1, v10  }
0xef: {  	v26 =	vld.idx.msk [tilespmem:v28+s11+$0x0], $0xffff;
	v9 =	vadd.f32 v13, v9  }
0xf0: {  	v10 =	vmul.f32 v27, v24;
	v13 =	vadd.s32 $0xC, v19;
	v24 =	vld.idx.msk [tilespmem:v28+s12+$0x0], $0xffff  }
0xf1: {  	v25 =	vadd.s32 $0xD, v19;
	v13 =	vand.u32 $0x7F, v13;
	v28 =	vld.idx.msk [tilespmem:v18+s11+$0x0], $0xffff;
	v14 =	vadd.f32 v14, v9  }
0xf2: {  	v9 =	vmul.f32 v12, v29;
	v33 =	vor.u32 v1, v13;
	v29 =	vld.idx.msk [tilespmem:v18+s12+$0x0], $0xffff  }
0xf3: {  	v25 =	vand.u32 $0x7F, v25;
	v27 =	vmul.f32 v20, v15;
	v12 =	vld.idx.msk [tilespmem:v23+s11+$0x0], $0xffff;
	v14 =	vadd.f32 v16, v14  }
0xf4: {  	v20 =	vor.u32 v1, v25;
	v13 =	vmul.f32 v22, v21;
	v18 =	vld.idx.msk [tilespmem:v23+s12+$0x0], $0xffff  }
.Ltmp1:
0xf5: {  	v25 =	vor.u32 v1, v32;
	v23 =	vld.idx.msk [tilespmem:v4+s11+$0x0], $0xffff;
	v15 =	vadd.f32 v31, v14;
	(pc) =	sbr.rel @p0 .LBB2_5-.Ltmp1, $4  }
0xf6: {  	v16 =	vadd.s32 $0xF, v19;
	v14 =	vmul.f32 v24, v26;
	v24 =	vld.idx.msk [tilespmem:v30+s12+$0x0], $0xffff  }
0xf7: {  	v26 =	vand.u32 $0x7F, v16;
	v21 =	vld.idx.msk [tilespmem:v33+s11+$0x0], $0xffff;
	v30 =	vadd.f32 v34, v15  }
0xf8: {  	v19 =	vadd.s32 $0x10, v19;
	v26 =	vor.u32 v1, v26;
	v16 =	vmul.f32 v29, v28;
	v22 =	vld.idx.msk [tilespmem:v33+s12+$0x0], $0xffff  }
0xf9: {  	v19 =	vand.u32 $0x7F, v19;
	v15 =	vld.idx.msk [tilespmem:v20+s11+$0x0], $0xffff;
	v28 =	vadd.f32 v37, v30  }
0xfa: {  	_ = 	snop  }
0xfb: {  	v19 =	vadd.f32 v27, v28;
	_ =	sdelay $0x1  }
0xfc: {  	v17 =	vadd.f32 v17, v19  }
0xfd: {  	v4 =	vld.idx.msk [tilespmem:v4+s12+$0x0], $0xffff  }
0xfe: {  	v5 =	vadd.f32 v5, v17;
	_ =	sdelay $0x1  }
0xff: {  	v5 =	vadd.f32 v6, v5;
	_ =	sdelay $0x1  }
0x100: {  	v4 =	vmul.f32 v4, v23;
	v5 =	vadd.f32 v7, v5;
	_ =	sdelay $0x1  }
0x101: {  	v4 =	vadd.f32 v4, v5;
	_ =	sdelay $0x1  }
0x102: {  	v4 =	vadd.f32 v11, v4;
	_ =	sdelay $0x1  }
0x103: {  	v4 =	vadd.f32 v8, v4;
	_ =	sdelay $0x1  }
0x104: {  	v4 =	vadd.f32 v10, v4;
	_ =	sdelay $0x1  }
0x105: {  	v4 =	vadd.f32 v9, v4;
	_ =	sdelay $0x1  }
0x106: {  	v4 =	vadd.f32 v13, v4;
	_ =	sdelay $0x1  }
0x107: {  	v4 =	vadd.f32 v14, v4;
	_ =	sdelay $0x1  }
0x108: {  	v5 =	vmul.f32 v18, v12;
	v4 =	vadd.f32 v16, v4  }
0x109: {  	v6 =	vld.idx.msk [tilespmem:v20+s12+$0x0], $0xffff  }
0x10a: {  	v3 =	vmul.f32 v24, v3;
	v7 =	vld.idx.msk [tilespmem:v25+s11+$0x0], $0xffff;
	v4 =	vadd.f32 v5, v4  }
0x10b: {  	v5 =	vld.idx.msk [tilespmem:v25+s12+$0x0], $0xffff  }
0x10c: {  	v8 =	vld.idx.msk [tilespmem:v26+s11+$0x0], $0xffff;
	v9 =	vmul.f32 v22, v21;
	v3 =	vadd.f32 v3, v4  }
0x10d: {  	v4 =	vld.idx.msk [tilespmem:v26+s12+$0x0], $0xffff  }
0x10e: {  	v6 =	vmul.f32 v6, v15;
	v3 =	vadd.f32 v9, v3;
	_ =	sdelay $0x1  }
0x10f: {  	v5 =	vmul.f32 v5, v7;
	v3 =	vadd.f32 v6, v3;
	_ =	sdelay $0x1  }
0x110: {  	v4 =	vmul.f32 v4, v8;
	v3 =	vadd.f32 v5, v3;
	_ =	sdelay $0x1  }
0x111: {  	v3 =	vadd.f32 v4, v3;
	_ =	sdelay $0x1  }
0x112: {  	v3 =	vsub.f32 $0.0e+00, v3;
	_ =	sdelay $0x1  }
0x113: {  	v3 =	vmul.f32 $1.442695020e+00, v3;
	_ =	sdelay $0x1  }
0x114: {  	(erf) = vpow2.f32 v3;
	_ =	sdelay $0x8  }
0x115: {  	v3 =	vpop (erf)  }
0x116: {  	v3 =	vadd.f32 $1.000000000e+00, v3;
	_ =	sdelay $0x1  }
0x117: {  	(erf) = vrcp.f32 v3;
	_ =	sdelay $0x4  }
0x118: {  	v3 =	vlaneseq.u32  }
0x119: {  	v4 =	vor.u32 v2, v3;
	v5 =	vadd.s32 $0x1, v3  }
0x11a: {  	v5 =	vand.u32 $0x7F, v5  }
0x11b: {  	v6 =	vadd.s32 $0xB, v3;
	v5 =	vor.u32 v2, v5  }
0x11c: {  	v11 =	vadd.s32 $0x5, v3;
	v6 =	vand.u32 $0x7F, v6;
	v7 =	vpop (erf)  }
0x11d: {  	v11 =	vand.u32 $0x7F, v11;
	v6 =	vor.u32 v2, v6;
	[tilespmem:s21+$0xEF10] =	vst v7  }
0x11e: {  	v12 =	vadd.s32 $0x6, v3;
	v11 =	vor.u32 v2, v11;
	v9 =	vld.idx.msk [tilespmem:v4+s11+$0x0], $0xffff  }
0x11f: {  	v12 =	vand.u32 $0x7F, v12;
	v4 =	vld.idx.msk [tilespmem:v4+s12+$0x0], $0xffff  }
0x120: {  	v15 =	vadd.s32 $0x7, v3;
	v12 =	vor.u32 v2, v12;
	v10 =	vld.idx.msk [tilespmem:v5+s11+$0x0], $0xffff  }
0x121: {  	v15 =	vand.u32 $0x7F, v15;
	v5 =	vld.idx.msk [tilespmem:v5+s12+$0x0], $0xffff  }
0x122: {  	v17 =	vadd.s32 $0x8, v3;
	v15 =	vor.u32 v2, v15;
	v13 =	vld.idx.msk [tilespmem:v6+s11+$0x0], $0xffff  }
0x123: {  	v17 =	vand.u32 $0x7F, v17;
	v18 =	vld.idx.msk [tilespmem:v11+s11+$0x0], $0xffff  }
0x124: {  	v19 =	vadd.s32 $0x9, v3;
	v17 =	vor.u32 v2, v17;
	v11 =	vld.idx.msk [tilespmem:v11+s12+$0x0], $0xffff  }
0x125: {  	v19 =	vand.u32 $0x7F, v19;
	v20 =	vld.idx.msk [tilespmem:v12+s11+$0x0], $0xffff  }
0x126: {  	v21 =	vadd.s32 $0xA, v3;
	v19 =	vor.u32 v2, v19;
	v12 =	vld.idx.msk [tilespmem:v12+s12+$0x0], $0xffff  }
0x127: {  	v21 =	vand.u32 $0x7F, v21;
	v22 =	vld.idx.msk [tilespmem:v15+s11+$0x0], $0xffff  }
0x128: {  	v23 =	vadd.s32 $0x2, v3;
	v21 =	vor.u32 v2, v21;
	v15 =	vld.idx.msk [tilespmem:v15+s12+$0x0], $0xffff  }
0x129: {  	v23 =	vand.u32 $0x7F, v23;
	v24 =	vld.idx.msk [tilespmem:v17+s11+$0x0], $0xffff  }
0x12a: {  	v25 =	vadd.s32 $0xC, v3;
	v23 =	vor.u32 v2, v23;
	v17 =	vld.idx.msk [tilespmem:v17+s12+$0x0], $0xffff  }
0x12b: {  	v25 =	vand.u32 $0x7F, v25;
	v26 =	vld.idx.msk [tilespmem:v19+s11+$0x0], $0xffff  }
0x12c: {  	v27 =	vadd.s32 $0xD, v3;
	v25 =	vor.u32 v2, v25;
	v19 =	vld.idx.msk [tilespmem:v19+s12+$0x0], $0xffff  }
0x12d: {  	v28 =	vadd.s32 $0xE, v3;
	v27 =	vand.u32 $0x7F, v27;
	v29 =	vld.idx.msk [tilespmem:v21+s11+$0x0], $0xffff  }
0x12e: {  	v28 =	vand.u32 $0x7F, v28;
	v27 =	vor.u32 v2, v27;
	v21 =	vld.idx.msk [tilespmem:v21+s12+$0x0], $0xffff  }
0x12f: {  	v28 =	vor.u32 v2, v28;
	v30 =	vld.idx.msk [tilespmem:v23+s11+$0x0], $0xffff  }
0x130: {  	v31 =	vadd.s32 $0xF, v3;
	v6 =	vld.idx.msk [tilespmem:v6+s12+$0x0], $0xffff  }
0x131: {  	v31 =	vand.u32 $0x7F, v31;
	v32 =	vld.idx.msk [tilespmem:v25+s11+$0x0], $0xffff  }
0x132: {  	v31 =	vor.u32 v2, v31;
	v25 =	vld.idx.msk [tilespmem:v25+s12+$0x0], $0xffff  }
0x133: {  	v8 =	vadd.s32 $0x3, v3;
	v33 =	vld.idx.msk [tilespmem:v27+s11+$0x0], $0xffff  }
0x134: {  	v7 =	vand.u32 $0x7F, v8;
	v36 =	vld.idx.msk [tilespmem:v28+s11+$0x0], $0xffff  }
0x135: {  	v8 =	vadd.s32 $0x4, v3;
	v7 =	vor.u32 v2, v7;
	v23 =	vld.idx.msk [tilespmem:v23+s12+$0x0], $0xffff  }
0x136: {  	v8 =	vand.u32 $0x7F, v8;
	v28 =	vld.idx.msk [tilespmem:v28+s12+$0x0], $0xffff  }
0x137: {  	v3 =	vadd.s32 $0x10, v3;
	v38 =	vld.idx.msk [tilespmem:v31+s11+$0x0], $0xffff;
	v8 =	vor.u32 v2, v8  }
0x138: {  	v34 =	vand.u32 $0x7F, v3;
	v31 =	vld.idx.msk [tilespmem:v31+s12+$0x0], $0xffff  }
0x139: {  	v27 =	vld.idx.msk [tilespmem:v27+s12+$0x0], $0xffff;
	v3 =	vor.u32 v2, v34;
	v35 =	vadd.s32 $0x1, v34  }
0x13a: {  	v35 =	vand.u32 $0x7F, v35;
	v14 =	vld.idx.msk [tilespmem:v7+s11+$0x0], $0xffff  }
0x13b: {  	v37 =	vadd.s32 $0xB, v34;
	v35 =	vor.u32 v2, v35;
	v7 =	vld.idx.msk [tilespmem:v7+s12+$0x0], $0xffff  }
0x13c: {  	v39 =	vadd.s32 $0x3, v34;
	v37 =	vand.u32 $0x7F, v37;
	v16 =	vld.idx.msk [tilespmem:v8+s11+$0x0], $0xffff  }
0x13d: {  	v37 =	vor.u32 v2, v37;
	v4 =	vmul.f32 v4, v9;
	v9 =	vand.u32 $0x7F, v39;
	v8 =	vld.idx.msk [tilespmem:v8+s12+$0x0], $0xffff  }
0x13e: {  	v40 =	vimm.f32 $0.0e+00;
	v41 =	vadd.s32 $0x4, v34;
	v58 =	vld.idx.msk [tilespmem:v3+s11+$0x0], $0xffff;
	v9 =	vor.u32 v2, v9  }
0x13f: {  	v42 =	vld.idx.msk [tilespmem:v3+s12+$0x0], $0xffff;
	v3 =	vmul.f32 v5, v10;
	v5 =	vand.u32 $0x7F, v41;
	v4 =	vadd.f32 v4, v40  }
0x140: {  	v59 =	vadd.s32 $0x5, v34;
	v5 =	vor.u32 v2, v5;
	v10 =	vld.idx.msk [tilespmem:v35+s11+$0x0], $0xffff  }
0x141: {  	v23 =	vmul.f32 v23, v30;
	v30 =	vand.u32 $0x7F, v59;
	v35 =	vld.idx.msk [tilespmem:v35+s12+$0x0], $0xffff;
	v4 =	vadd.f32 v3, v4  }
0x142: {  	v3 =	vld.idx.msk [tilespmem:v37+s11+$0x0], $0xffff;
	v7 =	vmul.f32 v7, v14;
	v14 =	vor.u32 v2, v30;
	v30 =	vadd.s32 $0x6, v34  }
0x143: {  	v8 =	vmul.f32 v8, v16;
	v4 =	vadd.f32 v23, v4;
	v16 =	vld.idx.msk [tilespmem:v9+s11+$0x0], $0xffff;
	v23 =	vand.u32 $0x7F, v30  }
0x144: {  	v11 =	vmul.f32 v11, v18;
	v9 =	vld.idx.msk [tilespmem:v9+s12+$0x0], $0xffff;
	v18 =	vor.u32 v2, v23;
	v23 =	vadd.s32 $0x7, v34  }
0x145: {  	v12 =	vmul.f32 v12, v20;
	v20 =	vld.idx.msk [tilespmem:v5+s11+$0x0], $0xffff;
	v4 =	vadd.f32 v7, v4;
	v7 =	vand.u32 $0x7F, v23  }
0x146: {  	v15 =	vmul.f32 v15, v22;
	v22 =	vadd.s32 $0x8, v34;
	v23 =	vld.idx.msk [tilespmem:v5+s12+$0x0], $0xffff;
	v7 =	vor.u32 v2, v7  }
0x147: {  	v24 =	vmul.f32 v17, v24;
	v5 =	vand.u32 $0x7F, v22;
	v4 =	vadd.f32 v8, v4;
	v22 =	vld.idx.msk [tilespmem:v14+s11+$0x0], $0xffff  }
0x148: {  	v8 =	vmul.f32 v19, v26;
	v14 =	vld.idx.msk [tilespmem:v14+s12+$0x0], $0xffff;
	v19 =	vor.u32 v2, v5;
	v5 =	vadd.s32 $0x9, v34  }
0x149: {  	v26 =	vmul.f32 v6, v13;
	v5 =	vand.u32 $0x7F, v5;
	v13 =	vld.idx.msk [tilespmem:v18+s11+$0x0], $0xffff;
	v4 =	vadd.f32 v11, v4  }
0x14a: {  	v30 =	vmul.f32 v25, v32;
	v25 =	vld.idx.msk [tilespmem:v18+s12+$0x0], $0xffff;
	v11 =	vor.u32 v2, v5;
	v5 =	vadd.s32 $0xA, v34  }
0x14b: {  	v17 =	vmul.f32 v28, v36;
	v12 =	vadd.f32 v12, v4;
	v60 =	vld.idx.msk [tilespmem:v7+s11+$0x0], $0xffff;
	v4 =	vand.u32 $0x7F, v5  }
0x14c: {  	v6 =	vadd.s32 $0x2, v34;
	v5 =	vmul.f32 v31, v38;
	v31 =	vld.idx.msk [tilespmem:v7+s12+$0x0], $0xffff;
	v18 =	vor.u32 v2, v4  }
0x14d: {  	v21 =	vmul.f32 v21, v29;
	v6 =	vand.u32 $0x7F, v6;
	v28 =	vld.idx.msk [tilespmem:v19+s11+$0x0], $0xffff;
	v7 =	vadd.f32 v15, v12  }
0x14e: {  	v4 =	vor.u32 v2, v6;
	v12 =	vadd.s32 $0xE, v34;
	v15 =	vld.idx.msk [tilespmem:v19+s12+$0x0], $0xffff;
	v19 =	vadd.s32 $0xC, v34  }
0x14f: {  	v61 =	vand.u32 $0x7F, v12;
	v62 =	vld.idx.msk [tilespmem:v11+s11+$0x0], $0xffff;
	v12 =	vand.u32 $0x7F, v19;
	v24 =	vadd.f32 v24, v7  }
0x150: {  	v19 =	vld.idx.msk [tilespmem:v11+s12+$0x0], $0xffff;
	v7 =	vmul.f32 v35, v10;
	v10 =	vadd.s32 $0xD, v34;
	v63 =	vor.u32 v2, v12  }
0x151: {  	v27 =	vmul.f32 v27, v33;
	v10 =	vand.u32 $0x7F, v10;
	v12 =	vld.idx.msk [tilespmem:v18+s11+$0x0], $0xffff;
	v24 =	vadd.f32 v8, v24  }
0x152: {  	v11 =	vmul.f32 v9, v16;
	v8 =	vmul.f32 v23, v20;
	v18 =	vld.idx.msk [tilespmem:v18+s12+$0x0], $0xffff;
	v20 =	vor.u32 v2, v10  }
0x153: {  	v9 =	vmul.f32 v25, v13;
	v25 =	vor.u32 v2, v61;
	v23 =	vld.idx.msk [tilespmem:v4+s11+$0x0], $0xffff;
	v16 =	vadd.f32 v21, v24  }
0x154: {  	v10 =	vmul.f32 v14, v22;
	v14 =	vmul.f32 v15, v28;
	v15 =	vadd.s32 $0xF, v34;
	v24 =	vld.idx.msk [tilespmem:v37+s12+$0x0], $0xffff  }
0x155: {  	v6 =	vmul.f32 v42, v58;
	v15 =	vand.u32 $0x7F, v15;
	v21 =	vld.idx.msk [tilespmem:v63+s11+$0x0], $0xffff;
	v28 =	vadd.f32 v26, v16  }
0x156: {  	v22 =	vld.idx.msk [tilespmem:v63+s12+$0x0], $0xffff;
	v16 =	vmul.f32 v19, v62;
	v19 =	vadd.s32 $0x10, v34;
	v26 =	vor.u32 v2, v15  }
0x157: {  	s22 =	simm.s32 $0x6;
	v13 =	vmul.f32 v31, v60;
	v15 =	vld.idx.msk [tilespmem:v20+s11+$0x0], $0xffff;
	v19 =	vand.u32 $0x7F, v19;
	v28 =	vadd.f32 v30, v28  }
.LBB2_7:
0x158: {  	v29 =	vor.u32 v2, v19;
	v30 =	vadd.s32 $0x1, v19;
	p0 =	sne.s32 s22, $0x1;
	s22 =	sadd.s32 $0xFFFFFFFF, s22;
	v31 =	vld.idx.msk [tilespmem:v25+s11+$0x0], $0xffff  }
0x159: {  	v32 =	vadd.s32 $0x4, v19;
	v30 =	vand.u32 $0x7F, v30;
	v33 =	vld.idx.msk [tilespmem:v4+s12+$0x0], $0xffff;
	v4 =	vadd.f32 v27, v28  }
0x15a: {  	v28 =	vadd.s32 $0x8, v19;
	v27 =	vor.u32 v2, v30;
	v30 =	vadd.s32 $0xB, v19;
	v25 =	vld.idx.msk [tilespmem:v25+s12+$0x0], $0xffff  }
0x15b: {  	v34 =	vadd.s32 $0x3, v19;
	v28 =	vand.u32 $0x7F, v28;
	v35 =	vld.idx.msk [tilespmem:v26+s11+$0x0], $0xffff;
	v4 =	vadd.f32 v17, v4  }
0x15c: {  	v34 =	vand.u32 $0x7F, v34;
	v17 =	vadd.s32 $0x2, v19;
	v30 =	vand.u32 $0x7F, v30;
	v26 =	vld.idx.msk [tilespmem:v26+s12+$0x0], $0xffff  }
0x15d: {  	v17 =	vand.u32 $0x7F, v17;
	v30 =	vor.u32 v2, v30;
	v36 =	vld.idx.msk [tilespmem:v29+s11+$0x0], $0xffff;
	v5 =	vadd.f32 v5, v4  }
0x15e: {  	v4 =	vor.u32 v2, v17;
	v17 =	vor.u32 v2, v34;
	v34 =	vmul.f32 v24, v3;
	v29 =	vld.idx.msk [tilespmem:v29+s12+$0x0], $0xffff  }
0x15f: {  	v3 =	vand.u32 $0x7F, v32;
	v24 =	vld.idx.msk [tilespmem:v27+s11+$0x0], $0xffff;
	v5 =	vadd.f32 v6, v5;
	v6 =	vmul.f32 v33, v23  }
0x160: {  	v32 =	vadd.s32 $0xE, v19;
	v23 =	vld.idx.msk [tilespmem:v27+s12+$0x0], $0xffff;
	v27 =	vor.u32 v2, v3;
	v3 =	vadd.s32 $0x5, v19  }
0x161: {  	v32 =	vand.u32 $0x7F, v32;
	v3 =	vand.u32 $0x7F, v3;
	v5 =	vadd.f32 v7, v5;
	v20 =	vld.idx.msk [tilespmem:v20+s12+$0x0], $0xffff  }
0x162: {  	v37 =	vmul.f32 v22, v21;
	v7 =	vadd.s32 $0x6, v19;
	v33 =	vor.u32 v2, v3;
	v3 =	vld.idx.msk [tilespmem:v30+s11+$0x0], $0xffff  }
0x163: {  	v7 =	vand.u32 $0x7F, v7;
	v21 =	vld.idx.msk [tilespmem:v17+s11+$0x0], $0xffff;
	v22 =	vadd.f32 v6, v5;
	v5 =	vmul.f32 v26, v35  }
0x164: {  	v35 =	vor.u32 v2, v7;
	v7 =	vadd.s32 $0x7, v19;
	v26 =	vld.idx.msk [tilespmem:v17+s12+$0x0], $0xffff;
	v17 =	vmul.f32 v25, v31  }
0x165: {  	v6 =	vmul.f32 v29, v36;
	v29 =	vand.u32 $0x7F, v7;
	v25 =	vld.idx.msk [tilespmem:v27+s11+$0x0], $0xffff;
	v11 =	vadd.f32 v11, v22  }
0x166: {  	v7 =	vmul.f32 v23, v24;
	v23 =	vor.u32 v2, v29;
	v22 =	vld.idx.msk [tilespmem:v27+s12+$0x0], $0xffff  }
0x167: {  	v24 =	vld.idx.msk [tilespmem:v33+s11+$0x0], $0xffff;
	v8 =	vadd.f32 v8, v11  }
0x168: {  	v28 =	vor.u32 v2, v28;
	v11 =	vadd.s32 $0x9, v19;
	v27 =	vld.idx.msk [tilespmem:v33+s12+$0x0], $0xffff  }
0x169: {  	v31 =	vmul.f32 v18, v12;
	v11 =	vand.u32 $0x7F, v11;
	v29 =	vld.idx.msk [tilespmem:v35+s11+$0x0], $0xffff;
	v8 =	vadd.f32 v10, v8  }
0x16a: {  	v18 =	vor.u32 v2, v11;
	v10 =	vadd.s32 $0xA, v19;
	v12 =	vld.idx.msk [tilespmem:v35+s12+$0x0], $0xffff  }
0x16b: {  	v11 =	vmul.f32 v26, v21;
	v10 =	vand.u32 $0x7F, v10;
	v21 =	vld.idx.msk [tilespmem:v23+s11+$0x0], $0xffff;
	v9 =	vadd.f32 v9, v8  }
0x16c: {  	v8 =	vmul.f32 v22, v25;
	v22 =	vld.idx.msk [tilespmem:v23+s12+$0x0], $0xffff;
	v23 =	vor.u32 v2, v10  }
0x16d: {  	v26 =	vld.idx.msk [tilespmem:v28+s11+$0x0], $0xffff;
	v9 =	vadd.f32 v13, v9  }
0x16e: {  	v10 =	vmul.f32 v27, v24;
	v13 =	vadd.s32 $0xC, v19;
	v24 =	vld.idx.msk [tilespmem:v28+s12+$0x0], $0xffff  }
0x16f: {  	v25 =	vadd.s32 $0xD, v19;
	v13 =	vand.u32 $0x7F, v13;
	v28 =	vld.idx.msk [tilespmem:v18+s11+$0x0], $0xffff;
	v14 =	vadd.f32 v14, v9  }
0x170: {  	v9 =	vmul.f32 v12, v29;
	v33 =	vor.u32 v2, v13;
	v29 =	vld.idx.msk [tilespmem:v18+s12+$0x0], $0xffff  }
0x171: {  	v25 =	vand.u32 $0x7F, v25;
	v27 =	vmul.f32 v20, v15;
	v12 =	vld.idx.msk [tilespmem:v23+s11+$0x0], $0xffff;
	v14 =	vadd.f32 v16, v14  }
0x172: {  	v20 =	vor.u32 v2, v25;
	v13 =	vmul.f32 v22, v21;
	v18 =	vld.idx.msk [tilespmem:v23+s12+$0x0], $0xffff  }
.Ltmp2:
0x173: {  	v25 =	vor.u32 v2, v32;
	v23 =	vld.idx.msk [tilespmem:v4+s11+$0x0], $0xffff;
	v15 =	vadd.f32 v31, v14;
	(pc) =	sbr.rel @p0 .LBB2_7-.Ltmp2, $4  }
0x174: {  	v16 =	vadd.s32 $0xF, v19;
	v14 =	vmul.f32 v24, v26;
	v24 =	vld.idx.msk [tilespmem:v30+s12+$0x0], $0xffff  }
0x175: {  	v26 =	vand.u32 $0x7F, v16;
	v21 =	vld.idx.msk [tilespmem:v33+s11+$0x0], $0xffff;
	v30 =	vadd.f32 v34, v15  }
0x176: {  	v19 =	vadd.s32 $0x10, v19;
	v26 =	vor.u32 v2, v26;
	v16 =	vmul.f32 v29, v28;
	v22 =	vld.idx.msk [tilespmem:v33+s12+$0x0], $0xffff  }
0x177: {  	v19 =	vand.u32 $0x7F, v19;
	v15 =	vld.idx.msk [tilespmem:v20+s11+$0x0], $0xffff;
	v28 =	vadd.f32 v37, v30  }
0x178: {  	_ = 	snop  }
0x179: {  	v19 =	vadd.f32 v27, v28;
	_ =	sdelay $0x1  }
0x17a: {  	v17 =	vadd.f32 v17, v19  }
0x17b: {  	v4 =	vld.idx.msk [tilespmem:v4+s12+$0x0], $0xffff  }
0x17c: {  	v5 =	vadd.f32 v5, v17;
	_ =	sdelay $0x1  }
0x17d: {  	v5 =	vadd.f32 v6, v5;
	_ =	sdelay $0x1  }
0x17e: {  	v4 =	vmul.f32 v4, v23;
	v5 =	vadd.f32 v7, v5;
	_ =	sdelay $0x1  }
0x17f: {  	v4 =	vadd.f32 v4, v5;
	_ =	sdelay $0x1  }
0x180: {  	v4 =	vadd.f32 v11, v4;
	_ =	sdelay $0x1  }
0x181: {  	v4 =	vadd.f32 v8, v4;
	_ =	sdelay $0x1  }
0x182: {  	v4 =	vadd.f32 v10, v4;
	_ =	sdelay $0x1  }
0x183: {  	v4 =	vadd.f32 v9, v4;
	_ =	sdelay $0x1  }
0x184: {  	v4 =	vadd.f32 v13, v4;
	_ =	sdelay $0x1  }
0x185: {  	v4 =	vadd.f32 v14, v4;
	_ =	sdelay $0x1  }
0x186: {  	v5 =	vmul.f32 v18, v12;
	v4 =	vadd.f32 v16, v4  }
0x187: {  	v6 =	vld.idx.msk [tilespmem:v20+s12+$0x0], $0xffff  }
0x188: {  	v3 =	vmul.f32 v24, v3;
	v7 =	vld.idx.msk [tilespmem:v25+s11+$0x0], $0xffff;
	v4 =	vadd.f32 v5, v4  }
0x189: {  	v5 =	vld.idx.msk [tilespmem:v25+s12+$0x0], $0xffff  }
0x18a: {  	v8 =	vld.idx.msk [tilespmem:v26+s11+$0x0], $0xffff;
	v9 =	vmul.f32 v22, v21;
	v3 =	vadd.f32 v3, v4  }
0x18b: {  	v4 =	vld.idx.msk [tilespmem:v26+s12+$0x0], $0xffff  }
0x18c: {  	v6 =	vmul.f32 v6, v15;
	v3 =	vadd.f32 v9, v3;
	_ =	sdelay $0x1  }
0x18d: {  	v5 =	vmul.f32 v5, v7;
	v3 =	vadd.f32 v6, v3;
	_ =	sdelay $0x1  }
0x18e: {  	v4 =	vmul.f32 v4, v8;
	v3 =	vadd.f32 v5, v3;
	_ =	sdelay $0x1  }
0x18f: {  	v3 =	vadd.f32 v4, v3;
	_ =	sdelay $0x1  }
0x190: {  	v3 =	vsub.f32 $0.0e+00, v3;
	_ =	sdelay $0x1  }
0x191: {  	v3 =	vmul.f32 $1.442695020e+00, v3;
	_ =	sdelay $0x1  }
0x192: {  	(erf) = vpow2.f32 v3;
	_ =	sdelay $0x8  }
0x193: {  	v3 =	vpop (erf)  }
0x194: {  	v3 =	vadd.f32 $1.000000000e+00, v3;
	_ =	sdelay $0x1  }
0x195: {  	(erf) = vrcp.f32 v3;
	_ =	sdelay $0x4  }
0x196: {  	v4 =	vor.u32 $0x1800, v0;
	v3 =	vlaneseq.u32  }
0x197: {  	v5 =	vor.u32 v4, v3;
	v6 =	vadd.s32 $0x1, v3  }
0x198: {  	v6 =	vand.u32 $0x7F, v6  }
0x199: {  	v7 =	vadd.s32 $0x2, v3;
	v6 =	vor.u32 v4, v6  }
0x19a: {  	v7 =	vand.u32 $0x7F, v7;
	v8 =	vpop (erf)  }
0x19b: {  	v10 =	vadd.s32 $0x4, v3;
	v7 =	vor.u32 v4, v7;
	[tilespmem:s21+$0xEF20] =	vst v8  }
0x19c: {  	v10 =	vand.u32 $0x7F, v10;
	v9 =	vld.idx.msk [tilespmem:v5+s11+$0x0], $0xffff  }
0x19d: {  	v10 =	vor.u32 v4, v10;
	v8 =	vadd.s32 $0x3, v3;
	v5 =	vld.idx.msk [tilespmem:v5+s12+$0x0], $0xffff  }
0x19e: {  	v8 =	vand.u32 $0x7F, v8;
	v11 =	vld.idx.msk [tilespmem:v6+s11+$0x0], $0xffff  }
0x19f: {  	v12 =	vadd.s32 $0x5, v3;
	v6 =	vld.idx.msk [tilespmem:v6+s12+$0x0], $0xffff;
	v8 =	vor.u32 v4, v8  }
0x1a0: {  	v12 =	vand.u32 $0x7F, v12;
	v13 =	vld.idx.msk [tilespmem:v7+s11+$0x0], $0xffff  }
0x1a1: {  	v14 =	vadd.s32 $0x6, v3;
	v12 =	vor.u32 v4, v12;
	v7 =	vld.idx.msk [tilespmem:v7+s12+$0x0], $0xffff  }
0x1a2: {  	v14 =	vand.u32 $0x7F, v14;
	v5 =	vmul.f32 v5, v9;
	v9 =	vld.idx.msk [tilespmem:v10+s11+$0x0], $0xffff  }
0x1a3: {  	v16 =	vadd.s32 $0x7, v3;
	v14 =	vor.u32 v4, v14;
	v10 =	vld.idx.msk [tilespmem:v10+s12+$0x0], $0xffff  }
0x1a4: {  	v16 =	vand.u32 $0x7F, v16;
	v15 =	vld.idx.msk [tilespmem:v8+s11+$0x0], $0xffff  }
0x1a5: {  	v17 =	vimm.f32 $0.0e+00;
	v18 =	vadd.s32 $0x8, v3;
	v16 =	vor.u32 v4, v16;
	v8 =	vld.idx.msk [tilespmem:v8+s12+$0x0], $0xffff  }
0x1a6: {  	v6 =	vmul.f32 v6, v11;
	v11 =	vld.idx.msk [tilespmem:v12+s11+$0x0], $0xffff;
	v5 =	vadd.f32 v5, v17;
	v17 =	vand.u32 $0x7F, v18  }
0x1a7: {  	v12 =	vld.idx.msk [tilespmem:v12+s12+$0x0], $0xffff;
	v18 =	vadd.s32 $0x9, v3;
	v17 =	vor.u32 v4, v17  }
0x1a8: {  	v7 =	vmul.f32 v7, v13;
	v13 =	vld.idx.msk [tilespmem:v14+s12+$0x0], $0xffff;
	v18 =	vand.u32 $0x7F, v18;
	v5 =	vadd.f32 v6, v5  }
0x1a9: {  	v6 =	vld.idx.msk [tilespmem:v14+s11+$0x0], $0xffff;
	v14 =	vor.u32 v4, v18;
	v18 =	vadd.s32 $0xA, v3  }
0x1aa: {  	v8 =	vmul.f32 v8, v15;
	v5 =	vadd.f32 v7, v5;
	v7 =	vld.idx.msk [tilespmem:v16+s11+$0x0], $0xffff;
	v15 =	vand.u32 $0x7F, v18  }
0x1ab: {  	v16 =	vld.idx.msk [tilespmem:v16+s12+$0x0], $0xffff;
	v18 =	vadd.s32 $0xB, v3;
	v15 =	vor.u32 v4, v15  }
0x1ac: {  	v9 =	vmul.f32 v10, v9;
	v5 =	vadd.f32 v8, v5;
	v10 =	vld.idx.msk [tilespmem:v17+s11+$0x0], $0xffff;
	v8 =	vand.u32 $0x7F, v18  }
0x1ad: {  	v17 =	vld.idx.msk [tilespmem:v17+s12+$0x0], $0xffff;
	v18 =	vor.u32 v4, v8;
	v8 =	vadd.s32 $0xC, v3  }
0x1ae: {  	v11 =	vmul.f32 v12, v11;
	v12 =	vld.idx.msk [tilespmem:v14+s11+$0x0], $0xffff;
	v5 =	vadd.f32 v9, v5;
	v8 =	vand.u32 $0x7F, v8  }
0x1af: {  	v19 =	vld.idx.msk [tilespmem:v14+s12+$0x0], $0xffff;
	v63 =	vor.u32 v4, v8;
	v8 =	vadd.s32 $0xD, v3  }
0x1b0: {  	v6 =	vmul.f32 v13, v6;
	v11 =	vadd.f32 v11, v5;
	v5 =	vld.idx.msk [tilespmem:v15+s11+$0x0], $0xffff;
	v8 =	vand.u32 $0x7F, v8  }
0x1b1: {  	v13 =	vadd.s32 $0xE, v3;
	v9 =	vld.idx.msk [tilespmem:v15+s12+$0x0], $0xffff;
	v8 =	vor.u32 v4, v8  }
0x1b2: {  	v13 =	vand.u32 $0x7F, v13;
	v7 =	vmul.f32 v16, v7;
	v15 =	vadd.f32 v6, v11;
	v6 =	vld.idx.msk [tilespmem:v18+s11+$0x0], $0xffff  }
0x1b3: {  	v14 =	vmul.f32 v17, v10;
	v10 =	vor.u32 v4, v13;
	v13 =	vadd.s32 $0xF, v3;
	v11 =	vld.idx.msk [tilespmem:v18+s12+$0x0], $0xffff  }
0x1b4: {  	v3 =	vadd.s32 $0x10, v3;
	v17 =	vand.u32 $0x7F, v13;
	v16 =	vadd.f32 v7, v15;
	v7 =	vld.idx.msk [tilespmem:v63+s11+$0x0], $0xffff  }
0x1b5: {  	s22 =	simm.s32 $0x7;
	v3 =	vand.u32 $0x7F, v3;
	v15 =	vmul.f32 v19, v12;
	v13 =	vld.idx.msk [tilespmem:v63+s12+$0x0], $0xffff;
	v12 =	vor.u32 v4, v17  }
.LBB2_9:
0x1b6: {  	v17 =	vadd.s32 $0x6, v3;
	p0 =	sne.s32 s22, $0x1;
	s22 =	sadd.s32 $0xFFFFFFFF, s22;
	v14 =	vadd.f32 v14, v16;
	v16 =	vld.idx.msk [tilespmem:v8+s11+$0x0], $0xffff  }
0x1b7: {  	v18 =	vor.u32 v4, v3;
	v19 =	vadd.s32 $0x1, v3;
	v5 =	vmul.f32 v9, v5;
	v8 =	vld.idx.msk [tilespmem:v8+s12+$0x0], $0xffff  }
0x1b8: {  	v9 =	vand.u32 $0x7F, v19;
	v19 =	vadd.s32 $0x9, v3;
	v14 =	vadd.f32 v15, v14;
	v15 =	vld.idx.msk [tilespmem:v10+s11+$0x0], $0xffff  }
0x1b9: {  	v20 =	vadd.s32 $0x2, v3;
	v9 =	vor.u32 v4, v9;
	v6 =	vmul.f32 v11, v6;
	v10 =	vld.idx.msk [tilespmem:v10+s12+$0x0], $0xffff  }
0x1ba: {  	v11 =	vand.u32 $0x7F, v20;
	v19 =	vand.u32 $0x7F, v19;
	v5 =	vadd.f32 v5, v14;
	v14 =	vld.idx.msk [tilespmem:v12+s11+$0x0], $0xffff  }
0x1bb: {  	v20 =	vadd.s32 $0x3, v3;
	v11 =	vor.u32 v4, v11;
	v7 =	vmul.f32 v13, v7;
	v12 =	vld.idx.msk [tilespmem:v12+s12+$0x0], $0xffff  }
0x1bc: {  	v20 =	vand.u32 $0x7F, v20;
	v13 =	vld.idx.msk [tilespmem:v18+s11+$0x0], $0xffff;
	v5 =	vadd.f32 v6, v5  }
0x1bd: {  	v8 =	vmul.f32 v8, v16;
	v6 =	vld.idx.msk [tilespmem:v18+s12+$0x0], $0xffff;
	v18 =	vor.u32 v4, v20;
	v20 =	vadd.s32 $0x4, v3  }
0x1be: {  	v16 =	vld.idx.msk [tilespmem:v9+s11+$0x0], $0xffff;
	v20 =	vand.u32 $0x7F, v20;
	v5 =	vadd.f32 v7, v5  }
0x1bf: {  	v10 =	vmul.f32 v10, v15;
	v7 =	vld.idx.msk [tilespmem:v9+s12+$0x0], $0xffff;
	v9 =	vor.u32 v4, v20;
	v20 =	vadd.s32 $0x5, v3  }
0x1c0: {  	v15 =	vld.idx.msk [tilespmem:v11+s11+$0x0], $0xffff;
	v20 =	vand.u32 $0x7F, v20;
	v5 =	vadd.f32 v8, v5  }
0x1c1: {  	v12 =	vmul.f32 v12, v14;
	v8 =	vld.idx.msk [tilespmem:v11+s12+$0x0], $0xffff;
	v11 =	vor.u32 v4, v20  }
0x1c2: {  	v17 =	vand.u32 $0x7F, v17;
	v14 =	vld.idx.msk [tilespmem:v18+s11+$0x0], $0xffff;
	v5 =	vadd.f32 v10, v5  }
0x1c3: {  	v6 =	vmul.f32 v6, v13;
	v13 =	vor.u32 v4, v17;
	v17 =	vadd.s32 $0x7, v3;
	v10 =	vld.idx.msk [tilespmem:v18+s12+$0x0], $0xffff  }
0x1c4: {  	v17 =	vand.u32 $0x7F, v17;
	v18 =	vld.idx.msk [tilespmem:v9+s11+$0x0], $0xffff;
	v5 =	vadd.f32 v12, v5  }
0x1c5: {  	v12 =	vor.u32 v4, v17;
	v17 =	vadd.s32 $0x8, v3;
	v9 =	vld.idx.msk [tilespmem:v9+s12+$0x0], $0xffff  }
0x1c6: {  	v5 =	vadd.f32 v6, v5;
	v6 =	vmul.f32 v7, v16;
	v7 =	vld.idx.msk [tilespmem:v11+s11+$0x0], $0xffff;
	v16 =	vand.u32 $0x7F, v17  }
0x1c7: {  	v8 =	vmul.f32 v8, v15;
	v11 =	vld.idx.msk [tilespmem:v11+s12+$0x0], $0xffff;
	v15 =	vor.u32 v4, v16  }
0x1c8: {  	v5 =	vadd.f32 v6, v5;
	v6 =	vld.idx.msk [tilespmem:v13+s11+$0x0], $0xffff  }
0x1c9: {  	v16 =	vadd.s32 $0xA, v3;
	v10 =	vmul.f32 v10, v14;
	v14 =	vor.u32 v4, v19;
	v13 =	vld.idx.msk [tilespmem:v13+s12+$0x0], $0xffff  }
0x1ca: {  	v16 =	vand.u32 $0x7F, v16;
	v5 =	vadd.f32 v8, v5;
	v8 =	vld.idx.msk [tilespmem:v12+s11+$0x0], $0xffff  }
0x1cb: {  	v17 =	vadd.s32 $0xB, v3;
	v16 =	vor.u32 v4, v16;
	v9 =	vmul.f32 v9, v18;
	v12 =	vld.idx.msk [tilespmem:v12+s12+$0x0], $0xffff  }
0x1cc: {  	v17 =	vand.u32 $0x7F, v17;
	v5 =	vadd.f32 v10, v5;
	v10 =	vld.idx.msk [tilespmem:v15+s11+$0x0], $0xffff  }
0x1cd: {  	v7 =	vmul.f32 v11, v7;
	v11 =	vld.idx.msk [tilespmem:v15+s12+$0x0], $0xffff;
	v15 =	vor.u32 v4, v17;
	v17 =	vadd.s32 $0xC, v3  }
0x1ce: {  	v5 =	vadd.f32 v9, v5;
	v18 =	vld.idx.msk [tilespmem:v14+s11+$0x0], $0xffff;
	v9 =	vand.u32 $0x7F, v17  }
0x1cf: {  	v6 =	vmul.f32 v13, v6;
	v13 =	vld.idx.msk [tilespmem:v14+s12+$0x0], $0xffff;
	v17 =	vor.u32 v4, v9;
	v9 =	vadd.s32 $0xD, v3  }
0x1d0: {  	v7 =	vadd.f32 v7, v5;
	v5 =	vld.idx.msk [tilespmem:v16+s11+$0x0], $0xffff;
	v14 =	vand.u32 $0x7F, v9  }
.Ltmp3:
0x1d1: {  	v12 =	vmul.f32 v12, v8;
	v9 =	vld.idx.msk [tilespmem:v16+s12+$0x0], $0xffff;
	v8 =	vor.u32 v4, v14;
	v14 =	vadd.s32 $0xE, v3;
	(pc) =	sbr.rel @p0 .LBB2_9-.Ltmp3, $4  }
0x1d2: {  	v7 =	vadd.f32 v6, v7;
	v6 =	vld.idx.msk [tilespmem:v15+s11+$0x0], $0xffff;
	v16 =	vand.u32 $0x7F, v14  }
0x1d3: {  	v14 =	vmul.f32 v11, v10;
	v11 =	vld.idx.msk [tilespmem:v15+s12+$0x0], $0xffff;
	v10 =	vor.u32 v4, v16;
	v15 =	vadd.s32 $0xF, v3  }
0x1d4: {  	v3 =	vadd.s32 $0x10, v3;
	v16 =	vadd.f32 v12, v7;
	v7 =	vld.idx.msk [tilespmem:v17+s11+$0x0], $0xffff;
	v12 =	vand.u32 $0x7F, v15  }
0x1d5: {  	v15 =	vmul.f32 v13, v18;
	v3 =	vand.u32 $0x7F, v3;
	v13 =	vld.idx.msk [tilespmem:v17+s12+$0x0], $0xffff;
	v12 =	vor.u32 v4, v12  }
0x1d6: {  	_ =	sdelay $0x1  }
0x1d7: {  	v3 =	vadd.f32 v14, v16;
	_ =	sdelay $0x1  }
0x1d8: {  	v14 =	vld.idx.msk [tilespmem:v8+s11+$0x0], $0xffff;
	v5 =	vmul.f32 v9, v5;
	v3 =	vadd.f32 v15, v3  }
0x1d9: {  	v8 =	vld.idx.msk [tilespmem:v8+s12+$0x0], $0xffff  }
0x1da: {  	v9 =	vld.idx.msk [tilespmem:v10+s11+$0x0], $0xffff;
	v6 =	vmul.f32 v11, v6;
	v3 =	vadd.f32 v5, v3  }
0x1db: {  	v5 =	vld.idx.msk [tilespmem:v10+s12+$0x0], $0xffff  }
0x1dc: {  	v10 =	vld.idx.msk [tilespmem:v12+s11+$0x0], $0xffff;
	v7 =	vmul.f32 v13, v7;
	v3 =	vadd.f32 v6, v3  }
0x1dd: {  	v6 =	vld.idx.msk [tilespmem:v12+s12+$0x0], $0xffff  }
0x1de: {  	v8 =	vmul.f32 v8, v14;
	v3 =	vadd.f32 v7, v3;
	_ =	sdelay $0x1  }
0x1df: {  	v5 =	vmul.f32 v5, v9;
	v3 =	vadd.f32 v8, v3;
	_ =	sdelay $0x1  }
0x1e0: {  	v6 =	vmul.f32 v6, v10;
	v3 =	vadd.f32 v5, v3;
	_ =	sdelay $0x1  }
0x1e1: {  	v3 =	vadd.f32 v6, v3;
	_ =	sdelay $0x1  }
0x1e2: {  	v3 =	vsub.f32 $0.0e+00, v3;
	_ =	sdelay $0x1  }
0x1e3: {  	v3 =	vmul.f32 $1.442695020e+00, v3;
	_ =	sdelay $0x1  }
0x1e4: {  	(erf) = vpow2.f32 v3;
	_ =	sdelay $0x8  }
0x1e5: {  	v3 =	vpop (erf)  }
0x1e6: {  	v3 =	vadd.f32 $1.000000000e+00, v3;
	_ =	sdelay $0x1  }
0x1e7: {  	(erf) = vrcp.f32 v3;
	_ =	sdelay $0x4  }
0x1e8: {  	v5 =	vlaneseq.u32;
	v3 =	vor.u32 $0x2000, v0  }
0x1e9: {  	v7 =	vadd.s32 $0x1, v5;
	v6 =	vor.u32 v3, v5  }
0x1ea: {  	v7 =	vand.u32 $0x7F, v7  }
0x1eb: {  	v8 =	vadd.s32 $0x2, v5;
	v7 =	vor.u32 v3, v7  }
0x1ec: {  	v8 =	vand.u32 $0x7F, v8;
	v9 =	vpop (erf)  }
0x1ed: {  	v11 =	vadd.s32 $0x4, v5;
	v8 =	vor.u32 v3, v8;
	[tilespmem:s21+$0xEF30] =	vst v9  }
0x1ee: {  	v11 =	vand.u32 $0x7F, v11;
	v10 =	vld.idx.msk [tilespmem:v6+s11+$0x0], $0xffff  }
0x1ef: {  	v11 =	vor.u32 v3, v11;
	v9 =	vadd.s32 $0x3, v5;
	v6 =	vld.idx.msk [tilespmem:v6+s12+$0x0], $0xffff  }
0x1f0: {  	v9 =	vand.u32 $0x7F, v9;
	v12 =	vld.idx.msk [tilespmem:v7+s11+$0x0], $0xffff  }
0x1f1: {  	v13 =	vadd.s32 $0x5, v5;
	v7 =	vld.idx.msk [tilespmem:v7+s12+$0x0], $0xffff;
	v9 =	vor.u32 v3, v9  }
0x1f2: {  	v13 =	vand.u32 $0x7F, v13;
	v14 =	vld.idx.msk [tilespmem:v8+s11+$0x0], $0xffff  }
0x1f3: {  	v15 =	vadd.s32 $0x6, v5;
	v13 =	vor.u32 v3, v13;
	v8 =	vld.idx.msk [tilespmem:v8+s12+$0x0], $0xffff  }
0x1f4: {  	v15 =	vand.u32 $0x7F, v15;
	v6 =	vmul.f32 v6, v10;
	v10 =	vld.idx.msk [tilespmem:v11+s11+$0x0], $0xffff  }
0x1f5: {  	v17 =	vadd.s32 $0x7, v5;
	v15 =	vor.u32 v3, v15;
	v11 =	vld.idx.msk [tilespmem:v11+s12+$0x0], $0xffff  }
0x1f6: {  	v17 =	vand.u32 $0x7F, v17;
	v16 =	vld.idx.msk [tilespmem:v9+s11+$0x0], $0xffff  }
0x1f7: {  	v18 =	vimm.f32 $0.0e+00;
	v19 =	vadd.s32 $0x8, v5;
	v17 =	vor.u32 v3, v17;
	v9 =	vld.idx.msk [tilespmem:v9+s12+$0x0], $0xffff  }
0x1f8: {  	v7 =	vmul.f32 v7, v12;
	v12 =	vld.idx.msk [tilespmem:v13+s11+$0x0], $0xffff;
	v6 =	vadd.f32 v6, v18;
	v18 =	vand.u32 $0x7F, v19  }
0x1f9: {  	v13 =	vld.idx.msk [tilespmem:v13+s12+$0x0], $0xffff;
	v19 =	vadd.s32 $0x9, v5;
	v18 =	vor.u32 v3, v18  }
0x1fa: {  	v8 =	vmul.f32 v8, v14;
	v14 =	vld.idx.msk [tilespmem:v15+s12+$0x0], $0xffff;
	v19 =	vand.u32 $0x7F, v19;
	v6 =	vadd.f32 v7, v6  }
0x1fb: {  	v7 =	vld.idx.msk [tilespmem:v15+s11+$0x0], $0xffff;
	v15 =	vor.u32 v3, v19;
	v19 =	vadd.s32 $0xA, v5  }
0x1fc: {  	v9 =	vmul.f32 v9, v16;
	v6 =	vadd.f32 v8, v6;
	v8 =	vld.idx.msk [tilespmem:v17+s11+$0x0], $0xffff;
	v16 =	vand.u32 $0x7F, v19  }
0x1fd: {  	v17 =	vld.idx.msk [tilespmem:v17+s12+$0x0], $0xffff;
	v19 =	vadd.s32 $0xB, v5;
	v16 =	vor.u32 v3, v16  }
0x1fe: {  	v10 =	vmul.f32 v11, v10;
	v6 =	vadd.f32 v9, v6;
	v11 =	vld.idx.msk [tilespmem:v18+s11+$0x0], $0xffff;
	v9 =	vand.u32 $0x7F, v19  }
0x1ff: {  	v18 =	vld.idx.msk [tilespmem:v18+s12+$0x0], $0xffff;
	v19 =	vor.u32 v3, v9;
	v9 =	vadd.s32 $0xC, v5  }
0x200: {  	v12 =	vmul.f32 v13, v12;
	v13 =	vld.idx.msk [tilespmem:v15+s11+$0x0], $0xffff;
	v6 =	vadd.f32 v10, v6;
	v9 =	vand.u32 $0x7F, v9  }
0x201: {  	v20 =	vld.idx.msk [tilespmem:v15+s12+$0x0], $0xffff;
	v21 =	vor.u32 v3, v9;
	v9 =	vadd.s32 $0xD, v5  }
0x202: {  	v7 =	vmul.f32 v14, v7;
	v12 =	vadd.f32 v12, v6;
	v6 =	vld.idx.msk [tilespmem:v16+s11+$0x0], $0xffff;
	v9 =	vand.u32 $0x7F, v9  }
0x203: {  	v14 =	vadd.s32 $0xE, v5;
	v10 =	vld.idx.msk [tilespmem:v16+s12+$0x0], $0xffff;
	v9 =	vor.u32 v3, v9  }
0x204: {  	v14 =	vand.u32 $0x7F, v14;
	v8 =	vmul.f32 v17, v8;
	v16 =	vadd.f32 v7, v12;
	v7 =	vld.idx.msk [tilespmem:v19+s11+$0x0], $0xffff  }
0x205: {  	v15 =	vmul.f32 v18, v11;
	v11 =	vor.u32 v3, v14;
	v14 =	vadd.s32 $0xF, v5;
	v12 =	vld.idx.msk [tilespmem:v19+s12+$0x0], $0xffff  }
0x206: {  	v5 =	vadd.s32 $0x10, v5;
	v18 =	vand.u32 $0x7F, v14;
	v17 =	vadd.f32 v8, v16;
	v8 =	vld.idx.msk [tilespmem:v21+s11+$0x0], $0xffff  }
0x207: {  	s22 =	simm.s32 $0x7;
	v5 =	vand.u32 $0x7F, v5;
	v16 =	vmul.f32 v20, v13;
	v14 =	vld.idx.msk [tilespmem:v21+s12+$0x0], $0xffff;
	v13 =	vor.u32 v3, v18  }
.LBB2_11:
0x208: {  	v18 =	vadd.s32 $0x6, v5;
	p0 =	sne.s32 s22, $0x1;
	s22 =	sadd.s32 $0xFFFFFFFF, s22;
	v15 =	vadd.f32 v15, v17;
	v17 =	vld.idx.msk [tilespmem:v9+s11+$0x0], $0xffff  }
0x209: {  	v19 =	vor.u32 v3, v5;
	v20 =	vadd.s32 $0x1, v5;
	v6 =	vmul.f32 v10, v6;
	v9 =	vld.idx.msk [tilespmem:v9+s12+$0x0], $0xffff  }
0x20a: {  	v10 =	vand.u32 $0x7F, v20;
	v20 =	vadd.s32 $0x9, v5;
	v15 =	vadd.f32 v16, v15;
	v16 =	vld.idx.msk [tilespmem:v11+s11+$0x0], $0xffff  }
0x20b: {  	v21 =	vadd.s32 $0x2, v5;
	v10 =	vor.u32 v3, v10;
	v7 =	vmul.f32 v12, v7;
	v11 =	vld.idx.msk [tilespmem:v11+s12+$0x0], $0xffff  }
0x20c: {  	v12 =	vand.u32 $0x7F, v21;
	v20 =	vand.u32 $0x7F, v20;
	v6 =	vadd.f32 v6, v15;
	v15 =	vld.idx.msk [tilespmem:v13+s11+$0x0], $0xffff  }
0x20d: {  	v21 =	vadd.s32 $0x3, v5;
	v12 =	vor.u32 v3, v12;
	v8 =	vmul.f32 v14, v8;
	v13 =	vld.idx.msk [tilespmem:v13+s12+$0x0], $0xffff  }
0x20e: {  	v21 =	vand.u32 $0x7F, v21;
	v14 =	vld.idx.msk [tilespmem:v19+s11+$0x0], $0xffff;
	v6 =	vadd.f32 v7, v6  }
0x20f: {  	v9 =	vmul.f32 v9, v17;
	v7 =	vld.idx.msk [tilespmem:v19+s12+$0x0], $0xffff;
	v19 =	vor.u32 v3, v21;
	v21 =	vadd.s32 $0x4, v5  }
0x210: {  	v17 =	vld.idx.msk [tilespmem:v10+s11+$0x0], $0xffff;
	v21 =	vand.u32 $0x7F, v21;
	v6 =	vadd.f32 v8, v6  }
0x211: {  	v11 =	vmul.f32 v11, v16;
	v8 =	vld.idx.msk [tilespmem:v10+s12+$0x0], $0xffff;
	v10 =	vor.u32 v3, v21;
	v21 =	vadd.s32 $0x5, v5  }
0x212: {  	v16 =	vld.idx.msk [tilespmem:v12+s11+$0x0], $0xffff;
	v21 =	vand.u32 $0x7F, v21;
	v6 =	vadd.f32 v9, v6  }
0x213: {  	v13 =	vmul.f32 v13, v15;
	v9 =	vld.idx.msk [tilespmem:v12+s12+$0x0], $0xffff;
	v12 =	vor.u32 v3, v21  }
0x214: {  	v18 =	vand.u32 $0x7F, v18;
	v15 =	vld.idx.msk [tilespmem:v19+s11+$0x0], $0xffff;
	v6 =	vadd.f32 v11, v6  }
0x215: {  	v7 =	vmul.f32 v7, v14;
	v14 =	vor.u32 v3, v18;
	v18 =	vadd.s32 $0x7, v5;
	v11 =	vld.idx.msk [tilespmem:v19+s12+$0x0], $0xffff  }
0x216: {  	v18 =	vand.u32 $0x7F, v18;
	v19 =	vld.idx.msk [tilespmem:v10+s11+$0x0], $0xffff;
	v6 =	vadd.f32 v13, v6  }
0x217: {  	v13 =	vor.u32 v3, v18;
	v18 =	vadd.s32 $0x8, v5;
	v10 =	vld.idx.msk [tilespmem:v10+s12+$0x0], $0xffff  }
0x218: {  	v6 =	vadd.f32 v7, v6;
	v7 =	vmul.f32 v8, v17;
	v8 =	vld.idx.msk [tilespmem:v12+s11+$0x0], $0xffff;
	v17 =	vand.u32 $0x7F, v18  }
0x219: {  	v9 =	vmul.f32 v9, v16;
	v12 =	vld.idx.msk [tilespmem:v12+s12+$0x0], $0xffff;
	v16 =	vor.u32 v3, v17  }
0x21a: {  	v6 =	vadd.f32 v7, v6;
	v7 =	vld.idx.msk [tilespmem:v14+s11+$0x0], $0xffff  }
0x21b: {  	v17 =	vadd.s32 $0xA, v5;
	v11 =	vmul.f32 v11, v15;
	v15 =	vor.u32 v3, v20;
	v14 =	vld.idx.msk [tilespmem:v14+s12+$0x0], $0xffff  }
0x21c: {  	v17 =	vand.u32 $0x7F, v17;
	v6 =	vadd.f32 v9, v6;
	v9 =	vld.idx.msk [tilespmem:v13+s11+$0x0], $0xffff  }
0x21d: {  	v18 =	vadd.s32 $0xB, v5;
	v17 =	vor.u32 v3, v17;
	v10 =	vmul.f32 v10, v19;
	v13 =	vld.idx.msk [tilespmem:v13+s12+$0x0], $0xffff  }
0x21e: {  	v18 =	vand.u32 $0x7F, v18;
	v6 =	vadd.f32 v11, v6;
	v11 =	vld.idx.msk [tilespmem:v16+s11+$0x0], $0xffff  }
0x21f: {  	v8 =	vmul.f32 v12, v8;
	v12 =	vld.idx.msk [tilespmem:v16+s12+$0x0], $0xffff;
	v16 =	vor.u32 v3, v18;
	v18 =	vadd.s32 $0xC, v5  }
0x220: {  	v6 =	vadd.f32 v10, v6;
	v19 =	vld.idx.msk [tilespmem:v15+s11+$0x0], $0xffff;
	v10 =	vand.u32 $0x7F, v18  }
0x221: {  	v7 =	vmul.f32 v14, v7;
	v14 =	vld.idx.msk [tilespmem:v15+s12+$0x0], $0xffff;
	v18 =	vor.u32 v3, v10;
	v10 =	vadd.s32 $0xD, v5  }
0x222: {  	v8 =	vadd.f32 v8, v6;
	v6 =	vld.idx.msk [tilespmem:v17+s11+$0x0], $0xffff;
	v15 =	vand.u32 $0x7F, v10  }
.Ltmp4:
0x223: {  	v13 =	vmul.f32 v13, v9;
	v10 =	vld.idx.msk [tilespmem:v17+s12+$0x0], $0xffff;
	v9 =	vor.u32 v3, v15;
	v15 =	vadd.s32 $0xE, v5;
	(pc) =	sbr.rel @p0 .LBB2_11-.Ltmp4, $4  }
0x224: {  	v8 =	vadd.f32 v7, v8;
	v7 =	vld.idx.msk [tilespmem:v16+s11+$0x0], $0xffff;
	v17 =	vand.u32 $0x7F, v15  }
0x225: {  	v15 =	vmul.f32 v12, v11;
	v12 =	vld.idx.msk [tilespmem:v16+s12+$0x0], $0xffff;
	v11 =	vor.u32 v3, v17;
	v16 =	vadd.s32 $0xF, v5  }
0x226: {  	v5 =	vadd.s32 $0x10, v5;
	v17 =	vadd.f32 v13, v8;
	v8 =	vld.idx.msk [tilespmem:v18+s11+$0x0], $0xffff;
	v13 =	vand.u32 $0x7F, v16  }
0x227: {  	v16 =	vmul.f32 v14, v19;
	v5 =	vand.u32 $0x7F, v5;
	v14 =	vld.idx.msk [tilespmem:v18+s12+$0x0], $0xffff;
	v13 =	vor.u32 v3, v13  }
0x228: {  	_ =	sdelay $0x1  }
0x229: {  	v5 =	vadd.f32 v15, v17;
	_ =	sdelay $0x1  }
0x22a: {  	v15 =	vld.idx.msk [tilespmem:v9+s11+$0x0], $0xffff;
	v6 =	vmul.f32 v10, v6;
	v5 =	vadd.f32 v16, v5  }
0x22b: {  	v9 =	vld.idx.msk [tilespmem:v9+s12+$0x0], $0xffff  }
0x22c: {  	v10 =	vld.idx.msk [tilespmem:v11+s11+$0x0], $0xffff;
	v7 =	vmul.f32 v12, v7;
	v5 =	vadd.f32 v6, v5  }
0x22d: {  	v6 =	vld.idx.msk [tilespmem:v11+s12+$0x0], $0xffff  }
0x22e: {  	v11 =	vld.idx.msk [tilespmem:v13+s11+$0x0], $0xffff;
	v8 =	vmul.f32 v14, v8;
	v5 =	vadd.f32 v7, v5  }
0x22f: {  	v7 =	vld.idx.msk [tilespmem:v13+s12+$0x0], $0xffff  }
0x230: {  	v9 =	vmul.f32 v9, v15;
	v5 =	vadd.f32 v8, v5;
	_ =	sdelay $0x1  }
0x231: {  	v6 =	vmul.f32 v6, v10;
	v5 =	vadd.f32 v9, v5;
	_ =	sdelay $0x1  }
0x232: {  	v7 =	vmul.f32 v7, v11;
	v5 =	vadd.f32 v6, v5;
	_ =	sdelay $0x1  }
0x233: {  	v5 =	vadd.f32 v7, v5;
	_ =	sdelay $0x1  }
0x234: {  	v5 =	vsub.f32 $0.0e+00, v5;
	_ =	sdelay $0x1  }
0x235: {  	v5 =	vmul.f32 $1.442695020e+00, v5;
	_ =	sdelay $0x1  }
0x236: {  	(erf) = vpow2.f32 v5;
	_ =	sdelay $0x8  }
0x237: {  	v5 =	vpop (erf)  }
0x238: {  	v5 =	vadd.f32 $1.000000000e+00, v5;
	_ =	sdelay $0x1  }
0x239: {  	(erf) = vrcp.f32 v5;
	_ =	sdelay $0x8  }
0x23a: {  	v5 =	vpop (erf)  }
0x23b: {  	s22 =	sadd.s32 $0xA0, s21;
	[tilespmem:s21+$0xEF40] =	vst v5  }
0x23c: {  	[tilespmem:s11], [sflag:$0x1] =	stream.indirect.gather [hbm4b:s0+s10], $0x80, s22, s10, $0xb8;
	[tilespmem:$0x11680] =	vst v63  }
0x23d: {  	s31 =	sadd.s32 $0x2820, s21  }
0x23e: {  	[tilespmem:s12], [sflag:$0x1] =	stream.indirect.gather [hbm4b:s0+s10], $0x80, s31, s10, $0xb8;
	[tilespmem:$0x11680] =	vst v63  }
0x23f: {  	v5 =	vlaneseq.u32;
	_ =	swait.ge [sflag:s17], $0x2800  }
0x240: {  	v6 =	vor.u32 v0, v5;
	v7 =	vadd.s32 $0x1, v5;
	[sflag:s17] =	ssyncset.done $0x0  }
0x241: {  	v7 =	vand.u32 $0x7F, v7;
	[sflag:s17] =	ssyncadd.s32 $0xFFFFD800  }
0x242: {  	v8 =	vadd.s32 $0xB, v5;
	v7 =	vor.u32 v0, v7;
	_ =	swait.ge [sflag:s17], $0x2800  }
0x243: {  	v9 =	vadd.s32 $0x3, v5;
	v8 =	vand.u32 $0x7F, v8;
	[sflag:s17] =	ssyncset.done $0x0  }
0x244: {  	v9 =	vand.u32 $0x7F, v9;
	v8 =	vor.u32 v0, v8;
	[sflag:s17] =	ssyncadd.s32 $0xFFFFD800  }
0x245: {  	v10 =	vadd.s32 $0x4, v5;
	v9 =	vor.u32 v0, v9;
	v11 =	vld.idx.msk [tilespmem:v6+s13+$0x0], $0xffff  }
0x246: {  	v10 =	vand.u32 $0x7F, v10;
	v6 =	vld.idx.msk [tilespmem:v6+s15+$0x0], $0xffff  }
0x247: {  	v13 =	vadd.s32 $0x5, v5;
	v10 =	vor.u32 v0, v10;
	v12 =	vld.idx.msk [tilespmem:v7+s13+$0x0], $0xffff  }
0x248: {  	v13 =	vand.u32 $0x7F, v13;
	v7 =	vld.idx.msk [tilespmem:v7+s15+$0x0], $0xffff  }
0x249: {  	v14 =	vadd.s32 $0x6, v5;
	v13 =	vor.u32 v0, v13;
	v15 =	vld.idx.msk [tilespmem:v8+s13+$0x0], $0xffff  }
0x24a: {  	v14 =	vand.u32 $0x7F, v14;
	v16 =	vld.idx.msk [tilespmem:v9+s13+$0x0], $0xffff  }
0x24b: {  	v17 =	vadd.s32 $0x7, v5;
	v14 =	vor.u32 v0, v14;
	v9 =	vld.idx.msk [tilespmem:v9+s15+$0x0], $0xffff  }
0x24c: {  	v17 =	vand.u32 $0x7F, v17;
	v18 =	vld.idx.msk [tilespmem:v10+s13+$0x0], $0xffff  }
0x24d: {  	v19 =	vadd.s32 $0x8, v5;
	v17 =	vor.u32 v0, v17;
	v10 =	vld.idx.msk [tilespmem:v10+s15+$0x0], $0xffff  }
0x24e: {  	v19 =	vand.u32 $0x7F, v19;
	v20 =	vld.idx.msk [tilespmem:v13+s13+$0x0], $0xffff  }
0x24f: {  	v21 =	vadd.s32 $0x9, v5;
	v19 =	vor.u32 v0, v19;
	v13 =	vld.idx.msk [tilespmem:v13+s15+$0x0], $0xffff  }
0x250: {  	v21 =	vand.u32 $0x7F, v21;
	v22 =	vld.idx.msk [tilespmem:v14+s13+$0x0], $0xffff  }
0x251: {  	v23 =	vadd.s32 $0xA, v5;
	v21 =	vor.u32 v0, v21;
	v14 =	vld.idx.msk [tilespmem:v14+s15+$0x0], $0xffff  }
0x252: {  	v23 =	vand.u32 $0x7F, v23;
	v24 =	vld.idx.msk [tilespmem:v17+s13+$0x0], $0xffff  }
0x253: {  	v25 =	vadd.s32 $0x2, v5;
	v23 =	vor.u32 v0, v23;
	v17 =	vld.idx.msk [tilespmem:v17+s15+$0x0], $0xffff  }
0x254: {  	v25 =	vand.u32 $0x7F, v25;
	v26 =	vld.idx.msk [tilespmem:v19+s13+$0x0], $0xffff  }
0x255: {  	v27 =	vadd.s32 $0xC, v5;
	v25 =	vor.u32 v0, v25;
	v19 =	vld.idx.msk [tilespmem:v19+s15+$0x0], $0xffff  }
0x256: {  	v27 =	vand.u32 $0x7F, v27;
	v28 =	vld.idx.msk [tilespmem:v21+s13+$0x0], $0xffff  }
0x257: {  	v29 =	vadd.s32 $0xD, v5;
	v27 =	vor.u32 v0, v27;
	v21 =	vld.idx.msk [tilespmem:v21+s15+$0x0], $0xffff  }
0x258: {  	v30 =	vadd.s32 $0xE, v5;
	v29 =	vand.u32 $0x7F, v29;
	v31 =	vld.idx.msk [tilespmem:v23+s13+$0x0], $0xffff  }
0x259: {  	v30 =	vand.u32 $0x7F, v30;
	v29 =	vor.u32 v0, v29;
	v23 =	vld.idx.msk [tilespmem:v23+s15+$0x0], $0xffff  }
0x25a: {  	v30 =	vor.u32 v0, v30;
	v32 =	vld.idx.msk [tilespmem:v25+s13+$0x0], $0xffff  }
0x25b: {  	v33 =	vadd.s32 $0xF, v5;
	v8 =	vld.idx.msk [tilespmem:v8+s15+$0x0], $0xffff  }
0x25c: {  	v33 =	vand.u32 $0x7F, v33;
	v34 =	vld.idx.msk [tilespmem:v27+s13+$0x0], $0xffff  }
0x25d: {  	v5 =	vadd.s32 $0x10, v5;
	v33 =	vor.u32 v0, v33;
	v27 =	vld.idx.msk [tilespmem:v27+s15+$0x0], $0xffff  }
0x25e: {  	v36 =	vand.u32 $0x7F, v5;
	v35 =	vld.idx.msk [tilespmem:v29+s13+$0x0], $0xffff  }
0x25f: {  	v5 =	vor.u32 v0, v36;
	v38 =	vld.idx.msk [tilespmem:v30+s13+$0x0], $0xffff  }
0x260: {  	v37 =	vadd.s32 $0x1, v36;
	v25 =	vld.idx.msk [tilespmem:v25+s15+$0x0], $0xffff  }
0x261: {  	v37 =	vand.u32 $0x7F, v37;
	v30 =	vld.idx.msk [tilespmem:v30+s15+$0x0], $0xffff  }
0x262: {  	v39 =	vadd.s32 $0xB, v36;
	v37 =	vor.u32 v0, v37;
	v40 =	vld.idx.msk [tilespmem:v33+s13+$0x0], $0xffff  }
0x263: {  	v41 =	vadd.s32 $0x3, v36;
	v39 =	vand.u32 $0x7F, v39;
	v33 =	vld.idx.msk [tilespmem:v33+s15+$0x0], $0xffff  }
0x264: {  	v39 =	vor.u32 v0, v39;
	v54 =	vld.idx.msk [tilespmem:v5+s13+$0x0], $0xffff;
	v6 =	vmul.f32 v6, v11;
	v11 =	vand.u32 $0x7F, v41  }
0x265: {  	v42 =	vimm.f32 $0.0e+00;
	v43 =	vadd.s32 $0x4, v36;
	v44 =	vld.idx.msk [tilespmem:v5+s15+$0x0], $0xffff;
	v11 =	vor.u32 v0, v11  }
0x266: {  	v29 =	vld.idx.msk [tilespmem:v29+s15+$0x0], $0xffff;
	v5 =	vmul.f32 v7, v12;
	v7 =	vand.u32 $0x7F, v43;
	v6 =	vadd.f32 v6, v42  }
0x267: {  	v55 =	vadd.s32 $0x5, v36;
	v12 =	vld.idx.msk [tilespmem:v37+s13+$0x0], $0xffff;
	v7 =	vor.u32 v0, v7  }
0x268: {  	v56 =	vand.u32 $0x7F, v55;
	v37 =	vld.idx.msk [tilespmem:v37+s15+$0x0], $0xffff;
	v25 =	vmul.f32 v25, v32;
	v6 =	vadd.f32 v5, v6  }
0x269: {  	v57 =	vadd.s32 $0x6, v36;
	v9 =	vmul.f32 v9, v16;
	v16 =	vor.u32 v0, v56;
	v5 =	vld.idx.msk [tilespmem:v39+s13+$0x0], $0xffff  }
0x26a: {  	v10 =	vmul.f32 v10, v18;
	v6 =	vadd.f32 v25, v6;
	v18 =	vld.idx.msk [tilespmem:v11+s13+$0x0], $0xffff;
	v25 =	vand.u32 $0x7F, v57  }
0x26b: {  	v13 =	vmul.f32 v13, v20;
	v11 =	vld.idx.msk [tilespmem:v11+s15+$0x0], $0xffff;
	v20 =	vor.u32 v0, v25;
	v25 =	vadd.s32 $0x7, v36  }
0x26c: {  	v14 =	vmul.f32 v14, v22;
	v22 =	vld.idx.msk [tilespmem:v7+s13+$0x0], $0xffff;
	v6 =	vadd.f32 v9, v6;
	v9 =	vand.u32 $0x7F, v25  }
0x26d: {  	v17 =	vmul.f32 v17, v24;
	v24 =	vadd.s32 $0x8, v36;
	v25 =	vld.idx.msk [tilespmem:v7+s15+$0x0], $0xffff;
	v9 =	vor.u32 v0, v9  }
0x26e: {  	v26 =	vmul.f32 v19, v26;
	v7 =	vand.u32 $0x7F, v24;
	v24 =	vld.idx.msk [tilespmem:v16+s13+$0x0], $0xffff;
	v6 =	vadd.f32 v10, v6  }
0x26f: {  	v16 =	vld.idx.msk [tilespmem:v16+s15+$0x0], $0xffff;
	v10 =	vmul.f32 v21, v28;
	v21 =	vor.u32 v0, v7;
	v7 =	vadd.s32 $0x9, v36  }
0x270: {  	v28 =	vmul.f32 v8, v15;
	v7 =	vand.u32 $0x7F, v7;
	v15 =	vld.idx.msk [tilespmem:v20+s13+$0x0], $0xffff;
	v6 =	vadd.f32 v13, v6  }
0x271: {  	v58 =	vmul.f32 v27, v34;
	v27 =	vld.idx.msk [tilespmem:v20+s15+$0x0], $0xffff;
	v13 =	vor.u32 v0, v7;
	v7 =	vadd.s32 $0xA, v36  }
0x272: {  	v19 =	vmul.f32 v30, v38;
	v14 =	vadd.f32 v14, v6;
	v59 =	vld.idx.msk [tilespmem:v9+s13+$0x0], $0xffff;
	v6 =	vand.u32 $0x7F, v7  }
0x273: {  	v23 =	vmul.f32 v23, v31;
	v8 =	vadd.s32 $0x2, v36;
	v60 =	vld.idx.msk [tilespmem:v9+s15+$0x0], $0xffff;
	v20 =	vor.u32 v0, v6  }
0x274: {  	v29 =	vmul.f32 v29, v35;
	v8 =	vand.u32 $0x7F, v8;
	v30 =	vld.idx.msk [tilespmem:v21+s13+$0x0], $0xffff;
	v9 =	vadd.f32 v17, v14  }
0x275: {  	v6 =	vor.u32 v0, v8;
	v14 =	vadd.s32 $0xE, v36;
	v17 =	vld.idx.msk [tilespmem:v21+s15+$0x0], $0xffff;
	v21 =	vadd.s32 $0xC, v36  }
0x276: {  	v61 =	vand.u32 $0x7F, v14;
	v62 =	vld.idx.msk [tilespmem:v13+s13+$0x0], $0xffff;
	v14 =	vand.u32 $0x7F, v21;
	v26 =	vadd.f32 v26, v9  }
0x277: {  	v21 =	vld.idx.msk [tilespmem:v13+s15+$0x0], $0xffff;
	v9 =	vmul.f32 v37, v12;
	v12 =	vadd.s32 $0xD, v36;
	v63 =	vor.u32 v0, v14  }
0x278: {  	v7 =	vmul.f32 v33, v40;
	v12 =	vand.u32 $0x7F, v12;
	v14 =	vld.idx.msk [tilespmem:v20+s13+$0x0], $0xffff;
	v26 =	vadd.f32 v10, v26  }
0x279: {  	v13 =	vmul.f32 v11, v18;
	v10 =	vmul.f32 v25, v22;
	v20 =	vld.idx.msk [tilespmem:v20+s15+$0x0], $0xffff;
	v22 =	vor.u32 v0, v12  }
0x27a: {  	v11 =	vmul.f32 v27, v15;
	v27 =	vor.u32 v0, v61;
	v25 =	vld.idx.msk [tilespmem:v6+s13+$0x0], $0xffff;
	v18 =	vadd.f32 v23, v26  }
0x27b: {  	v12 =	vmul.f32 v16, v24;
	v16 =	vmul.f32 v17, v30;
	v17 =	vadd.s32 $0xF, v36;
	v26 =	vld.idx.msk [tilespmem:v39+s15+$0x0], $0xffff  }
0x27c: {  	v8 =	vmul.f32 v44, v54;
	v17 =	vand.u32 $0x7F, v17;
	v23 =	vld.idx.msk [tilespmem:v63+s13+$0x0], $0xffff;
	v30 =	vadd.f32 v28, v18  }
0x27d: {  	v24 =	vld.idx.msk [tilespmem:v63+s15+$0x0], $0xffff;
	v18 =	vmul.f32 v21, v62;
	v21 =	vadd.s32 $0x10, v36;
	v28 =	vor.u32 v0, v17  }
0x27e: {  	s22 =	simm.s32 $0x6;
	v15 =	vmul.f32 v60, v59;
	v17 =	vld.idx.msk [tilespmem:v22+s13+$0x0], $0xffff;
	v21 =	vand.u32 $0x7F, v21;
	v30 =	vadd.f32 v58, v30  }
.LBB2_13:
0x27f: {  	v31 =	vor.u32 v0, v21;
	v32 =	vadd.s32 $0x1, v21;
	p0 =	sne.s32 s22, $0x1;
	s22 =	sadd.s32 $0xFFFFFFFF, s22;
	v33 =	vld.idx.msk [tilespmem:v27+s13+$0x0], $0xffff  }
0x280: {  	v34 =	vadd.s32 $0x4, v21;
	v32 =	vand.u32 $0x7F, v32;
	v35 =	vld.idx.msk [tilespmem:v6+s15+$0x0], $0xffff;
	v6 =	vadd.f32 v29, v30  }
0x281: {  	v30 =	vadd.s32 $0x8, v21;
	v29 =	vor.u32 v0, v32;
	v32 =	vadd.s32 $0xB, v21;
	v27 =	vld.idx.msk [tilespmem:v27+s15+$0x0], $0xffff  }
0x282: {  	v36 =	vadd.s32 $0x3, v21;
	v30 =	vand.u32 $0x7F, v30;
	v37 =	vld.idx.msk [tilespmem:v28+s13+$0x0], $0xffff;
	v6 =	vadd.f32 v19, v6  }
0x283: {  	v36 =	vand.u32 $0x7F, v36;
	v19 =	vadd.s32 $0x2, v21;
	v32 =	vand.u32 $0x7F, v32;
	v28 =	vld.idx.msk [tilespmem:v28+s15+$0x0], $0xffff  }
0x284: {  	v19 =	vand.u32 $0x7F, v19;
	v32 =	vor.u32 v0, v32;
	v38 =	vld.idx.msk [tilespmem:v31+s13+$0x0], $0xffff;
	v7 =	vadd.f32 v7, v6  }
0x285: {  	v6 =	vor.u32 v0, v19;
	v19 =	vor.u32 v0, v36;
	v36 =	vmul.f32 v26, v5;
	v31 =	vld.idx.msk [tilespmem:v31+s15+$0x0], $0xffff  }
0x286: {  	v5 =	vand.u32 $0x7F, v34;
	v26 =	vld.idx.msk [tilespmem:v29+s13+$0x0], $0xffff;
	v7 =	vadd.f32 v8, v7;
	v8 =	vmul.f32 v35, v25  }
0x287: {  	v34 =	vadd.s32 $0xE, v21;
	v25 =	vld.idx.msk [tilespmem:v29+s15+$0x0], $0xffff;
	v29 =	vor.u32 v0, v5;
	v5 =	vadd.s32 $0x5, v21  }
0x288: {  	v34 =	vand.u32 $0x7F, v34;
	v5 =	vand.u32 $0x7F, v5;
	v7 =	vadd.f32 v9, v7;
	v22 =	vld.idx.msk [tilespmem:v22+s15+$0x0], $0xffff  }
0x289: {  	v39 =	vmul.f32 v24, v23;
	v9 =	vadd.s32 $0x6, v21;
	v35 =	vor.u32 v0, v5;
	v5 =	vld.idx.msk [tilespmem:v32+s13+$0x0], $0xffff  }
0x28a: {  	v9 =	vand.u32 $0x7F, v9;
	v23 =	vld.idx.msk [tilespmem:v19+s13+$0x0], $0xffff;
	v24 =	vadd.f32 v8, v7;
	v7 =	vmul.f32 v28, v37  }
0x28b: {  	v37 =	vor.u32 v0, v9;
	v9 =	vadd.s32 $0x7, v21;
	v28 =	vld.idx.msk [tilespmem:v19+s15+$0x0], $0xffff;
	v19 =	vmul.f32 v27, v33  }
0x28c: {  	v8 =	vmul.f32 v31, v38;
	v31 =	vand.u32 $0x7F, v9;
	v27 =	vld.idx.msk [tilespmem:v29+s13+$0x0], $0xffff;
	v13 =	vadd.f32 v13, v24  }
0x28d: {  	v9 =	vmul.f32 v25, v26;
	v25 =	vor.u32 v0, v31;
	v24 =	vld.idx.msk [tilespmem:v29+s15+$0x0], $0xffff  }
0x28e: {  	v26 =	vld.idx.msk [tilespmem:v35+s13+$0x0], $0xffff;
	v10 =	vadd.f32 v10, v13  }
0x28f: {  	v30 =	vor.u32 v0, v30;
	v13 =	vadd.s32 $0x9, v21;
	v29 =	vld.idx.msk [tilespmem:v35+s15+$0x0], $0xffff  }
0x290: {  	v33 =	vmul.f32 v20, v14;
	v13 =	vand.u32 $0x7F, v13;
	v31 =	vld.idx.msk [tilespmem:v37+s13+$0x0], $0xffff;
	v10 =	vadd.f32 v12, v10  }
0x291: {  	v20 =	vor.u32 v0, v13;
	v12 =	vadd.s32 $0xA, v21;
	v14 =	vld.idx.msk [tilespmem:v37+s15+$0x0], $0xffff  }
0x292: {  	v13 =	vmul.f32 v28, v23;
	v12 =	vand.u32 $0x7F, v12;
	v23 =	vld.idx.msk [tilespmem:v25+s13+$0x0], $0xffff;
	v11 =	vadd.f32 v11, v10  }
0x293: {  	v10 =	vmul.f32 v24, v27;
	v24 =	vld.idx.msk [tilespmem:v25+s15+$0x0], $0xffff;
	v25 =	vor.u32 v0, v12  }
0x294: {  	v28 =	vld.idx.msk [tilespmem:v30+s13+$0x0], $0xffff;
	v11 =	vadd.f32 v15, v11  }
0x295: {  	v12 =	vmul.f32 v29, v26;
	v15 =	vadd.s32 $0xC, v21;
	v26 =	vld.idx.msk [tilespmem:v30+s15+$0x0], $0xffff  }
0x296: {  	v27 =	vadd.s32 $0xD, v21;
	v15 =	vand.u32 $0x7F, v15;
	v30 =	vld.idx.msk [tilespmem:v20+s13+$0x0], $0xffff;
	v16 =	vadd.f32 v16, v11  }
0x297: {  	v11 =	vmul.f32 v14, v31;
	v35 =	vor.u32 v0, v15;
	v31 =	vld.idx.msk [tilespmem:v20+s15+$0x0], $0xffff  }
0x298: {  	v27 =	vand.u32 $0x7F, v27;
	v29 =	vmul.f32 v22, v17;
	v14 =	vld.idx.msk [tilespmem:v25+s13+$0x0], $0xffff;
	v16 =	vadd.f32 v18, v16  }
0x299: {  	v22 =	vor.u32 v0, v27;
	v15 =	vmul.f32 v24, v23;
	v20 =	vld.idx.msk [tilespmem:v25+s15+$0x0], $0xffff  }
.Ltmp5:
0x29a: {  	v27 =	vor.u32 v0, v34;
	v25 =	vld.idx.msk [tilespmem:v6+s13+$0x0], $0xffff;
	v17 =	vadd.f32 v33, v16;
	(pc) =	sbr.rel @p0 .LBB2_13-.Ltmp5, $4  }
0x29b: {  	v18 =	vadd.s32 $0xF, v21;
	v16 =	vmul.f32 v26, v28;
	v26 =	vld.idx.msk [tilespmem:v32+s15+$0x0], $0xffff  }
0x29c: {  	v28 =	vand.u32 $0x7F, v18;
	v23 =	vld.idx.msk [tilespmem:v35+s13+$0x0], $0xffff;
	v32 =	vadd.f32 v36, v17  }
0x29d: {  	v21 =	vadd.s32 $0x10, v21;
	v28 =	vor.u32 v0, v28;
	v18 =	vmul.f32 v31, v30;
	v24 =	vld.idx.msk [tilespmem:v35+s15+$0x0], $0xffff  }
0x29e: {  	v21 =	vand.u32 $0x7F, v21;
	v17 =	vld.idx.msk [tilespmem:v22+s13+$0x0], $0xffff;
	v30 =	vadd.f32 v39, v32  }
0x29f: {  	_ = 	snop  }
0x2a0: {  	v21 =	vadd.f32 v29, v30;
	_ =	sdelay $0x1  }
0x2a1: {  	v19 =	vadd.f32 v19, v21  }
0x2a2: {  	v6 =	vld.idx.msk [tilespmem:v6+s15+$0x0], $0xffff  }
0x2a3: {  	v7 =	vadd.f32 v7, v19;
	_ =	sdelay $0x1  }
0x2a4: {  	v7 =	vadd.f32 v8, v7;
	_ =	sdelay $0x1  }
0x2a5: {  	v6 =	vmul.f32 v6, v25;
	v7 =	vadd.f32 v9, v7;
	_ =	sdelay $0x1  }
0x2a6: {  	v6 =	vadd.f32 v6, v7;
	_ =	sdelay $0x1  }
0x2a7: {  	v6 =	vadd.f32 v13, v6;
	_ =	sdelay $0x1  }
0x2a8: {  	v6 =	vadd.f32 v10, v6;
	_ =	sdelay $0x1  }
0x2a9: {  	v6 =	vadd.f32 v12, v6;
	_ =	sdelay $0x1  }
0x2aa: {  	v6 =	vadd.f32 v11, v6;
	_ =	sdelay $0x1  }
0x2ab: {  	v6 =	vadd.f32 v15, v6;
	_ =	sdelay $0x1  }
0x2ac: {  	v6 =	vadd.f32 v16, v6;
	_ =	sdelay $0x1  }
0x2ad: {  	v7 =	vmul.f32 v20, v14;
	v6 =	vadd.f32 v18, v6  }
0x2ae: {  	v8 =	vld.idx.msk [tilespmem:v22+s15+$0x0], $0xffff  }
0x2af: {  	v5 =	vmul.f32 v26, v5;
	v9 =	vld.idx.msk [tilespmem:v27+s13+$0x0], $0xffff;
	v6 =	vadd.f32 v7, v6  }
0x2b0: {  	v7 =	vld.idx.msk [tilespmem:v27+s15+$0x0], $0xffff  }
0x2b1: {  	v10 =	vld.idx.msk [tilespmem:v28+s13+$0x0], $0xffff;
	v11 =	vmul.f32 v24, v23;
	v5 =	vadd.f32 v5, v6  }
0x2b2: {  	v6 =	vld.idx.msk [tilespmem:v28+s15+$0x0], $0xffff  }
0x2b3: {  	v8 =	vmul.f32 v8, v17;
	v5 =	vadd.f32 v11, v5;
	_ =	sdelay $0x1  }
0x2b4: {  	v7 =	vmul.f32 v7, v9;
	v5 =	vadd.f32 v8, v5;
	_ =	sdelay $0x1  }
0x2b5: {  	v6 =	vmul.f32 v6, v10;
	v5 =	vadd.f32 v7, v5;
	_ =	sdelay $0x1  }
0x2b6: {  	v5 =	vadd.f32 v6, v5;
	_ =	sdelay $0x1  }
0x2b7: {  	v5 =	vsub.f32 $0.0e+00, v5;
	_ =	sdelay $0x1  }
0x2b8: {  	v5 =	vmul.f32 $1.442695020e+00, v5;
	_ =	sdelay $0x1  }
0x2b9: {  	(erf) = vpow2.f32 v5;
	_ =	sdelay $0x8  }
0x2ba: {  	v5 =	vpop (erf)  }
0x2bb: {  	v5 =	vadd.f32 $1.000000000e+00, v5;
	_ =	sdelay $0x1  }
0x2bc: {  	(erf) = vrcp.f32 v5;
	_ =	sdelay $0x4  }
0x2bd: {  	v5 =	vlaneseq.u32  }
0x2be: {  	v6 =	vor.u32 v1, v5;
	v7 =	vadd.s32 $0x1, v5  }
0x2bf: {  	v7 =	vand.u32 $0x7F, v7  }
0x2c0: {  	v8 =	vadd.s32 $0xB, v5;
	v7 =	vor.u32 v1, v7  }
0x2c1: {  	v13 =	vadd.s32 $0x5, v5;
	v8 =	vand.u32 $0x7F, v8;
	v9 =	vpop (erf)  }
0x2c2: {  	v13 =	vand.u32 $0x7F, v13;
	v8 =	vor.u32 v1, v8;
	[tilespmem:s21+$0xEF50] =	vst v9  }
0x2c3: {  	v14 =	vadd.s32 $0x6, v5;
	v13 =	vor.u32 v1, v13;
	v11 =	vld.idx.msk [tilespmem:v6+s13+$0x0], $0xffff  }
0x2c4: {  	v14 =	vand.u32 $0x7F, v14;
	v6 =	vld.idx.msk [tilespmem:v6+s15+$0x0], $0xffff  }
0x2c5: {  	v17 =	vadd.s32 $0x7, v5;
	v14 =	vor.u32 v1, v14;
	v12 =	vld.idx.msk [tilespmem:v7+s13+$0x0], $0xffff  }
0x2c6: {  	v17 =	vand.u32 $0x7F, v17;
	v7 =	vld.idx.msk [tilespmem:v7+s15+$0x0], $0xffff  }
0x2c7: {  	v19 =	vadd.s32 $0x8, v5;
	v17 =	vor.u32 v1, v17;
	v15 =	vld.idx.msk [tilespmem:v8+s13+$0x0], $0xffff  }
0x2c8: {  	v19 =	vand.u32 $0x7F, v19;
	v20 =	vld.idx.msk [tilespmem:v13+s13+$0x0], $0xffff  }
0x2c9: {  	v21 =	vadd.s32 $0x9, v5;
	v19 =	vor.u32 v1, v19;
	v13 =	vld.idx.msk [tilespmem:v13+s15+$0x0], $0xffff  }
0x2ca: {  	v21 =	vand.u32 $0x7F, v21;
	v22 =	vld.idx.msk [tilespmem:v14+s13+$0x0], $0xffff  }
0x2cb: {  	v23 =	vadd.s32 $0xA, v5;
	v21 =	vor.u32 v1, v21;
	v14 =	vld.idx.msk [tilespmem:v14+s15+$0x0], $0xffff  }
0x2cc: {  	v23 =	vand.u32 $0x7F, v23;
	v24 =	vld.idx.msk [tilespmem:v17+s13+$0x0], $0xffff  }
0x2cd: {  	v25 =	vadd.s32 $0x2, v5;
	v23 =	vor.u32 v1, v23;
	v17 =	vld.idx.msk [tilespmem:v17+s15+$0x0], $0xffff  }
0x2ce: {  	v25 =	vand.u32 $0x7F, v25;
	v26 =	vld.idx.msk [tilespmem:v19+s13+$0x0], $0xffff  }
0x2cf: {  	v27 =	vadd.s32 $0xC, v5;
	v25 =	vor.u32 v1, v25;
	v19 =	vld.idx.msk [tilespmem:v19+s15+$0x0], $0xffff  }
0x2d0: {  	v27 =	vand.u32 $0x7F, v27;
	v28 =	vld.idx.msk [tilespmem:v21+s13+$0x0], $0xffff  }
0x2d1: {  	v29 =	vadd.s32 $0xD, v5;
	v27 =	vor.u32 v1, v27;
	v21 =	vld.idx.msk [tilespmem:v21+s15+$0x0], $0xffff  }
0x2d2: {  	v30 =	vadd.s32 $0xE, v5;
	v29 =	vand.u32 $0x7F, v29;
	v31 =	vld.idx.msk [tilespmem:v23+s13+$0x0], $0xffff  }
0x2d3: {  	v30 =	vand.u32 $0x7F, v30;
	v29 =	vor.u32 v1, v29;
	v23 =	vld.idx.msk [tilespmem:v23+s15+$0x0], $0xffff  }
0x2d4: {  	v30 =	vor.u32 v1, v30;
	v32 =	vld.idx.msk [tilespmem:v25+s13+$0x0], $0xffff  }
0x2d5: {  	v33 =	vadd.s32 $0xF, v5;
	v8 =	vld.idx.msk [tilespmem:v8+s15+$0x0], $0xffff  }
0x2d6: {  	v33 =	vand.u32 $0x7F, v33;
	v34 =	vld.idx.msk [tilespmem:v27+s13+$0x0], $0xffff  }
0x2d7: {  	v33 =	vor.u32 v1, v33;
	v27 =	vld.idx.msk [tilespmem:v27+s15+$0x0], $0xffff  }
0x2d8: {  	v10 =	vadd.s32 $0x3, v5;
	v35 =	vld.idx.msk [tilespmem:v29+s13+$0x0], $0xffff  }
0x2d9: {  	v9 =	vand.u32 $0x7F, v10;
	v38 =	vld.idx.msk [tilespmem:v30+s13+$0x0], $0xffff  }
0x2da: {  	v10 =	vadd.s32 $0x4, v5;
	v9 =	vor.u32 v1, v9;
	v25 =	vld.idx.msk [tilespmem:v25+s15+$0x0], $0xffff  }
0x2db: {  	v10 =	vand.u32 $0x7F, v10;
	v30 =	vld.idx.msk [tilespmem:v30+s15+$0x0], $0xffff  }
0x2dc: {  	v5 =	vadd.s32 $0x10, v5;
	v40 =	vld.idx.msk [tilespmem:v33+s13+$0x0], $0xffff;
	v10 =	vor.u32 v1, v10  }
0x2dd: {  	v36 =	vand.u32 $0x7F, v5;
	v33 =	vld.idx.msk [tilespmem:v33+s15+$0x0], $0xffff  }
0x2de: {  	v29 =	vld.idx.msk [tilespmem:v29+s15+$0x0], $0xffff;
	v5 =	vor.u32 v1, v36;
	v37 =	vadd.s32 $0x1, v36  }
0x2df: {  	v37 =	vand.u32 $0x7F, v37;
	v16 =	vld.idx.msk [tilespmem:v9+s13+$0x0], $0xffff  }
0x2e0: {  	v39 =	vadd.s32 $0xB, v36;
	v37 =	vor.u32 v1, v37;
	v9 =	vld.idx.msk [tilespmem:v9+s15+$0x0], $0xffff  }
0x2e1: {  	v41 =	vadd.s32 $0x3, v36;
	v39 =	vand.u32 $0x7F, v39;
	v18 =	vld.idx.msk [tilespmem:v10+s13+$0x0], $0xffff  }
0x2e2: {  	v39 =	vor.u32 v1, v39;
	v6 =	vmul.f32 v6, v11;
	v11 =	vand.u32 $0x7F, v41;
	v10 =	vld.idx.msk [tilespmem:v10+s15+$0x0], $0xffff  }
0x2e3: {  	v42 =	vimm.f32 $0.0e+00;
	v43 =	vadd.s32 $0x4, v36;
	v54 =	vld.idx.msk [tilespmem:v5+s13+$0x0], $0xffff;
	v11 =	vor.u32 v1, v11  }
0x2e4: {  	v44 =	vld.idx.msk [tilespmem:v5+s15+$0x0], $0xffff;
	v5 =	vmul.f32 v7, v12;
	v7 =	vand.u32 $0x7F, v43;
	v6 =	vadd.f32 v6, v42  }
0x2e5: {  	v55 =	vadd.s32 $0x5, v36;
	v7 =	vor.u32 v1, v7;
	v12 =	vld.idx.msk [tilespmem:v37+s13+$0x0], $0xffff  }
0x2e6: {  	v56 =	vand.u32 $0x7F, v55;
	v25 =	vmul.f32 v25, v32;
	v37 =	vld.idx.msk [tilespmem:v37+s15+$0x0], $0xffff;
	v6 =	vadd.f32 v5, v6  }
0x2e7: {  	v57 =	vadd.s32 $0x6, v36;
	v5 =	vld.idx.msk [tilespmem:v39+s13+$0x0], $0xffff;
	v9 =	vmul.f32 v9, v16;
	v16 =	vor.u32 v1, v56  }
0x2e8: {  	v10 =	vmul.f32 v10, v18;
	v6 =	vadd.f32 v25, v6;
	v18 =	vld.idx.msk [tilespmem:v11+s13+$0x0], $0xffff;
	v25 =	vand.u32 $0x7F, v57  }
0x2e9: {  	v13 =	vmul.f32 v13, v20;
	v11 =	vld.idx.msk [tilespmem:v11+s15+$0x0], $0xffff;
	v20 =	vor.u32 v1, v25;
	v25 =	vadd.s32 $0x7, v36  }
0x2ea: {  	v14 =	vmul.f32 v14, v22;
	v22 =	vld.idx.msk [tilespmem:v7+s13+$0x0], $0xffff;
	v6 =	vadd.f32 v9, v6;
	v9 =	vand.u32 $0x7F, v25  }
0x2eb: {  	v17 =	vmul.f32 v17, v24;
	v24 =	vadd.s32 $0x8, v36;
	v25 =	vld.idx.msk [tilespmem:v7+s15+$0x0], $0xffff;
	v9 =	vor.u32 v1, v9  }
0x2ec: {  	v26 =	vmul.f32 v19, v26;
	v7 =	vand.u32 $0x7F, v24;
	v6 =	vadd.f32 v10, v6;
	v24 =	vld.idx.msk [tilespmem:v16+s13+$0x0], $0xffff  }
0x2ed: {  	v10 =	vmul.f32 v21, v28;
	v16 =	vld.idx.msk [tilespmem:v16+s15+$0x0], $0xffff;
	v21 =	vor.u32 v1, v7;
	v7 =	vadd.s32 $0x9, v36  }
0x2ee: {  	v28 =	vmul.f32 v8, v15;
	v7 =	vand.u32 $0x7F, v7;
	v15 =	vld.idx.msk [tilespmem:v20+s13+$0x0], $0xffff;
	v6 =	vadd.f32 v13, v6  }
0x2ef: {  	v58 =	vmul.f32 v27, v34;
	v27 =	vld.idx.msk [tilespmem:v20+s15+$0x0], $0xffff;
	v13 =	vor.u32 v1, v7;
	v7 =	vadd.s32 $0xA, v36  }
0x2f0: {  	v19 =	vmul.f32 v30, v38;
	v14 =	vadd.f32 v14, v6;
	v59 =	vld.idx.msk [tilespmem:v9+s13+$0x0], $0xffff;
	v6 =	vand.u32 $0x7F, v7  }
0x2f1: {  	v23 =	vmul.f32 v23, v31;
	v8 =	vadd.s32 $0x2, v36;
	v60 =	vld.idx.msk [tilespmem:v9+s15+$0x0], $0xffff;
	v20 =	vor.u32 v1, v6  }
0x2f2: {  	v29 =	vmul.f32 v29, v35;
	v8 =	vand.u32 $0x7F, v8;
	v30 =	vld.idx.msk [tilespmem:v21+s13+$0x0], $0xffff;
	v9 =	vadd.f32 v17, v14  }
0x2f3: {  	v6 =	vor.u32 v1, v8;
	v14 =	vadd.s32 $0xE, v36;
	v17 =	vld.idx.msk [tilespmem:v21+s15+$0x0], $0xffff;
	v21 =	vadd.s32 $0xC, v36  }
0x2f4: {  	v61 =	vand.u32 $0x7F, v14;
	v62 =	vld.idx.msk [tilespmem:v13+s13+$0x0], $0xffff;
	v14 =	vand.u32 $0x7F, v21;
	v26 =	vadd.f32 v26, v9  }
0x2f5: {  	v21 =	vld.idx.msk [tilespmem:v13+s15+$0x0], $0xffff;
	v9 =	vmul.f32 v37, v12;
	v12 =	vadd.s32 $0xD, v36;
	v63 =	vor.u32 v1, v14  }
0x2f6: {  	v7 =	vmul.f32 v33, v40;
	v12 =	vand.u32 $0x7F, v12;
	v14 =	vld.idx.msk [tilespmem:v20+s13+$0x0], $0xffff;
	v26 =	vadd.f32 v10, v26  }
0x2f7: {  	v13 =	vmul.f32 v11, v18;
	v10 =	vmul.f32 v25, v22;
	v20 =	vld.idx.msk [tilespmem:v20+s15+$0x0], $0xffff;
	v22 =	vor.u32 v1, v12  }
0x2f8: {  	v11 =	vmul.f32 v27, v15;
	v27 =	vor.u32 v1, v61;
	v25 =	vld.idx.msk [tilespmem:v6+s13+$0x0], $0xffff;
	v18 =	vadd.f32 v23, v26  }
0x2f9: {  	v12 =	vmul.f32 v16, v24;
	v16 =	vmul.f32 v17, v30;
	v17 =	vadd.s32 $0xF, v36;
	v26 =	vld.idx.msk [tilespmem:v39+s15+$0x0], $0xffff  }
0x2fa: {  	v8 =	vmul.f32 v44, v54;
	v17 =	vand.u32 $0x7F, v17;
	v23 =	vld.idx.msk [tilespmem:v63+s13+$0x0], $0xffff;
	v30 =	vadd.f32 v28, v18  }
0x2fb: {  	v24 =	vld.idx.msk [tilespmem:v63+s15+$0x0], $0xffff;
	v18 =	vmul.f32 v21, v62;
	v21 =	vadd.s32 $0x10, v36;
	v28 =	vor.u32 v1, v17  }
0x2fc: {  	s22 =	simm.s32 $0x6;
	v15 =	vmul.f32 v60, v59;
	v17 =	vld.idx.msk [tilespmem:v22+s13+$0x0], $0xffff;
	v21 =	vand.u32 $0x7F, v21;
	v30 =	vadd.f32 v58, v30  }
.LBB2_15:
0x2fd: {  	v31 =	vor.u32 v1, v21;
	v32 =	vadd.s32 $0x1, v21;
	p0 =	sne.s32 s22, $0x1;
	s22 =	sadd.s32 $0xFFFFFFFF, s22;
	v33 =	vld.idx.msk [tilespmem:v27+s13+$0x0], $0xffff  }
0x2fe: {  	v34 =	vadd.s32 $0x4, v21;
	v32 =	vand.u32 $0x7F, v32;
	v35 =	vld.idx.msk [tilespmem:v6+s15+$0x0], $0xffff;
	v6 =	vadd.f32 v29, v30  }
0x2ff: {  	v30 =	vadd.s32 $0x8, v21;
	v29 =	vor.u32 v1, v32;
	v32 =	vadd.s32 $0xB, v21;
	v27 =	vld.idx.msk [tilespmem:v27+s15+$0x0], $0xffff  }
0x300: {  	v36 =	vadd.s32 $0x3, v21;
	v30 =	vand.u32 $0x7F, v30;
	v37 =	vld.idx.msk [tilespmem:v28+s13+$0x0], $0xffff;
	v6 =	vadd.f32 v19, v6  }
0x301: {  	v36 =	vand.u32 $0x7F, v36;
	v19 =	vadd.s32 $0x2, v21;
	v32 =	vand.u32 $0x7F, v32;
	v28 =	vld.idx.msk [tilespmem:v28+s15+$0x0], $0xffff  }
0x302: {  	v19 =	vand.u32 $0x7F, v19;
	v32 =	vor.u32 v1, v32;
	v38 =	vld.idx.msk [tilespmem:v31+s13+$0x0], $0xffff;
	v7 =	vadd.f32 v7, v6  }
0x303: {  	v6 =	vor.u32 v1, v19;
	v19 =	vor.u32 v1, v36;
	v36 =	vmul.f32 v26, v5;
	v31 =	vld.idx.msk [tilespmem:v31+s15+$0x0], $0xffff  }
0x304: {  	v5 =	vand.u32 $0x7F, v34;
	v26 =	vld.idx.msk [tilespmem:v29+s13+$0x0], $0xffff;
	v7 =	vadd.f32 v8, v7;
	v8 =	vmul.f32 v35, v25  }
0x305: {  	v34 =	vadd.s32 $0xE, v21;
	v25 =	vld.idx.msk [tilespmem:v29+s15+$0x0], $0xffff;
	v29 =	vor.u32 v1, v5;
	v5 =	vadd.s32 $0x5, v21  }
0x306: {  	v34 =	vand.u32 $0x7F, v34;
	v5 =	vand.u32 $0x7F, v5;
	v7 =	vadd.f32 v9, v7;
	v22 =	vld.idx.msk [tilespmem:v22+s15+$0x0], $0xffff  }
0x307: {  	v39 =	vmul.f32 v24, v23;
	v9 =	vadd.s32 $0x6, v21;
	v35 =	vor.u32 v1, v5;
	v5 =	vld.idx.msk [tilespmem:v32+s13+$0x0], $0xffff  }
0x308: {  	v9 =	vand.u32 $0x7F, v9;
	v23 =	vld.idx.msk [tilespmem:v19+s13+$0x0], $0xffff;
	v24 =	vadd.f32 v8, v7;
	v7 =	vmul.f32 v28, v37  }
0x309: {  	v37 =	vor.u32 v1, v9;
	v9 =	vadd.s32 $0x7, v21;
	v28 =	vld.idx.msk [tilespmem:v19+s15+$0x0], $0xffff;
	v19 =	vmul.f32 v27, v33  }
0x30a: {  	v8 =	vmul.f32 v31, v38;
	v31 =	vand.u32 $0x7F, v9;
	v27 =	vld.idx.msk [tilespmem:v29+s13+$0x0], $0xffff;
	v13 =	vadd.f32 v13, v24  }
0x30b: {  	v9 =	vmul.f32 v25, v26;
	v25 =	vor.u32 v1, v31;
	v24 =	vld.idx.msk [tilespmem:v29+s15+$0x0], $0xffff  }
0x30c: {  	v26 =	vld.idx.msk [tilespmem:v35+s13+$0x0], $0xffff;
	v10 =	vadd.f32 v10, v13  }
0x30d: {  	v30 =	vor.u32 v1, v30;
	v13 =	vadd.s32 $0x9, v21;
	v29 =	vld.idx.msk [tilespmem:v35+s15+$0x0], $0xffff  }
0x30e: {  	v33 =	vmul.f32 v20, v14;
	v13 =	vand.u32 $0x7F, v13;
	v31 =	vld.idx.msk [tilespmem:v37+s13+$0x0], $0xffff;
	v10 =	vadd.f32 v12, v10  }
0x30f: {  	v20 =	vor.u32 v1, v13;
	v12 =	vadd.s32 $0xA, v21;
	v14 =	vld.idx.msk [tilespmem:v37+s15+$0x0], $0xffff  }
0x310: {  	v13 =	vmul.f32 v28, v23;
	v12 =	vand.u32 $0x7F, v12;
	v23 =	vld.idx.msk [tilespmem:v25+s13+$0x0], $0xffff;
	v11 =	vadd.f32 v11, v10  }
0x311: {  	v10 =	vmul.f32 v24, v27;
	v24 =	vld.idx.msk [tilespmem:v25+s15+$0x0], $0xffff;
	v25 =	vor.u32 v1, v12  }
0x312: {  	v28 =	vld.idx.msk [tilespmem:v30+s13+$0x0], $0xffff;
	v11 =	vadd.f32 v15, v11  }
0x313: {  	v12 =	vmul.f32 v29, v26;
	v15 =	vadd.s32 $0xC, v21;
	v26 =	vld.idx.msk [tilespmem:v30+s15+$0x0], $0xffff  }
0x314: {  	v27 =	vadd.s32 $0xD, v21;
	v15 =	vand.u32 $0x7F, v15;
	v30 =	vld.idx.msk [tilespmem:v20+s13+$0x0], $0xffff;
	v16 =	vadd.f32 v16, v11  }
0x315: {  	v11 =	vmul.f32 v14, v31;
	v35 =	vor.u32 v1, v15;
	v31 =	vld.idx.msk [tilespmem:v20+s15+$0x0], $0xffff  }
0x316: {  	v27 =	vand.u32 $0x7F, v27;
	v29 =	vmul.f32 v22, v17;
	v14 =	vld.idx.msk [tilespmem:v25+s13+$0x0], $0xffff;
	v16 =	vadd.f32 v18, v16  }
0x317: {  	v22 =	vor.u32 v1, v27;
	v15 =	vmul.f32 v24, v23;
	v20 =	vld.idx.msk [tilespmem:v25+s15+$0x0], $0xffff  }
.Ltmp6:
0x318: {  	v27 =	vor.u32 v1, v34;
	v25 =	vld.idx.msk [tilespmem:v6+s13+$0x0], $0xffff;
	v17 =	vadd.f32 v33, v16;
	(pc) =	sbr.rel @p0 .LBB2_15-.Ltmp6, $4  }
0x319: {  	v18 =	vadd.s32 $0xF, v21;
	v16 =	vmul.f32 v26, v28;
	v26 =	vld.idx.msk [tilespmem:v32+s15+$0x0], $0xffff  }
0x31a: {  	v28 =	vand.u32 $0x7F, v18;
	v23 =	vld.idx.msk [tilespmem:v35+s13+$0x0], $0xffff;
	v32 =	vadd.f32 v36, v17  }
0x31b: {  	v21 =	vadd.s32 $0x10, v21;
	v28 =	vor.u32 v1, v28;
	v18 =	vmul.f32 v31, v30;
	v24 =	vld.idx.msk [tilespmem:v35+s15+$0x0], $0xffff  }
0x31c: {  	v21 =	vand.u32 $0x7F, v21;
	v17 =	vld.idx.msk [tilespmem:v22+s13+$0x0], $0xffff;
	v30 =	vadd.f32 v39, v32  }
0x31d: {  	_ = 	snop  }
0x31e: {  	v21 =	vadd.f32 v29, v30;
	_ =	sdelay $0x1  }
0x31f: {  	v19 =	vadd.f32 v19, v21  }
0x320: {  	v6 =	vld.idx.msk [tilespmem:v6+s15+$0x0], $0xffff  }
0x321: {  	v7 =	vadd.f32 v7, v19;
	_ =	sdelay $0x1  }
0x322: {  	v7 =	vadd.f32 v8, v7;
	_ =	sdelay $0x1  }
0x323: {  	v6 =	vmul.f32 v6, v25;
	v7 =	vadd.f32 v9, v7;
	_ =	sdelay $0x1  }
0x324: {  	v6 =	vadd.f32 v6, v7;
	_ =	sdelay $0x1  }
0x325: {  	v6 =	vadd.f32 v13, v6;
	_ =	sdelay $0x1  }
0x326: {  	v6 =	vadd.f32 v10, v6;
	_ =	sdelay $0x1  }
0x327: {  	v6 =	vadd.f32 v12, v6;
	_ =	sdelay $0x1  }
0x328: {  	v6 =	vadd.f32 v11, v6;
	_ =	sdelay $0x1  }
0x329: {  	v6 =	vadd.f32 v15, v6;
	_ =	sdelay $0x1  }
0x32a: {  	v6 =	vadd.f32 v16, v6;
	_ =	sdelay $0x1  }
0x32b: {  	v7 =	vmul.f32 v20, v14;
	v6 =	vadd.f32 v18, v6  }
0x32c: {  	v8 =	vld.idx.msk [tilespmem:v22+s15+$0x0], $0xffff  }
0x32d: {  	v5 =	vmul.f32 v26, v5;
	v9 =	vld.idx.msk [tilespmem:v27+s13+$0x0], $0xffff;
	v6 =	vadd.f32 v7, v6  }
0x32e: {  	v7 =	vld.idx.msk [tilespmem:v27+s15+$0x0], $0xffff  }
0x32f: {  	v10 =	vld.idx.msk [tilespmem:v28+s13+$0x0], $0xffff;
	v11 =	vmul.f32 v24, v23;
	v5 =	vadd.f32 v5, v6  }
0x330: {  	v6 =	vld.idx.msk [tilespmem:v28+s15+$0x0], $0xffff  }
0x331: {  	v8 =	vmul.f32 v8, v17;
	v5 =	vadd.f32 v11, v5;
	_ =	sdelay $0x1  }
0x332: {  	v7 =	vmul.f32 v7, v9;
	v5 =	vadd.f32 v8, v5;
	_ =	sdelay $0x1  }
0x333: {  	v6 =	vmul.f32 v6, v10;
	v5 =	vadd.f32 v7, v5;
	_ =	sdelay $0x1  }
0x334: {  	v5 =	vadd.f32 v6, v5;
	_ =	sdelay $0x1  }
0x335: {  	v5 =	vsub.f32 $0.0e+00, v5;
	_ =	sdelay $0x1  }
0x336: {  	v5 =	vmul.f32 $1.442695020e+00, v5;
	_ =	sdelay $0x1  }
0x337: {  	(erf) = vpow2.f32 v5;
	_ =	sdelay $0x8  }
0x338: {  	v5 =	vpop (erf)  }
0x339: {  	v5 =	vadd.f32 $1.000000000e+00, v5;
	_ =	sdelay $0x1  }
0x33a: {  	(erf) = vrcp.f32 v5;
	_ =	sdelay $0x4  }
0x33b: {  	v5 =	vlaneseq.u32  }
0x33c: {  	v6 =	vor.u32 v2, v5;
	v7 =	vadd.s32 $0x1, v5  }
0x33d: {  	v7 =	vand.u32 $0x7F, v7  }
0x33e: {  	v8 =	vadd.s32 $0xB, v5;
	v7 =	vor.u32 v2, v7  }
0x33f: {  	v13 =	vadd.s32 $0x5, v5;
	v8 =	vand.u32 $0x7F, v8;
	v9 =	vpop (erf)  }
0x340: {  	v13 =	vand.u32 $0x7F, v13;
	v8 =	vor.u32 v2, v8;
	[tilespmem:s21+$0xEF60] =	vst v9  }
0x341: {  	v14 =	vadd.s32 $0x6, v5;
	v13 =	vor.u32 v2, v13;
	v11 =	vld.idx.msk [tilespmem:v6+s13+$0x0], $0xffff  }
0x342: {  	v14 =	vand.u32 $0x7F, v14;
	v6 =	vld.idx.msk [tilespmem:v6+s15+$0x0], $0xffff  }
0x343: {  	v17 =	vadd.s32 $0x7, v5;
	v14 =	vor.u32 v2, v14;
	v12 =	vld.idx.msk [tilespmem:v7+s13+$0x0], $0xffff  }
0x344: {  	v17 =	vand.u32 $0x7F, v17;
	v7 =	vld.idx.msk [tilespmem:v7+s15+$0x0], $0xffff  }
0x345: {  	v19 =	vadd.s32 $0x8, v5;
	v17 =	vor.u32 v2, v17;
	v15 =	vld.idx.msk [tilespmem:v8+s13+$0x0], $0xffff  }
0x346: {  	v19 =	vand.u32 $0x7F, v19;
	v20 =	vld.idx.msk [tilespmem:v13+s13+$0x0], $0xffff  }
0x347: {  	v21 =	vadd.s32 $0x9, v5;
	v19 =	vor.u32 v2, v19;
	v13 =	vld.idx.msk [tilespmem:v13+s15+$0x0], $0xffff  }
0x348: {  	v21 =	vand.u32 $0x7F, v21;
	v22 =	vld.idx.msk [tilespmem:v14+s13+$0x0], $0xffff  }
0x349: {  	v23 =	vadd.s32 $0xA, v5;
	v21 =	vor.u32 v2, v21;
	v14 =	vld.idx.msk [tilespmem:v14+s15+$0x0], $0xffff  }
0x34a: {  	v23 =	vand.u32 $0x7F, v23;
	v24 =	vld.idx.msk [tilespmem:v17+s13+$0x0], $0xffff  }
0x34b: {  	v25 =	vadd.s32 $0x2, v5;
	v23 =	vor.u32 v2, v23;
	v17 =	vld.idx.msk [tilespmem:v17+s15+$0x0], $0xffff  }
0x34c: {  	v25 =	vand.u32 $0x7F, v25;
	v26 =	vld.idx.msk [tilespmem:v19+s13+$0x0], $0xffff  }
0x34d: {  	v27 =	vadd.s32 $0xC, v5;
	v25 =	vor.u32 v2, v25;
	v19 =	vld.idx.msk [tilespmem:v19+s15+$0x0], $0xffff  }
0x34e: {  	v27 =	vand.u32 $0x7F, v27;
	v28 =	vld.idx.msk [tilespmem:v21+s13+$0x0], $0xffff  }
0x34f: {  	v29 =	vadd.s32 $0xD, v5;
	v27 =	vor.u32 v2, v27;
	v21 =	vld.idx.msk [tilespmem:v21+s15+$0x0], $0xffff  }
0x350: {  	v30 =	vadd.s32 $0xE, v5;
	v29 =	vand.u32 $0x7F, v29;
	v31 =	vld.idx.msk [tilespmem:v23+s13+$0x0], $0xffff  }
0x351: {  	v30 =	vand.u32 $0x7F, v30;
	v29 =	vor.u32 v2, v29;
	v23 =	vld.idx.msk [tilespmem:v23+s15+$0x0], $0xffff  }
0x352: {  	v30 =	vor.u32 v2, v30;
	v32 =	vld.idx.msk [tilespmem:v25+s13+$0x0], $0xffff  }
0x353: {  	v33 =	vadd.s32 $0xF, v5;
	v8 =	vld.idx.msk [tilespmem:v8+s15+$0x0], $0xffff  }
0x354: {  	v33 =	vand.u32 $0x7F, v33;
	v34 =	vld.idx.msk [tilespmem:v27+s13+$0x0], $0xffff  }
0x355: {  	v33 =	vor.u32 v2, v33;
	v27 =	vld.idx.msk [tilespmem:v27+s15+$0x0], $0xffff  }
0x356: {  	v10 =	vadd.s32 $0x3, v5;
	v35 =	vld.idx.msk [tilespmem:v29+s13+$0x0], $0xffff  }
0x357: {  	v9 =	vand.u32 $0x7F, v10;
	v38 =	vld.idx.msk [tilespmem:v30+s13+$0x0], $0xffff  }
0x358: {  	v10 =	vadd.s32 $0x4, v5;
	v9 =	vor.u32 v2, v9;
	v25 =	vld.idx.msk [tilespmem:v25+s15+$0x0], $0xffff  }
0x359: {  	v10 =	vand.u32 $0x7F, v10;
	v30 =	vld.idx.msk [tilespmem:v30+s15+$0x0], $0xffff  }
0x35a: {  	v5 =	vadd.s32 $0x10, v5;
	v40 =	vld.idx.msk [tilespmem:v33+s13+$0x0], $0xffff;
	v10 =	vor.u32 v2, v10  }
0x35b: {  	v36 =	vand.u32 $0x7F, v5;
	v33 =	vld.idx.msk [tilespmem:v33+s15+$0x0], $0xffff  }
0x35c: {  	v29 =	vld.idx.msk [tilespmem:v29+s15+$0x0], $0xffff;
	v5 =	vor.u32 v2, v36;
	v37 =	vadd.s32 $0x1, v36  }
0x35d: {  	v37 =	vand.u32 $0x7F, v37;
	v16 =	vld.idx.msk [tilespmem:v9+s13+$0x0], $0xffff  }
0x35e: {  	v39 =	vadd.s32 $0xB, v36;
	v37 =	vor.u32 v2, v37;
	v9 =	vld.idx.msk [tilespmem:v9+s15+$0x0], $0xffff  }
0x35f: {  	v41 =	vadd.s32 $0x3, v36;
	v39 =	vand.u32 $0x7F, v39;
	v18 =	vld.idx.msk [tilespmem:v10+s13+$0x0], $0xffff  }
0x360: {  	v39 =	vor.u32 v2, v39;
	v6 =	vmul.f32 v6, v11;
	v11 =	vand.u32 $0x7F, v41;
	v10 =	vld.idx.msk [tilespmem:v10+s15+$0x0], $0xffff  }
0x361: {  	v42 =	vimm.f32 $0.0e+00;
	v43 =	vadd.s32 $0x4, v36;
	v54 =	vld.idx.msk [tilespmem:v5+s13+$0x0], $0xffff;
	v11 =	vor.u32 v2, v11  }
0x362: {  	v44 =	vld.idx.msk [tilespmem:v5+s15+$0x0], $0xffff;
	v5 =	vmul.f32 v7, v12;
	v7 =	vand.u32 $0x7F, v43;
	v6 =	vadd.f32 v6, v42  }
0x363: {  	v55 =	vadd.s32 $0x5, v36;
	v7 =	vor.u32 v2, v7;
	v12 =	vld.idx.msk [tilespmem:v37+s13+$0x0], $0xffff  }
0x364: {  	v56 =	vand.u32 $0x7F, v55;
	v25 =	vmul.f32 v25, v32;
	v37 =	vld.idx.msk [tilespmem:v37+s15+$0x0], $0xffff;
	v6 =	vadd.f32 v5, v6  }
0x365: {  	v57 =	vadd.s32 $0x6, v36;
	v5 =	vld.idx.msk [tilespmem:v39+s13+$0x0], $0xffff;
	v9 =	vmul.f32 v9, v16;
	v16 =	vor.u32 v2, v56  }
0x366: {  	v10 =	vmul.f32 v10, v18;
	v6 =	vadd.f32 v25, v6;
	v18 =	vld.idx.msk [tilespmem:v11+s13+$0x0], $0xffff;
	v25 =	vand.u32 $0x7F, v57  }
0x367: {  	v13 =	vmul.f32 v13, v20;
	v11 =	vld.idx.msk [tilespmem:v11+s15+$0x0], $0xffff;
	v20 =	vor.u32 v2, v25;
	v25 =	vadd.s32 $0x7, v36  }
0x368: {  	v14 =	vmul.f32 v14, v22;
	v22 =	vld.idx.msk [tilespmem:v7+s13+$0x0], $0xffff;
	v6 =	vadd.f32 v9, v6;
	v9 =	vand.u32 $0x7F, v25  }
0x369: {  	v17 =	vmul.f32 v17, v24;
	v24 =	vadd.s32 $0x8, v36;
	v25 =	vld.idx.msk [tilespmem:v7+s15+$0x0], $0xffff;
	v9 =	vor.u32 v2, v9  }
0x36a: {  	v26 =	vmul.f32 v19, v26;
	v7 =	vand.u32 $0x7F, v24;
	v6 =	vadd.f32 v10, v6;
	v24 =	vld.idx.msk [tilespmem:v16+s13+$0x0], $0xffff  }
0x36b: {  	v10 =	vmul.f32 v21, v28;
	v16 =	vld.idx.msk [tilespmem:v16+s15+$0x0], $0xffff;
	v21 =	vor.u32 v2, v7;
	v7 =	vadd.s32 $0x9, v36  }
0x36c: {  	v28 =	vmul.f32 v8, v15;
	v7 =	vand.u32 $0x7F, v7;
	v15 =	vld.idx.msk [tilespmem:v20+s13+$0x0], $0xffff;
	v6 =	vadd.f32 v13, v6  }
0x36d: {  	v58 =	vmul.f32 v27, v34;
	v27 =	vld.idx.msk [tilespmem:v20+s15+$0x0], $0xffff;
	v13 =	vor.u32 v2, v7;
	v7 =	vadd.s32 $0xA, v36  }
0x36e: {  	v19 =	vmul.f32 v30, v38;
	v14 =	vadd.f32 v14, v6;
	v59 =	vld.idx.msk [tilespmem:v9+s13+$0x0], $0xffff;
	v6 =	vand.u32 $0x7F, v7  }
0x36f: {  	v23 =	vmul.f32 v23, v31;
	v8 =	vadd.s32 $0x2, v36;
	v60 =	vld.idx.msk [tilespmem:v9+s15+$0x0], $0xffff;
	v20 =	vor.u32 v2, v6  }
0x370: {  	v29 =	vmul.f32 v29, v35;
	v8 =	vand.u32 $0x7F, v8;
	v30 =	vld.idx.msk [tilespmem:v21+s13+$0x0], $0xffff;
	v9 =	vadd.f32 v17, v14  }
0x371: {  	v6 =	vor.u32 v2, v8;
	v14 =	vadd.s32 $0xE, v36;
	v17 =	vld.idx.msk [tilespmem:v21+s15+$0x0], $0xffff;
	v21 =	vadd.s32 $0xC, v36  }
0x372: {  	v61 =	vand.u32 $0x7F, v14;
	v62 =	vld.idx.msk [tilespmem:v13+s13+$0x0], $0xffff;
	v14 =	vand.u32 $0x7F, v21;
	v26 =	vadd.f32 v26, v9  }
0x373: {  	v21 =	vld.idx.msk [tilespmem:v13+s15+$0x0], $0xffff;
	v9 =	vmul.f32 v37, v12;
	v12 =	vadd.s32 $0xD, v36;
	v63 =	vor.u32 v2, v14  }
0x374: {  	v7 =	vmul.f32 v33, v40;
	v12 =	vand.u32 $0x7F, v12;
	v14 =	vld.idx.msk [tilespmem:v20+s13+$0x0], $0xffff;
	v26 =	vadd.f32 v10, v26  }
0x375: {  	v13 =	vmul.f32 v11, v18;
	v10 =	vmul.f32 v25, v22;
	v20 =	vld.idx.msk [tilespmem:v20+s15+$0x0], $0xffff;
	v22 =	vor.u32 v2, v12  }
0x376: {  	v11 =	vmul.f32 v27, v15;
	v27 =	vor.u32 v2, v61;
	v25 =	vld.idx.msk [tilespmem:v6+s13+$0x0], $0xffff;
	v18 =	vadd.f32 v23, v26  }
0x377: {  	v12 =	vmul.f32 v16, v24;
	v16 =	vmul.f32 v17, v30;
	v17 =	vadd.s32 $0xF, v36;
	v26 =	vld.idx.msk [tilespmem:v39+s15+$0x0], $0xffff  }
0x378: {  	v8 =	vmul.f32 v44, v54;
	v17 =	vand.u32 $0x7F, v17;
	v23 =	vld.idx.msk [tilespmem:v63+s13+$0x0], $0xffff;
	v30 =	vadd.f32 v28, v18  }
0x379: {  	v24 =	vld.idx.msk [tilespmem:v63+s15+$0x0], $0xffff;
	v18 =	vmul.f32 v21, v62;
	v21 =	vadd.s32 $0x10, v36;
	v28 =	vor.u32 v2, v17  }
0x37a: {  	s22 =	simm.s32 $0x6;
	v15 =	vmul.f32 v60, v59;
	v17 =	vld.idx.msk [tilespmem:v22+s13+$0x0], $0xffff;
	v21 =	vand.u32 $0x7F, v21;
	v30 =	vadd.f32 v58, v30  }
.LBB2_17:
0x37b: {  	v31 =	vor.u32 v2, v21;
	v32 =	vadd.s32 $0x1, v21;
	p0 =	sne.s32 s22, $0x1;
	s22 =	sadd.s32 $0xFFFFFFFF, s22;
	v33 =	vld.idx.msk [tilespmem:v27+s13+$0x0], $0xffff  }
0x37c: {  	v34 =	vadd.s32 $0x4, v21;
	v32 =	vand.u32 $0x7F, v32;
	v35 =	vld.idx.msk [tilespmem:v6+s15+$0x0], $0xffff;
	v6 =	vadd.f32 v29, v30  }
0x37d: {  	v30 =	vadd.s32 $0x8, v21;
	v29 =	vor.u32 v2, v32;
	v32 =	vadd.s32 $0xB, v21;
	v27 =	vld.idx.msk [tilespmem:v27+s15+$0x0], $0xffff  }
0x37e: {  	v36 =	vadd.s32 $0x3, v21;
	v30 =	vand.u32 $0x7F, v30;
	v37 =	vld.idx.msk [tilespmem:v28+s13+$0x0], $0xffff;
	v6 =	vadd.f32 v19, v6  }
0x37f: {  	v36 =	vand.u32 $0x7F, v36;
	v19 =	vadd.s32 $0x2, v21;
	v32 =	vand.u32 $0x7F, v32;
	v28 =	vld.idx.msk [tilespmem:v28+s15+$0x0], $0xffff  }
0x380: {  	v19 =	vand.u32 $0x7F, v19;
	v32 =	vor.u32 v2, v32;
	v38 =	vld.idx.msk [tilespmem:v31+s13+$0x0], $0xffff;
	v7 =	vadd.f32 v7, v6  }
0x381: {  	v6 =	vor.u32 v2, v19;
	v19 =	vor.u32 v2, v36;
	v36 =	vmul.f32 v26, v5;
	v31 =	vld.idx.msk [tilespmem:v31+s15+$0x0], $0xffff  }
0x382: {  	v5 =	vand.u32 $0x7F, v34;
	v26 =	vld.idx.msk [tilespmem:v29+s13+$0x0], $0xffff;
	v7 =	vadd.f32 v8, v7;
	v8 =	vmul.f32 v35, v25  }
0x383: {  	v34 =	vadd.s32 $0xE, v21;
	v25 =	vld.idx.msk [tilespmem:v29+s15+$0x0], $0xffff;
	v29 =	vor.u32 v2, v5;
	v5 =	vadd.s32 $0x5, v21  }
0x384: {  	v34 =	vand.u32 $0x7F, v34;
	v5 =	vand.u32 $0x7F, v5;
	v7 =	vadd.f32 v9, v7;
	v22 =	vld.idx.msk [tilespmem:v22+s15+$0x0], $0xffff  }
0x385: {  	v39 =	vmul.f32 v24, v23;
	v9 =	vadd.s32 $0x6, v21;
	v35 =	vor.u32 v2, v5;
	v5 =	vld.idx.msk [tilespmem:v32+s13+$0x0], $0xffff  }
0x386: {  	v9 =	vand.u32 $0x7F, v9;
	v23 =	vld.idx.msk [tilespmem:v19+s13+$0x0], $0xffff;
	v24 =	vadd.f32 v8, v7;
	v7 =	vmul.f32 v28, v37  }
0x387: {  	v37 =	vor.u32 v2, v9;
	v9 =	vadd.s32 $0x7, v21;
	v28 =	vld.idx.msk [tilespmem:v19+s15+$0x0], $0xffff;
	v19 =	vmul.f32 v27, v33  }
0x388: {  	v8 =	vmul.f32 v31, v38;
	v31 =	vand.u32 $0x7F, v9;
	v27 =	vld.idx.msk [tilespmem:v29+s13+$0x0], $0xffff;
	v13 =	vadd.f32 v13, v24  }
0x389: {  	v9 =	vmul.f32 v25, v26;
	v25 =	vor.u32 v2, v31;
	v24 =	vld.idx.msk [tilespmem:v29+s15+$0x0], $0xffff  }
0x38a: {  	v26 =	vld.idx.msk [tilespmem:v35+s13+$0x0], $0xffff;
	v10 =	vadd.f32 v10, v13  }
0x38b: {  	v30 =	vor.u32 v2, v30;
	v13 =	vadd.s32 $0x9, v21;
	v29 =	vld.idx.msk [tilespmem:v35+s15+$0x0], $0xffff  }
0x38c: {  	v33 =	vmul.f32 v20, v14;
	v13 =	vand.u32 $0x7F, v13;
	v31 =	vld.idx.msk [tilespmem:v37+s13+$0x0], $0xffff;
	v10 =	vadd.f32 v12, v10  }
0x38d: {  	v20 =	vor.u32 v2, v13;
	v12 =	vadd.s32 $0xA, v21;
	v14 =	vld.idx.msk [tilespmem:v37+s15+$0x0], $0xffff  }
0x38e: {  	v13 =	vmul.f32 v28, v23;
	v12 =	vand.u32 $0x7F, v12;
	v23 =	vld.idx.msk [tilespmem:v25+s13+$0x0], $0xffff;
	v11 =	vadd.f32 v11, v10  }
0x38f: {  	v10 =	vmul.f32 v24, v27;
	v24 =	vld.idx.msk [tilespmem:v25+s15+$0x0], $0xffff;
	v25 =	vor.u32 v2, v12  }
0x390: {  	v28 =	vld.idx.msk [tilespmem:v30+s13+$0x0], $0xffff;
	v11 =	vadd.f32 v15, v11  }
0x391: {  	v12 =	vmul.f32 v29, v26;
	v15 =	vadd.s32 $0xC, v21;
	v26 =	vld.idx.msk [tilespmem:v30+s15+$0x0], $0xffff  }
0x392: {  	v27 =	vadd.s32 $0xD, v21;
	v15 =	vand.u32 $0x7F, v15;
	v30 =	vld.idx.msk [tilespmem:v20+s13+$0x0], $0xffff;
	v16 =	vadd.f32 v16, v11  }
0x393: {  	v11 =	vmul.f32 v14, v31;
	v35 =	vor.u32 v2, v15;
	v31 =	vld.idx.msk [tilespmem:v20+s15+$0x0], $0xffff  }
0x394: {  	v27 =	vand.u32 $0x7F, v27;
	v29 =	vmul.f32 v22, v17;
	v14 =	vld.idx.msk [tilespmem:v25+s13+$0x0], $0xffff;
	v16 =	vadd.f32 v18, v16  }
0x395: {  	v22 =	vor.u32 v2, v27;
	v15 =	vmul.f32 v24, v23;
	v20 =	vld.idx.msk [tilespmem:v25+s15+$0x0], $0xffff  }
.Ltmp7:
0x396: {  	v27 =	vor.u32 v2, v34;
	v25 =	vld.idx.msk [tilespmem:v6+s13+$0x0], $0xffff;
	v17 =	vadd.f32 v33, v16;
	(pc) =	sbr.rel @p0 .LBB2_17-.Ltmp7, $4  }
0x397: {  	v18 =	vadd.s32 $0xF, v21;
	v16 =	vmul.f32 v26, v28;
	v26 =	vld.idx.msk [tilespmem:v32+s15+$0x0], $0xffff  }
0x398: {  	v28 =	vand.u32 $0x7F, v18;
	v23 =	vld.idx.msk [tilespmem:v35+s13+$0x0], $0xffff;
	v32 =	vadd.f32 v36, v17  }
0x399: {  	v21 =	vadd.s32 $0x10, v21;
	v28 =	vor.u32 v2, v28;
	v18 =	vmul.f32 v31, v30;
	v24 =	vld.idx.msk [tilespmem:v35+s15+$0x0], $0xffff  }
0x39a: {  	v21 =	vand.u32 $0x7F, v21;
	v17 =	vld.idx.msk [tilespmem:v22+s13+$0x0], $0xffff;
	v30 =	vadd.f32 v39, v32  }
0x39b: {  	_ = 	snop  }
0x39c: {  	v21 =	vadd.f32 v29, v30;
	_ =	sdelay $0x1  }
0x39d: {  	v19 =	vadd.f32 v19, v21  }
0x39e: {  	v6 =	vld.idx.msk [tilespmem:v6+s15+$0x0], $0xffff  }
0x39f: {  	v7 =	vadd.f32 v7, v19;
	_ =	sdelay $0x1  }
0x3a0: {  	v7 =	vadd.f32 v8, v7;
	_ =	sdelay $0x1  }
0x3a1: {  	v6 =	vmul.f32 v6, v25;
	v7 =	vadd.f32 v9, v7;
	_ =	sdelay $0x1  }
0x3a2: {  	v6 =	vadd.f32 v6, v7;
	_ =	sdelay $0x1  }
0x3a3: {  	v6 =	vadd.f32 v13, v6;
	_ =	sdelay $0x1  }
0x3a4: {  	v6 =	vadd.f32 v10, v6;
	_ =	sdelay $0x1  }
0x3a5: {  	v6 =	vadd.f32 v12, v6;
	_ =	sdelay $0x1  }
0x3a6: {  	v6 =	vadd.f32 v11, v6;
	_ =	sdelay $0x1  }
0x3a7: {  	v6 =	vadd.f32 v15, v6;
	_ =	sdelay $0x1  }
0x3a8: {  	v6 =	vadd.f32 v16, v6;
	_ =	sdelay $0x1  }
0x3a9: {  	v7 =	vmul.f32 v20, v14;
	v6 =	vadd.f32 v18, v6  }
0x3aa: {  	v8 =	vld.idx.msk [tilespmem:v22+s15+$0x0], $0xffff  }
0x3ab: {  	v5 =	vmul.f32 v26, v5;
	v9 =	vld.idx.msk [tilespmem:v27+s13+$0x0], $0xffff;
	v6 =	vadd.f32 v7, v6  }
0x3ac: {  	v7 =	vld.idx.msk [tilespmem:v27+s15+$0x0], $0xffff  }
0x3ad: {  	v10 =	vld.idx.msk [tilespmem:v28+s13+$0x0], $0xffff;
	v11 =	vmul.f32 v24, v23;
	v5 =	vadd.f32 v5, v6  }
0x3ae: {  	v6 =	vld.idx.msk [tilespmem:v28+s15+$0x0], $0xffff  }
0x3af: {  	v8 =	vmul.f32 v8, v17;
	v5 =	vadd.f32 v11, v5;
	_ =	sdelay $0x1  }
0x3b0: {  	v7 =	vmul.f32 v7, v9;
	v5 =	vadd.f32 v8, v5;
	_ =	sdelay $0x1  }
0x3b1: {  	v6 =	vmul.f32 v6, v10;
	v5 =	vadd.f32 v7, v5;
	_ =	sdelay $0x1  }
0x3b2: {  	v5 =	vadd.f32 v6, v5;
	_ =	sdelay $0x1  }
0x3b3: {  	v5 =	vsub.f32 $0.0e+00, v5;
	_ =	sdelay $0x1  }
0x3b4: {  	v5 =	vmul.f32 $1.442695020e+00, v5;
	_ =	sdelay $0x1  }
0x3b5: {  	(erf) = vpow2.f32 v5;
	_ =	sdelay $0x8  }
0x3b6: {  	v5 =	vpop (erf)  }
0x3b7: {  	v5 =	vadd.f32 $1.000000000e+00, v5;
	_ =	sdelay $0x1  }
0x3b8: {  	(erf) = vrcp.f32 v5;
	_ =	sdelay $0x4  }
0x3b9: {  	v5 =	vlaneseq.u32  }
0x3ba: {  	v6 =	vor.u32 v4, v5;
	v7 =	vadd.s32 $0x1, v5  }
0x3bb: {  	v7 =	vand.u32 $0x7F, v7  }
0x3bc: {  	v8 =	vadd.s32 $0xB, v5;
	v7 =	vor.u32 v4, v7  }
0x3bd: {  	v13 =	vadd.s32 $0x5, v5;
	v8 =	vand.u32 $0x7F, v8;
	v9 =	vpop (erf)  }
0x3be: {  	v13 =	vand.u32 $0x7F, v13;
	v8 =	vor.u32 v4, v8;
	[tilespmem:s21+$0xEF70] =	vst v9  }
0x3bf: {  	v14 =	vadd.s32 $0x6, v5;
	v13 =	vor.u32 v4, v13;
	v11 =	vld.idx.msk [tilespmem:v6+s13+$0x0], $0xffff  }
0x3c0: {  	v14 =	vand.u32 $0x7F, v14;
	v6 =	vld.idx.msk [tilespmem:v6+s15+$0x0], $0xffff  }
0x3c1: {  	v17 =	vadd.s32 $0x7, v5;
	v14 =	vor.u32 v4, v14;
	v12 =	vld.idx.msk [tilespmem:v7+s13+$0x0], $0xffff  }
0x3c2: {  	v17 =	vand.u32 $0x7F, v17;
	v7 =	vld.idx.msk [tilespmem:v7+s15+$0x0], $0xffff  }
0x3c3: {  	v19 =	vadd.s32 $0x8, v5;
	v17 =	vor.u32 v4, v17;
	v15 =	vld.idx.msk [tilespmem:v8+s13+$0x0], $0xffff  }
0x3c4: {  	v19 =	vand.u32 $0x7F, v19;
	v20 =	vld.idx.msk [tilespmem:v13+s13+$0x0], $0xffff  }
0x3c5: {  	v21 =	vadd.s32 $0x9, v5;
	v19 =	vor.u32 v4, v19;
	v13 =	vld.idx.msk [tilespmem:v13+s15+$0x0], $0xffff  }
0x3c6: {  	v21 =	vand.u32 $0x7F, v21;
	v22 =	vld.idx.msk [tilespmem:v14+s13+$0x0], $0xffff  }
0x3c7: {  	v23 =	vadd.s32 $0xA, v5;
	v21 =	vor.u32 v4, v21;
	v14 =	vld.idx.msk [tilespmem:v14+s15+$0x0], $0xffff  }
0x3c8: {  	v23 =	vand.u32 $0x7F, v23;
	v24 =	vld.idx.msk [tilespmem:v17+s13+$0x0], $0xffff  }
0x3c9: {  	v25 =	vadd.s32 $0x2, v5;
	v23 =	vor.u32 v4, v23;
	v17 =	vld.idx.msk [tilespmem:v17+s15+$0x0], $0xffff  }
0x3ca: {  	v25 =	vand.u32 $0x7F, v25;
	v26 =	vld.idx.msk [tilespmem:v19+s13+$0x0], $0xffff  }
0x3cb: {  	v27 =	vadd.s32 $0xC, v5;
	v25 =	vor.u32 v4, v25;
	v19 =	vld.idx.msk [tilespmem:v19+s15+$0x0], $0xffff  }
0x3cc: {  	v27 =	vand.u32 $0x7F, v27;
	v28 =	vld.idx.msk [tilespmem:v21+s13+$0x0], $0xffff  }
0x3cd: {  	v29 =	vadd.s32 $0xD, v5;
	v27 =	vor.u32 v4, v27;
	v21 =	vld.idx.msk [tilespmem:v21+s15+$0x0], $0xffff  }
0x3ce: {  	v30 =	vadd.s32 $0xE, v5;
	v29 =	vand.u32 $0x7F, v29;
	v31 =	vld.idx.msk [tilespmem:v23+s13+$0x0], $0xffff  }
0x3cf: {  	v30 =	vand.u32 $0x7F, v30;
	v29 =	vor.u32 v4, v29;
	v23 =	vld.idx.msk [tilespmem:v23+s15+$0x0], $0xffff  }
0x3d0: {  	v30 =	vor.u32 v4, v30;
	v32 =	vld.idx.msk [tilespmem:v25+s13+$0x0], $0xffff  }
0x3d1: {  	v33 =	vadd.s32 $0xF, v5;
	v8 =	vld.idx.msk [tilespmem:v8+s15+$0x0], $0xffff  }
0x3d2: {  	v33 =	vand.u32 $0x7F, v33;
	v34 =	vld.idx.msk [tilespmem:v27+s13+$0x0], $0xffff  }
0x3d3: {  	v33 =	vor.u32 v4, v33;
	v27 =	vld.idx.msk [tilespmem:v27+s15+$0x0], $0xffff  }
0x3d4: {  	v10 =	vadd.s32 $0x3, v5;
	v35 =	vld.idx.msk [tilespmem:v29+s13+$0x0], $0xffff  }
0x3d5: {  	v9 =	vand.u32 $0x7F, v10;
	v38 =	vld.idx.msk [tilespmem:v30+s13+$0x0], $0xffff  }
0x3d6: {  	v10 =	vadd.s32 $0x4, v5;
	v9 =	vor.u32 v4, v9;
	v25 =	vld.idx.msk [tilespmem:v25+s15+$0x0], $0xffff  }
0x3d7: {  	v10 =	vand.u32 $0x7F, v10;
	v30 =	vld.idx.msk [tilespmem:v30+s15+$0x0], $0xffff  }
0x3d8: {  	v5 =	vadd.s32 $0x10, v5;
	v40 =	vld.idx.msk [tilespmem:v33+s13+$0x0], $0xffff;
	v10 =	vor.u32 v4, v10  }
0x3d9: {  	v36 =	vand.u32 $0x7F, v5;
	v33 =	vld.idx.msk [tilespmem:v33+s15+$0x0], $0xffff  }
0x3da: {  	v29 =	vld.idx.msk [tilespmem:v29+s15+$0x0], $0xffff;
	v5 =	vor.u32 v4, v36;
	v37 =	vadd.s32 $0x1, v36  }
0x3db: {  	v37 =	vand.u32 $0x7F, v37;
	v16 =	vld.idx.msk [tilespmem:v9+s13+$0x0], $0xffff  }
0x3dc: {  	v39 =	vadd.s32 $0xB, v36;
	v37 =	vor.u32 v4, v37;
	v9 =	vld.idx.msk [tilespmem:v9+s15+$0x0], $0xffff  }
0x3dd: {  	v41 =	vadd.s32 $0x3, v36;
	v39 =	vand.u32 $0x7F, v39;
	v18 =	vld.idx.msk [tilespmem:v10+s13+$0x0], $0xffff  }
0x3de: {  	v39 =	vor.u32 v4, v39;
	v6 =	vmul.f32 v6, v11;
	v11 =	vand.u32 $0x7F, v41;
	v10 =	vld.idx.msk [tilespmem:v10+s15+$0x0], $0xffff  }
0x3df: {  	v42 =	vimm.f32 $0.0e+00;
	v43 =	vadd.s32 $0x4, v36;
	v54 =	vld.idx.msk [tilespmem:v5+s13+$0x0], $0xffff;
	v11 =	vor.u32 v4, v11  }
0x3e0: {  	v44 =	vld.idx.msk [tilespmem:v5+s15+$0x0], $0xffff;
	v5 =	vmul.f32 v7, v12;
	v7 =	vand.u32 $0x7F, v43;
	v6 =	vadd.f32 v6, v42  }
0x3e1: {  	v55 =	vadd.s32 $0x5, v36;
	v7 =	vor.u32 v4, v7;
	v12 =	vld.idx.msk [tilespmem:v37+s13+$0x0], $0xffff  }
0x3e2: {  	v56 =	vand.u32 $0x7F, v55;
	v25 =	vmul.f32 v25, v32;
	v37 =	vld.idx.msk [tilespmem:v37+s15+$0x0], $0xffff;
	v6 =	vadd.f32 v5, v6  }
0x3e3: {  	v57 =	vadd.s32 $0x6, v36;
	v5 =	vld.idx.msk [tilespmem:v39+s13+$0x0], $0xffff;
	v9 =	vmul.f32 v9, v16;
	v16 =	vor.u32 v4, v56  }
0x3e4: {  	v10 =	vmul.f32 v10, v18;
	v6 =	vadd.f32 v25, v6;
	v18 =	vld.idx.msk [tilespmem:v11+s13+$0x0], $0xffff;
	v25 =	vand.u32 $0x7F, v57  }
0x3e5: {  	v13 =	vmul.f32 v13, v20;
	v11 =	vld.idx.msk [tilespmem:v11+s15+$0x0], $0xffff;
	v20 =	vor.u32 v4, v25;
	v25 =	vadd.s32 $0x7, v36  }
0x3e6: {  	v14 =	vmul.f32 v14, v22;
	v22 =	vld.idx.msk [tilespmem:v7+s13+$0x0], $0xffff;
	v6 =	vadd.f32 v9, v6;
	v9 =	vand.u32 $0x7F, v25  }
0x3e7: {  	v17 =	vmul.f32 v17, v24;
	v24 =	vadd.s32 $0x8, v36;
	v25 =	vld.idx.msk [tilespmem:v7+s15+$0x0], $0xffff;
	v9 =	vor.u32 v4, v9  }
0x3e8: {  	v26 =	vmul.f32 v19, v26;
	v7 =	vand.u32 $0x7F, v24;
	v6 =	vadd.f32 v10, v6;
	v24 =	vld.idx.msk [tilespmem:v16+s13+$0x0], $0xffff  }
0x3e9: {  	v10 =	vmul.f32 v21, v28;
	v16 =	vld.idx.msk [tilespmem:v16+s15+$0x0], $0xffff;
	v21 =	vor.u32 v4, v7;
	v7 =	vadd.s32 $0x9, v36  }
0x3ea: {  	v28 =	vmul.f32 v8, v15;
	v7 =	vand.u32 $0x7F, v7;
	v15 =	vld.idx.msk [tilespmem:v20+s13+$0x0], $0xffff;
	v6 =	vadd.f32 v13, v6  }
0x3eb: {  	v58 =	vmul.f32 v27, v34;
	v27 =	vld.idx.msk [tilespmem:v20+s15+$0x0], $0xffff;
	v13 =	vor.u32 v4, v7;
	v7 =	vadd.s32 $0xA, v36  }
0x3ec: {  	v19 =	vmul.f32 v30, v38;
	v14 =	vadd.f32 v14, v6;
	v59 =	vld.idx.msk [tilespmem:v9+s13+$0x0], $0xffff;
	v6 =	vand.u32 $0x7F, v7  }
0x3ed: {  	v23 =	vmul.f32 v23, v31;
	v8 =	vadd.s32 $0x2, v36;
	v60 =	vld.idx.msk [tilespmem:v9+s15+$0x0], $0xffff;
	v20 =	vor.u32 v4, v6  }
0x3ee: {  	v29 =	vmul.f32 v29, v35;
	v8 =	vand.u32 $0x7F, v8;
	v30 =	vld.idx.msk [tilespmem:v21+s13+$0x0], $0xffff;
	v9 =	vadd.f32 v17, v14  }
0x3ef: {  	v6 =	vor.u32 v4, v8;
	v14 =	vadd.s32 $0xE, v36;
	v17 =	vld.idx.msk [tilespmem:v21+s15+$0x0], $0xffff;
	v21 =	vadd.s32 $0xC, v36  }
0x3f0: {  	v61 =	vand.u32 $0x7F, v14;
	v62 =	vld.idx.msk [tilespmem:v13+s13+$0x0], $0xffff;
	v14 =	vand.u32 $0x7F, v21;
	v26 =	vadd.f32 v26, v9  }
0x3f1: {  	v21 =	vld.idx.msk [tilespmem:v13+s15+$0x0], $0xffff;
	v9 =	vmul.f32 v37, v12;
	v12 =	vadd.s32 $0xD, v36;
	v63 =	vor.u32 v4, v14  }
0x3f2: {  	v7 =	vmul.f32 v33, v40;
	v12 =	vand.u32 $0x7F, v12;
	v14 =	vld.idx.msk [tilespmem:v20+s13+$0x0], $0xffff;
	v26 =	vadd.f32 v10, v26  }
0x3f3: {  	v13 =	vmul.f32 v11, v18;
	v10 =	vmul.f32 v25, v22;
	v20 =	vld.idx.msk [tilespmem:v20+s15+$0x0], $0xffff;
	v22 =	vor.u32 v4, v12  }
0x3f4: {  	v11 =	vmul.f32 v27, v15;
	v27 =	vor.u32 v4, v61;
	v25 =	vld.idx.msk [tilespmem:v6+s13+$0x0], $0xffff;
	v18 =	vadd.f32 v23, v26  }
0x3f5: {  	v12 =	vmul.f32 v16, v24;
	v16 =	vmul.f32 v17, v30;
	v17 =	vadd.s32 $0xF, v36;
	v26 =	vld.idx.msk [tilespmem:v39+s15+$0x0], $0xffff  }
0x3f6: {  	v8 =	vmul.f32 v44, v54;
	v17 =	vand.u32 $0x7F, v17;
	v23 =	vld.idx.msk [tilespmem:v63+s13+$0x0], $0xffff;
	v30 =	vadd.f32 v28, v18  }
0x3f7: {  	v24 =	vld.idx.msk [tilespmem:v63+s15+$0x0], $0xffff;
	v18 =	vmul.f32 v21, v62;
	v21 =	vadd.s32 $0x10, v36;
	v28 =	vor.u32 v4, v17  }
0x3f8: {  	s22 =	simm.s32 $0x6;
	v15 =	vmul.f32 v60, v59;
	v17 =	vld.idx.msk [tilespmem:v22+s13+$0x0], $0xffff;
	v21 =	vand.u32 $0x7F, v21;
	v30 =	vadd.f32 v58, v30  }
.LBB2_19:
0x3f9: {  	v31 =	vor.u32 v4, v21;
	v32 =	vadd.s32 $0x1, v21;
	p0 =	sne.s32 s22, $0x1;
	s22 =	sadd.s32 $0xFFFFFFFF, s22;
	v33 =	vld.idx.msk [tilespmem:v27+s13+$0x0], $0xffff  }
0x3fa: {  	v34 =	vadd.s32 $0x4, v21;
	v32 =	vand.u32 $0x7F, v32;
	v35 =	vld.idx.msk [tilespmem:v6+s15+$0x0], $0xffff;
	v6 =	vadd.f32 v29, v30  }
0x3fb: {  	v30 =	vadd.s32 $0x8, v21;
	v29 =	vor.u32 v4, v32;
	v32 =	vadd.s32 $0xB, v21;
	v27 =	vld.idx.msk [tilespmem:v27+s15+$0x0], $0xffff  }
0x3fc: {  	v36 =	vadd.s32 $0x3, v21;
	v30 =	vand.u32 $0x7F, v30;
	v37 =	vld.idx.msk [tilespmem:v28+s13+$0x0], $0xffff;
	v6 =	vadd.f32 v19, v6  }
0x3fd: {  	v36 =	vand.u32 $0x7F, v36;
	v19 =	vadd.s32 $0x2, v21;
	v32 =	vand.u32 $0x7F, v32;
	v28 =	vld.idx.msk [tilespmem:v28+s15+$0x0], $0xffff  }
0x3fe: {  	v19 =	vand.u32 $0x7F, v19;
	v32 =	vor.u32 v4, v32;
	v38 =	vld.idx.msk [tilespmem:v31+s13+$0x0], $0xffff;
	v7 =	vadd.f32 v7, v6  }
0x3ff: {  	v6 =	vor.u32 v4, v19;
	v19 =	vor.u32 v4, v36;
	v36 =	vmul.f32 v26, v5;
	v31 =	vld.idx.msk [tilespmem:v31+s15+$0x0], $0xffff  }
0x400: {  	v5 =	vand.u32 $0x7F, v34;
	v26 =	vld.idx.msk [tilespmem:v29+s13+$0x0], $0xffff;
	v7 =	vadd.f32 v8, v7;
	v8 =	vmul.f32 v35, v25  }
0x401: {  	v34 =	vadd.s32 $0xE, v21;
	v25 =	vld.idx.msk [tilespmem:v29+s15+$0x0], $0xffff;
	v29 =	vor.u32 v4, v5;
	v5 =	vadd.s32 $0x5, v21  }
0x402: {  	v34 =	vand.u32 $0x7F, v34;
	v5 =	vand.u32 $0x7F, v5;
	v7 =	vadd.f32 v9, v7;
	v22 =	vld.idx.msk [tilespmem:v22+s15+$0x0], $0xffff  }
0x403: {  	v39 =	vmul.f32 v24, v23;
	v9 =	vadd.s32 $0x6, v21;
	v35 =	vor.u32 v4, v5;
	v5 =	vld.idx.msk [tilespmem:v32+s13+$0x0], $0xffff  }
0x404: {  	v9 =	vand.u32 $0x7F, v9;
	v23 =	vld.idx.msk [tilespmem:v19+s13+$0x0], $0xffff;
	v24 =	vadd.f32 v8, v7;
	v7 =	vmul.f32 v28, v37  }
0x405: {  	v37 =	vor.u32 v4, v9;
	v9 =	vadd.s32 $0x7, v21;
	v28 =	vld.idx.msk [tilespmem:v19+s15+$0x0], $0xffff;
	v19 =	vmul.f32 v27, v33  }
0x406: {  	v8 =	vmul.f32 v31, v38;
	v31 =	vand.u32 $0x7F, v9;
	v27 =	vld.idx.msk [tilespmem:v29+s13+$0x0], $0xffff;
	v13 =	vadd.f32 v13, v24  }
0x407: {  	v9 =	vmul.f32 v25, v26;
	v25 =	vor.u32 v4, v31;
	v24 =	vld.idx.msk [tilespmem:v29+s15+$0x0], $0xffff  }
0x408: {  	v26 =	vld.idx.msk [tilespmem:v35+s13+$0x0], $0xffff;
	v10 =	vadd.f32 v10, v13  }
0x409: {  	v30 =	vor.u32 v4, v30;
	v13 =	vadd.s32 $0x9, v21;
	v29 =	vld.idx.msk [tilespmem:v35+s15+$0x0], $0xffff  }
0x40a: {  	v33 =	vmul.f32 v20, v14;
	v13 =	vand.u32 $0x7F, v13;
	v31 =	vld.idx.msk [tilespmem:v37+s13+$0x0], $0xffff;
	v10 =	vadd.f32 v12, v10  }
0x40b: {  	v20 =	vor.u32 v4, v13;
	v12 =	vadd.s32 $0xA, v21;
	v14 =	vld.idx.msk [tilespmem:v37+s15+$0x0], $0xffff  }
0x40c: {  	v13 =	vmul.f32 v28, v23;
	v12 =	vand.u32 $0x7F, v12;
	v23 =	vld.idx.msk [tilespmem:v25+s13+$0x0], $0xffff;
	v11 =	vadd.f32 v11, v10  }
0x40d: {  	v10 =	vmul.f32 v24, v27;
	v24 =	vld.idx.msk [tilespmem:v25+s15+$0x0], $0xffff;
	v25 =	vor.u32 v4, v12  }
0x40e: {  	v28 =	vld.idx.msk [tilespmem:v30+s13+$0x0], $0xffff;
	v11 =	vadd.f32 v15, v11  }
0x40f: {  	v12 =	vmul.f32 v29, v26;
	v15 =	vadd.s32 $0xC, v21;
	v26 =	vld.idx.msk [tilespmem:v30+s15+$0x0], $0xffff  }
0x410: {  	v27 =	vadd.s32 $0xD, v21;
	v15 =	vand.u32 $0x7F, v15;
	v30 =	vld.idx.msk [tilespmem:v20+s13+$0x0], $0xffff;
	v16 =	vadd.f32 v16, v11  }
0x411: {  	v11 =	vmul.f32 v14, v31;
	v35 =	vor.u32 v4, v15;
	v31 =	vld.idx.msk [tilespmem:v20+s15+$0x0], $0xffff  }
0x412: {  	v27 =	vand.u32 $0x7F, v27;
	v29 =	vmul.f32 v22, v17;
	v14 =	vld.idx.msk [tilespmem:v25+s13+$0x0], $0xffff;
	v16 =	vadd.f32 v18, v16  }
0x413: {  	v22 =	vor.u32 v4, v27;
	v15 =	vmul.f32 v24, v23;
	v20 =	vld.idx.msk [tilespmem:v25+s15+$0x0], $0xffff  }
.Ltmp8:
0x414: {  	v27 =	vor.u32 v4, v34;
	v25 =	vld.idx.msk [tilespmem:v6+s13+$0x0], $0xffff;
	v17 =	vadd.f32 v33, v16;
	(pc) =	sbr.rel @p0 .LBB2_19-.Ltmp8, $4  }
0x415: {  	v18 =	vadd.s32 $0xF, v21;
	v16 =	vmul.f32 v26, v28;
	v26 =	vld.idx.msk [tilespmem:v32+s15+$0x0], $0xffff  }
0x416: {  	v28 =	vand.u32 $0x7F, v18;
	v23 =	vld.idx.msk [tilespmem:v35+s13+$0x0], $0xffff;
	v32 =	vadd.f32 v36, v17  }
0x417: {  	v21 =	vadd.s32 $0x10, v21;
	v28 =	vor.u32 v4, v28;
	v18 =	vmul.f32 v31, v30;
	v24 =	vld.idx.msk [tilespmem:v35+s15+$0x0], $0xffff  }
0x418: {  	v21 =	vand.u32 $0x7F, v21;
	v17 =	vld.idx.msk [tilespmem:v22+s13+$0x0], $0xffff;
	v30 =	vadd.f32 v39, v32  }
0x419: {  	_ = 	snop  }
0x41a: {  	v21 =	vadd.f32 v29, v30;
	_ =	sdelay $0x1  }
0x41b: {  	v19 =	vadd.f32 v19, v21  }
0x41c: {  	v6 =	vld.idx.msk [tilespmem:v6+s15+$0x0], $0xffff  }
0x41d: {  	v7 =	vadd.f32 v7, v19;
	_ =	sdelay $0x1  }
0x41e: {  	v7 =	vadd.f32 v8, v7;
	_ =	sdelay $0x1  }
0x41f: {  	v6 =	vmul.f32 v6, v25;
	v7 =	vadd.f32 v9, v7;
	_ =	sdelay $0x1  }
0x420: {  	v6 =	vadd.f32 v6, v7;
	_ =	sdelay $0x1  }
0x421: {  	v6 =	vadd.f32 v13, v6;
	_ =	sdelay $0x1  }
0x422: {  	v6 =	vadd.f32 v10, v6;
	_ =	sdelay $0x1  }
0x423: {  	v6 =	vadd.f32 v12, v6;
	_ =	sdelay $0x1  }
0x424: {  	v6 =	vadd.f32 v11, v6;
	_ =	sdelay $0x1  }
0x425: {  	v6 =	vadd.f32 v15, v6;
	_ =	sdelay $0x1  }
0x426: {  	v6 =	vadd.f32 v16, v6;
	_ =	sdelay $0x1  }
0x427: {  	v7 =	vmul.f32 v20, v14;
	v6 =	vadd.f32 v18, v6  }
0x428: {  	v8 =	vld.idx.msk [tilespmem:v22+s15+$0x0], $0xffff  }
0x429: {  	v5 =	vmul.f32 v26, v5;
	v9 =	vld.idx.msk [tilespmem:v27+s13+$0x0], $0xffff;
	v6 =	vadd.f32 v7, v6  }
0x42a: {  	v7 =	vld.idx.msk [tilespmem:v27+s15+$0x0], $0xffff  }
0x42b: {  	v10 =	vld.idx.msk [tilespmem:v28+s13+$0x0], $0xffff;
	v11 =	vmul.f32 v24, v23;
	v5 =	vadd.f32 v5, v6  }
0x42c: {  	v6 =	vld.idx.msk [tilespmem:v28+s15+$0x0], $0xffff  }
0x42d: {  	v8 =	vmul.f32 v8, v17;
	v5 =	vadd.f32 v11, v5;
	_ =	sdelay $0x1  }
0x42e: {  	v7 =	vmul.f32 v7, v9;
	v5 =	vadd.f32 v8, v5;
	_ =	sdelay $0x1  }
0x42f: {  	v6 =	vmul.f32 v6, v10;
	v5 =	vadd.f32 v7, v5;
	_ =	sdelay $0x1  }
0x430: {  	v5 =	vadd.f32 v6, v5;
	_ =	sdelay $0x1  }
0x431: {  	v5 =	vsub.f32 $0.0e+00, v5;
	_ =	sdelay $0x1  }
0x432: {  	v5 =	vmul.f32 $1.442695020e+00, v5;
	_ =	sdelay $0x1  }
0x433: {  	(erf) = vpow2.f32 v5;
	_ =	sdelay $0x8  }
0x434: {  	v5 =	vpop (erf)  }
0x435: {  	v5 =	vadd.f32 $1.000000000e+00, v5;
	_ =	sdelay $0x1  }
0x436: {  	(erf) = vrcp.f32 v5;
	_ =	sdelay $0x4  }
0x437: {  	v5 =	vlaneseq.u32  }
0x438: {  	v6 =	vor.u32 v3, v5;
	v7 =	vadd.s32 $0x1, v5  }
0x439: {  	v7 =	vand.u32 $0x7F, v7  }
0x43a: {  	v8 =	vadd.s32 $0xB, v5;
	v7 =	vor.u32 v3, v7  }
0x43b: {  	s22 =	sand.u32 $0x3FE0, s21;
	v13 =	vadd.s32 $0x5, v5;
	v8 =	vand.u32 $0x7F, v8;
	v9 =	vpop (erf)  }
0x43c: {  	v13 =	vand.u32 $0x7F, v13;
	v8 =	vor.u32 v3, v8;
	[tilespmem:s22+$0xEF80] =	vst v9  }
0x43d: {  	v14 =	vadd.s32 $0x6, v5;
	v13 =	vor.u32 v3, v13;
	v11 =	vld.idx.msk [tilespmem:v6+s13+$0x0], $0xffff  }
0x43e: {  	v14 =	vand.u32 $0x7F, v14;
	v6 =	vld.idx.msk [tilespmem:v6+s15+$0x0], $0xffff  }
0x43f: {  	v17 =	vadd.s32 $0x7, v5;
	v14 =	vor.u32 v3, v14;
	v12 =	vld.idx.msk [tilespmem:v7+s13+$0x0], $0xffff  }
0x440: {  	v17 =	vand.u32 $0x7F, v17;
	v7 =	vld.idx.msk [tilespmem:v7+s15+$0x0], $0xffff  }
0x441: {  	v19 =	vadd.s32 $0x8, v5;
	v17 =	vor.u32 v3, v17;
	v15 =	vld.idx.msk [tilespmem:v8+s13+$0x0], $0xffff  }
0x442: {  	v19 =	vand.u32 $0x7F, v19;
	v20 =	vld.idx.msk [tilespmem:v13+s13+$0x0], $0xffff  }
0x443: {  	v21 =	vadd.s32 $0x9, v5;
	v19 =	vor.u32 v3, v19;
	v13 =	vld.idx.msk [tilespmem:v13+s15+$0x0], $0xffff  }
0x444: {  	v21 =	vand.u32 $0x7F, v21;
	v22 =	vld.idx.msk [tilespmem:v14+s13+$0x0], $0xffff  }
0x445: {  	v23 =	vadd.s32 $0xA, v5;
	v21 =	vor.u32 v3, v21;
	v14 =	vld.idx.msk [tilespmem:v14+s15+$0x0], $0xffff  }
0x446: {  	v23 =	vand.u32 $0x7F, v23;
	v24 =	vld.idx.msk [tilespmem:v17+s13+$0x0], $0xffff  }
0x447: {  	v25 =	vadd.s32 $0x2, v5;
	v23 =	vor.u32 v3, v23;
	v17 =	vld.idx.msk [tilespmem:v17+s15+$0x0], $0xffff  }
0x448: {  	v25 =	vand.u32 $0x7F, v25;
	v26 =	vld.idx.msk [tilespmem:v19+s13+$0x0], $0xffff  }
0x449: {  	v27 =	vadd.s32 $0xC, v5;
	v25 =	vor.u32 v3, v25;
	v19 =	vld.idx.msk [tilespmem:v19+s15+$0x0], $0xffff  }
0x44a: {  	v27 =	vand.u32 $0x7F, v27;
	v28 =	vld.idx.msk [tilespmem:v21+s13+$0x0], $0xffff  }
0x44b: {  	v29 =	vadd.s32 $0xD, v5;
	v27 =	vor.u32 v3, v27;
	v21 =	vld.idx.msk [tilespmem:v21+s15+$0x0], $0xffff  }
0x44c: {  	v30 =	vadd.s32 $0xE, v5;
	v29 =	vand.u32 $0x7F, v29;
	v31 =	vld.idx.msk [tilespmem:v23+s13+$0x0], $0xffff  }
0x44d: {  	v30 =	vand.u32 $0x7F, v30;
	v29 =	vor.u32 v3, v29;
	v23 =	vld.idx.msk [tilespmem:v23+s15+$0x0], $0xffff  }
0x44e: {  	v30 =	vor.u32 v3, v30;
	v32 =	vld.idx.msk [tilespmem:v25+s13+$0x0], $0xffff  }
0x44f: {  	v33 =	vadd.s32 $0xF, v5;
	v8 =	vld.idx.msk [tilespmem:v8+s15+$0x0], $0xffff  }
0x450: {  	v33 =	vand.u32 $0x7F, v33;
	v34 =	vld.idx.msk [tilespmem:v27+s13+$0x0], $0xffff  }
0x451: {  	v33 =	vor.u32 v3, v33;
	v27 =	vld.idx.msk [tilespmem:v27+s15+$0x0], $0xffff  }
0x452: {  	v10 =	vadd.s32 $0x3, v5;
	v35 =	vld.idx.msk [tilespmem:v29+s13+$0x0], $0xffff  }
0x453: {  	v9 =	vand.u32 $0x7F, v10;
	v38 =	vld.idx.msk [tilespmem:v30+s13+$0x0], $0xffff  }
0x454: {  	v10 =	vadd.s32 $0x4, v5;
	v9 =	vor.u32 v3, v9;
	v25 =	vld.idx.msk [tilespmem:v25+s15+$0x0], $0xffff  }
0x455: {  	v10 =	vand.u32 $0x7F, v10;
	v30 =	vld.idx.msk [tilespmem:v30+s15+$0x0], $0xffff  }
0x456: {  	v5 =	vadd.s32 $0x10, v5;
	v40 =	vld.idx.msk [tilespmem:v33+s13+$0x0], $0xffff;
	v10 =	vor.u32 v3, v10  }
0x457: {  	v36 =	vand.u32 $0x7F, v5;
	v33 =	vld.idx.msk [tilespmem:v33+s15+$0x0], $0xffff  }
0x458: {  	v29 =	vld.idx.msk [tilespmem:v29+s15+$0x0], $0xffff;
	v5 =	vor.u32 v3, v36;
	v37 =	vadd.s32 $0x1, v36  }
0x459: {  	v37 =	vand.u32 $0x7F, v37;
	v16 =	vld.idx.msk [tilespmem:v9+s13+$0x0], $0xffff  }
0x45a: {  	v39 =	vadd.s32 $0xB, v36;
	v37 =	vor.u32 v3, v37;
	v9 =	vld.idx.msk [tilespmem:v9+s15+$0x0], $0xffff  }
0x45b: {  	v41 =	vadd.s32 $0x3, v36;
	v39 =	vand.u32 $0x7F, v39;
	v18 =	vld.idx.msk [tilespmem:v10+s13+$0x0], $0xffff  }
0x45c: {  	v39 =	vor.u32 v3, v39;
	v6 =	vmul.f32 v6, v11;
	v11 =	vand.u32 $0x7F, v41;
	v10 =	vld.idx.msk [tilespmem:v10+s15+$0x0], $0xffff  }
0x45d: {  	v42 =	vimm.f32 $0.0e+00;
	v43 =	vadd.s32 $0x4, v36;
	v54 =	vld.idx.msk [tilespmem:v5+s13+$0x0], $0xffff;
	v11 =	vor.u32 v3, v11  }
0x45e: {  	v44 =	vld.idx.msk [tilespmem:v5+s15+$0x0], $0xffff;
	v5 =	vmul.f32 v7, v12;
	v7 =	vand.u32 $0x7F, v43;
	v6 =	vadd.f32 v6, v42  }
0x45f: {  	v55 =	vadd.s32 $0x5, v36;
	v7 =	vor.u32 v3, v7;
	v12 =	vld.idx.msk [tilespmem:v37+s13+$0x0], $0xffff  }
0x460: {  	v56 =	vand.u32 $0x7F, v55;
	v25 =	vmul.f32 v25, v32;
	v37 =	vld.idx.msk [tilespmem:v37+s15+$0x0], $0xffff;
	v6 =	vadd.f32 v5, v6  }
0x461: {  	v57 =	vadd.s32 $0x6, v36;
	v5 =	vld.idx.msk [tilespmem:v39+s13+$0x0], $0xffff;
	v9 =	vmul.f32 v9, v16;
	v16 =	vor.u32 v3, v56  }
0x462: {  	v10 =	vmul.f32 v10, v18;
	v6 =	vadd.f32 v25, v6;
	v18 =	vld.idx.msk [tilespmem:v11+s13+$0x0], $0xffff;
	v25 =	vand.u32 $0x7F, v57  }
0x463: {  	v13 =	vmul.f32 v13, v20;
	v11 =	vld.idx.msk [tilespmem:v11+s15+$0x0], $0xffff;
	v20 =	vor.u32 v3, v25;
	v25 =	vadd.s32 $0x7, v36  }
0x464: {  	v14 =	vmul.f32 v14, v22;
	v22 =	vld.idx.msk [tilespmem:v7+s13+$0x0], $0xffff;
	v6 =	vadd.f32 v9, v6;
	v9 =	vand.u32 $0x7F, v25  }
0x465: {  	v17 =	vmul.f32 v17, v24;
	v24 =	vadd.s32 $0x8, v36;
	v25 =	vld.idx.msk [tilespmem:v7+s15+$0x0], $0xffff;
	v9 =	vor.u32 v3, v9  }
0x466: {  	v26 =	vmul.f32 v19, v26;
	v7 =	vand.u32 $0x7F, v24;
	v6 =	vadd.f32 v10, v6;
	v24 =	vld.idx.msk [tilespmem:v16+s13+$0x0], $0xffff  }
0x467: {  	v10 =	vmul.f32 v21, v28;
	v16 =	vld.idx.msk [tilespmem:v16+s15+$0x0], $0xffff;
	v21 =	vor.u32 v3, v7;
	v7 =	vadd.s32 $0x9, v36  }
0x468: {  	v28 =	vmul.f32 v8, v15;
	v7 =	vand.u32 $0x7F, v7;
	v15 =	vld.idx.msk [tilespmem:v20+s13+$0x0], $0xffff;
	v6 =	vadd.f32 v13, v6  }
0x469: {  	v58 =	vmul.f32 v27, v34;
	v27 =	vld.idx.msk [tilespmem:v20+s15+$0x0], $0xffff;
	v13 =	vor.u32 v3, v7;
	v7 =	vadd.s32 $0xA, v36  }
0x46a: {  	v19 =	vmul.f32 v30, v38;
	v14 =	vadd.f32 v14, v6;
	v59 =	vld.idx.msk [tilespmem:v9+s13+$0x0], $0xffff;
	v6 =	vand.u32 $0x7F, v7  }
0x46b: {  	v23 =	vmul.f32 v23, v31;
	v8 =	vadd.s32 $0x2, v36;
	v60 =	vld.idx.msk [tilespmem:v9+s15+$0x0], $0xffff;
	v20 =	vor.u32 v3, v6  }
0x46c: {  	v29 =	vmul.f32 v29, v35;
	v8 =	vand.u32 $0x7F, v8;
	v30 =	vld.idx.msk [tilespmem:v21+s13+$0x0], $0xffff;
	v9 =	vadd.f32 v17, v14  }
0x46d: {  	v6 =	vor.u32 v3, v8;
	v14 =	vadd.s32 $0xE, v36;
	v17 =	vld.idx.msk [tilespmem:v21+s15+$0x0], $0xffff;
	v21 =	vadd.s32 $0xC, v36  }
0x46e: {  	v61 =	vand.u32 $0x7F, v14;
	v62 =	vld.idx.msk [tilespmem:v13+s13+$0x0], $0xffff;
	v14 =	vand.u32 $0x7F, v21;
	v26 =	vadd.f32 v26, v9  }
0x46f: {  	v21 =	vld.idx.msk [tilespmem:v13+s15+$0x0], $0xffff;
	v9 =	vmul.f32 v37, v12;
	v12 =	vadd.s32 $0xD, v36;
	v63 =	vor.u32 v3, v14  }
0x470: {  	v7 =	vmul.f32 v33, v40;
	v12 =	vand.u32 $0x7F, v12;
	v14 =	vld.idx.msk [tilespmem:v20+s13+$0x0], $0xffff;
	v26 =	vadd.f32 v10, v26  }
0x471: {  	v13 =	vmul.f32 v11, v18;
	v10 =	vmul.f32 v25, v22;
	v20 =	vld.idx.msk [tilespmem:v20+s15+$0x0], $0xffff;
	v22 =	vor.u32 v3, v12  }
0x472: {  	v11 =	vmul.f32 v27, v15;
	v27 =	vor.u32 v3, v61;
	v25 =	vld.idx.msk [tilespmem:v6+s13+$0x0], $0xffff;
	v18 =	vadd.f32 v23, v26  }
0x473: {  	v12 =	vmul.f32 v16, v24;
	v16 =	vmul.f32 v17, v30;
	v17 =	vadd.s32 $0xF, v36;
	v26 =	vld.idx.msk [tilespmem:v39+s15+$0x0], $0xffff  }
0x474: {  	v8 =	vmul.f32 v44, v54;
	v17 =	vand.u32 $0x7F, v17;
	v23 =	vld.idx.msk [tilespmem:v63+s13+$0x0], $0xffff;
	v30 =	vadd.f32 v28, v18  }
0x475: {  	v24 =	vld.idx.msk [tilespmem:v63+s15+$0x0], $0xffff;
	v18 =	vmul.f32 v21, v62;
	v21 =	vadd.s32 $0x10, v36;
	v28 =	vor.u32 v3, v17  }
0x476: {  	s22 =	simm.s32 $0x6;
	v15 =	vmul.f32 v60, v59;
	v17 =	vld.idx.msk [tilespmem:v22+s13+$0x0], $0xffff;
	v21 =	vand.u32 $0x7F, v21;
	v30 =	vadd.f32 v58, v30  }
.LBB2_21:
0x477: {  	v31 =	vor.u32 v3, v21;
	v32 =	vadd.s32 $0x1, v21;
	p0 =	sne.s32 s22, $0x1;
	s22 =	sadd.s32 $0xFFFFFFFF, s22;
	v33 =	vld.idx.msk [tilespmem:v27+s13+$0x0], $0xffff  }
0x478: {  	v34 =	vadd.s32 $0x4, v21;
	v32 =	vand.u32 $0x7F, v32;
	v35 =	vld.idx.msk [tilespmem:v6+s15+$0x0], $0xffff;
	v6 =	vadd.f32 v29, v30  }
0x479: {  	v30 =	vadd.s32 $0x8, v21;
	v29 =	vor.u32 v3, v32;
	v32 =	vadd.s32 $0xB, v21;
	v27 =	vld.idx.msk [tilespmem:v27+s15+$0x0], $0xffff  }
0x47a: {  	v36 =	vadd.s32 $0x3, v21;
	v30 =	vand.u32 $0x7F, v30;
	v37 =	vld.idx.msk [tilespmem:v28+s13+$0x0], $0xffff;
	v6 =	vadd.f32 v19, v6  }
0x47b: {  	v36 =	vand.u32 $0x7F, v36;
	v19 =	vadd.s32 $0x2, v21;
	v32 =	vand.u32 $0x7F, v32;
	v28 =	vld.idx.msk [tilespmem:v28+s15+$0x0], $0xffff  }
0x47c: {  	v19 =	vand.u32 $0x7F, v19;
	v32 =	vor.u32 v3, v32;
	v38 =	vld.idx.msk [tilespmem:v31+s13+$0x0], $0xffff;
	v7 =	vadd.f32 v7, v6  }
0x47d: {  	v6 =	vor.u32 v3, v19;
	v19 =	vor.u32 v3, v36;
	v36 =	vmul.f32 v26, v5;
	v31 =	vld.idx.msk [tilespmem:v31+s15+$0x0], $0xffff  }
0x47e: {  	v5 =	vand.u32 $0x7F, v34;
	v26 =	vld.idx.msk [tilespmem:v29+s13+$0x0], $0xffff;
	v7 =	vadd.f32 v8, v7;
	v8 =	vmul.f32 v35, v25  }
0x47f: {  	v34 =	vadd.s32 $0xE, v21;
	v25 =	vld.idx.msk [tilespmem:v29+s15+$0x0], $0xffff;
	v29 =	vor.u32 v3, v5;
	v5 =	vadd.s32 $0x5, v21  }
0x480: {  	v34 =	vand.u32 $0x7F, v34;
	v5 =	vand.u32 $0x7F, v5;
	v7 =	vadd.f32 v9, v7;
	v22 =	vld.idx.msk [tilespmem:v22+s15+$0x0], $0xffff  }
0x481: {  	v39 =	vmul.f32 v24, v23;
	v9 =	vadd.s32 $0x6, v21;
	v35 =	vor.u32 v3, v5;
	v5 =	vld.idx.msk [tilespmem:v32+s13+$0x0], $0xffff  }
0x482: {  	v9 =	vand.u32 $0x7F, v9;
	v23 =	vld.idx.msk [tilespmem:v19+s13+$0x0], $0xffff;
	v24 =	vadd.f32 v8, v7;
	v7 =	vmul.f32 v28, v37  }
0x483: {  	v37 =	vor.u32 v3, v9;
	v9 =	vadd.s32 $0x7, v21;
	v28 =	vld.idx.msk [tilespmem:v19+s15+$0x0], $0xffff;
	v19 =	vmul.f32 v27, v33  }
0x484: {  	v8 =	vmul.f32 v31, v38;
	v31 =	vand.u32 $0x7F, v9;
	v27 =	vld.idx.msk [tilespmem:v29+s13+$0x0], $0xffff;
	v13 =	vadd.f32 v13, v24  }
0x485: {  	v9 =	vmul.f32 v25, v26;
	v25 =	vor.u32 v3, v31;
	v24 =	vld.idx.msk [tilespmem:v29+s15+$0x0], $0xffff  }
0x486: {  	v26 =	vld.idx.msk [tilespmem:v35+s13+$0x0], $0xffff;
	v10 =	vadd.f32 v10, v13  }
0x487: {  	v30 =	vor.u32 v3, v30;
	v13 =	vadd.s32 $0x9, v21;
	v29 =	vld.idx.msk [tilespmem:v35+s15+$0x0], $0xffff  }
0x488: {  	v33 =	vmul.f32 v20, v14;
	v13 =	vand.u32 $0x7F, v13;
	v31 =	vld.idx.msk [tilespmem:v37+s13+$0x0], $0xffff;
	v10 =	vadd.f32 v12, v10  }
0x489: {  	v20 =	vor.u32 v3, v13;
	v12 =	vadd.s32 $0xA, v21;
	v14 =	vld.idx.msk [tilespmem:v37+s15+$0x0], $0xffff  }
0x48a: {  	v13 =	vmul.f32 v28, v23;
	v12 =	vand.u32 $0x7F, v12;
	v23 =	vld.idx.msk [tilespmem:v25+s13+$0x0], $0xffff;
	v11 =	vadd.f32 v11, v10  }
0x48b: {  	v10 =	vmul.f32 v24, v27;
	v24 =	vld.idx.msk [tilespmem:v25+s15+$0x0], $0xffff;
	v25 =	vor.u32 v3, v12  }
0x48c: {  	v28 =	vld.idx.msk [tilespmem:v30+s13+$0x0], $0xffff;
	v11 =	vadd.f32 v15, v11  }
0x48d: {  	v12 =	vmul.f32 v29, v26;
	v15 =	vadd.s32 $0xC, v21;
	v26 =	vld.idx.msk [tilespmem:v30+s15+$0x0], $0xffff  }
0x48e: {  	v27 =	vadd.s32 $0xD, v21;
	v15 =	vand.u32 $0x7F, v15;
	v30 =	vld.idx.msk [tilespmem:v20+s13+$0x0], $0xffff;
	v16 =	vadd.f32 v16, v11  }
0x48f: {  	v11 =	vmul.f32 v14, v31;
	v35 =	vor.u32 v3, v15;
	v31 =	vld.idx.msk [tilespmem:v20+s15+$0x0], $0xffff  }
0x490: {  	v27 =	vand.u32 $0x7F, v27;
	v29 =	vmul.f32 v22, v17;
	v14 =	vld.idx.msk [tilespmem:v25+s13+$0x0], $0xffff;
	v16 =	vadd.f32 v18, v16  }
0x491: {  	v22 =	vor.u32 v3, v27;
	v15 =	vmul.f32 v24, v23;
	v20 =	vld.idx.msk [tilespmem:v25+s15+$0x0], $0xffff  }
.Ltmp9:
0x492: {  	v27 =	vor.u32 v3, v34;
	v25 =	vld.idx.msk [tilespmem:v6+s13+$0x0], $0xffff;
	v17 =	vadd.f32 v33, v16;
	(pc) =	sbr.rel @p0 .LBB2_21-.Ltmp9, $4  }
0x493: {  	v18 =	vadd.s32 $0xF, v21;
	v16 =	vmul.f32 v26, v28;
	v26 =	vld.idx.msk [tilespmem:v32+s15+$0x0], $0xffff  }
0x494: {  	v28 =	vand.u32 $0x7F, v18;
	v23 =	vld.idx.msk [tilespmem:v35+s13+$0x0], $0xffff;
	v32 =	vadd.f32 v36, v17  }
0x495: {  	v21 =	vadd.s32 $0x10, v21;
	v28 =	vor.u32 v3, v28;
	v18 =	vmul.f32 v31, v30;
	v24 =	vld.idx.msk [tilespmem:v35+s15+$0x0], $0xffff  }
0x496: {  	v21 =	vand.u32 $0x7F, v21;
	v17 =	vld.idx.msk [tilespmem:v22+s13+$0x0], $0xffff;
	v30 =	vadd.f32 v39, v32  }
0x497: {  	_ = 	snop  }
0x498: {  	v21 =	vadd.f32 v29, v30;
	_ =	sdelay $0x1  }
0x499: {  	v19 =	vadd.f32 v19, v21  }
0x49a: {  	v6 =	vld.idx.msk [tilespmem:v6+s15+$0x0], $0xffff  }
0x49b: {  	v7 =	vadd.f32 v7, v19;
	_ =	sdelay $0x1  }
0x49c: {  	v7 =	vadd.f32 v8, v7;
	_ =	sdelay $0x1  }
0x49d: {  	v6 =	vmul.f32 v6, v25;
	v7 =	vadd.f32 v9, v7;
	_ =	sdelay $0x1  }
0x49e: {  	v6 =	vadd.f32 v6, v7;
	_ =	sdelay $0x1  }
0x49f: {  	v6 =	vadd.f32 v13, v6;
	_ =	sdelay $0x1  }
0x4a0: {  	v6 =	vadd.f32 v10, v6;
	_ =	sdelay $0x1  }
0x4a1: {  	v6 =	vadd.f32 v12, v6;
	_ =	sdelay $0x1  }
0x4a2: {  	v6 =	vadd.f32 v11, v6;
	_ =	sdelay $0x1  }
0x4a3: {  	v6 =	vadd.f32 v15, v6;
	_ =	sdelay $0x1  }
0x4a4: {  	v6 =	vadd.f32 v16, v6;
	_ =	sdelay $0x1  }
0x4a5: {  	v7 =	vmul.f32 v20, v14;
	v6 =	vadd.f32 v18, v6  }
0x4a6: {  	v60 =	vld.idx.msk [tilespmem:v22+s15+$0x0], $0xffff  }
0x4a7: {  	v61 =	vld.idx.msk [tilespmem:v27+s13+$0x0], $0xffff;
	v5 =	vmul.f32 v26, v5;
	v6 =	vadd.f32 v7, v6  }
0x4a8: {  	v7 =	vld.idx.msk [tilespmem:v27+s15+$0x0], $0xffff  }
0x4a9: {  	v62 =	vld.idx.msk [tilespmem:v28+s13+$0x0], $0xffff;
	v63 =	vmul.f32 v24, v23;
	v5 =	vadd.f32 v5, v6  }
0x4aa: {  	v6 =	vld.idx.msk [tilespmem:v28+s15+$0x0], $0xffff  }
0x4ab: {  	v8 =	vmul.f32 v60, v17;
	v5 =	vadd.f32 v63, v5;
	_ =	sdelay $0x1  }
0x4ac: {  	v7 =	vmul.f32 v7, v61;
	v5 =	vadd.f32 v8, v5;
	_ =	sdelay $0x1  }
0x4ad: {  	v6 =	vmul.f32 v6, v62;
	v5 =	vadd.f32 v7, v5;
	_ =	sdelay $0x1  }
0x4ae: {  	v5 =	vadd.f32 v6, v5;
	_ =	sdelay $0x1  }
0x4af: {  	v5 =	vsub.f32 $0.0e+00, v5;
	_ =	sdelay $0x1  }
0x4b0: {  	v5 =	vmul.f32 $1.442695020e+00, v5;
	_ =	sdelay $0x1  }
0x4b1: {  	(erf) = vpow2.f32 v5;
	_ =	sdelay $0x8  }
0x4b2: {  	v5 =	vpop (erf)  }
0x4b3: {  	v5 =	vadd.f32 $1.000000000e+00, v5;
	_ =	sdelay $0x1  }
0x4b4: {  	(erf) = vrcp.f32 v5;
	_ =	sdelay $0x5  }
0x4b5: {  	s22 =	sshll.u32 s20, $0x1  }
0x4b6: {  	s20 =	sadd.s32 $0x1, s20;
	s22 =	smin.u32 s22, $0x79  }
0x4b7: {  	p0 =	sne.s32 s20, $0x3E;
	s22 =	smul.u32 $0x50, s22  }
.Ltmp10:
0x4b8: {  	v5 =	vpop (erf);
	(pc) =	sbr.rel @p0 .LBB2_2-.Ltmp10, $4  }
0x4b9: {  	s30 =	sadd.s32 $0xF0, s22;
	[tilespmem:s21+$0xEF90] =	vst v5  }
0x4ba: {  	[tilespmem:s13], [sflag:$0x2] =	stream.indirect.gather [hbm4b:s0+s10], $0x80, s30, s10, $0xb8;
	[tilespmem:$0x11680] =	vst v63  }
0x4bb: {  	s31 =	sadd.s32 $0x2870, s22  }
0x4bc: {  	[tilespmem:s15], [sflag:$0x2] =	stream.indirect.gather [hbm4b:s0+s10], $0x80, s31, s10, $0xb8;
	[tilespmem:$0x11680] =	vst v63  }
0x4bd: {  	_ =	swait.ge [sflag:s16], $0x2800;
	v5 =	vlaneseq.u32  }
0x4be: {  	[sflag:s16] =	ssyncset.done $0x0;
	v6 =	vor.u32 v0, v5;
	v7 =	vadd.s32 $0x1, v5  }
0x4bf: {  	[sflag:s16] =	ssyncadd.s32 $0xFFFFD800;
	v7 =	vand.u32 $0x7F, v7  }
0x4c0: {  	v8 =	vadd.s32 $0xB, v5;
	_ =	swait.ge [sflag:s16], $0x2800;
	v7 =	vor.u32 v0, v7  }
0x4c1: {  	v9 =	vadd.s32 $0x3, v5;
	v8 =	vand.u32 $0x7F, v8;
	[sflag:s16] =	ssyncset.done $0x0  }
0x4c2: {  	v9 =	vand.u32 $0x7F, v9;
	v8 =	vor.u32 v0, v8;
	[sflag:s16] =	ssyncadd.s32 $0xFFFFD800  }
0x4c3: {  	v10 =	vadd.s32 $0x4, v5;
	v9 =	vor.u32 v0, v9;
	v11 =	vld.idx.msk [tilespmem:v6+s11+$0x0], $0xffff  }
0x4c4: {  	v10 =	vand.u32 $0x7F, v10;
	v6 =	vld.idx.msk [tilespmem:v6+s12+$0x0], $0xffff  }
0x4c5: {  	v13 =	vadd.s32 $0x5, v5;
	v10 =	vor.u32 v0, v10;
	v12 =	vld.idx.msk [tilespmem:v7+s11+$0x0], $0xffff  }
0x4c6: {  	v13 =	vand.u32 $0x7F, v13;
	v7 =	vld.idx.msk [tilespmem:v7+s12+$0x0], $0xffff  }
0x4c7: {  	v14 =	vadd.s32 $0x6, v5;
	v13 =	vor.u32 v0, v13;
	v15 =	vld.idx.msk [tilespmem:v8+s11+$0x0], $0xffff  }
0x4c8: {  	v14 =	vand.u32 $0x7F, v14;
	v16 =	vld.idx.msk [tilespmem:v9+s11+$0x0], $0xffff  }
0x4c9: {  	v17 =	vadd.s32 $0x7, v5;
	v14 =	vor.u32 v0, v14;
	v9 =	vld.idx.msk [tilespmem:v9+s12+$0x0], $0xffff  }
0x4ca: {  	v17 =	vand.u32 $0x7F, v17;
	v18 =	vld.idx.msk [tilespmem:v10+s11+$0x0], $0xffff  }
0x4cb: {  	v19 =	vadd.s32 $0x8, v5;
	v17 =	vor.u32 v0, v17;
	v10 =	vld.idx.msk [tilespmem:v10+s12+$0x0], $0xffff  }
0x4cc: {  	v19 =	vand.u32 $0x7F, v19;
	v20 =	vld.idx.msk [tilespmem:v13+s11+$0x0], $0xffff  }
0x4cd: {  	v21 =	vadd.s32 $0x9, v5;
	v19 =	vor.u32 v0, v19;
	v13 =	vld.idx.msk [tilespmem:v13+s12+$0x0], $0xffff  }
0x4ce: {  	v21 =	vand.u32 $0x7F, v21;
	v22 =	vld.idx.msk [tilespmem:v14+s11+$0x0], $0xffff  }
0x4cf: {  	v23 =	vadd.s32 $0xA, v5;
	v21 =	vor.u32 v0, v21;
	v14 =	vld.idx.msk [tilespmem:v14+s12+$0x0], $0xffff  }
0x4d0: {  	v23 =	vand.u32 $0x7F, v23;
	v24 =	vld.idx.msk [tilespmem:v17+s11+$0x0], $0xffff  }
0x4d1: {  	v25 =	vadd.s32 $0x2, v5;
	v23 =	vor.u32 v0, v23;
	v17 =	vld.idx.msk [tilespmem:v17+s12+$0x0], $0xffff  }
0x4d2: {  	v25 =	vand.u32 $0x7F, v25;
	v26 =	vld.idx.msk [tilespmem:v19+s11+$0x0], $0xffff  }
0x4d3: {  	v27 =	vadd.s32 $0xC, v5;
	v25 =	vor.u32 v0, v25;
	v19 =	vld.idx.msk [tilespmem:v19+s12+$0x0], $0xffff  }
0x4d4: {  	v27 =	vand.u32 $0x7F, v27;
	v28 =	vld.idx.msk [tilespmem:v21+s11+$0x0], $0xffff  }
0x4d5: {  	v29 =	vadd.s32 $0xD, v5;
	v27 =	vor.u32 v0, v27;
	v21 =	vld.idx.msk [tilespmem:v21+s12+$0x0], $0xffff  }
0x4d6: {  	v30 =	vadd.s32 $0xE, v5;
	v29 =	vand.u32 $0x7F, v29;
	v31 =	vld.idx.msk [tilespmem:v23+s11+$0x0], $0xffff  }
0x4d7: {  	v30 =	vand.u32 $0x7F, v30;
	v29 =	vor.u32 v0, v29;
	v23 =	vld.idx.msk [tilespmem:v23+s12+$0x0], $0xffff  }
0x4d8: {  	v30 =	vor.u32 v0, v30;
	v32 =	vld.idx.msk [tilespmem:v25+s11+$0x0], $0xffff  }
0x4d9: {  	v33 =	vadd.s32 $0xF, v5;
	v8 =	vld.idx.msk [tilespmem:v8+s12+$0x0], $0xffff  }
0x4da: {  	v33 =	vand.u32 $0x7F, v33;
	v34 =	vld.idx.msk [tilespmem:v27+s11+$0x0], $0xffff  }
0x4db: {  	v5 =	vadd.s32 $0x10, v5;
	v33 =	vor.u32 v0, v33;
	v27 =	vld.idx.msk [tilespmem:v27+s12+$0x0], $0xffff  }
0x4dc: {  	v36 =	vand.u32 $0x7F, v5;
	v35 =	vld.idx.msk [tilespmem:v29+s11+$0x0], $0xffff  }
0x4dd: {  	v5 =	vor.u32 v0, v36;
	v38 =	vld.idx.msk [tilespmem:v30+s11+$0x0], $0xffff  }
0x4de: {  	v37 =	vadd.s32 $0x1, v36;
	v25 =	vld.idx.msk [tilespmem:v25+s12+$0x0], $0xffff  }
0x4df: {  	v37 =	vand.u32 $0x7F, v37;
	v30 =	vld.idx.msk [tilespmem:v30+s12+$0x0], $0xffff  }
0x4e0: {  	v39 =	vadd.s32 $0xB, v36;
	v37 =	vor.u32 v0, v37;
	v40 =	vld.idx.msk [tilespmem:v33+s11+$0x0], $0xffff  }
0x4e1: {  	v41 =	vadd.s32 $0x3, v36;
	v39 =	vand.u32 $0x7F, v39;
	v33 =	vld.idx.msk [tilespmem:v33+s12+$0x0], $0xffff  }
0x4e2: {  	v39 =	vor.u32 v0, v39;
	v54 =	vld.idx.msk [tilespmem:v5+s11+$0x0], $0xffff;
	v6 =	vmul.f32 v6, v11;
	v11 =	vand.u32 $0x7F, v41  }
0x4e3: {  	v42 =	vimm.f32 $0.0e+00;
	v43 =	vadd.s32 $0x4, v36;
	v44 =	vld.idx.msk [tilespmem:v5+s12+$0x0], $0xffff;
	v11 =	vor.u32 v0, v11  }
0x4e4: {  	v29 =	vld.idx.msk [tilespmem:v29+s12+$0x0], $0xffff;
	v5 =	vmul.f32 v7, v12;
	v7 =	vand.u32 $0x7F, v43;
	v6 =	vadd.f32 v6, v42  }
0x4e5: {  	v55 =	vadd.s32 $0x5, v36;
	v12 =	vld.idx.msk [tilespmem:v37+s11+$0x0], $0xffff;
	v7 =	vor.u32 v0, v7  }
0x4e6: {  	v56 =	vand.u32 $0x7F, v55;
	v37 =	vld.idx.msk [tilespmem:v37+s12+$0x0], $0xffff;
	v25 =	vmul.f32 v25, v32;
	v6 =	vadd.f32 v5, v6  }
0x4e7: {  	v57 =	vadd.s32 $0x6, v36;
	v9 =	vmul.f32 v9, v16;
	v16 =	vor.u32 v0, v56;
	v5 =	vld.idx.msk [tilespmem:v39+s11+$0x0], $0xffff  }
0x4e8: {  	v10 =	vmul.f32 v10, v18;
	v6 =	vadd.f32 v25, v6;
	v18 =	vld.idx.msk [tilespmem:v11+s11+$0x0], $0xffff;
	v25 =	vand.u32 $0x7F, v57  }
0x4e9: {  	v13 =	vmul.f32 v13, v20;
	v11 =	vld.idx.msk [tilespmem:v11+s12+$0x0], $0xffff;
	v20 =	vor.u32 v0, v25;
	v25 =	vadd.s32 $0x7, v36  }
0x4ea: {  	v14 =	vmul.f32 v14, v22;
	v6 =	vadd.f32 v9, v6;
	v22 =	vld.idx.msk [tilespmem:v7+s11+$0x0], $0xffff;
	v9 =	vand.u32 $0x7F, v25  }
0x4eb: {  	v17 =	vmul.f32 v17, v24;
	v24 =	vadd.s32 $0x8, v36;
	v25 =	vld.idx.msk [tilespmem:v7+s12+$0x0], $0xffff;
	v9 =	vor.u32 v0, v9  }
0x4ec: {  	v26 =	vmul.f32 v19, v26;
	v7 =	vand.u32 $0x7F, v24;
	v24 =	vld.idx.msk [tilespmem:v16+s11+$0x0], $0xffff;
	v6 =	vadd.f32 v10, v6  }
0x4ed: {  	v16 =	vld.idx.msk [tilespmem:v16+s12+$0x0], $0xffff;
	v10 =	vmul.f32 v21, v28;
	v21 =	vor.u32 v0, v7;
	v7 =	vadd.s32 $0x9, v36  }
0x4ee: {  	v28 =	vmul.f32 v8, v15;
	v7 =	vand.u32 $0x7F, v7;
	v15 =	vld.idx.msk [tilespmem:v20+s11+$0x0], $0xffff;
	v6 =	vadd.f32 v13, v6  }
0x4ef: {  	v58 =	vmul.f32 v27, v34;
	v27 =	vld.idx.msk [tilespmem:v20+s12+$0x0], $0xffff;
	v13 =	vor.u32 v0, v7;
	v7 =	vadd.s32 $0xA, v36  }
0x4f0: {  	v19 =	vmul.f32 v30, v38;
	v14 =	vadd.f32 v14, v6;
	v59 =	vld.idx.msk [tilespmem:v9+s11+$0x0], $0xffff;
	v6 =	vand.u32 $0x7F, v7  }
0x4f1: {  	v23 =	vmul.f32 v23, v31;
	v8 =	vadd.s32 $0x2, v36;
	v60 =	vld.idx.msk [tilespmem:v9+s12+$0x0], $0xffff;
	v20 =	vor.u32 v0, v6  }
0x4f2: {  	v29 =	vmul.f32 v29, v35;
	v8 =	vand.u32 $0x7F, v8;
	v30 =	vld.idx.msk [tilespmem:v21+s11+$0x0], $0xffff;
	v9 =	vadd.f32 v17, v14  }
0x4f3: {  	v6 =	vor.u32 v0, v8;
	v14 =	vadd.s32 $0xE, v36;
	v17 =	vld.idx.msk [tilespmem:v21+s12+$0x0], $0xffff;
	v21 =	vadd.s32 $0xC, v36  }
0x4f4: {  	v61 =	vand.u32 $0x7F, v14;
	v62 =	vld.idx.msk [tilespmem:v13+s11+$0x0], $0xffff;
	v14 =	vand.u32 $0x7F, v21;
	v26 =	vadd.f32 v26, v9  }
0x4f5: {  	v21 =	vld.idx.msk [tilespmem:v13+s12+$0x0], $0xffff;
	v9 =	vmul.f32 v37, v12;
	v12 =	vadd.s32 $0xD, v36;
	v63 =	vor.u32 v0, v14  }
0x4f6: {  	v7 =	vmul.f32 v33, v40;
	v12 =	vand.u32 $0x7F, v12;
	v14 =	vld.idx.msk [tilespmem:v20+s11+$0x0], $0xffff;
	v26 =	vadd.f32 v10, v26  }
0x4f7: {  	v13 =	vmul.f32 v11, v18;
	v10 =	vmul.f32 v25, v22;
	v20 =	vld.idx.msk [tilespmem:v20+s12+$0x0], $0xffff;
	v22 =	vor.u32 v0, v12  }
0x4f8: {  	v11 =	vmul.f32 v27, v15;
	v27 =	vor.u32 v0, v61;
	v25 =	vld.idx.msk [tilespmem:v6+s11+$0x0], $0xffff;
	v18 =	vadd.f32 v23, v26  }
0x4f9: {  	v12 =	vmul.f32 v16, v24;
	v16 =	vmul.f32 v17, v30;
	v17 =	vadd.s32 $0xF, v36;
	v26 =	vld.idx.msk [tilespmem:v39+s12+$0x0], $0xffff  }
0x4fa: {  	v8 =	vmul.f32 v44, v54;
	v17 =	vand.u32 $0x7F, v17;
	v23 =	vld.idx.msk [tilespmem:v63+s11+$0x0], $0xffff;
	v30 =	vadd.f32 v28, v18  }
0x4fb: {  	v24 =	vld.idx.msk [tilespmem:v63+s12+$0x0], $0xffff;
	v18 =	vmul.f32 v21, v62;
	v21 =	vadd.s32 $0x10, v36;
	v28 =	vor.u32 v0, v17  }
0x4fc: {  	s20 =	simm.s32 $0x6;
	v15 =	vmul.f32 v60, v59;
	v17 =	vld.idx.msk [tilespmem:v22+s11+$0x0], $0xffff;
	v21 =	vand.u32 $0x7F, v21;
	v30 =	vadd.f32 v58, v30  }
.LBB2_24:
0x4fd: {  	v31 =	vor.u32 v0, v21;
	v32 =	vadd.s32 $0x1, v21;
	p0 =	sne.s32 s20, $0x1;
	s20 =	sadd.s32 $0xFFFFFFFF, s20;
	v33 =	vld.idx.msk [tilespmem:v27+s11+$0x0], $0xffff  }
0x4fe: {  	v34 =	vadd.s32 $0x4, v21;
	v32 =	vand.u32 $0x7F, v32;
	v35 =	vld.idx.msk [tilespmem:v6+s12+$0x0], $0xffff;
	v6 =	vadd.f32 v29, v30  }
0x4ff: {  	v30 =	vadd.s32 $0x8, v21;
	v29 =	vor.u32 v0, v32;
	v32 =	vadd.s32 $0xB, v21;
	v27 =	vld.idx.msk [tilespmem:v27+s12+$0x0], $0xffff  }
0x500: {  	v36 =	vadd.s32 $0x3, v21;
	v30 =	vand.u32 $0x7F, v30;
	v37 =	vld.idx.msk [tilespmem:v28+s11+$0x0], $0xffff;
	v6 =	vadd.f32 v19, v6  }
0x501: {  	v36 =	vand.u32 $0x7F, v36;
	v19 =	vadd.s32 $0x2, v21;
	v32 =	vand.u32 $0x7F, v32;
	v28 =	vld.idx.msk [tilespmem:v28+s12+$0x0], $0xffff  }
0x502: {  	v19 =	vand.u32 $0x7F, v19;
	v32 =	vor.u32 v0, v32;
	v38 =	vld.idx.msk [tilespmem:v31+s11+$0x0], $0xffff;
	v7 =	vadd.f32 v7, v6  }
0x503: {  	v6 =	vor.u32 v0, v19;
	v19 =	vor.u32 v0, v36;
	v36 =	vmul.f32 v26, v5;
	v31 =	vld.idx.msk [tilespmem:v31+s12+$0x0], $0xffff  }
0x504: {  	v5 =	vand.u32 $0x7F, v34;
	v26 =	vld.idx.msk [tilespmem:v29+s11+$0x0], $0xffff;
	v7 =	vadd.f32 v8, v7;
	v8 =	vmul.f32 v35, v25  }
0x505: {  	v34 =	vadd.s32 $0xE, v21;
	v25 =	vld.idx.msk [tilespmem:v29+s12+$0x0], $0xffff;
	v29 =	vor.u32 v0, v5;
	v5 =	vadd.s32 $0x5, v21  }
0x506: {  	v34 =	vand.u32 $0x7F, v34;
	v5 =	vand.u32 $0x7F, v5;
	v7 =	vadd.f32 v9, v7;
	v22 =	vld.idx.msk [tilespmem:v22+s12+$0x0], $0xffff  }
0x507: {  	v39 =	vmul.f32 v24, v23;
	v9 =	vadd.s32 $0x6, v21;
	v35 =	vor.u32 v0, v5;
	v5 =	vld.idx.msk [tilespmem:v32+s11+$0x0], $0xffff  }
0x508: {  	v9 =	vand.u32 $0x7F, v9;
	v23 =	vld.idx.msk [tilespmem:v19+s11+$0x0], $0xffff;
	v24 =	vadd.f32 v8, v7;
	v7 =	vmul.f32 v28, v37  }
0x509: {  	v37 =	vor.u32 v0, v9;
	v9 =	vadd.s32 $0x7, v21;
	v28 =	vld.idx.msk [tilespmem:v19+s12+$0x0], $0xffff;
	v19 =	vmul.f32 v27, v33  }
0x50a: {  	v8 =	vmul.f32 v31, v38;
	v31 =	vand.u32 $0x7F, v9;
	v27 =	vld.idx.msk [tilespmem:v29+s11+$0x0], $0xffff;
	v13 =	vadd.f32 v13, v24  }
0x50b: {  	v9 =	vmul.f32 v25, v26;
	v25 =	vor.u32 v0, v31;
	v24 =	vld.idx.msk [tilespmem:v29+s12+$0x0], $0xffff  }
0x50c: {  	v26 =	vld.idx.msk [tilespmem:v35+s11+$0x0], $0xffff;
	v10 =	vadd.f32 v10, v13  }
0x50d: {  	v30 =	vor.u32 v0, v30;
	v13 =	vadd.s32 $0x9, v21;
	v29 =	vld.idx.msk [tilespmem:v35+s12+$0x0], $0xffff  }
0x50e: {  	v33 =	vmul.f32 v20, v14;
	v13 =	vand.u32 $0x7F, v13;
	v31 =	vld.idx.msk [tilespmem:v37+s11+$0x0], $0xffff;
	v10 =	vadd.f32 v12, v10  }
0x50f: {  	v20 =	vor.u32 v0, v13;
	v12 =	vadd.s32 $0xA, v21;
	v14 =	vld.idx.msk [tilespmem:v37+s12+$0x0], $0xffff  }
0x510: {  	v13 =	vmul.f32 v28, v23;
	v12 =	vand.u32 $0x7F, v12;
	v23 =	vld.idx.msk [tilespmem:v25+s11+$0x0], $0xffff;
	v11 =	vadd.f32 v11, v10  }
0x511: {  	v10 =	vmul.f32 v24, v27;
	v24 =	vld.idx.msk [tilespmem:v25+s12+$0x0], $0xffff;
	v25 =	vor.u32 v0, v12  }
0x512: {  	v28 =	vld.idx.msk [tilespmem:v30+s11+$0x0], $0xffff;
	v11 =	vadd.f32 v15, v11  }
0x513: {  	v12 =	vmul.f32 v29, v26;
	v15 =	vadd.s32 $0xC, v21;
	v26 =	vld.idx.msk [tilespmem:v30+s12+$0x0], $0xffff  }
0x514: {  	v27 =	vadd.s32 $0xD, v21;
	v15 =	vand.u32 $0x7F, v15;
	v30 =	vld.idx.msk [tilespmem:v20+s11+$0x0], $0xffff;
	v16 =	vadd.f32 v16, v11  }
0x515: {  	v11 =	vmul.f32 v14, v31;
	v35 =	vor.u32 v0, v15;
	v31 =	vld.idx.msk [tilespmem:v20+s12+$0x0], $0xffff  }
0x516: {  	v27 =	vand.u32 $0x7F, v27;
	v29 =	vmul.f32 v22, v17;
	v14 =	vld.idx.msk [tilespmem:v25+s11+$0x0], $0xffff;
	v16 =	vadd.f32 v18, v16  }
0x517: {  	v22 =	vor.u32 v0, v27;
	v15 =	vmul.f32 v24, v23;
	v20 =	vld.idx.msk [tilespmem:v25+s12+$0x0], $0xffff  }
.Ltmp11:
0x518: {  	v27 =	vor.u32 v0, v34;
	v25 =	vld.idx.msk [tilespmem:v6+s11+$0x0], $0xffff;
	v17 =	vadd.f32 v33, v16;
	(pc) =	sbr.rel @p0 .LBB2_24-.Ltmp11, $4  }
0x519: {  	v18 =	vadd.s32 $0xF, v21;
	v16 =	vmul.f32 v26, v28;
	v26 =	vld.idx.msk [tilespmem:v32+s12+$0x0], $0xffff  }
0x51a: {  	v28 =	vand.u32 $0x7F, v18;
	v23 =	vld.idx.msk [tilespmem:v35+s11+$0x0], $0xffff;
	v32 =	vadd.f32 v36, v17  }
0x51b: {  	v21 =	vadd.s32 $0x10, v21;
	v28 =	vor.u32 v0, v28;
	v18 =	vmul.f32 v31, v30;
	v24 =	vld.idx.msk [tilespmem:v35+s12+$0x0], $0xffff  }
0x51c: {  	v21 =	vand.u32 $0x7F, v21;
	v17 =	vld.idx.msk [tilespmem:v22+s11+$0x0], $0xffff;
	v30 =	vadd.f32 v39, v32  }
0x51d: {  	_ = 	snop  }
0x51e: {  	v21 =	vadd.f32 v29, v30;
	_ =	sdelay $0x1  }
0x51f: {  	v19 =	vadd.f32 v19, v21  }
0x520: {  	v6 =	vld.idx.msk [tilespmem:v6+s12+$0x0], $0xffff  }
0x521: {  	v7 =	vadd.f32 v7, v19;
	_ =	sdelay $0x1  }
0x522: {  	v7 =	vadd.f32 v8, v7;
	_ =	sdelay $0x1  }
0x523: {  	v6 =	vmul.f32 v6, v25;
	v7 =	vadd.f32 v9, v7;
	_ =	sdelay $0x1  }
0x524: {  	v6 =	vadd.f32 v6, v7;
	_ =	sdelay $0x1  }
0x525: {  	v6 =	vadd.f32 v13, v6;
	_ =	sdelay $0x1  }
0x526: {  	v6 =	vadd.f32 v10, v6;
	_ =	sdelay $0x1  }
0x527: {  	v6 =	vadd.f32 v12, v6;
	_ =	sdelay $0x1  }
0x528: {  	v6 =	vadd.f32 v11, v6;
	_ =	sdelay $0x1  }
0x529: {  	v6 =	vadd.f32 v15, v6;
	_ =	sdelay $0x1  }
0x52a: {  	v6 =	vadd.f32 v16, v6;
	_ =	sdelay $0x1  }
0x52b: {  	v7 =	vmul.f32 v20, v14;
	v6 =	vadd.f32 v18, v6  }
0x52c: {  	v8 =	vld.idx.msk [tilespmem:v22+s12+$0x0], $0xffff  }
0x52d: {  	v5 =	vmul.f32 v26, v5;
	v9 =	vld.idx.msk [tilespmem:v27+s11+$0x0], $0xffff;
	v6 =	vadd.f32 v7, v6  }
0x52e: {  	v7 =	vld.idx.msk [tilespmem:v27+s12+$0x0], $0xffff  }
0x52f: {  	v10 =	vld.idx.msk [tilespmem:v28+s11+$0x0], $0xffff;
	v11 =	vmul.f32 v24, v23;
	v5 =	vadd.f32 v5, v6  }
0x530: {  	v6 =	vld.idx.msk [tilespmem:v28+s12+$0x0], $0xffff  }
0x531: {  	v8 =	vmul.f32 v8, v17;
	v5 =	vadd.f32 v11, v5;
	_ =	sdelay $0x1  }
0x532: {  	v7 =	vmul.f32 v7, v9;
	v5 =	vadd.f32 v8, v5;
	_ =	sdelay $0x1  }
0x533: {  	v6 =	vmul.f32 v6, v10;
	v5 =	vadd.f32 v7, v5;
	_ =	sdelay $0x1  }
0x534: {  	v5 =	vadd.f32 v6, v5;
	_ =	sdelay $0x1  }
0x535: {  	v5 =	vsub.f32 $0.0e+00, v5;
	_ =	sdelay $0x1  }
0x536: {  	v5 =	vmul.f32 $1.442695020e+00, v5;
	_ =	sdelay $0x1  }
0x537: {  	(erf) = vpow2.f32 v5;
	_ =	sdelay $0x8  }
0x538: {  	v5 =	vpop (erf)  }
0x539: {  	v5 =	vadd.f32 $1.000000000e+00, v5;
	_ =	sdelay $0x1  }
0x53a: {  	(erf) = vrcp.f32 v5;
	_ =	sdelay $0x4  }
0x53b: {  	v5 =	vlaneseq.u32  }
0x53c: {  	v6 =	vor.u32 v1, v5;
	v7 =	vadd.s32 $0x1, v5  }
0x53d: {  	v7 =	vand.u32 $0x7F, v7  }
0x53e: {  	v8 =	vadd.s32 $0xB, v5;
	v7 =	vor.u32 v1, v7  }
0x53f: {  	v13 =	vadd.s32 $0x5, v5;
	v8 =	vand.u32 $0x7F, v8;
	v9 =	vpop (erf)  }
0x540: {  	v13 =	vand.u32 $0x7F, v13;
	v8 =	vor.u32 v1, v8;
	[tilespmem:$0x115C0] =	vst v9  }
0x541: {  	v14 =	vadd.s32 $0x6, v5;
	v13 =	vor.u32 v1, v13;
	v11 =	vld.idx.msk [tilespmem:v6+s11+$0x0], $0xffff  }
0x542: {  	v14 =	vand.u32 $0x7F, v14;
	v6 =	vld.idx.msk [tilespmem:v6+s12+$0x0], $0xffff  }
0x543: {  	v17 =	vadd.s32 $0x7, v5;
	v14 =	vor.u32 v1, v14;
	v12 =	vld.idx.msk [tilespmem:v7+s11+$0x0], $0xffff  }
0x544: {  	v17 =	vand.u32 $0x7F, v17;
	v7 =	vld.idx.msk [tilespmem:v7+s12+$0x0], $0xffff  }
0x545: {  	v19 =	vadd.s32 $0x8, v5;
	v17 =	vor.u32 v1, v17;
	v15 =	vld.idx.msk [tilespmem:v8+s11+$0x0], $0xffff  }
0x546: {  	v19 =	vand.u32 $0x7F, v19;
	v20 =	vld.idx.msk [tilespmem:v13+s11+$0x0], $0xffff  }
0x547: {  	v21 =	vadd.s32 $0x9, v5;
	v19 =	vor.u32 v1, v19;
	v13 =	vld.idx.msk [tilespmem:v13+s12+$0x0], $0xffff  }
0x548: {  	v21 =	vand.u32 $0x7F, v21;
	v22 =	vld.idx.msk [tilespmem:v14+s11+$0x0], $0xffff  }
0x549: {  	v23 =	vadd.s32 $0xA, v5;
	v21 =	vor.u32 v1, v21;
	v14 =	vld.idx.msk [tilespmem:v14+s12+$0x0], $0xffff  }
0x54a: {  	v23 =	vand.u32 $0x7F, v23;
	v24 =	vld.idx.msk [tilespmem:v17+s11+$0x0], $0xffff  }
0x54b: {  	v25 =	vadd.s32 $0x2, v5;
	v23 =	vor.u32 v1, v23;
	v17 =	vld.idx.msk [tilespmem:v17+s12+$0x0], $0xffff  }
0x54c: {  	v25 =	vand.u32 $0x7F, v25;
	v26 =	vld.idx.msk [tilespmem:v19+s11+$0x0], $0xffff  }
0x54d: {  	v27 =	vadd.s32 $0xC, v5;
	v25 =	vor.u32 v1, v25;
	v19 =	vld.idx.msk [tilespmem:v19+s12+$0x0], $0xffff  }
0x54e: {  	v27 =	vand.u32 $0x7F, v27;
	v28 =	vld.idx.msk [tilespmem:v21+s11+$0x0], $0xffff  }
0x54f: {  	v29 =	vadd.s32 $0xD, v5;
	v27 =	vor.u32 v1, v27;
	v21 =	vld.idx.msk [tilespmem:v21+s12+$0x0], $0xffff  }
0x550: {  	v30 =	vadd.s32 $0xE, v5;
	v29 =	vand.u32 $0x7F, v29;
	v31 =	vld.idx.msk [tilespmem:v23+s11+$0x0], $0xffff  }
0x551: {  	v30 =	vand.u32 $0x7F, v30;
	v29 =	vor.u32 v1, v29;
	v23 =	vld.idx.msk [tilespmem:v23+s12+$0x0], $0xffff  }
0x552: {  	v30 =	vor.u32 v1, v30;
	v32 =	vld.idx.msk [tilespmem:v25+s11+$0x0], $0xffff  }
0x553: {  	v33 =	vadd.s32 $0xF, v5;
	v8 =	vld.idx.msk [tilespmem:v8+s12+$0x0], $0xffff  }
0x554: {  	v33 =	vand.u32 $0x7F, v33;
	v34 =	vld.idx.msk [tilespmem:v27+s11+$0x0], $0xffff  }
0x555: {  	v33 =	vor.u32 v1, v33;
	v27 =	vld.idx.msk [tilespmem:v27+s12+$0x0], $0xffff  }
0x556: {  	v10 =	vadd.s32 $0x3, v5;
	v35 =	vld.idx.msk [tilespmem:v29+s11+$0x0], $0xffff  }
0x557: {  	v9 =	vand.u32 $0x7F, v10;
	v38 =	vld.idx.msk [tilespmem:v30+s11+$0x0], $0xffff  }
0x558: {  	v10 =	vadd.s32 $0x4, v5;
	v9 =	vor.u32 v1, v9;
	v25 =	vld.idx.msk [tilespmem:v25+s12+$0x0], $0xffff  }
0x559: {  	v10 =	vand.u32 $0x7F, v10;
	v30 =	vld.idx.msk [tilespmem:v30+s12+$0x0], $0xffff  }
0x55a: {  	v5 =	vadd.s32 $0x10, v5;
	v40 =	vld.idx.msk [tilespmem:v33+s11+$0x0], $0xffff;
	v10 =	vor.u32 v1, v10  }
0x55b: {  	v36 =	vand.u32 $0x7F, v5;
	v33 =	vld.idx.msk [tilespmem:v33+s12+$0x0], $0xffff  }
0x55c: {  	v29 =	vld.idx.msk [tilespmem:v29+s12+$0x0], $0xffff;
	v5 =	vor.u32 v1, v36;
	v37 =	vadd.s32 $0x1, v36  }
0x55d: {  	v37 =	vand.u32 $0x7F, v37;
	v16 =	vld.idx.msk [tilespmem:v9+s11+$0x0], $0xffff  }
0x55e: {  	v39 =	vadd.s32 $0xB, v36;
	v37 =	vor.u32 v1, v37;
	v9 =	vld.idx.msk [tilespmem:v9+s12+$0x0], $0xffff  }
0x55f: {  	v41 =	vadd.s32 $0x3, v36;
	v39 =	vand.u32 $0x7F, v39;
	v18 =	vld.idx.msk [tilespmem:v10+s11+$0x0], $0xffff  }
0x560: {  	v39 =	vor.u32 v1, v39;
	v6 =	vmul.f32 v6, v11;
	v11 =	vand.u32 $0x7F, v41;
	v10 =	vld.idx.msk [tilespmem:v10+s12+$0x0], $0xffff  }
0x561: {  	v42 =	vimm.f32 $0.0e+00;
	v43 =	vadd.s32 $0x4, v36;
	v54 =	vld.idx.msk [tilespmem:v5+s11+$0x0], $0xffff;
	v11 =	vor.u32 v1, v11  }
0x562: {  	v44 =	vld.idx.msk [tilespmem:v5+s12+$0x0], $0xffff;
	v5 =	vmul.f32 v7, v12;
	v7 =	vand.u32 $0x7F, v43;
	v6 =	vadd.f32 v6, v42  }
0x563: {  	v55 =	vadd.s32 $0x5, v36;
	v7 =	vor.u32 v1, v7;
	v12 =	vld.idx.msk [tilespmem:v37+s11+$0x0], $0xffff  }
0x564: {  	v56 =	vand.u32 $0x7F, v55;
	v25 =	vmul.f32 v25, v32;
	v37 =	vld.idx.msk [tilespmem:v37+s12+$0x0], $0xffff;
	v6 =	vadd.f32 v5, v6  }
0x565: {  	v57 =	vadd.s32 $0x6, v36;
	v5 =	vld.idx.msk [tilespmem:v39+s11+$0x0], $0xffff;
	v9 =	vmul.f32 v9, v16;
	v16 =	vor.u32 v1, v56  }
0x566: {  	v10 =	vmul.f32 v10, v18;
	v6 =	vadd.f32 v25, v6;
	v18 =	vld.idx.msk [tilespmem:v11+s11+$0x0], $0xffff;
	v25 =	vand.u32 $0x7F, v57  }
0x567: {  	v13 =	vmul.f32 v13, v20;
	v11 =	vld.idx.msk [tilespmem:v11+s12+$0x0], $0xffff;
	v20 =	vor.u32 v1, v25;
	v25 =	vadd.s32 $0x7, v36  }
0x568: {  	v14 =	vmul.f32 v14, v22;
	v22 =	vld.idx.msk [tilespmem:v7+s11+$0x0], $0xffff;
	v6 =	vadd.f32 v9, v6;
	v9 =	vand.u32 $0x7F, v25  }
0x569: {  	v17 =	vmul.f32 v17, v24;
	v24 =	vadd.s32 $0x8, v36;
	v25 =	vld.idx.msk [tilespmem:v7+s12+$0x0], $0xffff;
	v9 =	vor.u32 v1, v9  }
0x56a: {  	v26 =	vmul.f32 v19, v26;
	v7 =	vand.u32 $0x7F, v24;
	v6 =	vadd.f32 v10, v6;
	v24 =	vld.idx.msk [tilespmem:v16+s11+$0x0], $0xffff  }
0x56b: {  	v10 =	vmul.f32 v21, v28;
	v16 =	vld.idx.msk [tilespmem:v16+s12+$0x0], $0xffff;
	v21 =	vor.u32 v1, v7;
	v7 =	vadd.s32 $0x9, v36  }
0x56c: {  	v28 =	vmul.f32 v8, v15;
	v7 =	vand.u32 $0x7F, v7;
	v15 =	vld.idx.msk [tilespmem:v20+s11+$0x0], $0xffff;
	v6 =	vadd.f32 v13, v6  }
0x56d: {  	v58 =	vmul.f32 v27, v34;
	v27 =	vld.idx.msk [tilespmem:v20+s12+$0x0], $0xffff;
	v13 =	vor.u32 v1, v7;
	v7 =	vadd.s32 $0xA, v36  }
0x56e: {  	v19 =	vmul.f32 v30, v38;
	v14 =	vadd.f32 v14, v6;
	v59 =	vld.idx.msk [tilespmem:v9+s11+$0x0], $0xffff;
	v6 =	vand.u32 $0x7F, v7  }
0x56f: {  	v23 =	vmul.f32 v23, v31;
	v8 =	vadd.s32 $0x2, v36;
	v60 =	vld.idx.msk [tilespmem:v9+s12+$0x0], $0xffff;
	v20 =	vor.u32 v1, v6  }
0x570: {  	v29 =	vmul.f32 v29, v35;
	v8 =	vand.u32 $0x7F, v8;
	v30 =	vld.idx.msk [tilespmem:v21+s11+$0x0], $0xffff;
	v9 =	vadd.f32 v17, v14  }
0x571: {  	v6 =	vor.u32 v1, v8;
	v14 =	vadd.s32 $0xE, v36;
	v17 =	vld.idx.msk [tilespmem:v21+s12+$0x0], $0xffff;
	v21 =	vadd.s32 $0xC, v36  }
0x572: {  	v61 =	vand.u32 $0x7F, v14;
	v62 =	vld.idx.msk [tilespmem:v13+s11+$0x0], $0xffff;
	v14 =	vand.u32 $0x7F, v21;
	v26 =	vadd.f32 v26, v9  }
0x573: {  	v21 =	vld.idx.msk [tilespmem:v13+s12+$0x0], $0xffff;
	v9 =	vmul.f32 v37, v12;
	v12 =	vadd.s32 $0xD, v36;
	v63 =	vor.u32 v1, v14  }
0x574: {  	v7 =	vmul.f32 v33, v40;
	v12 =	vand.u32 $0x7F, v12;
	v14 =	vld.idx.msk [tilespmem:v20+s11+$0x0], $0xffff;
	v26 =	vadd.f32 v10, v26  }
0x575: {  	v13 =	vmul.f32 v11, v18;
	v10 =	vmul.f32 v25, v22;
	v20 =	vld.idx.msk [tilespmem:v20+s12+$0x0], $0xffff;
	v22 =	vor.u32 v1, v12  }
0x576: {  	v11 =	vmul.f32 v27, v15;
	v27 =	vor.u32 v1, v61;
	v25 =	vld.idx.msk [tilespmem:v6+s11+$0x0], $0xffff;
	v18 =	vadd.f32 v23, v26  }
0x577: {  	v12 =	vmul.f32 v16, v24;
	v16 =	vmul.f32 v17, v30;
	v17 =	vadd.s32 $0xF, v36;
	v26 =	vld.idx.msk [tilespmem:v39+s12+$0x0], $0xffff  }
0x578: {  	v8 =	vmul.f32 v44, v54;
	v17 =	vand.u32 $0x7F, v17;
	v23 =	vld.idx.msk [tilespmem:v63+s11+$0x0], $0xffff;
	v30 =	vadd.f32 v28, v18  }
0x579: {  	v24 =	vld.idx.msk [tilespmem:v63+s12+$0x0], $0xffff;
	v18 =	vmul.f32 v21, v62;
	v21 =	vadd.s32 $0x10, v36;
	v28 =	vor.u32 v1, v17  }
0x57a: {  	s20 =	simm.s32 $0x6;
	v15 =	vmul.f32 v60, v59;
	v17 =	vld.idx.msk [tilespmem:v22+s11+$0x0], $0xffff;
	v21 =	vand.u32 $0x7F, v21;
	v30 =	vadd.f32 v58, v30  }
.LBB2_26:
0x57b: {  	v31 =	vor.u32 v1, v21;
	v32 =	vadd.s32 $0x1, v21;
	p0 =	sne.s32 s20, $0x1;
	s20 =	sadd.s32 $0xFFFFFFFF, s20;
	v33 =	vld.idx.msk [tilespmem:v27+s11+$0x0], $0xffff  }
0x57c: {  	v34 =	vadd.s32 $0x4, v21;
	v32 =	vand.u32 $0x7F, v32;
	v35 =	vld.idx.msk [tilespmem:v6+s12+$0x0], $0xffff;
	v6 =	vadd.f32 v29, v30  }
0x57d: {  	v30 =	vadd.s32 $0x8, v21;
	v29 =	vor.u32 v1, v32;
	v32 =	vadd.s32 $0xB, v21;
	v27 =	vld.idx.msk [tilespmem:v27+s12+$0x0], $0xffff  }
0x57e: {  	v36 =	vadd.s32 $0x3, v21;
	v30 =	vand.u32 $0x7F, v30;
	v37 =	vld.idx.msk [tilespmem:v28+s11+$0x0], $0xffff;
	v6 =	vadd.f32 v19, v6  }
0x57f: {  	v36 =	vand.u32 $0x7F, v36;
	v19 =	vadd.s32 $0x2, v21;
	v32 =	vand.u32 $0x7F, v32;
	v28 =	vld.idx.msk [tilespmem:v28+s12+$0x0], $0xffff  }
0x580: {  	v19 =	vand.u32 $0x7F, v19;
	v32 =	vor.u32 v1, v32;
	v38 =	vld.idx.msk [tilespmem:v31+s11+$0x0], $0xffff;
	v7 =	vadd.f32 v7, v6  }
0x581: {  	v6 =	vor.u32 v1, v19;
	v19 =	vor.u32 v1, v36;
	v36 =	vmul.f32 v26, v5;
	v31 =	vld.idx.msk [tilespmem:v31+s12+$0x0], $0xffff  }
0x582: {  	v5 =	vand.u32 $0x7F, v34;
	v26 =	vld.idx.msk [tilespmem:v29+s11+$0x0], $0xffff;
	v7 =	vadd.f32 v8, v7;
	v8 =	vmul.f32 v35, v25  }
0x583: {  	v34 =	vadd.s32 $0xE, v21;
	v25 =	vld.idx.msk [tilespmem:v29+s12+$0x0], $0xffff;
	v29 =	vor.u32 v1, v5;
	v5 =	vadd.s32 $0x5, v21  }
0x584: {  	v34 =	vand.u32 $0x7F, v34;
	v5 =	vand.u32 $0x7F, v5;
	v7 =	vadd.f32 v9, v7;
	v22 =	vld.idx.msk [tilespmem:v22+s12+$0x0], $0xffff  }
0x585: {  	v39 =	vmul.f32 v24, v23;
	v9 =	vadd.s32 $0x6, v21;
	v35 =	vor.u32 v1, v5;
	v5 =	vld.idx.msk [tilespmem:v32+s11+$0x0], $0xffff  }
0x586: {  	v9 =	vand.u32 $0x7F, v9;
	v23 =	vld.idx.msk [tilespmem:v19+s11+$0x0], $0xffff;
	v24 =	vadd.f32 v8, v7;
	v7 =	vmul.f32 v28, v37  }
0x587: {  	v37 =	vor.u32 v1, v9;
	v9 =	vadd.s32 $0x7, v21;
	v28 =	vld.idx.msk [tilespmem:v19+s12+$0x0], $0xffff;
	v19 =	vmul.f32 v27, v33  }
0x588: {  	v8 =	vmul.f32 v31, v38;
	v31 =	vand.u32 $0x7F, v9;
	v27 =	vld.idx.msk [tilespmem:v29+s11+$0x0], $0xffff;
	v13 =	vadd.f32 v13, v24  }
0x589: {  	v9 =	vmul.f32 v25, v26;
	v25 =	vor.u32 v1, v31;
	v24 =	vld.idx.msk [tilespmem:v29+s12+$0x0], $0xffff  }
0x58a: {  	v26 =	vld.idx.msk [tilespmem:v35+s11+$0x0], $0xffff;
	v10 =	vadd.f32 v10, v13  }
0x58b: {  	v30 =	vor.u32 v1, v30;
	v13 =	vadd.s32 $0x9, v21;
	v29 =	vld.idx.msk [tilespmem:v35+s12+$0x0], $0xffff  }
0x58c: {  	v33 =	vmul.f32 v20, v14;
	v13 =	vand.u32 $0x7F, v13;
	v31 =	vld.idx.msk [tilespmem:v37+s11+$0x0], $0xffff;
	v10 =	vadd.f32 v12, v10  }
0x58d: {  	v20 =	vor.u32 v1, v13;
	v12 =	vadd.s32 $0xA, v21;
	v14 =	vld.idx.msk [tilespmem:v37+s12+$0x0], $0xffff  }
0x58e: {  	v13 =	vmul.f32 v28, v23;
	v12 =	vand.u32 $0x7F, v12;
	v23 =	vld.idx.msk [tilespmem:v25+s11+$0x0], $0xffff;
	v11 =	vadd.f32 v11, v10  }
0x58f: {  	v10 =	vmul.f32 v24, v27;
	v24 =	vld.idx.msk [tilespmem:v25+s12+$0x0], $0xffff;
	v25 =	vor.u32 v1, v12  }
0x590: {  	v28 =	vld.idx.msk [tilespmem:v30+s11+$0x0], $0xffff;
	v11 =	vadd.f32 v15, v11  }
0x591: {  	v12 =	vmul.f32 v29, v26;
	v15 =	vadd.s32 $0xC, v21;
	v26 =	vld.idx.msk [tilespmem:v30+s12+$0x0], $0xffff  }
0x592: {  	v27 =	vadd.s32 $0xD, v21;
	v15 =	vand.u32 $0x7F, v15;
	v30 =	vld.idx.msk [tilespmem:v20+s11+$0x0], $0xffff;
	v16 =	vadd.f32 v16, v11  }
0x593: {  	v11 =	vmul.f32 v14, v31;
	v35 =	vor.u32 v1, v15;
	v31 =	vld.idx.msk [tilespmem:v20+s12+$0x0], $0xffff  }
0x594: {  	v27 =	vand.u32 $0x7F, v27;
	v29 =	vmul.f32 v22, v17;
	v14 =	vld.idx.msk [tilespmem:v25+s11+$0x0], $0xffff;
	v16 =	vadd.f32 v18, v16  }
0x595: {  	v22 =	vor.u32 v1, v27;
	v15 =	vmul.f32 v24, v23;
	v20 =	vld.idx.msk [tilespmem:v25+s12+$0x0], $0xffff  }
.Ltmp12:
0x596: {  	v27 =	vor.u32 v1, v34;
	v25 =	vld.idx.msk [tilespmem:v6+s11+$0x0], $0xffff;
	v17 =	vadd.f32 v33, v16;
	(pc) =	sbr.rel @p0 .LBB2_26-.Ltmp12, $4  }
0x597: {  	v18 =	vadd.s32 $0xF, v21;
	v16 =	vmul.f32 v26, v28;
	v26 =	vld.idx.msk [tilespmem:v32+s12+$0x0], $0xffff  }
0x598: {  	v28 =	vand.u32 $0x7F, v18;
	v23 =	vld.idx.msk [tilespmem:v35+s11+$0x0], $0xffff;
	v32 =	vadd.f32 v36, v17  }
0x599: {  	v21 =	vadd.s32 $0x10, v21;
	v28 =	vor.u32 v1, v28;
	v18 =	vmul.f32 v31, v30;
	v24 =	vld.idx.msk [tilespmem:v35+s12+$0x0], $0xffff  }
0x59a: {  	v21 =	vand.u32 $0x7F, v21;
	v17 =	vld.idx.msk [tilespmem:v22+s11+$0x0], $0xffff;
	v30 =	vadd.f32 v39, v32  }
0x59b: {  	_ = 	snop  }
0x59c: {  	v21 =	vadd.f32 v29, v30;
	_ =	sdelay $0x1  }
0x59d: {  	v19 =	vadd.f32 v19, v21  }
0x59e: {  	v6 =	vld.idx.msk [tilespmem:v6+s12+$0x0], $0xffff  }
0x59f: {  	v7 =	vadd.f32 v7, v19;
	_ =	sdelay $0x1  }
0x5a0: {  	v7 =	vadd.f32 v8, v7;
	_ =	sdelay $0x1  }
0x5a1: {  	v6 =	vmul.f32 v6, v25;
	v7 =	vadd.f32 v9, v7;
	_ =	sdelay $0x1  }
0x5a2: {  	v6 =	vadd.f32 v6, v7;
	_ =	sdelay $0x1  }
0x5a3: {  	v6 =	vadd.f32 v13, v6;
	_ =	sdelay $0x1  }
0x5a4: {  	v6 =	vadd.f32 v10, v6;
	_ =	sdelay $0x1  }
0x5a5: {  	v6 =	vadd.f32 v12, v6;
	_ =	sdelay $0x1  }
0x5a6: {  	v6 =	vadd.f32 v11, v6;
	_ =	sdelay $0x1  }
0x5a7: {  	v6 =	vadd.f32 v15, v6;
	_ =	sdelay $0x1  }
0x5a8: {  	v6 =	vadd.f32 v16, v6;
	_ =	sdelay $0x1  }
0x5a9: {  	v7 =	vmul.f32 v20, v14;
	v6 =	vadd.f32 v18, v6  }
0x5aa: {  	v8 =	vld.idx.msk [tilespmem:v22+s12+$0x0], $0xffff  }
0x5ab: {  	v5 =	vmul.f32 v26, v5;
	v9 =	vld.idx.msk [tilespmem:v27+s11+$0x0], $0xffff;
	v6 =	vadd.f32 v7, v6  }
0x5ac: {  	v7 =	vld.idx.msk [tilespmem:v27+s12+$0x0], $0xffff  }
0x5ad: {  	v10 =	vld.idx.msk [tilespmem:v28+s11+$0x0], $0xffff;
	v11 =	vmul.f32 v24, v23;
	v5 =	vadd.f32 v5, v6  }
0x5ae: {  	v6 =	vld.idx.msk [tilespmem:v28+s12+$0x0], $0xffff  }
0x5af: {  	v8 =	vmul.f32 v8, v17;
	v5 =	vadd.f32 v11, v5;
	_ =	sdelay $0x1  }
0x5b0: {  	v7 =	vmul.f32 v7, v9;
	v5 =	vadd.f32 v8, v5;
	_ =	sdelay $0x1  }
0x5b1: {  	v6 =	vmul.f32 v6, v10;
	v5 =	vadd.f32 v7, v5;
	_ =	sdelay $0x1  }
0x5b2: {  	v5 =	vadd.f32 v6, v5;
	_ =	sdelay $0x1  }
0x5b3: {  	v5 =	vsub.f32 $0.0e+00, v5;
	_ =	sdelay $0x1  }
0x5b4: {  	v5 =	vmul.f32 $1.442695020e+00, v5;
	_ =	sdelay $0x1  }
0x5b5: {  	(erf) = vpow2.f32 v5;
	_ =	sdelay $0x8  }
0x5b6: {  	v5 =	vpop (erf)  }
0x5b7: {  	v5 =	vadd.f32 $1.000000000e+00, v5;
	_ =	sdelay $0x1  }
0x5b8: {  	(erf) = vrcp.f32 v5;
	_ =	sdelay $0x4  }
0x5b9: {  	v5 =	vlaneseq.u32  }
0x5ba: {  	v6 =	vor.u32 v2, v5;
	v7 =	vadd.s32 $0x1, v5  }
0x5bb: {  	v7 =	vand.u32 $0x7F, v7  }
0x5bc: {  	v8 =	vadd.s32 $0xB, v5;
	v7 =	vor.u32 v2, v7  }
0x5bd: {  	v13 =	vadd.s32 $0x5, v5;
	v8 =	vand.u32 $0x7F, v8;
	v9 =	vpop (erf)  }
0x5be: {  	v13 =	vand.u32 $0x7F, v13;
	v8 =	vor.u32 v2, v8;
	[tilespmem:$0x115D0] =	vst v9  }
0x5bf: {  	v14 =	vadd.s32 $0x6, v5;
	v13 =	vor.u32 v2, v13;
	v11 =	vld.idx.msk [tilespmem:v6+s11+$0x0], $0xffff  }
0x5c0: {  	v14 =	vand.u32 $0x7F, v14;
	v6 =	vld.idx.msk [tilespmem:v6+s12+$0x0], $0xffff  }
0x5c1: {  	v17 =	vadd.s32 $0x7, v5;
	v14 =	vor.u32 v2, v14;
	v12 =	vld.idx.msk [tilespmem:v7+s11+$0x0], $0xffff  }
0x5c2: {  	v17 =	vand.u32 $0x7F, v17;
	v7 =	vld.idx.msk [tilespmem:v7+s12+$0x0], $0xffff  }
0x5c3: {  	v19 =	vadd.s32 $0x8, v5;
	v17 =	vor.u32 v2, v17;
	v15 =	vld.idx.msk [tilespmem:v8+s11+$0x0], $0xffff  }
0x5c4: {  	v19 =	vand.u32 $0x7F, v19;
	v20 =	vld.idx.msk [tilespmem:v13+s11+$0x0], $0xffff  }
0x5c5: {  	v21 =	vadd.s32 $0x9, v5;
	v19 =	vor.u32 v2, v19;
	v13 =	vld.idx.msk [tilespmem:v13+s12+$0x0], $0xffff  }
0x5c6: {  	v21 =	vand.u32 $0x7F, v21;
	v22 =	vld.idx.msk [tilespmem:v14+s11+$0x0], $0xffff  }
0x5c7: {  	v23 =	vadd.s32 $0xA, v5;
	v21 =	vor.u32 v2, v21;
	v14 =	vld.idx.msk [tilespmem:v14+s12+$0x0], $0xffff  }
0x5c8: {  	v23 =	vand.u32 $0x7F, v23;
	v24 =	vld.idx.msk [tilespmem:v17+s11+$0x0], $0xffff  }
0x5c9: {  	v25 =	vadd.s32 $0x2, v5;
	v23 =	vor.u32 v2, v23;
	v17 =	vld.idx.msk [tilespmem:v17+s12+$0x0], $0xffff  }
0x5ca: {  	v25 =	vand.u32 $0x7F, v25;
	v26 =	vld.idx.msk [tilespmem:v19+s11+$0x0], $0xffff  }
0x5cb: {  	v27 =	vadd.s32 $0xC, v5;
	v25 =	vor.u32 v2, v25;
	v19 =	vld.idx.msk [tilespmem:v19+s12+$0x0], $0xffff  }
0x5cc: {  	v27 =	vand.u32 $0x7F, v27;
	v28 =	vld.idx.msk [tilespmem:v21+s11+$0x0], $0xffff  }
0x5cd: {  	v29 =	vadd.s32 $0xD, v5;
	v27 =	vor.u32 v2, v27;
	v21 =	vld.idx.msk [tilespmem:v21+s12+$0x0], $0xffff  }
0x5ce: {  	v30 =	vadd.s32 $0xE, v5;
	v29 =	vand.u32 $0x7F, v29;
	v31 =	vld.idx.msk [tilespmem:v23+s11+$0x0], $0xffff  }
0x5cf: {  	v30 =	vand.u32 $0x7F, v30;
	v29 =	vor.u32 v2, v29;
	v23 =	vld.idx.msk [tilespmem:v23+s12+$0x0], $0xffff  }
0x5d0: {  	v30 =	vor.u32 v2, v30;
	v32 =	vld.idx.msk [tilespmem:v25+s11+$0x0], $0xffff  }
0x5d1: {  	v33 =	vadd.s32 $0xF, v5;
	v8 =	vld.idx.msk [tilespmem:v8+s12+$0x0], $0xffff  }
0x5d2: {  	v33 =	vand.u32 $0x7F, v33;
	v34 =	vld.idx.msk [tilespmem:v27+s11+$0x0], $0xffff  }
0x5d3: {  	v33 =	vor.u32 v2, v33;
	v27 =	vld.idx.msk [tilespmem:v27+s12+$0x0], $0xffff  }
0x5d4: {  	v10 =	vadd.s32 $0x3, v5;
	v35 =	vld.idx.msk [tilespmem:v29+s11+$0x0], $0xffff  }
0x5d5: {  	v9 =	vand.u32 $0x7F, v10;
	v38 =	vld.idx.msk [tilespmem:v30+s11+$0x0], $0xffff  }
0x5d6: {  	v10 =	vadd.s32 $0x4, v5;
	v9 =	vor.u32 v2, v9;
	v25 =	vld.idx.msk [tilespmem:v25+s12+$0x0], $0xffff  }
0x5d7: {  	v10 =	vand.u32 $0x7F, v10;
	v30 =	vld.idx.msk [tilespmem:v30+s12+$0x0], $0xffff  }
0x5d8: {  	v5 =	vadd.s32 $0x10, v5;
	v40 =	vld.idx.msk [tilespmem:v33+s11+$0x0], $0xffff;
	v10 =	vor.u32 v2, v10  }
0x5d9: {  	v36 =	vand.u32 $0x7F, v5;
	v33 =	vld.idx.msk [tilespmem:v33+s12+$0x0], $0xffff  }
0x5da: {  	v29 =	vld.idx.msk [tilespmem:v29+s12+$0x0], $0xffff;
	v5 =	vor.u32 v2, v36;
	v37 =	vadd.s32 $0x1, v36  }
0x5db: {  	v37 =	vand.u32 $0x7F, v37;
	v16 =	vld.idx.msk [tilespmem:v9+s11+$0x0], $0xffff  }
0x5dc: {  	v39 =	vadd.s32 $0xB, v36;
	v37 =	vor.u32 v2, v37;
	v9 =	vld.idx.msk [tilespmem:v9+s12+$0x0], $0xffff  }
0x5dd: {  	v41 =	vadd.s32 $0x3, v36;
	v39 =	vand.u32 $0x7F, v39;
	v18 =	vld.idx.msk [tilespmem:v10+s11+$0x0], $0xffff  }
0x5de: {  	v39 =	vor.u32 v2, v39;
	v6 =	vmul.f32 v6, v11;
	v11 =	vand.u32 $0x7F, v41;
	v10 =	vld.idx.msk [tilespmem:v10+s12+$0x0], $0xffff  }
0x5df: {  	v42 =	vimm.f32 $0.0e+00;
	v43 =	vadd.s32 $0x4, v36;
	v54 =	vld.idx.msk [tilespmem:v5+s11+$0x0], $0xffff;
	v11 =	vor.u32 v2, v11  }
0x5e0: {  	v44 =	vld.idx.msk [tilespmem:v5+s12+$0x0], $0xffff;
	v5 =	vmul.f32 v7, v12;
	v7 =	vand.u32 $0x7F, v43;
	v6 =	vadd.f32 v6, v42  }
0x5e1: {  	v55 =	vadd.s32 $0x5, v36;
	v7 =	vor.u32 v2, v7;
	v12 =	vld.idx.msk [tilespmem:v37+s11+$0x0], $0xffff  }
0x5e2: {  	v56 =	vand.u32 $0x7F, v55;
	v25 =	vmul.f32 v25, v32;
	v37 =	vld.idx.msk [tilespmem:v37+s12+$0x0], $0xffff;
	v6 =	vadd.f32 v5, v6  }
0x5e3: {  	v57 =	vadd.s32 $0x6, v36;
	v5 =	vld.idx.msk [tilespmem:v39+s11+$0x0], $0xffff;
	v9 =	vmul.f32 v9, v16;
	v16 =	vor.u32 v2, v56  }
0x5e4: {  	v10 =	vmul.f32 v10, v18;
	v6 =	vadd.f32 v25, v6;
	v18 =	vld.idx.msk [tilespmem:v11+s11+$0x0], $0xffff;
	v25 =	vand.u32 $0x7F, v57  }
0x5e5: {  	v13 =	vmul.f32 v13, v20;
	v11 =	vld.idx.msk [tilespmem:v11+s12+$0x0], $0xffff;
	v20 =	vor.u32 v2, v25;
	v25 =	vadd.s32 $0x7, v36  }
0x5e6: {  	v14 =	vmul.f32 v14, v22;
	v22 =	vld.idx.msk [tilespmem:v7+s11+$0x0], $0xffff;
	v6 =	vadd.f32 v9, v6;
	v9 =	vand.u32 $0x7F, v25  }
0x5e7: {  	v17 =	vmul.f32 v17, v24;
	v24 =	vadd.s32 $0x8, v36;
	v25 =	vld.idx.msk [tilespmem:v7+s12+$0x0], $0xffff;
	v9 =	vor.u32 v2, v9  }
0x5e8: {  	v26 =	vmul.f32 v19, v26;
	v7 =	vand.u32 $0x7F, v24;
	v6 =	vadd.f32 v10, v6;
	v24 =	vld.idx.msk [tilespmem:v16+s11+$0x0], $0xffff  }
0x5e9: {  	v10 =	vmul.f32 v21, v28;
	v16 =	vld.idx.msk [tilespmem:v16+s12+$0x0], $0xffff;
	v21 =	vor.u32 v2, v7;
	v7 =	vadd.s32 $0x9, v36  }
0x5ea: {  	v28 =	vmul.f32 v8, v15;
	v7 =	vand.u32 $0x7F, v7;
	v15 =	vld.idx.msk [tilespmem:v20+s11+$0x0], $0xffff;
	v6 =	vadd.f32 v13, v6  }
0x5eb: {  	v58 =	vmul.f32 v27, v34;
	v27 =	vld.idx.msk [tilespmem:v20+s12+$0x0], $0xffff;
	v13 =	vor.u32 v2, v7;
	v7 =	vadd.s32 $0xA, v36  }
0x5ec: {  	v19 =	vmul.f32 v30, v38;
	v14 =	vadd.f32 v14, v6;
	v59 =	vld.idx.msk [tilespmem:v9+s11+$0x0], $0xffff;
	v6 =	vand.u32 $0x7F, v7  }
0x5ed: {  	v23 =	vmul.f32 v23, v31;
	v8 =	vadd.s32 $0x2, v36;
	v60 =	vld.idx.msk [tilespmem:v9+s12+$0x0], $0xffff;
	v20 =	vor.u32 v2, v6  }
0x5ee: {  	v29 =	vmul.f32 v29, v35;
	v8 =	vand.u32 $0x7F, v8;
	v30 =	vld.idx.msk [tilespmem:v21+s11+$0x0], $0xffff;
	v9 =	vadd.f32 v17, v14  }
0x5ef: {  	v6 =	vor.u32 v2, v8;
	v14 =	vadd.s32 $0xE, v36;
	v17 =	vld.idx.msk [tilespmem:v21+s12+$0x0], $0xffff;
	v21 =	vadd.s32 $0xC, v36  }
0x5f0: {  	v61 =	vand.u32 $0x7F, v14;
	v62 =	vld.idx.msk [tilespmem:v13+s11+$0x0], $0xffff;
	v14 =	vand.u32 $0x7F, v21;
	v26 =	vadd.f32 v26, v9  }
0x5f1: {  	v21 =	vld.idx.msk [tilespmem:v13+s12+$0x0], $0xffff;
	v9 =	vmul.f32 v37, v12;
	v12 =	vadd.s32 $0xD, v36;
	v63 =	vor.u32 v2, v14  }
0x5f2: {  	v7 =	vmul.f32 v33, v40;
	v12 =	vand.u32 $0x7F, v12;
	v14 =	vld.idx.msk [tilespmem:v20+s11+$0x0], $0xffff;
	v26 =	vadd.f32 v10, v26  }
0x5f3: {  	v13 =	vmul.f32 v11, v18;
	v10 =	vmul.f32 v25, v22;
	v20 =	vld.idx.msk [tilespmem:v20+s12+$0x0], $0xffff;
	v22 =	vor.u32 v2, v12  }
0x5f4: {  	v11 =	vmul.f32 v27, v15;
	v27 =	vor.u32 v2, v61;
	v25 =	vld.idx.msk [tilespmem:v6+s11+$0x0], $0xffff;
	v18 =	vadd.f32 v23, v26  }
0x5f5: {  	v12 =	vmul.f32 v16, v24;
	v16 =	vmul.f32 v17, v30;
	v17 =	vadd.s32 $0xF, v36;
	v26 =	vld.idx.msk [tilespmem:v39+s12+$0x0], $0xffff  }
0x5f6: {  	v8 =	vmul.f32 v44, v54;
	v17 =	vand.u32 $0x7F, v17;
	v23 =	vld.idx.msk [tilespmem:v63+s11+$0x0], $0xffff;
	v30 =	vadd.f32 v28, v18  }
0x5f7: {  	v24 =	vld.idx.msk [tilespmem:v63+s12+$0x0], $0xffff;
	v18 =	vmul.f32 v21, v62;
	v21 =	vadd.s32 $0x10, v36;
	v28 =	vor.u32 v2, v17  }
0x5f8: {  	s20 =	simm.s32 $0x6;
	v15 =	vmul.f32 v60, v59;
	v17 =	vld.idx.msk [tilespmem:v22+s11+$0x0], $0xffff;
	v21 =	vand.u32 $0x7F, v21;
	v30 =	vadd.f32 v58, v30  }
.LBB2_28:
0x5f9: {  	v31 =	vor.u32 v2, v21;
	v32 =	vadd.s32 $0x1, v21;
	p0 =	sne.s32 s20, $0x1;
	s20 =	sadd.s32 $0xFFFFFFFF, s20;
	v33 =	vld.idx.msk [tilespmem:v27+s11+$0x0], $0xffff  }
0x5fa: {  	v34 =	vadd.s32 $0x4, v21;
	v32 =	vand.u32 $0x7F, v32;
	v35 =	vld.idx.msk [tilespmem:v6+s12+$0x0], $0xffff;
	v6 =	vadd.f32 v29, v30  }
0x5fb: {  	v30 =	vadd.s32 $0x8, v21;
	v29 =	vor.u32 v2, v32;
	v32 =	vadd.s32 $0xB, v21;
	v27 =	vld.idx.msk [tilespmem:v27+s12+$0x0], $0xffff  }
0x5fc: {  	v36 =	vadd.s32 $0x3, v21;
	v30 =	vand.u32 $0x7F, v30;
	v37 =	vld.idx.msk [tilespmem:v28+s11+$0x0], $0xffff;
	v6 =	vadd.f32 v19, v6  }
0x5fd: {  	v36 =	vand.u32 $0x7F, v36;
	v19 =	vadd.s32 $0x2, v21;
	v32 =	vand.u32 $0x7F, v32;
	v28 =	vld.idx.msk [tilespmem:v28+s12+$0x0], $0xffff  }
0x5fe: {  	v19 =	vand.u32 $0x7F, v19;
	v32 =	vor.u32 v2, v32;
	v38 =	vld.idx.msk [tilespmem:v31+s11+$0x0], $0xffff;
	v7 =	vadd.f32 v7, v6  }
0x5ff: {  	v6 =	vor.u32 v2, v19;
	v19 =	vor.u32 v2, v36;
	v36 =	vmul.f32 v26, v5;
	v31 =	vld.idx.msk [tilespmem:v31+s12+$0x0], $0xffff  }
0x600: {  	v5 =	vand.u32 $0x7F, v34;
	v26 =	vld.idx.msk [tilespmem:v29+s11+$0x0], $0xffff;
	v7 =	vadd.f32 v8, v7;
	v8 =	vmul.f32 v35, v25  }
0x601: {  	v34 =	vadd.s32 $0xE, v21;
	v25 =	vld.idx.msk [tilespmem:v29+s12+$0x0], $0xffff;
	v29 =	vor.u32 v2, v5;
	v5 =	vadd.s32 $0x5, v21  }
0x602: {  	v34 =	vand.u32 $0x7F, v34;
	v5 =	vand.u32 $0x7F, v5;
	v7 =	vadd.f32 v9, v7;
	v22 =	vld.idx.msk [tilespmem:v22+s12+$0x0], $0xffff  }
0x603: {  	v39 =	vmul.f32 v24, v23;
	v9 =	vadd.s32 $0x6, v21;
	v35 =	vor.u32 v2, v5;
	v5 =	vld.idx.msk [tilespmem:v32+s11+$0x0], $0xffff  }
0x604: {  	v9 =	vand.u32 $0x7F, v9;
	v23 =	vld.idx.msk [tilespmem:v19+s11+$0x0], $0xffff;
	v24 =	vadd.f32 v8, v7;
	v7 =	vmul.f32 v28, v37  }
0x605: {  	v37 =	vor.u32 v2, v9;
	v9 =	vadd.s32 $0x7, v21;
	v28 =	vld.idx.msk [tilespmem:v19+s12+$0x0], $0xffff;
	v19 =	vmul.f32 v27, v33  }
0x606: {  	v8 =	vmul.f32 v31, v38;
	v31 =	vand.u32 $0x7F, v9;
	v27 =	vld.idx.msk [tilespmem:v29+s11+$0x0], $0xffff;
	v13 =	vadd.f32 v13, v24  }
0x607: {  	v9 =	vmul.f32 v25, v26;
	v25 =	vor.u32 v2, v31;
	v24 =	vld.idx.msk [tilespmem:v29+s12+$0x0], $0xffff  }
0x608: {  	v26 =	vld.idx.msk [tilespmem:v35+s11+$0x0], $0xffff;
	v10 =	vadd.f32 v10, v13  }
0x609: {  	v30 =	vor.u32 v2, v30;
	v13 =	vadd.s32 $0x9, v21;
	v29 =	vld.idx.msk [tilespmem:v35+s12+$0x0], $0xffff  }
0x60a: {  	v33 =	vmul.f32 v20, v14;
	v13 =	vand.u32 $0x7F, v13;
	v31 =	vld.idx.msk [tilespmem:v37+s11+$0x0], $0xffff;
	v10 =	vadd.f32 v12, v10  }
0x60b: {  	v20 =	vor.u32 v2, v13;
	v12 =	vadd.s32 $0xA, v21;
	v14 =	vld.idx.msk [tilespmem:v37+s12+$0x0], $0xffff  }
0x60c: {  	v13 =	vmul.f32 v28, v23;
	v12 =	vand.u32 $0x7F, v12;
	v23 =	vld.idx.msk [tilespmem:v25+s11+$0x0], $0xffff;
	v11 =	vadd.f32 v11, v10  }
0x60d: {  	v10 =	vmul.f32 v24, v27;
	v24 =	vld.idx.msk [tilespmem:v25+s12+$0x0], $0xffff;
	v25 =	vor.u32 v2, v12  }
0x60e: {  	v28 =	vld.idx.msk [tilespmem:v30+s11+$0x0], $0xffff;
	v11 =	vadd.f32 v15, v11  }
0x60f: {  	v12 =	vmul.f32 v29, v26;
	v15 =	vadd.s32 $0xC, v21;
	v26 =	vld.idx.msk [tilespmem:v30+s12+$0x0], $0xffff  }
0x610: {  	v27 =	vadd.s32 $0xD, v21;
	v15 =	vand.u32 $0x7F, v15;
	v30 =	vld.idx.msk [tilespmem:v20+s11+$0x0], $0xffff;
	v16 =	vadd.f32 v16, v11  }
0x611: {  	v11 =	vmul.f32 v14, v31;
	v35 =	vor.u32 v2, v15;
	v31 =	vld.idx.msk [tilespmem:v20+s12+$0x0], $0xffff  }
0x612: {  	v27 =	vand.u32 $0x7F, v27;
	v29 =	vmul.f32 v22, v17;
	v14 =	vld.idx.msk [tilespmem:v25+s11+$0x0], $0xffff;
	v16 =	vadd.f32 v18, v16  }
0x613: {  	v22 =	vor.u32 v2, v27;
	v15 =	vmul.f32 v24, v23;
	v20 =	vld.idx.msk [tilespmem:v25+s12+$0x0], $0xffff  }
.Ltmp13:
0x614: {  	v27 =	vor.u32 v2, v34;
	v25 =	vld.idx.msk [tilespmem:v6+s11+$0x0], $0xffff;
	v17 =	vadd.f32 v33, v16;
	(pc) =	sbr.rel @p0 .LBB2_28-.Ltmp13, $4  }
0x615: {  	v18 =	vadd.s32 $0xF, v21;
	v16 =	vmul.f32 v26, v28;
	v26 =	vld.idx.msk [tilespmem:v32+s12+$0x0], $0xffff  }
0x616: {  	v28 =	vand.u32 $0x7F, v18;
	v23 =	vld.idx.msk [tilespmem:v35+s11+$0x0], $0xffff;
	v32 =	vadd.f32 v36, v17  }
0x617: {  	v21 =	vadd.s32 $0x10, v21;
	v28 =	vor.u32 v2, v28;
	v18 =	vmul.f32 v31, v30;
	v24 =	vld.idx.msk [tilespmem:v35+s12+$0x0], $0xffff  }
0x618: {  	v21 =	vand.u32 $0x7F, v21;
	v17 =	vld.idx.msk [tilespmem:v22+s11+$0x0], $0xffff;
	v30 =	vadd.f32 v39, v32  }
0x619: {  	_ = 	snop  }
0x61a: {  	v21 =	vadd.f32 v29, v30;
	_ =	sdelay $0x1  }
0x61b: {  	v19 =	vadd.f32 v19, v21  }
0x61c: {  	v6 =	vld.idx.msk [tilespmem:v6+s12+$0x0], $0xffff  }
0x61d: {  	v7 =	vadd.f32 v7, v19;
	_ =	sdelay $0x1  }
0x61e: {  	v7 =	vadd.f32 v8, v7;
	_ =	sdelay $0x1  }
0x61f: {  	v6 =	vmul.f32 v6, v25;
	v7 =	vadd.f32 v9, v7;
	_ =	sdelay $0x1  }
0x620: {  	v6 =	vadd.f32 v6, v7;
	_ =	sdelay $0x1  }
0x621: {  	v6 =	vadd.f32 v13, v6;
	_ =	sdelay $0x1  }
0x622: {  	v6 =	vadd.f32 v10, v6;
	_ =	sdelay $0x1  }
0x623: {  	v6 =	vadd.f32 v12, v6;
	_ =	sdelay $0x1  }
0x624: {  	v6 =	vadd.f32 v11, v6;
	_ =	sdelay $0x1  }
0x625: {  	v6 =	vadd.f32 v15, v6;
	_ =	sdelay $0x1  }
0x626: {  	v6 =	vadd.f32 v16, v6;
	_ =	sdelay $0x1  }
0x627: {  	v7 =	vmul.f32 v20, v14;
	v6 =	vadd.f32 v18, v6  }
0x628: {  	v8 =	vld.idx.msk [tilespmem:v22+s12+$0x0], $0xffff  }
0x629: {  	v5 =	vmul.f32 v26, v5;
	v9 =	vld.idx.msk [tilespmem:v27+s11+$0x0], $0xffff;
	v6 =	vadd.f32 v7, v6  }
0x62a: {  	v7 =	vld.idx.msk [tilespmem:v27+s12+$0x0], $0xffff  }
0x62b: {  	v10 =	vld.idx.msk [tilespmem:v28+s11+$0x0], $0xffff;
	v11 =	vmul.f32 v24, v23;
	v5 =	vadd.f32 v5, v6  }
0x62c: {  	v6 =	vld.idx.msk [tilespmem:v28+s12+$0x0], $0xffff  }
0x62d: {  	v8 =	vmul.f32 v8, v17;
	v5 =	vadd.f32 v11, v5;
	_ =	sdelay $0x1  }
0x62e: {  	v7 =	vmul.f32 v7, v9;
	v5 =	vadd.f32 v8, v5;
	_ =	sdelay $0x1  }
0x62f: {  	v6 =	vmul.f32 v6, v10;
	v5 =	vadd.f32 v7, v5;
	_ =	sdelay $0x1  }
0x630: {  	v5 =	vadd.f32 v6, v5;
	_ =	sdelay $0x1  }
0x631: {  	v5 =	vsub.f32 $0.0e+00, v5;
	_ =	sdelay $0x1  }
0x632: {  	v5 =	vmul.f32 $1.442695020e+00, v5;
	_ =	sdelay $0x1  }
0x633: {  	(erf) = vpow2.f32 v5;
	_ =	sdelay $0x8  }
0x634: {  	v5 =	vpop (erf)  }
0x635: {  	v5 =	vadd.f32 $1.000000000e+00, v5;
	_ =	sdelay $0x1  }
0x636: {  	(erf) = vrcp.f32 v5;
	_ =	sdelay $0x4  }
0x637: {  	v5 =	vlaneseq.u32  }
0x638: {  	v6 =	vor.u32 v4, v5;
	v7 =	vadd.s32 $0x1, v5  }
0x639: {  	v7 =	vand.u32 $0x7F, v7  }
0x63a: {  	v8 =	vadd.s32 $0xB, v5;
	v7 =	vor.u32 v4, v7  }
0x63b: {  	v13 =	vadd.s32 $0x5, v5;
	v8 =	vand.u32 $0x7F, v8;
	v9 =	vpop (erf)  }
0x63c: {  	v13 =	vand.u32 $0x7F, v13;
	v8 =	vor.u32 v4, v8;
	[tilespmem:$0x115E0] =	vst v9  }
0x63d: {  	v14 =	vadd.s32 $0x6, v5;
	v13 =	vor.u32 v4, v13;
	v11 =	vld.idx.msk [tilespmem:v6+s11+$0x0], $0xffff  }
0x63e: {  	v14 =	vand.u32 $0x7F, v14;
	v6 =	vld.idx.msk [tilespmem:v6+s12+$0x0], $0xffff  }
0x63f: {  	v17 =	vadd.s32 $0x7, v5;
	v14 =	vor.u32 v4, v14;
	v12 =	vld.idx.msk [tilespmem:v7+s11+$0x0], $0xffff  }
0x640: {  	v17 =	vand.u32 $0x7F, v17;
	v7 =	vld.idx.msk [tilespmem:v7+s12+$0x0], $0xffff  }
0x641: {  	v19 =	vadd.s32 $0x8, v5;
	v17 =	vor.u32 v4, v17;
	v15 =	vld.idx.msk [tilespmem:v8+s11+$0x0], $0xffff  }
0x642: {  	v19 =	vand.u32 $0x7F, v19;
	v20 =	vld.idx.msk [tilespmem:v13+s11+$0x0], $0xffff  }
0x643: {  	v21 =	vadd.s32 $0x9, v5;
	v19 =	vor.u32 v4, v19;
	v13 =	vld.idx.msk [tilespmem:v13+s12+$0x0], $0xffff  }
0x644: {  	v21 =	vand.u32 $0x7F, v21;
	v22 =	vld.idx.msk [tilespmem:v14+s11+$0x0], $0xffff  }
0x645: {  	v23 =	vadd.s32 $0xA, v5;
	v21 =	vor.u32 v4, v21;
	v14 =	vld.idx.msk [tilespmem:v14+s12+$0x0], $0xffff  }
0x646: {  	v23 =	vand.u32 $0x7F, v23;
	v24 =	vld.idx.msk [tilespmem:v17+s11+$0x0], $0xffff  }
0x647: {  	v25 =	vadd.s32 $0x2, v5;
	v23 =	vor.u32 v4, v23;
	v17 =	vld.idx.msk [tilespmem:v17+s12+$0x0], $0xffff  }
0x648: {  	v25 =	vand.u32 $0x7F, v25;
	v26 =	vld.idx.msk [tilespmem:v19+s11+$0x0], $0xffff  }
0x649: {  	v27 =	vadd.s32 $0xC, v5;
	v25 =	vor.u32 v4, v25;
	v19 =	vld.idx.msk [tilespmem:v19+s12+$0x0], $0xffff  }
0x64a: {  	v27 =	vand.u32 $0x7F, v27;
	v28 =	vld.idx.msk [tilespmem:v21+s11+$0x0], $0xffff  }
0x64b: {  	v29 =	vadd.s32 $0xD, v5;
	v27 =	vor.u32 v4, v27;
	v21 =	vld.idx.msk [tilespmem:v21+s12+$0x0], $0xffff  }
0x64c: {  	v30 =	vadd.s32 $0xE, v5;
	v29 =	vand.u32 $0x7F, v29;
	v31 =	vld.idx.msk [tilespmem:v23+s11+$0x0], $0xffff  }
0x64d: {  	v30 =	vand.u32 $0x7F, v30;
	v29 =	vor.u32 v4, v29;
	v23 =	vld.idx.msk [tilespmem:v23+s12+$0x0], $0xffff  }
0x64e: {  	v30 =	vor.u32 v4, v30;
	v32 =	vld.idx.msk [tilespmem:v25+s11+$0x0], $0xffff  }
0x64f: {  	v33 =	vadd.s32 $0xF, v5;
	v8 =	vld.idx.msk [tilespmem:v8+s12+$0x0], $0xffff  }
0x650: {  	v33 =	vand.u32 $0x7F, v33;
	v34 =	vld.idx.msk [tilespmem:v27+s11+$0x0], $0xffff  }
0x651: {  	v33 =	vor.u32 v4, v33;
	v27 =	vld.idx.msk [tilespmem:v27+s12+$0x0], $0xffff  }
0x652: {  	v10 =	vadd.s32 $0x3, v5;
	v35 =	vld.idx.msk [tilespmem:v29+s11+$0x0], $0xffff  }
0x653: {  	v9 =	vand.u32 $0x7F, v10;
	v38 =	vld.idx.msk [tilespmem:v30+s11+$0x0], $0xffff  }
0x654: {  	v10 =	vadd.s32 $0x4, v5;
	v9 =	vor.u32 v4, v9;
	v25 =	vld.idx.msk [tilespmem:v25+s12+$0x0], $0xffff  }
0x655: {  	v10 =	vand.u32 $0x7F, v10;
	v30 =	vld.idx.msk [tilespmem:v30+s12+$0x0], $0xffff  }
0x656: {  	v5 =	vadd.s32 $0x10, v5;
	v40 =	vld.idx.msk [tilespmem:v33+s11+$0x0], $0xffff;
	v10 =	vor.u32 v4, v10  }
0x657: {  	v36 =	vand.u32 $0x7F, v5;
	v33 =	vld.idx.msk [tilespmem:v33+s12+$0x0], $0xffff  }
0x658: {  	v29 =	vld.idx.msk [tilespmem:v29+s12+$0x0], $0xffff;
	v5 =	vor.u32 v4, v36;
	v37 =	vadd.s32 $0x1, v36  }
0x659: {  	v37 =	vand.u32 $0x7F, v37;
	v16 =	vld.idx.msk [tilespmem:v9+s11+$0x0], $0xffff  }
0x65a: {  	v39 =	vadd.s32 $0xB, v36;
	v37 =	vor.u32 v4, v37;
	v9 =	vld.idx.msk [tilespmem:v9+s12+$0x0], $0xffff  }
0x65b: {  	v41 =	vadd.s32 $0x3, v36;
	v39 =	vand.u32 $0x7F, v39;
	v18 =	vld.idx.msk [tilespmem:v10+s11+$0x0], $0xffff  }
0x65c: {  	v39 =	vor.u32 v4, v39;
	v6 =	vmul.f32 v6, v11;
	v11 =	vand.u32 $0x7F, v41;
	v10 =	vld.idx.msk [tilespmem:v10+s12+$0x0], $0xffff  }
0x65d: {  	v42 =	vimm.f32 $0.0e+00;
	v43 =	vadd.s32 $0x4, v36;
	v54 =	vld.idx.msk [tilespmem:v5+s11+$0x0], $0xffff;
	v11 =	vor.u32 v4, v11  }
0x65e: {  	v44 =	vld.idx.msk [tilespmem:v5+s12+$0x0], $0xffff;
	v5 =	vmul.f32 v7, v12;
	v7 =	vand.u32 $0x7F, v43;
	v6 =	vadd.f32 v6, v42  }
0x65f: {  	v55 =	vadd.s32 $0x5, v36;
	v7 =	vor.u32 v4, v7;
	v12 =	vld.idx.msk [tilespmem:v37+s11+$0x0], $0xffff  }
0x660: {  	v56 =	vand.u32 $0x7F, v55;
	v25 =	vmul.f32 v25, v32;
	v37 =	vld.idx.msk [tilespmem:v37+s12+$0x0], $0xffff;
	v6 =	vadd.f32 v5, v6  }
0x661: {  	v57 =	vadd.s32 $0x6, v36;
	v5 =	vld.idx.msk [tilespmem:v39+s11+$0x0], $0xffff;
	v9 =	vmul.f32 v9, v16;
	v16 =	vor.u32 v4, v56  }
0x662: {  	v10 =	vmul.f32 v10, v18;
	v6 =	vadd.f32 v25, v6;
	v18 =	vld.idx.msk [tilespmem:v11+s11+$0x0], $0xffff;
	v25 =	vand.u32 $0x7F, v57  }
0x663: {  	v13 =	vmul.f32 v13, v20;
	v11 =	vld.idx.msk [tilespmem:v11+s12+$0x0], $0xffff;
	v20 =	vor.u32 v4, v25;
	v25 =	vadd.s32 $0x7, v36  }
0x664: {  	v14 =	vmul.f32 v14, v22;
	v22 =	vld.idx.msk [tilespmem:v7+s11+$0x0], $0xffff;
	v6 =	vadd.f32 v9, v6;
	v9 =	vand.u32 $0x7F, v25  }
0x665: {  	v17 =	vmul.f32 v17, v24;
	v24 =	vadd.s32 $0x8, v36;
	v25 =	vld.idx.msk [tilespmem:v7+s12+$0x0], $0xffff;
	v9 =	vor.u32 v4, v9  }
0x666: {  	v26 =	vmul.f32 v19, v26;
	v7 =	vand.u32 $0x7F, v24;
	v6 =	vadd.f32 v10, v6;
	v24 =	vld.idx.msk [tilespmem:v16+s11+$0x0], $0xffff  }
0x667: {  	v10 =	vmul.f32 v21, v28;
	v16 =	vld.idx.msk [tilespmem:v16+s12+$0x0], $0xffff;
	v21 =	vor.u32 v4, v7;
	v7 =	vadd.s32 $0x9, v36  }
0x668: {  	v28 =	vmul.f32 v8, v15;
	v7 =	vand.u32 $0x7F, v7;
	v15 =	vld.idx.msk [tilespmem:v20+s11+$0x0], $0xffff;
	v6 =	vadd.f32 v13, v6  }
0x669: {  	v58 =	vmul.f32 v27, v34;
	v27 =	vld.idx.msk [tilespmem:v20+s12+$0x0], $0xffff;
	v13 =	vor.u32 v4, v7;
	v7 =	vadd.s32 $0xA, v36  }
0x66a: {  	v19 =	vmul.f32 v30, v38;
	v14 =	vadd.f32 v14, v6;
	v59 =	vld.idx.msk [tilespmem:v9+s11+$0x0], $0xffff;
	v6 =	vand.u32 $0x7F, v7  }
0x66b: {  	v23 =	vmul.f32 v23, v31;
	v8 =	vadd.s32 $0x2, v36;
	v60 =	vld.idx.msk [tilespmem:v9+s12+$0x0], $0xffff;
	v20 =	vor.u32 v4, v6  }
0x66c: {  	v29 =	vmul.f32 v29, v35;
	v8 =	vand.u32 $0x7F, v8;
	v30 =	vld.idx.msk [tilespmem:v21+s11+$0x0], $0xffff;
	v9 =	vadd.f32 v17, v14  }
0x66d: {  	v6 =	vor.u32 v4, v8;
	v14 =	vadd.s32 $0xE, v36;
	v17 =	vld.idx.msk [tilespmem:v21+s12+$0x0], $0xffff;
	v21 =	vadd.s32 $0xC, v36  }
0x66e: {  	v61 =	vand.u32 $0x7F, v14;
	v62 =	vld.idx.msk [tilespmem:v13+s11+$0x0], $0xffff;
	v14 =	vand.u32 $0x7F, v21;
	v26 =	vadd.f32 v26, v9  }
0x66f: {  	v21 =	vld.idx.msk [tilespmem:v13+s12+$0x0], $0xffff;
	v9 =	vmul.f32 v37, v12;
	v12 =	vadd.s32 $0xD, v36;
	v63 =	vor.u32 v4, v14  }
0x670: {  	v7 =	vmul.f32 v33, v40;
	v12 =	vand.u32 $0x7F, v12;
	v14 =	vld.idx.msk [tilespmem:v20+s11+$0x0], $0xffff;
	v26 =	vadd.f32 v10, v26  }
0x671: {  	v13 =	vmul.f32 v11, v18;
	v10 =	vmul.f32 v25, v22;
	v20 =	vld.idx.msk [tilespmem:v20+s12+$0x0], $0xffff;
	v22 =	vor.u32 v4, v12  }
0x672: {  	v11 =	vmul.f32 v27, v15;
	v27 =	vor.u32 v4, v61;
	v25 =	vld.idx.msk [tilespmem:v6+s11+$0x0], $0xffff;
	v18 =	vadd.f32 v23, v26  }
0x673: {  	v12 =	vmul.f32 v16, v24;
	v16 =	vmul.f32 v17, v30;
	v17 =	vadd.s32 $0xF, v36;
	v26 =	vld.idx.msk [tilespmem:v39+s12+$0x0], $0xffff  }
0x674: {  	v8 =	vmul.f32 v44, v54;
	v17 =	vand.u32 $0x7F, v17;
	v23 =	vld.idx.msk [tilespmem:v63+s11+$0x0], $0xffff;
	v30 =	vadd.f32 v28, v18  }
0x675: {  	v24 =	vld.idx.msk [tilespmem:v63+s12+$0x0], $0xffff;
	v18 =	vmul.f32 v21, v62;
	v21 =	vadd.s32 $0x10, v36;
	v28 =	vor.u32 v4, v17  }
0x676: {  	s20 =	simm.s32 $0x6;
	v15 =	vmul.f32 v60, v59;
	v17 =	vld.idx.msk [tilespmem:v22+s11+$0x0], $0xffff;
	v21 =	vand.u32 $0x7F, v21;
	v30 =	vadd.f32 v58, v30  }
.LBB2_30:
0x677: {  	v31 =	vor.u32 v4, v21;
	v32 =	vadd.s32 $0x1, v21;
	p0 =	sne.s32 s20, $0x1;
	s20 =	sadd.s32 $0xFFFFFFFF, s20;
	v33 =	vld.idx.msk [tilespmem:v27+s11+$0x0], $0xffff  }
0x678: {  	v34 =	vadd.s32 $0x4, v21;
	v32 =	vand.u32 $0x7F, v32;
	v35 =	vld.idx.msk [tilespmem:v6+s12+$0x0], $0xffff;
	v6 =	vadd.f32 v29, v30  }
0x679: {  	v30 =	vadd.s32 $0x8, v21;
	v29 =	vor.u32 v4, v32;
	v32 =	vadd.s32 $0xB, v21;
	v27 =	vld.idx.msk [tilespmem:v27+s12+$0x0], $0xffff  }
0x67a: {  	v36 =	vadd.s32 $0x3, v21;
	v30 =	vand.u32 $0x7F, v30;
	v37 =	vld.idx.msk [tilespmem:v28+s11+$0x0], $0xffff;
	v6 =	vadd.f32 v19, v6  }
0x67b: {  	v36 =	vand.u32 $0x7F, v36;
	v19 =	vadd.s32 $0x2, v21;
	v32 =	vand.u32 $0x7F, v32;
	v28 =	vld.idx.msk [tilespmem:v28+s12+$0x0], $0xffff  }
0x67c: {  	v19 =	vand.u32 $0x7F, v19;
	v32 =	vor.u32 v4, v32;
	v38 =	vld.idx.msk [tilespmem:v31+s11+$0x0], $0xffff;
	v7 =	vadd.f32 v7, v6  }
0x67d: {  	v6 =	vor.u32 v4, v19;
	v19 =	vor.u32 v4, v36;
	v36 =	vmul.f32 v26, v5;
	v31 =	vld.idx.msk [tilespmem:v31+s12+$0x0], $0xffff  }
0x67e: {  	v5 =	vand.u32 $0x7F, v34;
	v26 =	vld.idx.msk [tilespmem:v29+s11+$0x0], $0xffff;
	v7 =	vadd.f32 v8, v7;
	v8 =	vmul.f32 v35, v25  }
0x67f: {  	v34 =	vadd.s32 $0xE, v21;
	v25 =	vld.idx.msk [tilespmem:v29+s12+$0x0], $0xffff;
	v29 =	vor.u32 v4, v5;
	v5 =	vadd.s32 $0x5, v21  }
0x680: {  	v34 =	vand.u32 $0x7F, v34;
	v5 =	vand.u32 $0x7F, v5;
	v7 =	vadd.f32 v9, v7;
	v22 =	vld.idx.msk [tilespmem:v22+s12+$0x0], $0xffff  }
0x681: {  	v39 =	vmul.f32 v24, v23;
	v9 =	vadd.s32 $0x6, v21;
	v35 =	vor.u32 v4, v5;
	v5 =	vld.idx.msk [tilespmem:v32+s11+$0x0], $0xffff  }
0x682: {  	v9 =	vand.u32 $0x7F, v9;
	v23 =	vld.idx.msk [tilespmem:v19+s11+$0x0], $0xffff;
	v24 =	vadd.f32 v8, v7;
	v7 =	vmul.f32 v28, v37  }
0x683: {  	v37 =	vor.u32 v4, v9;
	v9 =	vadd.s32 $0x7, v21;
	v28 =	vld.idx.msk [tilespmem:v19+s12+$0x0], $0xffff;
	v19 =	vmul.f32 v27, v33  }
0x684: {  	v8 =	vmul.f32 v31, v38;
	v31 =	vand.u32 $0x7F, v9;
	v27 =	vld.idx.msk [tilespmem:v29+s11+$0x0], $0xffff;
	v13 =	vadd.f32 v13, v24  }
0x685: {  	v9 =	vmul.f32 v25, v26;
	v25 =	vor.u32 v4, v31;
	v24 =	vld.idx.msk [tilespmem:v29+s12+$0x0], $0xffff  }
0x686: {  	v26 =	vld.idx.msk [tilespmem:v35+s11+$0x0], $0xffff;
	v10 =	vadd.f32 v10, v13  }
0x687: {  	v30 =	vor.u32 v4, v30;
	v13 =	vadd.s32 $0x9, v21;
	v29 =	vld.idx.msk [tilespmem:v35+s12+$0x0], $0xffff  }
0x688: {  	v33 =	vmul.f32 v20, v14;
	v13 =	vand.u32 $0x7F, v13;
	v31 =	vld.idx.msk [tilespmem:v37+s11+$0x0], $0xffff;
	v10 =	vadd.f32 v12, v10  }
0x689: {  	v20 =	vor.u32 v4, v13;
	v12 =	vadd.s32 $0xA, v21;
	v14 =	vld.idx.msk [tilespmem:v37+s12+$0x0], $0xffff  }
0x68a: {  	v13 =	vmul.f32 v28, v23;
	v12 =	vand.u32 $0x7F, v12;
	v23 =	vld.idx.msk [tilespmem:v25+s11+$0x0], $0xffff;
	v11 =	vadd.f32 v11, v10  }
0x68b: {  	v10 =	vmul.f32 v24, v27;
	v24 =	vld.idx.msk [tilespmem:v25+s12+$0x0], $0xffff;
	v25 =	vor.u32 v4, v12  }
0x68c: {  	v28 =	vld.idx.msk [tilespmem:v30+s11+$0x0], $0xffff;
	v11 =	vadd.f32 v15, v11  }
0x68d: {  	v12 =	vmul.f32 v29, v26;
	v15 =	vadd.s32 $0xC, v21;
	v26 =	vld.idx.msk [tilespmem:v30+s12+$0x0], $0xffff  }
0x68e: {  	v27 =	vadd.s32 $0xD, v21;
	v15 =	vand.u32 $0x7F, v15;
	v30 =	vld.idx.msk [tilespmem:v20+s11+$0x0], $0xffff;
	v16 =	vadd.f32 v16, v11  }
0x68f: {  	v11 =	vmul.f32 v14, v31;
	v35 =	vor.u32 v4, v15;
	v31 =	vld.idx.msk [tilespmem:v20+s12+$0x0], $0xffff  }
0x690: {  	v27 =	vand.u32 $0x7F, v27;
	v29 =	vmul.f32 v22, v17;
	v14 =	vld.idx.msk [tilespmem:v25+s11+$0x0], $0xffff;
	v16 =	vadd.f32 v18, v16  }
0x691: {  	v22 =	vor.u32 v4, v27;
	v15 =	vmul.f32 v24, v23;
	v20 =	vld.idx.msk [tilespmem:v25+s12+$0x0], $0xffff  }
.Ltmp14:
0x692: {  	v27 =	vor.u32 v4, v34;
	v25 =	vld.idx.msk [tilespmem:v6+s11+$0x0], $0xffff;
	v17 =	vadd.f32 v33, v16;
	(pc) =	sbr.rel @p0 .LBB2_30-.Ltmp14, $4  }
0x693: {  	v18 =	vadd.s32 $0xF, v21;
	v16 =	vmul.f32 v26, v28;
	v26 =	vld.idx.msk [tilespmem:v32+s12+$0x0], $0xffff  }
0x694: {  	v28 =	vand.u32 $0x7F, v18;
	v23 =	vld.idx.msk [tilespmem:v35+s11+$0x0], $0xffff;
	v32 =	vadd.f32 v36, v17  }
0x695: {  	v21 =	vadd.s32 $0x10, v21;
	v28 =	vor.u32 v4, v28;
	v18 =	vmul.f32 v31, v30;
	v24 =	vld.idx.msk [tilespmem:v35+s12+$0x0], $0xffff  }
0x696: {  	v21 =	vand.u32 $0x7F, v21;
	v17 =	vld.idx.msk [tilespmem:v22+s11+$0x0], $0xffff;
	v30 =	vadd.f32 v39, v32  }
0x697: {  	_ = 	snop  }
0x698: {  	v4 =	vadd.f32 v29, v30;
	_ =	sdelay $0x1  }
0x699: {  	v4 =	vadd.f32 v19, v4  }
0x69a: {  	v6 =	vld.idx.msk [tilespmem:v6+s12+$0x0], $0xffff  }
0x69b: {  	v4 =	vadd.f32 v7, v4;
	_ =	sdelay $0x1  }
0x69c: {  	v4 =	vadd.f32 v8, v4;
	_ =	sdelay $0x1  }
0x69d: {  	v6 =	vmul.f32 v6, v25;
	v4 =	vadd.f32 v9, v4;
	_ =	sdelay $0x1  }
0x69e: {  	v4 =	vadd.f32 v6, v4;
	_ =	sdelay $0x1  }
0x69f: {  	v4 =	vadd.f32 v13, v4;
	_ =	sdelay $0x1  }
0x6a0: {  	v4 =	vadd.f32 v10, v4;
	_ =	sdelay $0x1  }
0x6a1: {  	v4 =	vadd.f32 v12, v4;
	_ =	sdelay $0x1  }
0x6a2: {  	v4 =	vadd.f32 v11, v4;
	_ =	sdelay $0x1  }
0x6a3: {  	v4 =	vadd.f32 v15, v4;
	_ =	sdelay $0x1  }
0x6a4: {  	v4 =	vadd.f32 v16, v4;
	_ =	sdelay $0x1  }
0x6a5: {  	v6 =	vmul.f32 v20, v14;
	v4 =	vadd.f32 v18, v4  }
0x6a6: {  	v7 =	vld.idx.msk [tilespmem:v22+s12+$0x0], $0xffff  }
0x6a7: {  	v5 =	vmul.f32 v26, v5;
	v8 =	vld.idx.msk [tilespmem:v27+s11+$0x0], $0xffff;
	v4 =	vadd.f32 v6, v4  }
0x6a8: {  	v6 =	vld.idx.msk [tilespmem:v27+s12+$0x0], $0xffff  }
0x6a9: {  	v9 =	vld.idx.msk [tilespmem:v28+s11+$0x0], $0xffff;
	v10 =	vmul.f32 v24, v23;
	v4 =	vadd.f32 v5, v4  }
0x6aa: {  	v5 =	vld.idx.msk [tilespmem:v28+s12+$0x0], $0xffff  }
0x6ab: {  	v7 =	vmul.f32 v7, v17;
	v4 =	vadd.f32 v10, v4;
	_ =	sdelay $0x1  }
0x6ac: {  	v6 =	vmul.f32 v6, v8;
	v4 =	vadd.f32 v7, v4;
	_ =	sdelay $0x1  }
0x6ad: {  	v5 =	vmul.f32 v5, v9;
	v4 =	vadd.f32 v6, v4;
	_ =	sdelay $0x1  }
0x6ae: {  	v4 =	vadd.f32 v5, v4;
	_ =	sdelay $0x1  }
0x6af: {  	v4 =	vsub.f32 $0.0e+00, v4;
	_ =	sdelay $0x1  }
0x6b0: {  	v4 =	vmul.f32 $1.442695020e+00, v4;
	_ =	sdelay $0x1  }
0x6b1: {  	(erf) = vpow2.f32 v4;
	_ =	sdelay $0x8  }
0x6b2: {  	v4 =	vpop (erf)  }
0x6b3: {  	v4 =	vadd.f32 $1.000000000e+00, v4;
	_ =	sdelay $0x1  }
0x6b4: {  	(erf) = vrcp.f32 v4;
	_ =	sdelay $0x4  }
0x6b5: {  	v4 =	vlaneseq.u32  }
0x6b6: {  	v5 =	vor.u32 v3, v4;
	v6 =	vadd.s32 $0x1, v4  }
0x6b7: {  	v6 =	vand.u32 $0x7F, v6  }
0x6b8: {  	v7 =	vadd.s32 $0xB, v4;
	v6 =	vor.u32 v3, v6  }
0x6b9: {  	v12 =	vadd.s32 $0x5, v4;
	v7 =	vand.u32 $0x7F, v7;
	v8 =	vpop (erf)  }
0x6ba: {  	v12 =	vand.u32 $0x7F, v12;
	v7 =	vor.u32 v3, v7;
	[tilespmem:$0x115F0] =	vst v8  }
0x6bb: {  	v13 =	vadd.s32 $0x6, v4;
	v12 =	vor.u32 v3, v12;
	v10 =	vld.idx.msk [tilespmem:v5+s11+$0x0], $0xffff  }
0x6bc: {  	v13 =	vand.u32 $0x7F, v13;
	v5 =	vld.idx.msk [tilespmem:v5+s12+$0x0], $0xffff  }
0x6bd: {  	v16 =	vadd.s32 $0x7, v4;
	v13 =	vor.u32 v3, v13;
	v11 =	vld.idx.msk [tilespmem:v6+s11+$0x0], $0xffff  }
0x6be: {  	v16 =	vand.u32 $0x7F, v16;
	v6 =	vld.idx.msk [tilespmem:v6+s12+$0x0], $0xffff  }
0x6bf: {  	v18 =	vadd.s32 $0x8, v4;
	v16 =	vor.u32 v3, v16;
	v14 =	vld.idx.msk [tilespmem:v7+s11+$0x0], $0xffff  }
0x6c0: {  	v18 =	vand.u32 $0x7F, v18;
	v19 =	vld.idx.msk [tilespmem:v12+s11+$0x0], $0xffff  }
0x6c1: {  	v20 =	vadd.s32 $0x9, v4;
	v18 =	vor.u32 v3, v18;
	v12 =	vld.idx.msk [tilespmem:v12+s12+$0x0], $0xffff  }
0x6c2: {  	v20 =	vand.u32 $0x7F, v20;
	v21 =	vld.idx.msk [tilespmem:v13+s11+$0x0], $0xffff  }
0x6c3: {  	v22 =	vadd.s32 $0xA, v4;
	v20 =	vor.u32 v3, v20;
	v13 =	vld.idx.msk [tilespmem:v13+s12+$0x0], $0xffff  }
0x6c4: {  	v22 =	vand.u32 $0x7F, v22;
	v23 =	vld.idx.msk [tilespmem:v16+s11+$0x0], $0xffff  }
0x6c5: {  	v24 =	vadd.s32 $0x2, v4;
	v22 =	vor.u32 v3, v22;
	v16 =	vld.idx.msk [tilespmem:v16+s12+$0x0], $0xffff  }
0x6c6: {  	v24 =	vand.u32 $0x7F, v24;
	v25 =	vld.idx.msk [tilespmem:v18+s11+$0x0], $0xffff  }
0x6c7: {  	v26 =	vadd.s32 $0xC, v4;
	v24 =	vor.u32 v3, v24;
	v18 =	vld.idx.msk [tilespmem:v18+s12+$0x0], $0xffff  }
0x6c8: {  	v26 =	vand.u32 $0x7F, v26;
	v27 =	vld.idx.msk [tilespmem:v20+s11+$0x0], $0xffff  }
0x6c9: {  	v28 =	vadd.s32 $0xD, v4;
	v26 =	vor.u32 v3, v26;
	v20 =	vld.idx.msk [tilespmem:v20+s12+$0x0], $0xffff  }
0x6ca: {  	v29 =	vadd.s32 $0xE, v4;
	v28 =	vand.u32 $0x7F, v28;
	v30 =	vld.idx.msk [tilespmem:v22+s11+$0x0], $0xffff  }
0x6cb: {  	v29 =	vand.u32 $0x7F, v29;
	v28 =	vor.u32 v3, v28;
	v22 =	vld.idx.msk [tilespmem:v22+s12+$0x0], $0xffff  }
0x6cc: {  	v29 =	vor.u32 v3, v29;
	v31 =	vld.idx.msk [tilespmem:v24+s11+$0x0], $0xffff  }
0x6cd: {  	v32 =	vadd.s32 $0xF, v4;
	v7 =	vld.idx.msk [tilespmem:v7+s12+$0x0], $0xffff  }
0x6ce: {  	v32 =	vand.u32 $0x7F, v32;
	v33 =	vld.idx.msk [tilespmem:v26+s11+$0x0], $0xffff  }
0x6cf: {  	v32 =	vor.u32 v3, v32;
	v26 =	vld.idx.msk [tilespmem:v26+s12+$0x0], $0xffff  }
0x6d0: {  	v9 =	vadd.s32 $0x3, v4;
	v34 =	vld.idx.msk [tilespmem:v28+s11+$0x0], $0xffff  }
0x6d1: {  	v8 =	vand.u32 $0x7F, v9;
	v37 =	vld.idx.msk [tilespmem:v29+s11+$0x0], $0xffff  }
0x6d2: {  	v9 =	vadd.s32 $0x4, v4;
	v8 =	vor.u32 v3, v8;
	v24 =	vld.idx.msk [tilespmem:v24+s12+$0x0], $0xffff  }
0x6d3: {  	v9 =	vand.u32 $0x7F, v9;
	v29 =	vld.idx.msk [tilespmem:v29+s12+$0x0], $0xffff  }
0x6d4: {  	v4 =	vadd.s32 $0x10, v4;
	v39 =	vld.idx.msk [tilespmem:v32+s11+$0x0], $0xffff;
	v9 =	vor.u32 v3, v9  }
0x6d5: {  	v35 =	vand.u32 $0x7F, v4;
	v32 =	vld.idx.msk [tilespmem:v32+s12+$0x0], $0xffff  }
0x6d6: {  	v28 =	vld.idx.msk [tilespmem:v28+s12+$0x0], $0xffff;
	v4 =	vor.u32 v3, v35;
	v36 =	vadd.s32 $0x1, v35  }
0x6d7: {  	v36 =	vand.u32 $0x7F, v36;
	v15 =	vld.idx.msk [tilespmem:v8+s11+$0x0], $0xffff  }
0x6d8: {  	v38 =	vadd.s32 $0xB, v35;
	v36 =	vor.u32 v3, v36;
	v8 =	vld.idx.msk [tilespmem:v8+s12+$0x0], $0xffff  }
0x6d9: {  	v40 =	vadd.s32 $0x3, v35;
	v38 =	vand.u32 $0x7F, v38;
	v17 =	vld.idx.msk [tilespmem:v9+s11+$0x0], $0xffff  }
0x6da: {  	v38 =	vor.u32 v3, v38;
	v5 =	vmul.f32 v5, v10;
	v10 =	vand.u32 $0x7F, v40;
	v9 =	vld.idx.msk [tilespmem:v9+s12+$0x0], $0xffff  }
0x6db: {  	v41 =	vimm.f32 $0.0e+00;
	v42 =	vadd.s32 $0x4, v35;
	v57 =	vld.idx.msk [tilespmem:v4+s11+$0x0], $0xffff;
	v10 =	vor.u32 v3, v10  }
0x6dc: {  	v43 =	vld.idx.msk [tilespmem:v4+s12+$0x0], $0xffff;
	v4 =	vmul.f32 v6, v11;
	v6 =	vand.u32 $0x7F, v42;
	v5 =	vadd.f32 v5, v41  }
0x6dd: {  	v58 =	vadd.s32 $0x5, v35;
	v6 =	vor.u32 v3, v6;
	v11 =	vld.idx.msk [tilespmem:v36+s11+$0x0], $0xffff  }
0x6de: {  	v24 =	vmul.f32 v24, v31;
	v31 =	vand.u32 $0x7F, v58;
	v36 =	vld.idx.msk [tilespmem:v36+s12+$0x0], $0xffff;
	v5 =	vadd.f32 v4, v5  }
0x6df: {  	v4 =	vld.idx.msk [tilespmem:v38+s11+$0x0], $0xffff;
	v8 =	vmul.f32 v8, v15;
	v15 =	vor.u32 v3, v31;
	v31 =	vadd.s32 $0x6, v35  }
0x6e0: {  	v9 =	vmul.f32 v9, v17;
	v5 =	vadd.f32 v24, v5;
	v17 =	vld.idx.msk [tilespmem:v10+s11+$0x0], $0xffff;
	v24 =	vand.u32 $0x7F, v31  }
0x6e1: {  	v12 =	vmul.f32 v12, v19;
	v10 =	vld.idx.msk [tilespmem:v10+s12+$0x0], $0xffff;
	v19 =	vor.u32 v3, v24;
	v24 =	vadd.s32 $0x7, v35  }
0x6e2: {  	v13 =	vmul.f32 v13, v21;
	v21 =	vld.idx.msk [tilespmem:v6+s11+$0x0], $0xffff;
	v5 =	vadd.f32 v8, v5;
	v8 =	vand.u32 $0x7F, v24  }
0x6e3: {  	v16 =	vmul.f32 v16, v23;
	v23 =	vadd.s32 $0x8, v35;
	v24 =	vld.idx.msk [tilespmem:v6+s12+$0x0], $0xffff;
	v8 =	vor.u32 v3, v8  }
0x6e4: {  	v25 =	vmul.f32 v18, v25;
	v6 =	vand.u32 $0x7F, v23;
	v5 =	vadd.f32 v9, v5;
	v23 =	vld.idx.msk [tilespmem:v15+s11+$0x0], $0xffff  }
0x6e5: {  	v9 =	vmul.f32 v20, v27;
	v15 =	vld.idx.msk [tilespmem:v15+s12+$0x0], $0xffff;
	v20 =	vor.u32 v3, v6;
	v6 =	vadd.s32 $0x9, v35  }
0x6e6: {  	v27 =	vmul.f32 v7, v14;
	v6 =	vand.u32 $0x7F, v6;
	v14 =	vld.idx.msk [tilespmem:v19+s11+$0x0], $0xffff;
	v5 =	vadd.f32 v12, v5  }
0x6e7: {  	v31 =	vmul.f32 v26, v33;
	v26 =	vld.idx.msk [tilespmem:v19+s12+$0x0], $0xffff;
	v12 =	vor.u32 v3, v6;
	v6 =	vadd.s32 $0xA, v35  }
0x6e8: {  	v18 =	vmul.f32 v29, v37;
	v13 =	vadd.f32 v13, v5;
	v59 =	vld.idx.msk [tilespmem:v8+s11+$0x0], $0xffff;
	v5 =	vand.u32 $0x7F, v6  }
0x6e9: {  	v22 =	vmul.f32 v22, v30;
	v7 =	vadd.s32 $0x2, v35;
	v60 =	vld.idx.msk [tilespmem:v8+s12+$0x0], $0xffff;
	v19 =	vor.u32 v3, v5  }
0x6ea: {  	v28 =	vmul.f32 v28, v34;
	v7 =	vand.u32 $0x7F, v7;
	v29 =	vld.idx.msk [tilespmem:v20+s11+$0x0], $0xffff;
	v8 =	vadd.f32 v16, v13  }
0x6eb: {  	v5 =	vor.u32 v3, v7;
	v13 =	vadd.s32 $0xE, v35;
	v16 =	vld.idx.msk [tilespmem:v20+s12+$0x0], $0xffff;
	v20 =	vadd.s32 $0xC, v35  }
0x6ec: {  	v61 =	vand.u32 $0x7F, v13;
	v62 =	vld.idx.msk [tilespmem:v12+s11+$0x0], $0xffff;
	v13 =	vand.u32 $0x7F, v20;
	v25 =	vadd.f32 v25, v8  }
0x6ed: {  	v20 =	vld.idx.msk [tilespmem:v12+s12+$0x0], $0xffff;
	v8 =	vmul.f32 v36, v11;
	v11 =	vadd.s32 $0xD, v35;
	v63 =	vor.u32 v3, v13  }
0x6ee: {  	v6 =	vmul.f32 v32, v39;
	v11 =	vand.u32 $0x7F, v11;
	v13 =	vld.idx.msk [tilespmem:v19+s11+$0x0], $0xffff;
	v25 =	vadd.f32 v9, v25  }
0x6ef: {  	v12 =	vmul.f32 v10, v17;
	v9 =	vmul.f32 v24, v21;
	v19 =	vld.idx.msk [tilespmem:v19+s12+$0x0], $0xffff;
	v21 =	vor.u32 v3, v11  }
0x6f0: {  	v10 =	vmul.f32 v26, v14;
	v26 =	vor.u32 v3, v61;
	v24 =	vld.idx.msk [tilespmem:v5+s11+$0x0], $0xffff;
	v17 =	vadd.f32 v22, v25  }
0x6f1: {  	v11 =	vmul.f32 v15, v23;
	v15 =	vmul.f32 v16, v29;
	v16 =	vadd.s32 $0xF, v35;
	v25 =	vld.idx.msk [tilespmem:v38+s12+$0x0], $0xffff  }
0x6f2: {  	v7 =	vmul.f32 v43, v57;
	v16 =	vand.u32 $0x7F, v16;
	v22 =	vld.idx.msk [tilespmem:v63+s11+$0x0], $0xffff;
	v29 =	vadd.f32 v27, v17  }
0x6f3: {  	v23 =	vld.idx.msk [tilespmem:v63+s12+$0x0], $0xffff;
	v17 =	vmul.f32 v20, v62;
	v20 =	vadd.s32 $0x10, v35;
	v27 =	vor.u32 v3, v16  }
0x6f4: {  	s20 =	simm.s32 $0x6;
	v14 =	vmul.f32 v60, v59;
	v16 =	vld.idx.msk [tilespmem:v21+s11+$0x0], $0xffff;
	v20 =	vand.u32 $0x7F, v20;
	v29 =	vadd.f32 v31, v29  }
.LBB2_32:
0x6f5: {  	v30 =	vor.u32 v3, v20;
	v31 =	vadd.s32 $0x1, v20;
	p0 =	sne.s32 s20, $0x1;
	s20 =	sadd.s32 $0xFFFFFFFF, s20;
	v32 =	vld.idx.msk [tilespmem:v26+s11+$0x0], $0xffff  }
0x6f6: {  	v33 =	vadd.s32 $0x4, v20;
	v31 =	vand.u32 $0x7F, v31;
	v34 =	vld.idx.msk [tilespmem:v5+s12+$0x0], $0xffff;
	v5 =	vadd.f32 v28, v29  }
0x6f7: {  	v29 =	vadd.s32 $0x8, v20;
	v28 =	vor.u32 v3, v31;
	v31 =	vadd.s32 $0xB, v20;
	v26 =	vld.idx.msk [tilespmem:v26+s12+$0x0], $0xffff  }
0x6f8: {  	v35 =	vadd.s32 $0x3, v20;
	v29 =	vand.u32 $0x7F, v29;
	v36 =	vld.idx.msk [tilespmem:v27+s11+$0x0], $0xffff;
	v5 =	vadd.f32 v18, v5  }
0x6f9: {  	v35 =	vand.u32 $0x7F, v35;
	v18 =	vadd.s32 $0x2, v20;
	v31 =	vand.u32 $0x7F, v31;
	v27 =	vld.idx.msk [tilespmem:v27+s12+$0x0], $0xffff  }
0x6fa: {  	v18 =	vand.u32 $0x7F, v18;
	v31 =	vor.u32 v3, v31;
	v37 =	vld.idx.msk [tilespmem:v30+s11+$0x0], $0xffff;
	v6 =	vadd.f32 v6, v5  }
0x6fb: {  	v5 =	vor.u32 v3, v18;
	v18 =	vor.u32 v3, v35;
	v35 =	vmul.f32 v25, v4;
	v30 =	vld.idx.msk [tilespmem:v30+s12+$0x0], $0xffff  }
0x6fc: {  	v4 =	vand.u32 $0x7F, v33;
	v25 =	vld.idx.msk [tilespmem:v28+s11+$0x0], $0xffff;
	v6 =	vadd.f32 v7, v6;
	v7 =	vmul.f32 v34, v24  }
0x6fd: {  	v33 =	vadd.s32 $0xE, v20;
	v24 =	vld.idx.msk [tilespmem:v28+s12+$0x0], $0xffff;
	v28 =	vor.u32 v3, v4;
	v4 =	vadd.s32 $0x5, v20  }
0x6fe: {  	v33 =	vand.u32 $0x7F, v33;
	v4 =	vand.u32 $0x7F, v4;
	v6 =	vadd.f32 v8, v6;
	v21 =	vld.idx.msk [tilespmem:v21+s12+$0x0], $0xffff  }
0x6ff: {  	v38 =	vmul.f32 v23, v22;
	v8 =	vadd.s32 $0x6, v20;
	v34 =	vor.u32 v3, v4;
	v4 =	vld.idx.msk [tilespmem:v31+s11+$0x0], $0xffff  }
0x700: {  	v8 =	vand.u32 $0x7F, v8;
	v22 =	vld.idx.msk [tilespmem:v18+s11+$0x0], $0xffff;
	v23 =	vadd.f32 v7, v6;
	v6 =	vmul.f32 v27, v36  }
0x701: {  	v36 =	vor.u32 v3, v8;
	v8 =	vadd.s32 $0x7, v20;
	v27 =	vld.idx.msk [tilespmem:v18+s12+$0x0], $0xffff;
	v18 =	vmul.f32 v26, v32  }
0x702: {  	v7 =	vmul.f32 v30, v37;
	v30 =	vand.u32 $0x7F, v8;
	v26 =	vld.idx.msk [tilespmem:v28+s11+$0x0], $0xffff;
	v12 =	vadd.f32 v12, v23  }
0x703: {  	v8 =	vmul.f32 v24, v25;
	v24 =	vor.u32 v3, v30;
	v23 =	vld.idx.msk [tilespmem:v28+s12+$0x0], $0xffff  }
0x704: {  	v25 =	vld.idx.msk [tilespmem:v34+s11+$0x0], $0xffff;
	v9 =	vadd.f32 v9, v12  }
0x705: {  	v29 =	vor.u32 v3, v29;
	v12 =	vadd.s32 $0x9, v20;
	v28 =	vld.idx.msk [tilespmem:v34+s12+$0x0], $0xffff  }
0x706: {  	v32 =	vmul.f32 v19, v13;
	v12 =	vand.u32 $0x7F, v12;
	v30 =	vld.idx.msk [tilespmem:v36+s11+$0x0], $0xffff;
	v9 =	vadd.f32 v11, v9  }
0x707: {  	v19 =	vor.u32 v3, v12;
	v11 =	vadd.s32 $0xA, v20;
	v13 =	vld.idx.msk [tilespmem:v36+s12+$0x0], $0xffff  }
0x708: {  	v12 =	vmul.f32 v27, v22;
	v11 =	vand.u32 $0x7F, v11;
	v22 =	vld.idx.msk [tilespmem:v24+s11+$0x0], $0xffff;
	v10 =	vadd.f32 v10, v9  }
0x709: {  	v9 =	vmul.f32 v23, v26;
	v23 =	vld.idx.msk [tilespmem:v24+s12+$0x0], $0xffff;
	v24 =	vor.u32 v3, v11  }
0x70a: {  	v27 =	vld.idx.msk [tilespmem:v29+s11+$0x0], $0xffff;
	v10 =	vadd.f32 v14, v10  }
0x70b: {  	v11 =	vmul.f32 v28, v25;
	v14 =	vadd.s32 $0xC, v20;
	v25 =	vld.idx.msk [tilespmem:v29+s12+$0x0], $0xffff  }
0x70c: {  	v26 =	vadd.s32 $0xD, v20;
	v14 =	vand.u32 $0x7F, v14;
	v29 =	vld.idx.msk [tilespmem:v19+s11+$0x0], $0xffff;
	v15 =	vadd.f32 v15, v10  }
0x70d: {  	v10 =	vmul.f32 v13, v30;
	v34 =	vor.u32 v3, v14;
	v30 =	vld.idx.msk [tilespmem:v19+s12+$0x0], $0xffff  }
0x70e: {  	v26 =	vand.u32 $0x7F, v26;
	v28 =	vmul.f32 v21, v16;
	v13 =	vld.idx.msk [tilespmem:v24+s11+$0x0], $0xffff;
	v15 =	vadd.f32 v17, v15  }
0x70f: {  	v21 =	vor.u32 v3, v26;
	v14 =	vmul.f32 v23, v22;
	v19 =	vld.idx.msk [tilespmem:v24+s12+$0x0], $0xffff  }
.Ltmp15:
0x710: {  	v26 =	vor.u32 v3, v33;
	v24 =	vld.idx.msk [tilespmem:v5+s11+$0x0], $0xffff;
	v16 =	vadd.f32 v32, v15;
	(pc) =	sbr.rel @p0 .LBB2_32-.Ltmp15, $4  }
0x711: {  	v17 =	vadd.s32 $0xF, v20;
	v15 =	vmul.f32 v25, v27;
	v25 =	vld.idx.msk [tilespmem:v31+s12+$0x0], $0xffff  }
0x712: {  	v27 =	vand.u32 $0x7F, v17;
	v22 =	vld.idx.msk [tilespmem:v34+s11+$0x0], $0xffff;
	v31 =	vadd.f32 v35, v16  }
0x713: {  	v20 =	vadd.s32 $0x10, v20;
	v27 =	vor.u32 v3, v27;
	v17 =	vmul.f32 v30, v29;
	v23 =	vld.idx.msk [tilespmem:v34+s12+$0x0], $0xffff  }
0x714: {  	v20 =	vand.u32 $0x7F, v20;
	v16 =	vld.idx.msk [tilespmem:v21+s11+$0x0], $0xffff;
	v29 =	vadd.f32 v38, v31  }
0x715: {  	_ = 	snop  }
0x716: {  	v3 =	vadd.f32 v28, v29;
	_ =	sdelay $0x1  }
0x717: {  	v3 =	vadd.f32 v18, v3  }
0x718: {  	v5 =	vld.idx.msk [tilespmem:v5+s12+$0x0], $0xffff  }
0x719: {  	v3 =	vadd.f32 v6, v3;
	_ =	sdelay $0x1  }
0x71a: {  	v3 =	vadd.f32 v7, v3;
	_ =	sdelay $0x1  }
0x71b: {  	v5 =	vmul.f32 v5, v24;
	v3 =	vadd.f32 v8, v3;
	_ =	sdelay $0x1  }
0x71c: {  	v3 =	vadd.f32 v5, v3;
	_ =	sdelay $0x1  }
0x71d: {  	v3 =	vadd.f32 v12, v3;
	_ =	sdelay $0x1  }
0x71e: {  	v3 =	vadd.f32 v9, v3;
	_ =	sdelay $0x1  }
0x71f: {  	v3 =	vadd.f32 v11, v3;
	_ =	sdelay $0x1  }
0x720: {  	v3 =	vadd.f32 v10, v3;
	_ =	sdelay $0x1  }
0x721: {  	v3 =	vadd.f32 v14, v3;
	_ =	sdelay $0x1  }
0x722: {  	v3 =	vadd.f32 v15, v3;
	_ =	sdelay $0x1  }
0x723: {  	v57 =	vmul.f32 v19, v13;
	v3 =	vadd.f32 v17, v3  }
0x724: {  	v58 =	vld.idx.msk [tilespmem:v21+s12+$0x0], $0xffff  }
0x725: {  	v59 =	vld.idx.msk [tilespmem:v26+s11+$0x0], $0xffff;
	v4 =	vmul.f32 v25, v4;
	v3 =	vadd.f32 v57, v3  }
0x726: {  	v60 =	vld.idx.msk [tilespmem:v26+s12+$0x0], $0xffff  }
0x727: {  	v61 =	vld.idx.msk [tilespmem:v27+s11+$0x0], $0xffff;
	v62 =	vmul.f32 v23, v22;
	v3 =	vadd.f32 v4, v3  }
0x728: {  	v63 =	vld.idx.msk [tilespmem:v27+s12+$0x0], $0xffff  }
0x729: {  	v6 =	vmul.f32 v58, v16;
	v3 =	vadd.f32 v62, v3;
	_ =	sdelay $0x1  }
0x72a: {  	v5 =	vmul.f32 v60, v59;
	v3 =	vadd.f32 v6, v3;
	_ =	sdelay $0x1  }
0x72b: {  	v4 =	vmul.f32 v63, v61;
	v3 =	vadd.f32 v5, v3;
	_ =	sdelay $0x1  }
0x72c: {  	v3 =	vadd.f32 v4, v3;
	_ =	sdelay $0x1  }
0x72d: {  	v3 =	vsub.f32 $0.0e+00, v3;
	_ =	sdelay $0x1  }
0x72e: {  	v3 =	vmul.f32 $1.442695020e+00, v3;
	_ =	sdelay $0x1  }
0x72f: {  	(erf) = vpow2.f32 v3;
	_ =	sdelay $0x8  }
0x730: {  	v3 =	vpop (erf)  }
0x731: {  	v3 =	vadd.f32 $1.000000000e+00, v3;
	_ =	sdelay $0x1  }
0x732: {  	(erf) = vrcp.f32 v3;
	_ =	sdelay $0x8  }
0x733: {  	v3 =	vpop (erf)  }
0x734: {  	[tilespmem:$0x11600] =	vst v3  }
0x735: {  	_ =	swait.ge [sflag:s17], $0x2800  }
0x736: {  	[sflag:s17] =	ssyncset.done $0x0  }
0x737: {  	[sflag:s17] =	ssyncadd.s32 $0xFFFFD800  }
0x738: {  	s19 =	sadd.s32 $0x1, s19;
	_ =	swait.ge [sflag:s17], $0x2800  }
0x739: {  	p0 =	sne.s32 s19, s7;
	[sflag:s17] =	ssyncset.done $0x0  }
.Ltmp16:
0x73a: {  	[sflag:s17] =	ssyncadd.s32 $0xFFFFD800;
	(pc) =	sbr.rel @p0 .LBB2_1-.Ltmp16, $4  }
0x73b: {  	[hbm4b:s6+s3] =	stream.linear.scatter [tilespmem:s18], [sflag:$0x3], $0x2710, $0x38;
	[tilespmem:$0x11680] =	vst v63  }
0x73c: {  	_ =	swait.ge [sflag:s8], $0x2710  }
0x73d: {  	[sflag:s8] =	ssyncset.done $0x0  }
0x73e: {  	[sflag:s8] =	ssyncadd.s32 $0xFFFFD8F0  }
0x73f: {  	_ =	sfence.sel $0x180000  }
0x740: {  	[bflag:$0x0] =	sbarrier.arrive $0xFFFF  }
0x741: {  	p0 =	sne.s32 s2, $0x0;
	_ =	strace $0x90000047  }
0x742: {  	s0 =	sadd.s32 @!p0 $0x100000, s1;
	[bflag:$0x2] =	sbarrier.arrive $0xFFFF  }
0x743: {  	[sflag:s0] =	ssyncadd.tile.s32 @!p0 $0x1;
	_ =	shalt  }
.Lfunc_end2:
_tile_overlayer_lowered:
.L_overlay_start_2:
0x744: {  	(tag) =	ssettag $0x2  }
0x745: {  	s0 =	rddreg [dreg:$0x0];
	s2 =	stileid.u32  }
0x746: {  	s1 =	rddreg [dreg:$0x1];
	p0 =	sne.s32 s2, $0x0  }
0x747: {  	s3 =	rddreg [dreg:$0x2];
	[bflag:$0x3] =	sbarrier.arrive $0xFFFF;
	s2 =	simm.s32 @!p0 $0x1C03  }
0x748: {  	[timem:s3], [sflag:s2] =	dma.local @!p0 [hbm:s0], s1  }
0x749: {  	s0 =	simm.s32 @!p0 $0x3  }
0x74a: {  	_ =	swait.ge @!p0 [sflag:s0], s1  }
0x74b: {  	s1 =	ssub.s32 @!p0 $0x0, s1;
	[sflag:s0] =	ssyncset.done @!p0 $0x0  }
0x74c: {  	[sflag:s0] =	ssyncadd.s32 @!p0 s1  }
0x74d: {  	[bflag:$0x3] =	sbarrier.arrive $0xFFFF  }
0x74e: {  	_ =	shalt  }

</sc_bundles>
